<compile_context>
chip_gen: v7x
topology: tpu7x:2x2x1
jax: 0.10.2.dev20260603
libtpu: 0.0.44.dev20260713+nightly
codegen_flags: <defaults>
</compile_context>

<pallas_src>
import functools
import jax
import jax.numpy as jnp
from jax import lax
from jax.experimental import pallas as pl
from jax.experimental.pallas import tpu as pltpu
from jax.experimental.pallas import tpu_sc as plsc

N = 10000
E = 320000
D = 128
NP = 10240
NC = 2
NS = 16
NW = NC * NS
EPW = E // NW
C = 80
NCHUNK = EPW // C
NOUT = (NCHUNK + 1) // 2
RPT = NP // NS
BN_EPS = 1e-5

_MESH = dict(core_axis_name="c", subcore_axis_name="s",
             num_cores=NC, num_subcores=NS)


def _zero_acc_start(zrows_hbm, rows, acc, s, zsem):
    pltpu.sync_copy(zrows_hbm, rows)
    for j in range(RPT // C):
        pltpu.async_copy(rows, acc.at[pl.ds(s * RPT + j * C, C)], zsem)


def _zero_acc_drain(rows, acc, s, zsem):
    for j in range(RPT // C):
        pltpu.make_async_copy(rows, acc.at[pl.ds(s * RPT + j * C, C)],
                              zsem).wait()


def _write_acc(out_hbm, bufs, sems, acc, c, s):
    for j in range(RPT // C):
        b = j % 2
        obase = pl.multiple_of(c * NP + s * RPT + j * C, 8)
        if j >= 2:
            pltpu.make_async_copy(bufs[b], out_hbm.at[pl.ds(obase, C)],
                                  sems[b]).wait()
        pltpu.sync_copy(acc.at[pl.ds(s * RPT + j * C, C)], bufs[b])
        pltpu.async_copy(bufs[b], out_hbm.at[pl.ds(obase, C)], sems[b])
    for b in range(2):
        obase = pl.multiple_of(c * NP + s * RPT, 8)
        pltpu.make_async_copy(bufs[b], out_hbm.at[pl.ds(obase, C)],
                              sems[b]).wait()


@functools.lru_cache(maxsize=None)
def _make_seg_kernel():

    def body(feats_hbm, src_hbm, dst_hbm, zrows_hbm, out_hbm,
             acc, srcv0, dstv0, rows0, srcv1, dstv1, rows1,
             srcv2, dstv2, rows2, isem0, gsem0, ssem0,
             isem1, gsem1, ssem1, isem2, gsem2, ssem2, zsem):
        c = lax.axis_index("c")
        s = lax.axis_index("s")
        base = (s * NC + c) * EPW
        bufs = ((srcv0, dstv0, rows0, isem0, gsem0, ssem0),
                (srcv1, dstv1, rows1, isem1, gsem1, ssem1),
                (srcv2, dstv2, rows2, isem2, gsem2, ssem2))

        def idx_start(i, sv, dv, isem):
            off = pl.multiple_of(base + i * C, 8)
            pltpu.async_copy(src_hbm.at[pl.ds(off, C)], sv, isem)
            pltpu.async_copy(dst_hbm.at[pl.ds(off, C)], dv, isem)

        def idx_wait(i, sv, dv, isem):
            off = pl.multiple_of(base + i * C, 8)
            pltpu.make_async_copy(src_hbm.at[pl.ds(off, C)], sv, isem).wait()
            pltpu.make_async_copy(dst_hbm.at[pl.ds(off, C)], dv, isem).wait()

        idx_start(0, srcv0, dstv0, isem0)
        idx_start(1, srcv1, dstv1, isem1)
        _zero_acc_start(zrows_hbm, rows2, acc, s, zsem)
        idx_wait(0, srcv0, dstv0, isem0)
        pltpu.async_copy(feats_hbm.at[srcv0], rows0, gsem0)
        _zero_acc_drain(rows2, acc, s, zsem)
        plsc.subcore_barrier()

        def outer(g, _):
            for b in range(3):
                i = 3 * g + b
                b1 = (b + 1) % 3
                b2 = (b + 2) % 3
                sv, dv, rw, _, gs, ss = bufs[b]

                @pl.when(i < NCHUNK)
                def _process():
                    pltpu.make_async_copy(feats_hbm.at[sv], rw, gs).wait()
                    pltpu.async_copy(rw, acc.at[dv], ss, add=True)

                    @pl.when(i + 1 < NCHUNK)
                    def _launch_next_gather():
                        nsv, ndv, nrw, nis, ngs, _ = bufs[b1]
                        idx_wait(i + 1, nsv, ndv, nis)
                        pltpu.async_copy(feats_hbm.at[nsv], nrw, ngs)

                    @pl.when(i + 2 < NCHUNK)
                    def _prefetch_idx():
                        psv, pdv, prw, pis, _, pss = bufs[b2]
                        @pl.when(i >= 1)
                        def _drain_prev():
                            pltpu.make_async_copy(prw, acc.at[pdv],
                                                  pss).wait()
                        idx_start(i + 2, psv, pdv, pis)
            return 0

        lax.fori_loop(0, (NCHUNK + 2) // 3, outer, 0)
        pltpu.make_async_copy(rows0, acc.at[dstv0], ssem0).wait()
        pltpu.make_async_copy(rows1, acc.at[dstv1], ssem1).wait()
        pltpu.make_async_copy(rows2, acc.at[dstv2], ssem2).wait()
        plsc.subcore_barrier()
        _write_acc(out_hbm, (rows0, rows1), (isem0, isem1), acc, c, s)

    return pl.kernel(
        body,
        out_type=[jax.ShapeDtypeStruct((NC * NP, D), jnp.float32)],
        mesh=plsc.VectorSubcoreMesh(**_MESH),
        scratch_types=(
            [pltpu.VMEM_SHARED((NP, D), jnp.float32)]
            + [t for _ in range(3)
               for t in (pltpu.VMEM((C,), jnp.int32),
                         pltpu.VMEM((C,), jnp.int32),
                         pltpu.VMEM((C, D), jnp.float32))]
            + [pltpu.SemaphoreType.DMA] * 10
        ),
    )


@functools.lru_cache(maxsize=None)
def _make_deg_kernel():

    def body(dst_hbm, zrows_hbm, ones_hbm, out_hbm,
             acc, dstv0, dstv1, rows, ones,
             isem0, isem1, ssem0, ssem1, zsem):
        c = lax.axis_index("c")
        s = lax.axis_index("s")
        base = (s * NC + c) * EPW
        bufs = ((dstv0, isem0, ssem0), (dstv1, isem1, ssem1))

        pltpu.async_copy(dst_hbm.at[pl.ds(pl.multiple_of(base, 8), C)],
                         dstv0, isem0)
        pltpu.async_copy(dst_hbm.at[pl.ds(pl.multiple_of(base + C, 8), C)],
                         dstv1, isem1)
        _zero_acc_start(zrows_hbm, rows, acc, s, zsem)
        pltpu.sync_copy(ones_hbm, ones)
        _zero_acc_drain(rows, acc, s, zsem)
        plsc.subcore_barrier()

        def outer(g, _):
            for b in range(2):
                i = 2 * g + b
                dv, iss, ss = bufs[b]
                ndv, nis, nss = bufs[1 - b]

                @pl.when(i < NCHUNK)
                def _process():
                    pltpu.make_async_copy(
                        dst_hbm.at[pl.ds(pl.multiple_of(base, 8), C)],
                        dv, iss).wait()
                    pltpu.async_copy(ones, acc.at[dv], ss, add=True)

                    @pl.when(i + 2 < NCHUNK)
                    def _prefetch():
                        pltpu.make_async_copy(ones, acc.at[dv], ss).wait()
                        off = pl.multiple_of(base + (i + 2) * C, 8)
                        pltpu.async_copy(dst_hbm.at[pl.ds(off, C)], dv, iss)
            return 0

        lax.fori_loop(0, NOUT, outer, 0)
        pltpu.make_async_copy(ones, acc.at[dstv0], ssem0).wait()
        pltpu.make_async_copy(ones, acc.at[dstv1], ssem1).wait()
        plsc.subcore_barrier()
        _write_acc(out_hbm, (rows, ones), (isem0, isem1), acc, c, s)

    return pl.kernel(
        body,
        out_type=[jax.ShapeDtypeStruct((NC * NP, D), jnp.float32)],
        mesh=plsc.VectorSubcoreMesh(**_MESH),
        scratch_types=[
            pltpu.VMEM_SHARED((NP, D), jnp.float32),
            pltpu.VMEM((C,), jnp.int32),
            pltpu.VMEM((C,), jnp.int32),
            pltpu.VMEM((C, D), jnp.float32),
            pltpu.VMEM((C, D), jnp.float32),
            pltpu.SemaphoreType.DMA,
            pltpu.SemaphoreType.DMA,
            pltpu.SemaphoreType.DMA,
            pltpu.SemaphoreType.DMA,
            pltpu.SemaphoreType.DMA,
        ],
    )


def _dense0_body(p_ref, dp_ref, x_ref, wl_ref, wr_ref, b_ref,
                 h_ref, dinv_ref):
    deg = dp_ref[0, :, 0] + dp_ref[1, :, 0]
    inv = 1.0 / jnp.maximum(deg, 1.0)
    mean = (p_ref[0] + p_ref[1]) * inv[:, None]
    h = (jnp.dot(mean, wl_ref[...], preferred_element_type=jnp.float32)
         + jnp.dot(x_ref[...], wr_ref[...], preferred_element_type=jnp.float32)
         + b_ref[...])
    h_ref[...] = jnp.maximum(h, 0.0)
    dinv_ref[...] = inv[:, None]


def _dense1_body(p_ref, dinv_ref, h_ref, wl_ref, wr_ref, b_ref, wc_ref,
                 bc_ref, o_ref):
    mean = (p_ref[0] + p_ref[1]) * dinv_ref[...]
    h1 = (jnp.dot(mean, wl_ref[...], preferred_element_type=jnp.float32)
          + jnp.dot(h_ref[...], wr_ref[...], preferred_element_type=jnp.float32)
          + b_ref[...])
    h1 = jnp.maximum(h1, 0.0)
    o_ref[...] = (jnp.dot(h1, wc_ref[...], preferred_element_type=jnp.float32)
                  + bc_ref[...])


BM = 1000
GRID = N // BM

_p_spec = pl.BlockSpec((NC, BM, D), lambda m: (0, m, 0))
_x_spec = pl.BlockSpec((BM, D), lambda m: (m, 0))
_w_spec = pl.BlockSpec((D, D), lambda m: (0, 0))
_b_spec = pl.BlockSpec((1, D), lambda m: (0, 0))
_s_spec = pl.BlockSpec((BM, 1), lambda m: (m, 0))

_dense0 = pl.pallas_call(
    _dense0_body,
    grid=(GRID,),
    in_specs=[_p_spec, _p_spec, _x_spec, _w_spec, _w_spec, _b_spec],
    out_specs=[_x_spec, _s_spec],
    out_shape=[jax.ShapeDtypeStruct((N, D), jnp.float32),
               jax.ShapeDtypeStruct((N, 1), jnp.float32)],
)

_dense1 = pl.pallas_call(
    _dense1_body,
    grid=(GRID,),
    in_specs=[_p_spec, _s_spec, _x_spec, _w_spec, _w_spec, _b_spec,
              pl.BlockSpec((D, 1), lambda m: (0, 0)),
              pl.BlockSpec((1, 1), lambda m: (0, 0))],
    out_specs=_s_spec,
    out_shape=jax.ShapeDtypeStruct((N, 1), jnp.float32),
)


@jax.jit
def kernel(x, edge_index, Wl0, bl0, Wr0, gamma0, beta0, Wl1, bl1, Wr1, Wc, bc):
    src = edge_index[0]
    dst = edge_index[1]
    zrows = jnp.zeros((C, D), jnp.float32)
    ones = jnp.ones((C, D), jnp.float32)

    (degp,) = _make_deg_kernel()(dst, zrows, ones)
    degp = degp.reshape(NC, NP, D)

    (p0,) = _make_seg_kernel()(x, src, dst, zrows)
    p0 = p0.reshape(NC, NP, D)

    g = gamma0 / jnp.sqrt(1.0 + BN_EPS)
    wl0 = Wl0 * g[None, :]
    wr0 = Wr0 * g[None, :]
    b0 = (bl0 * g + beta0)[None, :]

    h, dinv = _dense0(p0, degp, x, wl0, wr0, b0)

    (p1,) = _make_seg_kernel()(h, src, dst, zrows)
    p1 = p1.reshape(NC, NP, D)

    logits = _dense1(p1, dinv, h, Wl1, Wr1, bl1[None, :], Wc, bc[None, :])
    return jnp.squeeze(logits, -1)

# --- scband reference (transcript-rebuilt; emitter-appended) ---
"""Pipeline reference for scband-graph-sage-79834852098716 (READ-ONLY COPY).

The authoritative reference and input builder live on the scoring server;
editing this copy changes nothing except your own understanding.
"""

import jax, jax.numpy as jnp
import numpy as np

N_NODES = 10000
N_EDGES = 320000
D_IN = 128
D_HID = 128
BN_EPS = 1e-5


def sage_conv(x, edge_index, Wl, bl, Wr):
    # PyG-style SAGEConv with mean aggregation:
    # out = lin_l(mean_{j in N(i)} x_j) + lin_r(x_i)
    src = edge_index[0]
    dst = edge_index[1]
    msg = jnp.take(x, src, axis=0)
    agg = jax.ops.segment_sum(msg, dst, num_segments=x.shape[0])
    deg = jax.ops.segment_sum(jnp.ones((edge_index.shape[1],), x.dtype), dst, num_segments=x.shape[0])
    mean = agg / jnp.clip(deg, 1.0, None)[:, None]
    return mean @ Wl + bl + x @ Wr


def setup_inputs(seed: int = 0) -> dict:
    key = jax.random.key(seed)
    ks = jax.random.split(key, 12)
    s = 1.0 / np.sqrt(D_IN)
    x = jax.random.normal(ks[0], (N_NODES, D_IN), jnp.float32)
    edge_index = jax.random.randint(ks[1], (2, N_EDGES), 0, N_NODES, dtype=jnp.int32)
    Wl0 = jax.random.normal(ks[2], (D_IN, D_HID), jnp.float32) * s
    bl0 = jnp.zeros((D_HID,), jnp.float32)
    Wr0 = jax.random.normal(ks[3], (D_IN, D_HID), jnp.float32) * s
    gamma0 = jnp.ones((D_HID,), jnp.float32)
    beta0 = jnp.zeros((D_HID,), jnp.float32)
    Wl1 = jax.random.normal(ks[4], (D_HID, D_HID), jnp.float32) * s
    bl1 = jnp.zeros((D_HID,), jnp.float32)
    Wr1 = jax.random.normal(ks[5], (D_HID, D_HID), jnp.float32) * s
    Wc = jax.random.normal(ks[6], (D_HID, 1), jnp.float32) * s
    bc = jnp.zeros((1,), jnp.float32)
    return {"x": x, "edge_index": edge_index, "Wl0": Wl0, "bl0": bl0, "Wr0": Wr0,
            "gamma0": gamma0, "beta0": beta0, "Wl1": Wl1, "bl1": bl1, "Wr1": Wr1,
            "Wc": Wc, "bc": bc}


def reference(x, edge_index, Wl0, bl0, Wr0, gamma0, beta0, Wl1, bl1, Wr1, Wc, bc):
    # layer 0: SAGEConv -> BatchNorm1d (eval: running mean 0, var 1) -> ReLU -> dropout (eval: identity)
    h = sage_conv(x, edge_index, Wl0, bl0, Wr0)
    h = gamma0 * (h / jnp.sqrt(1.0 + BN_EPS)) + beta0
    h = jax.nn.relu(h)
    # layer 1: SAGEConv
    h = sage_conv(h, edge_index, Wl1, bl1, Wr1)
    h = jax.nn.relu(h)
    logits = (h @ Wc + bc)
    return jnp.squeeze(logits, -1)

if __name__ == "__main__":
    import jax
    _d = setup_inputs()
    print(jax.jit(kernel)(*tuple(_d.values())))

</pallas_src>

<mosaic_0001>
#map = affine_map<(d0, d1) -> (0, 0)>
#map1 = affine_map<(d0, d1) -> (0)>
module attributes {stable_mosaic.version = 14 : i64} {
  func.func @body(%arg0: i32, %arg1: i32, %arg2: memref<10000x128xf32, #tpu.memory_space<hbm>>, %arg3: memref<320000xi32, #tpu.memory_space<hbm>>, %arg4: memref<320000xi32, #tpu.memory_space<hbm>>, %arg5: memref<80x128xf32, #tpu.memory_space<hbm>>, %arg6: memref<20480x128xf32, #tpu.memory_space<hbm>>, %arg7: memref<10240x128xf32, #tpu.memory_space<vmem_shared>>, %arg8: memref<80xi32, #tpu.memory_space<vmem>>, %arg9: memref<80xi32, #tpu.memory_space<vmem>>, %arg10: memref<80x128xf32, #tpu.memory_space<vmem>>, %arg11: memref<80xi32, #tpu.memory_space<vmem>>, %arg12: memref<80xi32, #tpu.memory_space<vmem>>, %arg13: memref<80x128xf32, #tpu.memory_space<vmem>>, %arg14: memref<80xi32, #tpu.memory_space<vmem>>, %arg15: memref<80xi32, #tpu.memory_space<vmem>>, %arg16: memref<80x128xf32, #tpu.memory_space<vmem>>, %arg17: memref<!tpu.dma_semaphore, #tpu.memory_space<semaphore_mem>>, %arg18: memref<!tpu.dma_semaphore, #tpu.memory_space<semaphore_mem>>, %arg19: memref<!tpu.dma_semaphore, #tpu.memory_space<semaphore_mem>>, %arg20: memref<!tpu.dma_semaphore, #tpu.memory_space<semaphore_mem>>, %arg21: memref<!tpu.dma_semaphore, #tpu.memory_space<semaphore_mem>>, %arg22: memref<!tpu.dma_semaphore, #tpu.memory_space<semaphore_mem>>, %arg23: memref<!tpu.dma_semaphore, #tpu.memory_space<semaphore_mem>>, %arg24: memref<!tpu.dma_semaphore, #tpu.memory_space<semaphore_mem>>, %arg25: memref<!tpu.dma_semaphore, #tpu.memory_space<semaphore_mem>>, %arg26: memref<!tpu.dma_semaphore, #tpu.memory_space<semaphore_mem>>) attributes {dimension_semantics = [#tpu.dimension_semantics<core_parallel>, #tpu.dimension_semantics<subcore_parallel>], iteration_bounds = array<i64: 2, 16>, scalar_prefetch = 0 : i64, scratch_operands = 20 : i64, tpu.core_type = #tpu.core_type<sc_vector_subcore>, window_params = [{transform_indices = #map}, {transform_indices = #map1}, {transform_indices = #map1}, {transform_indices = #map}, {transform_indices = #map}]} {
    %mul3A = arith.constant 2 : i32
    %mul3A_0 = arith.muli %arg1, %mul3A : i32
    %add3A = arith.addi %mul3A_0, %arg0 : i32
    %mul3A_1 = arith.constant 10000 : i32
    %mul3A_2 = arith.muli %add3A, %mul3A_1 : i32
    %add3A_3 = arith.constant 0 : i32
    %add3A_4 = arith.addi %mul3A_2, %add3A_3 : i32
    %multiple_of3A = tpu.assume_multiple %add3A_4, 8 : i32
    %dma_start3A = tpu.memref_slice %arg3[%multiple_of3A] : memref<320000xi32, #tpu.memory_space<hbm>> -> memref<80xi32, #tpu.memory_space<hbm>>
    %dma_start3A_5 = tpu.memref_slice %arg3[%multiple_of3A] : memref<320000xi32, #tpu.memory_space<hbm>> -> memref<80xi32, #tpu.memory_space<hbm>>
    tpu.enqueue_dma source(%dma_start3A_5 : memref<80xi32, #tpu.memory_space<hbm>>) target(%arg8 : memref<80xi32, #tpu.memory_space<vmem>>) target_semaphore(%arg17 : memref<!tpu.dma_semaphore, #tpu.memory_space<semaphore_mem>>)
    %dma_start3A_6 = tpu.memref_slice %arg4[%multiple_of3A] : memref<320000xi32, #tpu.memory_space<hbm>> -> memref<80xi32, #tpu.memory_space<hbm>>
    %dma_start3A_7 = tpu.memref_slice %arg4[%multiple_of3A] : memref<320000xi32, #tpu.memory_space<hbm>> -> memref<80xi32, #tpu.memory_space<hbm>>
    tpu.enqueue_dma source(%dma_start3A_7 : memref<80xi32, #tpu.memory_space<hbm>>) target(%arg9 : memref<80xi32, #tpu.memory_space<vmem>>) target_semaphore(%arg17 : memref<!tpu.dma_semaphore, #tpu.memory_space<semaphore_mem>>)
    %add3A_8 = arith.constant 80 : i32
    %add3A_9 = arith.addi %mul3A_2, %add3A_8 : i32
    %multiple_of3A_10 = tpu.assume_multiple %add3A_9, 8 : i32
    %dma_start3A_11 = tpu.memref_slice %arg3[%multiple_of3A_10] : memref<320000xi32, #tpu.memory_space<hbm>> -> memref<80xi32, #tpu.memory_space<hbm>>
    %dma_start3A_12 = tpu.memref_slice %arg3[%multiple_of3A_10] : memref<320000xi32, #tpu.memory_space<hbm>> -> memref<80xi32, #tpu.memory_space<hbm>>
    tpu.enqueue_dma source(%dma_start3A_12 : memref<80xi32, #tpu.memory_space<hbm>>) target(%arg11 : memref<80xi32, #tpu.memory_space<vmem>>) target_semaphore(%arg20 : memref<!tpu.dma_semaphore, #tpu.memory_space<semaphore_mem>>)
    %dma_start3A_13 = tpu.memref_slice %arg4[%multiple_of3A_10] : memref<320000xi32, #tpu.memory_space<hbm>> -> memref<80xi32, #tpu.memory_space<hbm>>
    %dma_start3A_14 = tpu.memref_slice %arg4[%multiple_of3A_10] : memref<320000xi32, #tpu.memory_space<hbm>> -> memref<80xi32, #tpu.memory_space<hbm>>
    tpu.enqueue_dma source(%dma_start3A_14 : memref<80xi32, #tpu.memory_space<hbm>>) target(%arg12 : memref<80xi32, #tpu.memory_space<vmem>>) target_semaphore(%arg20 : memref<!tpu.dma_semaphore, #tpu.memory_space<semaphore_mem>>)
    "tpu.region"() ({
      %run_scoped3A = tpu.sem_alloc : memref<!tpu.dma_semaphore, #tpu.memory_space<semaphore_mem>>
      tpu.enqueue_dma source(%arg5 : memref<80x128xf32, #tpu.memory_space<hbm>>) target(%arg16 : memref<80x128xf32, #tpu.memory_space<vmem>>) target_semaphore(%run_scoped3A : memref<!tpu.dma_semaphore, #tpu.memory_space<semaphore_mem>>)
      tpu.wait_dma2 semaphore(%run_scoped3A : memref<!tpu.dma_semaphore, #tpu.memory_space<semaphore_mem>>) src(%arg5 : memref<80x128xf32, #tpu.memory_space<hbm>>) dst(%arg16 : memref<80x128xf32, #tpu.memory_space<vmem>>)
      tpu.yield
    }) : () -> ()
    %mul3A_15 = arith.constant 640 : i32
    %mul3A_16 = arith.muli %arg1, %mul3A_15 : i32
    %add3A_17 = arith.constant 0 : i32
    %add3A_18 = arith.addi %mul3A_16, %add3A_17 : i32
    %dma_start3A_19 = arith.constant 0 : i32
    %dma_start3A_20 = tpu.memref_slice %arg7[%add3A_18, %dma_start3A_19] : memref<10240x128xf32, #tpu.memory_space<vmem_shared>> -> memref<80x128xf32, #tpu.memory_space<vmem_shared>>
    %dma_start3A_21 = arith.constant 0 : i32
    %dma_start3A_22 = tpu.memref_slice %arg7[%add3A_18, %dma_start3A_21] : memref<10240x128xf32, #tpu.memory_space<vmem_shared>> -> memref<80x128xf32, #tpu.memory_space<vmem_shared>>
    tpu.enqueue_dma source(%arg16 : memref<80x128xf32, #tpu.memory_space<vmem>>) target(%dma_start3A_22 : memref<80x128xf32, #tpu.memory_space<vmem_shared>>) target_semaphore(%arg26 : memref<!tpu.dma_semaphore, #tpu.memory_space<semaphore_mem>>)
    %mul3A_23 = arith.constant 640 : i32
    %mul3A_24 = arith.muli %arg1, %mul3A_23 : i32
    %add3A_25 = arith.constant 80 : i32
    %add3A_26 = arith.addi %mul3A_24, %add3A_25 : i32
    %dma_start3A_27 = arith.constant 0 : i32
    %dma_start3A_28 = tpu.memref_slice %arg7[%add3A_26, %dma_start3A_27] : memref<10240x128xf32, #tpu.memory_space<vmem_shared>> -> memref<80x128xf32, #tpu.memory_space<vmem_shared>>
    %dma_start3A_29 = arith.constant 0 : i32
    %dma_start3A_30 = tpu.memref_slice %arg7[%add3A_26, %dma_start3A_29] : memref<10240x128xf32, #tpu.memory_space<vmem_shared>> -> memref<80x128xf32, #tpu.memory_space<vmem_shared>>
    tpu.enqueue_dma source(%arg16 : memref<80x128xf32, #tpu.memory_space<vmem>>) target(%dma_start3A_30 : memref<80x128xf32, #tpu.memory_space<vmem_shared>>) target_semaphore(%arg26 : memref<!tpu.dma_semaphore, #tpu.memory_space<semaphore_mem>>)
    %mul3A_31 = arith.constant 640 : i32
    %mul3A_32 = arith.muli %arg1, %mul3A_31 : i32
    %add3A_33 = arith.constant 160 : i32
    %add3A_34 = arith.addi %mul3A_32, %add3A_33 : i32
    %dma_start3A_35 = arith.constant 0 : i32
    %dma_start3A_36 = tpu.memref_slice %arg7[%add3A_34, %dma_start3A_35] : memref<10240x128xf32, #tpu.memory_space<vmem_shared>> -> memref<80x128xf32, #tpu.memory_space<vmem_shared>>
    %dma_start3A_37 = arith.constant 0 : i32
    %dma_start3A_38 = tpu.memref_slice %arg7[%add3A_34, %dma_start3A_37] : memref<10240x128xf32, #tpu.memory_space<vmem_shared>> -> memref<80x128xf32, #tpu.memory_space<vmem_shared>>
    tpu.enqueue_dma source(%arg16 : memref<80x128xf32, #tpu.memory_space<vmem>>) target(%dma_start3A_38 : memref<80x128xf32, #tpu.memory_space<vmem_shared>>) target_semaphore(%arg26 : memref<!tpu.dma_semaphore, #tpu.memory_space<semaphore_mem>>)
    %mul3A_39 = arith.constant 640 : i32
    %mul3A_40 = arith.muli %arg1, %mul3A_39 : i32
    %add3A_41 = arith.constant 240 : i32
    %add3A_42 = arith.addi %mul3A_40, %add3A_41 : i32
    %dma_start3A_43 = arith.constant 0 : i32
    %dma_start3A_44 = tpu.memref_slice %arg7[%add3A_42, %dma_start3A_43] : memref<10240x128xf32, #tpu.memory_space<vmem_shared>> -> memref<80x128xf32, #tpu.memory_space<vmem_shared>>
    %dma_start3A_45 = arith.constant 0 : i32
    %dma_start3A_46 = tpu.memref_slice %arg7[%add3A_42, %dma_start3A_45] : memref<10240x128xf32, #tpu.memory_space<vmem_shared>> -> memref<80x128xf32, #tpu.memory_space<vmem_shared>>
    tpu.enqueue_dma source(%arg16 : memref<80x128xf32, #tpu.memory_space<vmem>>) target(%dma_start3A_46 : memref<80x128xf32, #tpu.memory_space<vmem_shared>>) target_semaphore(%arg26 : memref<!tpu.dma_semaphore, #tpu.memory_space<semaphore_mem>>)
    %mul3A_47 = arith.constant 640 : i32
    %mul3A_48 = arith.muli %arg1, %mul3A_47 : i32
    %add3A_49 = arith.constant 320 : i32
    %add3A_50 = arith.addi %mul3A_48, %add3A_49 : i32
    %dma_start3A_51 = arith.constant 0 : i32
    %dma_start3A_52 = tpu.memref_slice %arg7[%add3A_50, %dma_start3A_51] : memref<10240x128xf32, #tpu.memory_space<vmem_shared>> -> memref<80x128xf32, #tpu.memory_space<vmem_shared>>
    %dma_start3A_53 = arith.constant 0 : i32
    %dma_start3A_54 = tpu.memref_slice %arg7[%add3A_50, %dma_start3A_53] : memref<10240x128xf32, #tpu.memory_space<vmem_shared>> -> memref<80x128xf32, #tpu.memory_space<vmem_shared>>
    tpu.enqueue_dma source(%arg16 : memref<80x128xf32, #tpu.memory_space<vmem>>) target(%dma_start3A_54 : memref<80x128xf32, #tpu.memory_space<vmem_shared>>) target_semaphore(%arg26 : memref<!tpu.dma_semaphore, #tpu.memory_space<semaphore_mem>>)
    %mul3A_55 = arith.constant 640 : i32
    %mul3A_56 = arith.muli %arg1, %mul3A_55 : i32
    %add3A_57 = arith.constant 400 : i32
    %add3A_58 = arith.addi %mul3A_56, %add3A_57 : i32
    %dma_start3A_59 = arith.constant 0 : i32
    %dma_start3A_60 = tpu.memref_slice %arg7[%add3A_58, %dma_start3A_59] : memref<10240x128xf32, #tpu.memory_space<vmem_shared>> -> memref<80x128xf32, #tpu.memory_space<vmem_shared>>
    %dma_start3A_61 = arith.constant 0 : i32
    %dma_start3A_62 = tpu.memref_slice %arg7[%add3A_58, %dma_start3A_61] : memref<10240x128xf32, #tpu.memory_space<vmem_shared>> -> memref<80x128xf32, #tpu.memory_space<vmem_shared>>
    tpu.enqueue_dma source(%arg16 : memref<80x128xf32, #tpu.memory_space<vmem>>) target(%dma_start3A_62 : memref<80x128xf32, #tpu.memory_space<vmem_shared>>) target_semaphore(%arg26 : memref<!tpu.dma_semaphore, #tpu.memory_space<semaphore_mem>>)
    %mul3A_63 = arith.constant 640 : i32
    %mul3A_64 = arith.muli %arg1, %mul3A_63 : i32
    %add3A_65 = arith.constant 480 : i32
    %add3A_66 = arith.addi %mul3A_64, %add3A_65 : i32
    %dma_start3A_67 = arith.constant 0 : i32
    %dma_start3A_68 = tpu.memref_slice %arg7[%add3A_66, %dma_start3A_67] : memref<10240x128xf32, #tpu.memory_space<vmem_shared>> -> memref<80x128xf32, #tpu.memory_space<vmem_shared>>
    %dma_start3A_69 = arith.constant 0 : i32
    %dma_start3A_70 = tpu.memref_slice %arg7[%add3A_66, %dma_start3A_69] : memref<10240x128xf32, #tpu.memory_space<vmem_shared>> -> memref<80x128xf32, #tpu.memory_space<vmem_shared>>
    tpu.enqueue_dma source(%arg16 : memref<80x128xf32, #tpu.memory_space<vmem>>) target(%dma_start3A_70 : memref<80x128xf32, #tpu.memory_space<vmem_shared>>) target_semaphore(%arg26 : memref<!tpu.dma_semaphore, #tpu.memory_space<semaphore_mem>>)
    %mul3A_71 = arith.constant 640 : i32
    %mul3A_72 = arith.muli %arg1, %mul3A_71 : i32
    %add3A_73 = arith.constant 560 : i32
    %add3A_74 = arith.addi %mul3A_72, %add3A_73 : i32
    %dma_start3A_75 = arith.constant 0 : i32
    %dma_start3A_76 = tpu.memref_slice %arg7[%add3A_74, %dma_start3A_75] : memref<10240x128xf32, #tpu.memory_space<vmem_shared>> -> memref<80x128xf32, #tpu.memory_space<vmem_shared>>
    %dma_start3A_77 = arith.constant 0 : i32
    %dma_start3A_78 = tpu.memref_slice %arg7[%add3A_74, %dma_start3A_77] : memref<10240x128xf32, #tpu.memory_space<vmem_shared>> -> memref<80x128xf32, #tpu.memory_space<vmem_shared>>
    tpu.enqueue_dma source(%arg16 : memref<80x128xf32, #tpu.memory_space<vmem>>) target(%dma_start3A_78 : memref<80x128xf32, #tpu.memory_space<vmem_shared>>) target_semaphore(%arg26 : memref<!tpu.dma_semaphore, #tpu.memory_space<semaphore_mem>>)
    %add3A_79 = arith.constant 0 : i32
    %add3A_80 = arith.addi %mul3A_2, %add3A_79 : i32
    %multiple_of3A_81 = tpu.assume_multiple %add3A_80, 8 : i32
    %dma_wait3A = tpu.memref_slice %arg3[%multiple_of3A_81] : memref<320000xi32, #tpu.memory_space<hbm>> -> memref<80xi32, #tpu.memory_space<hbm>>
    %dma_wait3A_82 = tpu.memref_slice %arg3[%multiple_of3A_81] : memref<320000xi32, #tpu.memory_space<hbm>> -> memref<80xi32, #tpu.memory_space<hbm>>
    tpu.wait_dma2 semaphore(%arg17 : memref<!tpu.dma_semaphore, #tpu.memory_space<semaphore_mem>>) src(%dma_wait3A_82 : memref<80xi32, #tpu.memory_space<hbm>>) dst(%arg8 : memref<80xi32, #tpu.memory_space<vmem>>)
    %dma_wait3A_83 = tpu.memref_slice %arg4[%multiple_of3A_81] : memref<320000xi32, #tpu.memory_space<hbm>> -> memref<80xi32, #tpu.memory_space<hbm>>
    %dma_wait3A_84 = tpu.memref_slice %arg4[%multiple_of3A_81] : memref<320000xi32, #tpu.memory_space<hbm>> -> memref<80xi32, #tpu.memory_space<hbm>>
    tpu.wait_dma2 semaphore(%arg17 : memref<!tpu.dma_semaphore, #tpu.memory_space<semaphore_mem>>) src(%dma_wait3A_84 : memref<80xi32, #tpu.memory_space<hbm>>) dst(%arg9 : memref<80xi32, #tpu.memory_space<vmem>>)
    %dma_start3A_85 = arith.constant 0 : i32
    %dma_start3A_86 = arith.constant 0 : i32
    %dma_start3A_87 = tpu.memref_slice %arg2[%dma_start3A_85, %dma_start3A_86] : memref<10000x128xf32, #tpu.memory_space<hbm>> -> memref<10000x128xf32, #tpu.memory_space<hbm>>
    tpu.enqueue_indirect_dma source(%dma_start3A_87 : memref<10000x128xf32, #tpu.memory_space<hbm>>) target(%arg10 : memref<80x128xf32, #tpu.memory_space<vmem>>) offsets(%arg8 : memref<80xi32, #tpu.memory_space<vmem>>) semaphore(%arg18 : memref<!tpu.dma_semaphore, #tpu.memory_space<semaphore_mem>>)
    %mul3A_88 = arith.constant 640 : i32
    %mul3A_89 = arith.muli %arg1, %mul3A_88 : i32
    %add3A_90 = arith.constant 0 : i32
    %add3A_91 = arith.addi %mul3A_89, %add3A_90 : i32
    %dma_wait3A_92 = arith.constant 0 : i32
    %dma_wait3A_93 = tpu.memref_slice %arg7[%add3A_91, %dma_wait3A_92] : memref<10240x128xf32, #tpu.memory_space<vmem_shared>> -> memref<80x128xf32, #tpu.memory_space<vmem_shared>>
    %dma_wait3A_94 = arith.constant 0 : i32
    %dma_wait3A_95 = tpu.memref_slice %arg7[%add3A_91, %dma_wait3A_94] : memref<10240x128xf32, #tpu.memory_space<vmem_shared>> -> memref<80x128xf32, #tpu.memory_space<vmem_shared>>
    tpu.wait_dma2 semaphore(%arg26 : memref<!tpu.dma_semaphore, #tpu.memory_space<semaphore_mem>>) src(%arg16 : memref<80x128xf32, #tpu.memory_space<vmem>>) dst(%dma_wait3A_95 : memref<80x128xf32, #tpu.memory_space<vmem_shared>>)
    %mul3A_96 = arith.constant 640 : i32
    %mul3A_97 = arith.muli %arg1, %mul3A_96 : i32
    %add3A_98 = arith.constant 80 : i32
    %add3A_99 = arith.addi %mul3A_97, %add3A_98 : i32
    %dma_wait3A_100 = arith.constant 0 : i32
    %dma_wait3A_101 = tpu.memref_slice %arg7[%add3A_99, %dma_wait3A_100] : memref<10240x128xf32, #tpu.memory_space<vmem_shared>> -> memref<80x128xf32, #tpu.memory_space<vmem_shared>>
    %dma_wait3A_102 = arith.constant 0 : i32
    %dma_wait3A_103 = tpu.memref_slice %arg7[%add3A_99, %dma_wait3A_102] : memref<10240x128xf32, #tpu.memory_space<vmem_shared>> -> memref<80x128xf32, #tpu.memory_space<vmem_shared>>
    tpu.wait_dma2 semaphore(%arg26 : memref<!tpu.dma_semaphore, #tpu.memory_space<semaphore_mem>>) src(%arg16 : memref<80x128xf32, #tpu.memory_space<vmem>>) dst(%dma_wait3A_103 : memref<80x128xf32, #tpu.memory_space<vmem_shared>>)
    %mul3A_104 = arith.constant 640 : i32
    %mul3A_105 = arith.muli %arg1, %mul3A_104 : i32
    %add3A_106 = arith.constant 160 : i32
    %add3A_107 = arith.addi %mul3A_105, %add3A_106 : i32
    %dma_wait3A_108 = arith.constant 0 : i32
    %dma_wait3A_109 = tpu.memref_slice %arg7[%add3A_107, %dma_wait3A_108] : memref<10240x128xf32, #tpu.memory_space<vmem_shared>> -> memref<80x128xf32, #tpu.memory_space<vmem_shared>>
    %dma_wait3A_110 = arith.constant 0 : i32
    %dma_wait3A_111 = tpu.memref_slice %arg7[%add3A_107, %dma_wait3A_110] : memref<10240x128xf32, #tpu.memory_space<vmem_shared>> -> memref<80x128xf32, #tpu.memory_space<vmem_shared>>
    tpu.wait_dma2 semaphore(%arg26 : memref<!tpu.dma_semaphore, #tpu.memory_space<semaphore_mem>>) src(%arg16 : memref<80x128xf32, #tpu.memory_space<vmem>>) dst(%dma_wait3A_111 : memref<80x128xf32, #tpu.memory_space<vmem_shared>>)
    %mul3A_112 = arith.constant 640 : i32
    %mul3A_113 = arith.muli %arg1, %mul3A_112 : i32
    %add3A_114 = arith.constant 240 : i32
    %add3A_115 = arith.addi %mul3A_113, %add3A_114 : i32
    %dma_wait3A_116 = arith.constant 0 : i32
    %dma_wait3A_117 = tpu.memref_slice %arg7[%add3A_115, %dma_wait3A_116] : memref<10240x128xf32, #tpu.memory_space<vmem_shared>> -> memref<80x128xf32, #tpu.memory_space<vmem_shared>>
    %dma_wait3A_118 = arith.constant 0 : i32
    %dma_wait3A_119 = tpu.memref_slice %arg7[%add3A_115, %dma_wait3A_118] : memref<10240x128xf32, #tpu.memory_space<vmem_shared>> -> memref<80x128xf32, #tpu.memory_space<vmem_shared>>
    tpu.wait_dma2 semaphore(%arg26 : memref<!tpu.dma_semaphore, #tpu.memory_space<semaphore_mem>>) src(%arg16 : memref<80x128xf32, #tpu.memory_space<vmem>>) dst(%dma_wait3A_119 : memref<80x128xf32, #tpu.memory_space<vmem_shared>>)
    %mul3A_120 = arith.constant 640 : i32
    %mul3A_121 = arith.muli %arg1, %mul3A_120 : i32
    %add3A_122 = arith.constant 320 : i32
    %add3A_123 = arith.addi %mul3A_121, %add3A_122 : i32
    %dma_wait3A_124 = arith.constant 0 : i32
    %dma_wait3A_125 = tpu.memref_slice %arg7[%add3A_123, %dma_wait3A_124] : memref<10240x128xf32, #tpu.memory_space<vmem_shared>> -> memref<80x128xf32, #tpu.memory_space<vmem_shared>>
    %dma_wait3A_126 = arith.constant 0 : i32
    %dma_wait3A_127 = tpu.memref_slice %arg7[%add3A_123, %dma_wait3A_126] : memref<10240x128xf32, #tpu.memory_space<vmem_shared>> -> memref<80x128xf32, #tpu.memory_space<vmem_shared>>
    tpu.wait_dma2 semaphore(%arg26 : memref<!tpu.dma_semaphore, #tpu.memory_space<semaphore_mem>>) src(%arg16 : memref<80x128xf32, #tpu.memory_space<vmem>>) dst(%dma_wait3A_127 : memref<80x128xf32, #tpu.memory_space<vmem_shared>>)
    %mul3A_128 = arith.constant 640 : i32
    %mul3A_129 = arith.muli %arg1, %mul3A_128 : i32
    %add3A_130 = arith.constant 400 : i32
    %add3A_131 = arith.addi %mul3A_129, %add3A_130 : i32
    %dma_wait3A_132 = arith.constant 0 : i32
    %dma_wait3A_133 = tpu.memref_slice %arg7[%add3A_131, %dma_wait3A_132] : memref<10240x128xf32, #tpu.memory_space<vmem_shared>> -> memref<80x128xf32, #tpu.memory_space<vmem_shared>>
    %dma_wait3A_134 = arith.constant 0 : i32
    %dma_wait3A_135 = tpu.memref_slice %arg7[%add3A_131, %dma_wait3A_134] : memref<10240x128xf32, #tpu.memory_space<vmem_shared>> -> memref<80x128xf32, #tpu.memory_space<vmem_shared>>
    tpu.wait_dma2 semaphore(%arg26 : memref<!tpu.dma_semaphore, #tpu.memory_space<semaphore_mem>>) src(%arg16 : memref<80x128xf32, #tpu.memory_space<vmem>>) dst(%dma_wait3A_135 : memref<80x128xf32, #tpu.memory_space<vmem_shared>>)
    %mul3A_136 = arith.constant 640 : i32
    %mul3A_137 = arith.muli %arg1, %mul3A_136 : i32
    %add3A_138 = arith.constant 480 : i32
    %add3A_139 = arith.addi %mul3A_137, %add3A_138 : i32
    %dma_wait3A_140 = arith.constant 0 : i32
    %dma_wait3A_141 = tpu.memref_slice %arg7[%add3A_139, %dma_wait3A_140] : memref<10240x128xf32, #tpu.memory_space<vmem_shared>> -> memref<80x128xf32, #tpu.memory_space<vmem_shared>>
    %dma_wait3A_142 = arith.constant 0 : i32
    %dma_wait3A_143 = tpu.memref_slice %arg7[%add3A_139, %dma_wait3A_142] : memref<10240x128xf32, #tpu.memory_space<vmem_shared>> -> memref<80x128xf32, #tpu.memory_space<vmem_shared>>
    tpu.wait_dma2 semaphore(%arg26 : memref<!tpu.dma_semaphore, #tpu.memory_space<semaphore_mem>>) src(%arg16 : memref<80x128xf32, #tpu.memory_space<vmem>>) dst(%dma_wait3A_143 : memref<80x128xf32, #tpu.memory_space<vmem_shared>>)
    %mul3A_144 = arith.constant 640 : i32
    %mul3A_145 = arith.muli %arg1, %mul3A_144 : i32
    %add3A_146 = arith.constant 560 : i32
    %add3A_147 = arith.addi %mul3A_145, %add3A_146 : i32
    %dma_wait3A_148 = arith.constant 0 : i32
    %dma_wait3A_149 = tpu.memref_slice %arg7[%add3A_147, %dma_wait3A_148] : memref<10240x128xf32, #tpu.memory_space<vmem_shared>> -> memref<80x128xf32, #tpu.memory_space<vmem_shared>>
    %dma_wait3A_150 = arith.constant 0 : i32
    %dma_wait3A_151 = tpu.memref_slice %arg7[%add3A_147, %dma_wait3A_150] : memref<10240x128xf32, #tpu.memory_space<vmem_shared>> -> memref<80x128xf32, #tpu.memory_space<vmem_shared>>
    tpu.wait_dma2 semaphore(%arg26 : memref<!tpu.dma_semaphore, #tpu.memory_space<semaphore_mem>>) src(%arg16 : memref<80x128xf32, #tpu.memory_space<vmem>>) dst(%dma_wait3A_151 : memref<80x128xf32, #tpu.memory_space<vmem_shared>>)
    %barrier3A = arith.constant 0 : index
    tpu.barrier barrier_id(%barrier3A)
    %scan3A = arith.constant 0 : i32
    %scan3A_152 = arith.constant 0 : i32
    %scan3A_153 = arith.constant 42 : i32
    %scan3A_154 = arith.addi %scan3A_152, %scan3A_153 : i32
    %scan3A_155 = arith.constant 1 : i32
    %scan3A_156 = scf.for %scan3A_340 = %scan3A_152 to %scan3A_154 step %scan3A_155 iter_args(%scan3A_341 = %scan3A) -> (i32)  : i32 {
      %mul3A_342 = arith.constant 3 : i32
      %mul3A_343 = arith.muli %mul3A_342, %scan3A_340 : i32
      %add3A_344 = arith.constant 0 : i32
      %add3A_345 = arith.addi %mul3A_343, %add3A_344 : i32
      %lt3A = arith.constant 125 : i32
      %lt3A_346 = arith.cmpi slt, %add3A_345, %lt3A : i32
      %convert_element_type3A = arith.extui %lt3A_346 : i1 to i32
      %cond3A = arith.constant 0 : i32
      %cond3A_347 = arith.cmpi ne, %convert_element_type3A, %cond3A : i32
      scf.if %cond3A_347 {
        %dma_wait3A_367 = arith.constant 0 : i32
        %dma_wait3A_368 = arith.constant 0 : i32
        %dma_wait3A_369 = tpu.memref_slice %arg2[%dma_wait3A_367, %dma_wait3A_368] : memref<10000x128xf32, #tpu.memory_space<hbm>> -> memref<10000x128xf32, #tpu.memory_space<hbm>>
        tpu.wait_indirect_dma semaphore(%arg18 : memref<!tpu.dma_semaphore, #tpu.memory_space<semaphore_mem>>) src(%dma_wait3A_369 : memref<10000x128xf32, #tpu.memory_space<hbm>>) dst(%arg10 : memref<80x128xf32, #tpu.memory_space<vmem>>)
        %dma_start3A_370 = arith.constant 0 : i32
        %dma_start3A_371 = arith.constant 0 : i32
        %dma_start3A_372 = tpu.memref_slice %arg7[%dma_start3A_370, %dma_start3A_371] : memref<10240x128xf32, #tpu.memory_space<vmem_shared>> -> memref<10240x128xf32, #tpu.memory_space<vmem_shared>>
        tpu.enqueue_indirect_dma source(%arg10 : memref<80x128xf32, #tpu.memory_space<vmem>>) target(%dma_start3A_372 : memref<10240x128xf32, #tpu.memory_space<vmem_shared>>) offsets(%arg9 : memref<80xi32, #tpu.memory_space<vmem>>) semaphore(%arg19 : memref<!tpu.dma_semaphore, #tpu.memory_space<semaphore_mem>>) {add = true}
        %add3A_373 = arith.constant 1 : i32
        %add3A_374 = arith.addi %add3A_345, %add3A_373 : i32
        %lt3A_375 = arith.constant 125 : i32
        %lt3A_376 = arith.cmpi slt, %add3A_374, %lt3A_375 : i32
        %convert_element_type3A_377 = arith.extui %lt3A_376 : i1 to i32
        %cond3A_378 = arith.constant 0 : i32
        %cond3A_379 = arith.cmpi ne, %convert_element_type3A_377, %cond3A_378 : i32
        scf.if %cond3A_379 {
          %add3A_387 = arith.constant 1 : i32
          %add3A_388 = arith.addi %add3A_345, %add3A_387 : i32
          %mul3A_389 = arith.constant 80 : i32
          %mul3A_390 = arith.muli %add3A_388, %mul3A_389 : i32
          %add3A_391 = arith.addi %mul3A_2, %mul3A_390 : i32
          %multiple_of3A_392 = tpu.assume_multiple %add3A_391, 8 : i32
          %dma_wait3A_393 = tpu.memref_slice %arg3[%multiple_of3A_392] : memref<320000xi32, #tpu.memory_space<hbm>> -> memref<80xi32, #tpu.memory_space<hbm>>
          %dma_wait3A_394 = tpu.memref_slice %arg3[%multiple_of3A_392] : memref<320000xi32, #tpu.memory_space<hbm>> -> memref<80xi32, #tpu.memory_space<hbm>>
          tpu.wait_dma2 semaphore(%arg20 : memref<!tpu.dma_semaphore, #tpu.memory_space<semaphore_mem>>) src(%dma_wait3A_394 : memref<80xi32, #tpu.memory_space<hbm>>) dst(%arg11 : memref<80xi32, #tpu.memory_space<vmem>>)
          %dma_wait3A_395 = tpu.memref_slice %arg4[%multiple_of3A_392] : memref<320000xi32, #tpu.memory_space<hbm>> -> memref<80xi32, #tpu.memory_space<hbm>>
          %dma_wait3A_396 = tpu.memref_slice %arg4[%multiple_of3A_392] : memref<320000xi32, #tpu.memory_space<hbm>> -> memref<80xi32, #tpu.memory_space<hbm>>
          tpu.wait_dma2 semaphore(%arg20 : memref<!tpu.dma_semaphore, #tpu.memory_space<semaphore_mem>>) src(%dma_wait3A_396 : memref<80xi32, #tpu.memory_space<hbm>>) dst(%arg12 : memref<80xi32, #tpu.memory_space<vmem>>)
          %dma_start3A_397 = arith.constant 0 : i32
          %dma_start3A_398 = arith.constant 0 : i32
          %dma_start3A_399 = tpu.memref_slice %arg2[%dma_start3A_397, %dma_start3A_398] : memref<10000x128xf32, #tpu.memory_space<hbm>> -> memref<10000x128xf32, #tpu.memory_space<hbm>>
          tpu.enqueue_indirect_dma source(%dma_start3A_399 : memref<10000x128xf32, #tpu.memory_space<hbm>>) target(%arg13 : memref<80x128xf32, #tpu.memory_space<vmem>>) offsets(%arg11 : memref<80xi32, #tpu.memory_space<vmem>>) semaphore(%arg21 : memref<!tpu.dma_semaphore, #tpu.memory_space<semaphore_mem>>)
        } else {
        }
        %add3A_380 = arith.constant 2 : i32
        %add3A_381 = arith.addi %add3A_345, %add3A_380 : i32
        %lt3A_382 = arith.constant 125 : i32
        %lt3A_383 = arith.cmpi slt, %add3A_381, %lt3A_382 : i32
        %convert_element_type3A_384 = arith.extui %lt3A_383 : i1 to i32
        %cond3A_385 = arith.constant 0 : i32
        %cond3A_386 = arith.cmpi ne, %convert_element_type3A_384, %cond3A_385 : i32
        scf.if %cond3A_386 {
          %ge3A = arith.constant 1 : i32
          %ge3A_387 = arith.cmpi sge, %add3A_345, %ge3A : i32
          %convert_element_type3A_388 = arith.extui %ge3A_387 : i1 to i32
          %cond3A_389 = arith.constant 0 : i32
          %cond3A_390 = arith.cmpi ne, %convert_element_type3A_388, %cond3A_389 : i32
          scf.if %cond3A_390 {
            %dma_wait3A_401 = arith.constant 0 : i32
            %dma_wait3A_402 = arith.constant 0 : i32
            %dma_wait3A_403 = tpu.memref_slice %arg7[%dma_wait3A_401, %dma_wait3A_402] : memref<10240x128xf32, #tpu.memory_space<vmem_shared>> -> memref<10240x128xf32, #tpu.memory_space<vmem_shared>>
            tpu.wait_indirect_dma semaphore(%arg25 : memref<!tpu.dma_semaphore, #tpu.memory_space<semaphore_mem>>) src(%arg16 : memref<80x128xf32, #tpu.memory_space<vmem>>) dst(%dma_wait3A_403 : memref<10240x128xf32, #tpu.memory_space<vmem_shared>>)
          } else {
          }
          %add3A_391 = arith.constant 2 : i32
          %add3A_392 = arith.addi %add3A_345, %add3A_391 : i32
          %mul3A_393 = arith.constant 80 : i32
          %mul3A_394 = arith.muli %add3A_392, %mul3A_393 : i32
          %add3A_395 = arith.addi %mul3A_2, %mul3A_394 : i32
          %multiple_of3A_396 = tpu.assume_multiple %add3A_395, 8 : i32
          %dma_start3A_397 = tpu.memref_slice %arg3[%multiple_of3A_396] : memref<320000xi32, #tpu.memory_space<hbm>> -> memref<80xi32, #tpu.memory_space<hbm>>
          %dma_start3A_398 = tpu.memref_slice %arg3[%multiple_of3A_396] : memref<320000xi32, #tpu.memory_space<hbm>> -> memref<80xi32, #tpu.memory_space<hbm>>
          tpu.enqueue_dma source(%dma_start3A_398 : memref<80xi32, #tpu.memory_space<hbm>>) target(%arg14 : memref<80xi32, #tpu.memory_space<vmem>>) target_semaphore(%arg23 : memref<!tpu.dma_semaphore, #tpu.memory_space<semaphore_mem>>)
          %dma_start3A_399 = tpu.memref_slice %arg4[%multiple_of3A_396] : memref<320000xi32, #tpu.memory_space<hbm>> -> memref<80xi32, #tpu.memory_space<hbm>>
          %dma_start3A_400 = tpu.memref_slice %arg4[%multiple_of3A_396] : memref<320000xi32, #tpu.memory_space<hbm>> -> memref<80xi32, #tpu.memory_space<hbm>>
          tpu.enqueue_dma source(%dma_start3A_400 : memref<80xi32, #tpu.memory_space<hbm>>) target(%arg15 : memref<80xi32, #tpu.memory_space<vmem>>) target_semaphore(%arg23 : memref<!tpu.dma_semaphore, #tpu.memory_space<semaphore_mem>>)
        } else {
        }
      } else {
      }
      %mul3A_348 = arith.constant 3 : i32
      %mul3A_349 = arith.muli %mul3A_348, %scan3A_340 : i32
      %add3A_350 = arith.constant 1 : i32
      %add3A_351 = arith.addi %mul3A_349, %add3A_350 : i32
      %lt3A_352 = arith.constant 125 : i32
      %lt3A_353 = arith.cmpi slt, %add3A_351, %lt3A_352 : i32
      %convert_element_type3A_354 = arith.extui %lt3A_353 : i1 to i32
      %cond3A_355 = arith.constant 0 : i32
      %cond3A_356 = arith.cmpi ne, %convert_element_type3A_354, %cond3A_355 : i32
      scf.if %cond3A_356 {
        %dma_wait3A_367 = arith.constant 0 : i32
        %dma_wait3A_368 = arith.constant 0 : i32
        %dma_wait3A_369 = tpu.memref_slice %arg2[%dma_wait3A_367, %dma_wait3A_368] : memref<10000x128xf32, #tpu.memory_space<hbm>> -> memref<10000x128xf32, #tpu.memory_space<hbm>>
        tpu.wait_indirect_dma semaphore(%arg21 : memref<!tpu.dma_semaphore, #tpu.memory_space<semaphore_mem>>) src(%dma_wait3A_369 : memref<10000x128xf32, #tpu.memory_space<hbm>>) dst(%arg13 : memref<80x128xf32, #tpu.memory_space<vmem>>)
        %dma_start3A_370 = arith.constant 0 : i32
        %dma_start3A_371 = arith.constant 0 : i32
        %dma_start3A_372 = tpu.memref_slice %arg7[%dma_start3A_370, %dma_start3A_371] : memref<10240x128xf32, #tpu.memory_space<vmem_shared>> -> memref<10240x128xf32, #tpu.memory_space<vmem_shared>>
        tpu.enqueue_indirect_dma source(%arg13 : memref<80x128xf32, #tpu.memory_space<vmem>>) target(%dma_start3A_372 : memref<10240x128xf32, #tpu.memory_space<vmem_shared>>) offsets(%arg12 : memref<80xi32, #tpu.memory_space<vmem>>) semaphore(%arg22 : memref<!tpu.dma_semaphore, #tpu.memory_space<semaphore_mem>>) {add = true}
        %add3A_373 = arith.constant 1 : i32
        %add3A_374 = arith.addi %add3A_351, %add3A_373 : i32
        %lt3A_375 = arith.constant 125 : i32
        %lt3A_376 = arith.cmpi slt, %add3A_374, %lt3A_375 : i32
        %convert_element_type3A_377 = arith.extui %lt3A_376 : i1 to i32
        %cond3A_378 = arith.constant 0 : i32
        %cond3A_379 = arith.cmpi ne, %convert_element_type3A_377, %cond3A_378 : i32
        scf.if %cond3A_379 {
          %add3A_387 = arith.constant 1 : i32
          %add3A_388 = arith.addi %add3A_351, %add3A_387 : i32
          %mul3A_389 = arith.constant 80 : i32
          %mul3A_390 = arith.muli %add3A_388, %mul3A_389 : i32
          %add3A_391 = arith.addi %mul3A_2, %mul3A_390 : i32
          %multiple_of3A_392 = tpu.assume_multiple %add3A_391, 8 : i32
          %dma_wait3A_393 = tpu.memref_slice %arg3[%multiple_of3A_392] : memref<320000xi32, #tpu.memory_space<hbm>> -> memref<80xi32, #tpu.memory_space<hbm>>
          %dma_wait3A_394 = tpu.memref_slice %arg3[%multiple_of3A_392] : memref<320000xi32, #tpu.memory_space<hbm>> -> memref<80xi32, #tpu.memory_space<hbm>>
          tpu.wait_dma2 semaphore(%arg23 : memref<!tpu.dma_semaphore, #tpu.memory_space<semaphore_mem>>) src(%dma_wait3A_394 : memref<80xi32, #tpu.memory_space<hbm>>) dst(%arg14 : memref<80xi32, #tpu.memory_space<vmem>>)
          %dma_wait3A_395 = tpu.memref_slice %arg4[%multiple_of3A_392] : memref<320000xi32, #tpu.memory_space<hbm>> -> memref<80xi32, #tpu.memory_space<hbm>>
          %dma_wait3A_396 = tpu.memref_slice %arg4[%multiple_of3A_392] : memref<320000xi32, #tpu.memory_space<hbm>> -> memref<80xi32, #tpu.memory_space<hbm>>
          tpu.wait_dma2 semaphore(%arg23 : memref<!tpu.dma_semaphore, #tpu.memory_space<semaphore_mem>>) src(%dma_wait3A_396 : memref<80xi32, #tpu.memory_space<hbm>>) dst(%arg15 : memref<80xi32, #tpu.memory_space<vmem>>)
          %dma_start3A_397 = arith.constant 0 : i32
          %dma_start3A_398 = arith.constant 0 : i32
          %dma_start3A_399 = tpu.memref_slice %arg2[%dma_start3A_397, %dma_start3A_398] : memref<10000x128xf32, #tpu.memory_space<hbm>> -> memref<10000x128xf32, #tpu.memory_space<hbm>>
          tpu.enqueue_indirect_dma source(%dma_start3A_399 : memref<10000x128xf32, #tpu.memory_space<hbm>>) target(%arg16 : memref<80x128xf32, #tpu.memory_space<vmem>>) offsets(%arg14 : memref<80xi32, #tpu.memory_space<vmem>>) semaphore(%arg24 : memref<!tpu.dma_semaphore, #tpu.memory_space<semaphore_mem>>)
        } else {
        }
        %add3A_380 = arith.constant 2 : i32
        %add3A_381 = arith.addi %add3A_351, %add3A_380 : i32
        %lt3A_382 = arith.constant 125 : i32
        %lt3A_383 = arith.cmpi slt, %add3A_381, %lt3A_382 : i32
        %convert_element_type3A_384 = arith.extui %lt3A_383 : i1 to i32
        %cond3A_385 = arith.constant 0 : i32
        %cond3A_386 = arith.cmpi ne, %convert_element_type3A_384, %cond3A_385 : i32
        scf.if %cond3A_386 {
          %ge3A = arith.constant 1 : i32
          %ge3A_387 = arith.cmpi sge, %add3A_351, %ge3A : i32
          %convert_element_type3A_388 = arith.extui %ge3A_387 : i1 to i32
          %cond3A_389 = arith.constant 0 : i32
          %cond3A_390 = arith.cmpi ne, %convert_element_type3A_388, %cond3A_389 : i32
          scf.if %cond3A_390 {
            %dma_wait3A_401 = arith.constant 0 : i32
            %dma_wait3A_402 = arith.constant 0 : i32
            %dma_wait3A_403 = tpu.memref_slice %arg7[%dma_wait3A_401, %dma_wait3A_402] : memref<10240x128xf32, #tpu.memory_space<vmem_shared>> -> memref<10240x128xf32, #tpu.memory_space<vmem_shared>>
            tpu.wait_indirect_dma semaphore(%arg19 : memref<!tpu.dma_semaphore, #tpu.memory_space<semaphore_mem>>) src(%arg10 : memref<80x128xf32, #tpu.memory_space<vmem>>) dst(%dma_wait3A_403 : memref<10240x128xf32, #tpu.memory_space<vmem_shared>>)
          } else {
          }
          %add3A_391 = arith.constant 2 : i32
          %add3A_392 = arith.addi %add3A_351, %add3A_391 : i32
          %mul3A_393 = arith.constant 80 : i32
          %mul3A_394 = arith.muli %add3A_392, %mul3A_393 : i32
          %add3A_395 = arith.addi %mul3A_2, %mul3A_394 : i32
          %multiple_of3A_396 = tpu.assume_multiple %add3A_395, 8 : i32
          %dma_start3A_397 = tpu.memref_slice %arg3[%multiple_of3A_396] : memref<320000xi32, #tpu.memory_space<hbm>> -> memref<80xi32, #tpu.memory_space<hbm>>
          %dma_start3A_398 = tpu.memref_slice %arg3[%multiple_of3A_396] : memref<320000xi32, #tpu.memory_space<hbm>> -> memref<80xi32, #tpu.memory_space<hbm>>
          tpu.enqueue_dma source(%dma_start3A_398 : memref<80xi32, #tpu.memory_space<hbm>>) target(%arg8 : memref<80xi32, #tpu.memory_space<vmem>>) target_semaphore(%arg17 : memref<!tpu.dma_semaphore, #tpu.memory_space<semaphore_mem>>)
          %dma_start3A_399 = tpu.memref_slice %arg4[%multiple_of3A_396] : memref<320000xi32, #tpu.memory_space<hbm>> -> memref<80xi32, #tpu.memory_space<hbm>>
          %dma_start3A_400 = tpu.memref_slice %arg4[%multiple_of3A_396] : memref<320000xi32, #tpu.memory_space<hbm>> -> memref<80xi32, #tpu.memory_space<hbm>>
          tpu.enqueue_dma source(%dma_start3A_400 : memref<80xi32, #tpu.memory_space<hbm>>) target(%arg9 : memref<80xi32, #tpu.memory_space<vmem>>) target_semaphore(%arg17 : memref<!tpu.dma_semaphore, #tpu.memory_space<semaphore_mem>>)
        } else {
        }
      } else {
      }
      %mul3A_357 = arith.constant 3 : i32
      %mul3A_358 = arith.muli %mul3A_357, %scan3A_340 : i32
      %add3A_359 = arith.constant 2 : i32
      %add3A_360 = arith.addi %mul3A_358, %add3A_359 : i32
      %lt3A_361 = arith.constant 125 : i32
      %lt3A_362 = arith.cmpi slt, %add3A_360, %lt3A_361 : i32
      %convert_element_type3A_363 = arith.extui %lt3A_362 : i1 to i32
      %cond3A_364 = arith.constant 0 : i32
      %cond3A_365 = arith.cmpi ne, %convert_element_type3A_363, %cond3A_364 : i32
      scf.if %cond3A_365 {
        %dma_wait3A_367 = arith.constant 0 : i32
        %dma_wait3A_368 = arith.constant 0 : i32
        %dma_wait3A_369 = tpu.memref_slice %arg2[%dma_wait3A_367, %dma_wait3A_368] : memref<10000x128xf32, #tpu.memory_space<hbm>> -> memref<10000x128xf32, #tpu.memory_space<hbm>>
        tpu.wait_indirect_dma semaphore(%arg24 : memref<!tpu.dma_semaphore, #tpu.memory_space<semaphore_mem>>) src(%dma_wait3A_369 : memref<10000x128xf32, #tpu.memory_space<hbm>>) dst(%arg16 : memref<80x128xf32, #tpu.memory_space<vmem>>)
        %dma_start3A_370 = arith.constant 0 : i32
        %dma_start3A_371 = arith.constant 0 : i32
        %dma_start3A_372 = tpu.memref_slice %arg7[%dma_start3A_370, %dma_start3A_371] : memref<10240x128xf32, #tpu.memory_space<vmem_shared>> -> memref<10240x128xf32, #tpu.memory_space<vmem_shared>>
        tpu.enqueue_indirect_dma source(%arg16 : memref<80x128xf32, #tpu.memory_space<vmem>>) target(%dma_start3A_372 : memref<10240x128xf32, #tpu.memory_space<vmem_shared>>) offsets(%arg15 : memref<80xi32, #tpu.memory_space<vmem>>) semaphore(%arg25 : memref<!tpu.dma_semaphore, #tpu.memory_space<semaphore_mem>>) {add = true}
        %add3A_373 = arith.constant 1 : i32
        %add3A_374 = arith.addi %add3A_360, %add3A_373 : i32
        %lt3A_375 = arith.constant 125 : i32
        %lt3A_376 = arith.cmpi slt, %add3A_374, %lt3A_375 : i32
        %convert_element_type3A_377 = arith.extui %lt3A_376 : i1 to i32
        %cond3A_378 = arith.constant 0 : i32
        %cond3A_379 = arith.cmpi ne, %convert_element_type3A_377, %cond3A_378 : i32
        scf.if %cond3A_379 {
          %add3A_387 = arith.constant 1 : i32
          %add3A_388 = arith.addi %add3A_360, %add3A_387 : i32
          %mul3A_389 = arith.constant 80 : i32
          %mul3A_390 = arith.muli %add3A_388, %mul3A_389 : i32
          %add3A_391 = arith.addi %mul3A_2, %mul3A_390 : i32
          %multiple_of3A_392 = tpu.assume_multiple %add3A_391, 8 : i32
          %dma_wait3A_393 = tpu.memref_slice %arg3[%multiple_of3A_392] : memref<320000xi32, #tpu.memory_space<hbm>> -> memref<80xi32, #tpu.memory_space<hbm>>
          %dma_wait3A_394 = tpu.memref_slice %arg3[%multiple_of3A_392] : memref<320000xi32, #tpu.memory_space<hbm>> -> memref<80xi32, #tpu.memory_space<hbm>>
          tpu.wait_dma2 semaphore(%arg17 : memref<!tpu.dma_semaphore, #tpu.memory_space<semaphore_mem>>) src(%dma_wait3A_394 : memref<80xi32, #tpu.memory_space<hbm>>) dst(%arg8 : memref<80xi32, #tpu.memory_space<vmem>>)
          %dma_wait3A_395 = tpu.memref_slice %arg4[%multiple_of3A_392] : memref<320000xi32, #tpu.memory_space<hbm>> -> memref<80xi32, #tpu.memory_space<hbm>>
          %dma_wait3A_396 = tpu.memref_slice %arg4[%multiple_of3A_392] : memref<320000xi32, #tpu.memory_space<hbm>> -> memref<80xi32, #tpu.memory_space<hbm>>
          tpu.wait_dma2 semaphore(%arg17 : memref<!tpu.dma_semaphore, #tpu.memory_space<semaphore_mem>>) src(%dma_wait3A_396 : memref<80xi32, #tpu.memory_space<hbm>>) dst(%arg9 : memref<80xi32, #tpu.memory_space<vmem>>)
          %dma_start3A_397 = arith.constant 0 : i32
          %dma_start3A_398 = arith.constant 0 : i32
          %dma_start3A_399 = tpu.memref_slice %arg2[%dma_start3A_397, %dma_start3A_398] : memref<10000x128xf32, #tpu.memory_space<hbm>> -> memref<10000x128xf32, #tpu.memory_space<hbm>>
          tpu.enqueue_indirect_dma source(%dma_start3A_399 : memref<10000x128xf32, #tpu.memory_space<hbm>>) target(%arg10 : memref<80x128xf32, #tpu.memory_space<vmem>>) offsets(%arg8 : memref<80xi32, #tpu.memory_space<vmem>>) semaphore(%arg18 : memref<!tpu.dma_semaphore, #tpu.memory_space<semaphore_mem>>)
        } else {
        }
        %add3A_380 = arith.constant 2 : i32
        %add3A_381 = arith.addi %add3A_360, %add3A_380 : i32
        %lt3A_382 = arith.constant 125 : i32
        %lt3A_383 = arith.cmpi slt, %add3A_381, %lt3A_382 : i32
        %convert_element_type3A_384 = arith.extui %lt3A_383 : i1 to i32
        %cond3A_385 = arith.constant 0 : i32
        %cond3A_386 = arith.cmpi ne, %convert_element_type3A_384, %cond3A_385 : i32
        scf.if %cond3A_386 {
          %ge3A = arith.constant 1 : i32
          %ge3A_387 = arith.cmpi sge, %add3A_360, %ge3A : i32
          %convert_element_type3A_388 = arith.extui %ge3A_387 : i1 to i32
          %cond3A_389 = arith.constant 0 : i32
          %cond3A_390 = arith.cmpi ne, %convert_element_type3A_388, %cond3A_389 : i32
          scf.if %cond3A_390 {
            %dma_wait3A_401 = arith.constant 0 : i32
            %dma_wait3A_402 = arith.constant 0 : i32
            %dma_wait3A_403 = tpu.memref_slice %arg7[%dma_wait3A_401, %dma_wait3A_402] : memref<10240x128xf32, #tpu.memory_space<vmem_shared>> -> memref<10240x128xf32, #tpu.memory_space<vmem_shared>>
            tpu.wait_indirect_dma semaphore(%arg22 : memref<!tpu.dma_semaphore, #tpu.memory_space<semaphore_mem>>) src(%arg13 : memref<80x128xf32, #tpu.memory_space<vmem>>) dst(%dma_wait3A_403 : memref<10240x128xf32, #tpu.memory_space<vmem_shared>>)
          } else {
          }
          %add3A_391 = arith.constant 2 : i32
          %add3A_392 = arith.addi %add3A_360, %add3A_391 : i32
          %mul3A_393 = arith.constant 80 : i32
          %mul3A_394 = arith.muli %add3A_392, %mul3A_393 : i32
          %add3A_395 = arith.addi %mul3A_2, %mul3A_394 : i32
          %multiple_of3A_396 = tpu.assume_multiple %add3A_395, 8 : i32
          %dma_start3A_397 = tpu.memref_slice %arg3[%multiple_of3A_396] : memref<320000xi32, #tpu.memory_space<hbm>> -> memref<80xi32, #tpu.memory_space<hbm>>
          %dma_start3A_398 = tpu.memref_slice %arg3[%multiple_of3A_396] : memref<320000xi32, #tpu.memory_space<hbm>> -> memref<80xi32, #tpu.memory_space<hbm>>
          tpu.enqueue_dma source(%dma_start3A_398 : memref<80xi32, #tpu.memory_space<hbm>>) target(%arg11 : memref<80xi32, #tpu.memory_space<vmem>>) target_semaphore(%arg20 : memref<!tpu.dma_semaphore, #tpu.memory_space<semaphore_mem>>)
          %dma_start3A_399 = tpu.memref_slice %arg4[%multiple_of3A_396] : memref<320000xi32, #tpu.memory_space<hbm>> -> memref<80xi32, #tpu.memory_space<hbm>>
          %dma_start3A_400 = tpu.memref_slice %arg4[%multiple_of3A_396] : memref<320000xi32, #tpu.memory_space<hbm>> -> memref<80xi32, #tpu.memory_space<hbm>>
          tpu.enqueue_dma source(%dma_start3A_400 : memref<80xi32, #tpu.memory_space<hbm>>) target(%arg12 : memref<80xi32, #tpu.memory_space<vmem>>) target_semaphore(%arg20 : memref<!tpu.dma_semaphore, #tpu.memory_space<semaphore_mem>>)
        } else {
        }
      } else {
      }
      %scan3A_366 = arith.constant 0 : i32
      scf.yield %scan3A_366 : i32
    }
    %scan3A_157 = arith.constant 42 : i32
    %dma_wait3A_158 = arith.constant 0 : i32
    %dma_wait3A_159 = arith.constant 0 : i32
    %dma_wait3A_160 = tpu.memref_slice %arg7[%dma_wait3A_158, %dma_wait3A_159] : memref<10240x128xf32, #tpu.memory_space<vmem_shared>> -> memref<10240x128xf32, #tpu.memory_space<vmem_shared>>
    tpu.wait_indirect_dma semaphore(%arg19 : memref<!tpu.dma_semaphore, #tpu.memory_space<semaphore_mem>>) src(%arg10 : memref<80x128xf32, #tpu.memory_space<vmem>>) dst(%dma_wait3A_160 : memref<10240x128xf32, #tpu.memory_space<vmem_shared>>)
    %dma_wait3A_161 = arith.constant 0 : i32
    %dma_wait3A_162 = arith.constant 0 : i32
    %dma_wait3A_163 = tpu.memref_slice %arg7[%dma_wait3A_161, %dma_wait3A_162] : memref<10240x128xf32, #tpu.memory_space<vmem_shared>> -> memref<10240x128xf32, #tpu.memory_space<vmem_shared>>
    tpu.wait_indirect_dma semaphore(%arg22 : memref<!tpu.dma_semaphore, #tpu.memory_space<semaphore_mem>>) src(%arg13 : memref<80x128xf32, #tpu.memory_space<vmem>>) dst(%dma_wait3A_163 : memref<10240x128xf32, #tpu.memory_space<vmem_shared>>)
    %dma_wait3A_164 = arith.constant 0 : i32
    %dma_wait3A_165 = arith.constant 0 : i32
    %dma_wait3A_166 = tpu.memref_slice %arg7[%dma_wait3A_164, %dma_wait3A_165] : memref<10240x128xf32, #tpu.memory_space<vmem_shared>> -> memref<10240x128xf32, #tpu.memory_space<vmem_shared>>
    tpu.wait_indirect_dma semaphore(%arg25 : memref<!tpu.dma_semaphore, #tpu.memory_space<semaphore_mem>>) src(%arg16 : memref<80x128xf32, #tpu.memory_space<vmem>>) dst(%dma_wait3A_166 : memref<10240x128xf32, #tpu.memory_space<vmem_shared>>)
    %barrier3A_167 = arith.constant 0 : index
    tpu.barrier barrier_id(%barrier3A_167)
    %mul3A_168 = arith.constant 10240 : i32
    %mul3A_169 = arith.muli %arg0, %mul3A_168 : i32
    %mul3A_170 = arith.constant 640 : i32
    %mul3A_171 = arith.muli %arg1, %mul3A_170 : i32
    %add3A_172 = arith.addi %mul3A_169, %mul3A_171 : i32
    %add3A_173 = arith.constant 0 : i32
    %add3A_174 = arith.addi %add3A_172, %add3A_173 : i32
    %multiple_of3A_175 = tpu.assume_multiple %add3A_174, 8 : i32
    %mul3A_176 = arith.constant 640 : i32
    %mul3A_177 = arith.muli %arg1, %mul3A_176 : i32
    %add3A_178 = arith.constant 0 : i32
    %add3A_179 = arith.addi %mul3A_177, %add3A_178 : i32
    "tpu.region"() ({
      %run_scoped3A = tpu.sem_alloc : memref<!tpu.dma_semaphore, #tpu.memory_space<semaphore_mem>>
      %dma_start3A_340 = arith.constant 0 : i32
      %dma_start3A_341 = tpu.memref_slice %arg7[%add3A_179, %dma_start3A_340] : memref<10240x128xf32, #tpu.memory_space<vmem_shared>> -> memref<80x128xf32, #tpu.memory_space<vmem_shared>>
      %dma_start3A_342 = arith.constant 0 : i32
      %dma_start3A_343 = tpu.memref_slice %arg7[%add3A_179, %dma_start3A_342] : memref<10240x128xf32, #tpu.memory_space<vmem_shared>> -> memref<80x128xf32, #tpu.memory_space<vmem_shared>>
      tpu.enqueue_dma source(%dma_start3A_343 : memref<80x128xf32, #tpu.memory_space<vmem_shared>>) target(%arg10 : memref<80x128xf32, #tpu.memory_space<vmem>>) target_semaphore(%run_scoped3A : memref<!tpu.dma_semaphore, #tpu.memory_space<semaphore_mem>>)
      %dma_wait3A_344 = arith.constant 0 : i32
      %dma_wait3A_345 = tpu.memref_slice %arg7[%add3A_179, %dma_wait3A_344] : memref<10240x128xf32, #tpu.memory_space<vmem_shared>> -> memref<80x128xf32, #tpu.memory_space<vmem_shared>>
      %dma_wait3A_346 = arith.constant 0 : i32
      %dma_wait3A_347 = tpu.memref_slice %arg7[%add3A_179, %dma_wait3A_346] : memref<10240x128xf32, #tpu.memory_space<vmem_shared>> -> memref<80x128xf32, #tpu.memory_space<vmem_shared>>
      tpu.wait_dma2 semaphore(%run_scoped3A : memref<!tpu.dma_semaphore, #tpu.memory_space<semaphore_mem>>) src(%dma_wait3A_347 : memref<80x128xf32, #tpu.memory_space<vmem_shared>>) dst(%arg10 : memref<80x128xf32, #tpu.memory_space<vmem>>)
      tpu.yield
    }) : () -> ()
    %dma_start3A_180 = arith.constant 0 : i32
    %dma_start3A_181 = tpu.memref_slice %arg6[%multiple_of3A_175, %dma_start3A_180] : memref<20480x128xf32, #tpu.memory_space<hbm>> -> memref<80x128xf32, #tpu.memory_space<hbm>>
    %dma_start3A_182 = arith.constant 0 : i32
    %dma_start3A_183 = tpu.memref_slice %arg6[%multiple_of3A_175, %dma_start3A_182] : memref<20480x128xf32, #tpu.memory_space<hbm>> -> memref<80x128xf32, #tpu.memory_space<hbm>>
    tpu.enqueue_dma source(%arg10 : memref<80x128xf32, #tpu.memory_space<vmem>>) target(%dma_start3A_183 : memref<80x128xf32, #tpu.memory_space<hbm>>) target_semaphore(%arg17 : memref<!tpu.dma_semaphore, #tpu.memory_space<semaphore_mem>>)
    %mul3A_184 = arith.constant 10240 : i32
    %mul3A_185 = arith.muli %arg0, %mul3A_184 : i32
    %mul3A_186 = arith.constant 640 : i32
    %mul3A_187 = arith.muli %arg1, %mul3A_186 : i32
    %add3A_188 = arith.addi %mul3A_185, %mul3A_187 : i32
    %add3A_189 = arith.constant 80 : i32
    %add3A_190 = arith.addi %add3A_188, %add3A_189 : i32
    %multiple_of3A_191 = tpu.assume_multiple %add3A_190, 8 : i32
    %mul3A_192 = arith.constant 640 : i32
    %mul3A_193 = arith.muli %arg1, %mul3A_192 : i32
    %add3A_194 = arith.constant 80 : i32
    %add3A_195 = arith.addi %mul3A_193, %add3A_194 : i32
    "tpu.region"() ({
      %run_scoped3A = tpu.sem_alloc : memref<!tpu.dma_semaphore, #tpu.memory_space<semaphore_mem>>
      %dma_start3A_340 = arith.constant 0 : i32
      %dma_start3A_341 = tpu.memref_slice %arg7[%add3A_195, %dma_start3A_340] : memref<10240x128xf32, #tpu.memory_space<vmem_shared>> -> memref<80x128xf32, #tpu.memory_space<vmem_shared>>
      %dma_start3A_342 = arith.constant 0 : i32
      %dma_start3A_343 = tpu.memref_slice %arg7[%add3A_195, %dma_start3A_342] : memref<10240x128xf32, #tpu.memory_space<vmem_shared>> -> memref<80x128xf32, #tpu.memory_space<vmem_shared>>
      tpu.enqueue_dma source(%dma_start3A_343 : memref<80x128xf32, #tpu.memory_space<vmem_shared>>) target(%arg13 : memref<80x128xf32, #tpu.memory_space<vmem>>) target_semaphore(%run_scoped3A : memref<!tpu.dma_semaphore, #tpu.memory_space<semaphore_mem>>)
      %dma_wait3A_344 = arith.constant 0 : i32
      %dma_wait3A_345 = tpu.memref_slice %arg7[%add3A_195, %dma_wait3A_344] : memref<10240x128xf32, #tpu.memory_space<vmem_shared>> -> memref<80x128xf32, #tpu.memory_space<vmem_shared>>
      %dma_wait3A_346 = arith.constant 0 : i32
      %dma_wait3A_347 = tpu.memref_slice %arg7[%add3A_195, %dma_wait3A_346] : memref<10240x128xf32, #tpu.memory_space<vmem_shared>> -> memref<80x128xf32, #tpu.memory_space<vmem_shared>>
      tpu.wait_dma2 semaphore(%run_scoped3A : memref<!tpu.dma_semaphore, #tpu.memory_space<semaphore_mem>>) src(%dma_wait3A_347 : memref<80x128xf32, #tpu.memory_space<vmem_shared>>) dst(%arg13 : memref<80x128xf32, #tpu.memory_space<vmem>>)
      tpu.yield
    }) : () -> ()
    %dma_start3A_196 = arith.constant 0 : i32
    %dma_start3A_197 = tpu.memref_slice %arg6[%multiple_of3A_191, %dma_start3A_196] : memref<20480x128xf32, #tpu.memory_space<hbm>> -> memref<80x128xf32, #tpu.memory_space<hbm>>
    %dma_start3A_198 = arith.constant 0 : i32
    %dma_start3A_199 = tpu.memref_slice %arg6[%multiple_of3A_191, %dma_start3A_198] : memref<20480x128xf32, #tpu.memory_space<hbm>> -> memref<80x128xf32, #tpu.memory_space<hbm>>
    tpu.enqueue_dma source(%arg13 : memref<80x128xf32, #tpu.memory_space<vmem>>) target(%dma_start3A_199 : memref<80x128xf32, #tpu.memory_space<hbm>>) target_semaphore(%arg20 : memref<!tpu.dma_semaphore, #tpu.memory_space<semaphore_mem>>)
    %mul3A_200 = arith.constant 10240 : i32
    %mul3A_201 = arith.muli %arg0, %mul3A_200 : i32
    %mul3A_202 = arith.constant 640 : i32
    %mul3A_203 = arith.muli %arg1, %mul3A_202 : i32
    %add3A_204 = arith.addi %mul3A_201, %mul3A_203 : i32
    %add3A_205 = arith.constant 160 : i32
    %add3A_206 = arith.addi %add3A_204, %add3A_205 : i32
    %multiple_of3A_207 = tpu.assume_multiple %add3A_206, 8 : i32
    %dma_wait3A_208 = arith.constant 0 : i32
    %dma_wait3A_209 = tpu.memref_slice %arg6[%multiple_of3A_207, %dma_wait3A_208] : memref<20480x128xf32, #tpu.memory_space<hbm>> -> memref<80x128xf32, #tpu.memory_space<hbm>>
    %dma_wait3A_210 = arith.constant 0 : i32
    %dma_wait3A_211 = tpu.memref_slice %arg6[%multiple_of3A_207, %dma_wait3A_210] : memref<20480x128xf32, #tpu.memory_space<hbm>> -> memref<80x128xf32, #tpu.memory_space<hbm>>
    tpu.wait_dma2 semaphore(%arg17 : memref<!tpu.dma_semaphore, #tpu.memory_space<semaphore_mem>>) src(%arg10 : memref<80x128xf32, #tpu.memory_space<vmem>>) dst(%dma_wait3A_211 : memref<80x128xf32, #tpu.memory_space<hbm>>)
    %mul3A_212 = arith.constant 640 : i32
    %mul3A_213 = arith.muli %arg1, %mul3A_212 : i32
    %add3A_214 = arith.constant 160 : i32
    %add3A_215 = arith.addi %mul3A_213, %add3A_214 : i32
    "tpu.region"() ({
      %run_scoped3A = tpu.sem_alloc : memref<!tpu.dma_semaphore, #tpu.memory_space<semaphore_mem>>
      %dma_start3A_340 = arith.constant 0 : i32
      %dma_start3A_341 = tpu.memref_slice %arg7[%add3A_215, %dma_start3A_340] : memref<10240x128xf32, #tpu.memory_space<vmem_shared>> -> memref<80x128xf32, #tpu.memory_space<vmem_shared>>
      %dma_start3A_342 = arith.constant 0 : i32
      %dma_start3A_343 = tpu.memref_slice %arg7[%add3A_215, %dma_start3A_342] : memref<10240x128xf32, #tpu.memory_space<vmem_shared>> -> memref<80x128xf32, #tpu.memory_space<vmem_shared>>
      tpu.enqueue_dma source(%dma_start3A_343 : memref<80x128xf32, #tpu.memory_space<vmem_shared>>) target(%arg10 : memref<80x128xf32, #tpu.memory_space<vmem>>) target_semaphore(%run_scoped3A : memref<!tpu.dma_semaphore, #tpu.memory_space<semaphore_mem>>)
      %dma_wait3A_344 = arith.constant 0 : i32
      %dma_wait3A_345 = tpu.memref_slice %arg7[%add3A_215, %dma_wait3A_344] : memref<10240x128xf32, #tpu.memory_space<vmem_shared>> -> memref<80x128xf32, #tpu.memory_space<vmem_shared>>
      %dma_wait3A_346 = arith.constant 0 : i32
      %dma_wait3A_347 = tpu.memref_slice %arg7[%add3A_215, %dma_wait3A_346] : memref<10240x128xf32, #tpu.memory_space<vmem_shared>> -> memref<80x128xf32, #tpu.memory_space<vmem_shared>>
      tpu.wait_dma2 semaphore(%run_scoped3A : memref<!tpu.dma_semaphore, #tpu.memory_space<semaphore_mem>>) src(%dma_wait3A_347 : memref<80x128xf32, #tpu.memory_space<vmem_shared>>) dst(%arg10 : memref<80x128xf32, #tpu.memory_space<vmem>>)
      tpu.yield
    }) : () -> ()
    %dma_start3A_216 = arith.constant 0 : i32
    %dma_start3A_217 = tpu.memref_slice %arg6[%multiple_of3A_207, %dma_start3A_216] : memref<20480x128xf32, #tpu.memory_space<hbm>> -> memref<80x128xf32, #tpu.memory_space<hbm>>
    %dma_start3A_218 = arith.constant 0 : i32
    %dma_start3A_219 = tpu.memref_slice %arg6[%multiple_of3A_207, %dma_start3A_218] : memref<20480x128xf32, #tpu.memory_space<hbm>> -> memref<80x128xf32, #tpu.memory_space<hbm>>
    tpu.enqueue_dma source(%arg10 : memref<80x128xf32, #tpu.memory_space<vmem>>) target(%dma_start3A_219 : memref<80x128xf32, #tpu.memory_space<hbm>>) target_semaphore(%arg17 : memref<!tpu.dma_semaphore, #tpu.memory_space<semaphore_mem>>)
    %mul3A_220 = arith.constant 10240 : i32
    %mul3A_221 = arith.muli %arg0, %mul3A_220 : i32
    %mul3A_222 = arith.constant 640 : i32
    %mul3A_223 = arith.muli %arg1, %mul3A_222 : i32
    %add3A_224 = arith.addi %mul3A_221, %mul3A_223 : i32
    %add3A_225 = arith.constant 240 : i32
    %add3A_226 = arith.addi %add3A_224, %add3A_225 : i32
    %multiple_of3A_227 = tpu.assume_multiple %add3A_226, 8 : i32
    %dma_wait3A_228 = arith.constant 0 : i32
    %dma_wait3A_229 = tpu.memref_slice %arg6[%multiple_of3A_227, %dma_wait3A_228] : memref<20480x128xf32, #tpu.memory_space<hbm>> -> memref<80x128xf32, #tpu.memory_space<hbm>>
    %dma_wait3A_230 = arith.constant 0 : i32
    %dma_wait3A_231 = tpu.memref_slice %arg6[%multiple_of3A_227, %dma_wait3A_230] : memref<20480x128xf32, #tpu.memory_space<hbm>> -> memref<80x128xf32, #tpu.memory_space<hbm>>
    tpu.wait_dma2 semaphore(%arg20 : memref<!tpu.dma_semaphore, #tpu.memory_space<semaphore_mem>>) src(%arg13 : memref<80x128xf32, #tpu.memory_space<vmem>>) dst(%dma_wait3A_231 : memref<80x128xf32, #tpu.memory_space<hbm>>)
    %mul3A_232 = arith.constant 640 : i32
    %mul3A_233 = arith.muli %arg1, %mul3A_232 : i32
    %add3A_234 = arith.constant 240 : i32
    %add3A_235 = arith.addi %mul3A_233, %add3A_234 : i32
    "tpu.region"() ({
      %run_scoped3A = tpu.sem_alloc : memref<!tpu.dma_semaphore, #tpu.memory_space<semaphore_mem>>
      %dma_start3A_340 = arith.constant 0 : i32
      %dma_start3A_341 = tpu.memref_slice %arg7[%add3A_235, %dma_start3A_340] : memref<10240x128xf32, #tpu.memory_space<vmem_shared>> -> memref<80x128xf32, #tpu.memory_space<vmem_shared>>
      %dma_start3A_342 = arith.constant 0 : i32
      %dma_start3A_343 = tpu.memref_slice %arg7[%add3A_235, %dma_start3A_342] : memref<10240x128xf32, #tpu.memory_space<vmem_shared>> -> memref<80x128xf32, #tpu.memory_space<vmem_shared>>
      tpu.enqueue_dma source(%dma_start3A_343 : memref<80x128xf32, #tpu.memory_space<vmem_shared>>) target(%arg13 : memref<80x128xf32, #tpu.memory_space<vmem>>) target_semaphore(%run_scoped3A : memref<!tpu.dma_semaphore, #tpu.memory_space<semaphore_mem>>)
      %dma_wait3A_344 = arith.constant 0 : i32
      %dma_wait3A_345 = tpu.memref_slice %arg7[%add3A_235, %dma_wait3A_344] : memref<10240x128xf32, #tpu.memory_space<vmem_shared>> -> memref<80x128xf32, #tpu.memory_space<vmem_shared>>
      %dma_wait3A_346 = arith.constant 0 : i32
      %dma_wait3A_347 = tpu.memref_slice %arg7[%add3A_235, %dma_wait3A_346] : memref<10240x128xf32, #tpu.memory_space<vmem_shared>> -> memref<80x128xf32, #tpu.memory_space<vmem_shared>>
      tpu.wait_dma2 semaphore(%run_scoped3A : memref<!tpu.dma_semaphore, #tpu.memory_space<semaphore_mem>>) src(%dma_wait3A_347 : memref<80x128xf32, #tpu.memory_space<vmem_shared>>) dst(%arg13 : memref<80x128xf32, #tpu.memory_space<vmem>>)
      tpu.yield
    }) : () -> ()
    %dma_start3A_236 = arith.constant 0 : i32
    %dma_start3A_237 = tpu.memref_slice %arg6[%multiple_of3A_227, %dma_start3A_236] : memref<20480x128xf32, #tpu.memory_space<hbm>> -> memref<80x128xf32, #tpu.memory_space<hbm>>
    %dma_start3A_238 = arith.constant 0 : i32
    %dma_start3A_239 = tpu.memref_slice %arg6[%multiple_of3A_227, %dma_start3A_238] : memref<20480x128xf32, #tpu.memory_space<hbm>> -> memref<80x128xf32, #tpu.memory_space<hbm>>
    tpu.enqueue_dma source(%arg13 : memref<80x128xf32, #tpu.memory_space<vmem>>) target(%dma_start3A_239 : memref<80x128xf32, #tpu.memory_space<hbm>>) target_semaphore(%arg20 : memref<!tpu.dma_semaphore, #tpu.memory_space<semaphore_mem>>)
    %mul3A_240 = arith.constant 10240 : i32
    %mul3A_241 = arith.muli %arg0, %mul3A_240 : i32
    %mul3A_242 = arith.constant 640 : i32
    %mul3A_243 = arith.muli %arg1, %mul3A_242 : i32
    %add3A_244 = arith.addi %mul3A_241, %mul3A_243 : i32
    %add3A_245 = arith.constant 320 : i32
    %add3A_246 = arith.addi %add3A_244, %add3A_245 : i32
    %multiple_of3A_247 = tpu.assume_multiple %add3A_246, 8 : i32
    %dma_wait3A_248 = arith.constant 0 : i32
    %dma_wait3A_249 = tpu.memref_slice %arg6[%multiple_of3A_247, %dma_wait3A_248] : memref<20480x128xf32, #tpu.memory_space<hbm>> -> memref<80x128xf32, #tpu.memory_space<hbm>>
    %dma_wait3A_250 = arith.constant 0 : i32
    %dma_wait3A_251 = tpu.memref_slice %arg6[%multiple_of3A_247, %dma_wait3A_250] : memref<20480x128xf32, #tpu.memory_space<hbm>> -> memref<80x128xf32, #tpu.memory_space<hbm>>
    tpu.wait_dma2 semaphore(%arg17 : memref<!tpu.dma_semaphore, #tpu.memory_space<semaphore_mem>>) src(%arg10 : memref<80x128xf32, #tpu.memory_space<vmem>>) dst(%dma_wait3A_251 : memref<80x128xf32, #tpu.memory_space<hbm>>)
    %mul3A_252 = arith.constant 640 : i32
    %mul3A_253 = arith.muli %arg1, %mul3A_252 : i32
    %add3A_254 = arith.constant 320 : i32
    %add3A_255 = arith.addi %mul3A_253, %add3A_254 : i32
    "tpu.region"() ({
      %run_scoped3A = tpu.sem_alloc : memref<!tpu.dma_semaphore, #tpu.memory_space<semaphore_mem>>
      %dma_start3A_340 = arith.constant 0 : i32
      %dma_start3A_341 = tpu.memref_slice %arg7[%add3A_255, %dma_start3A_340] : memref<10240x128xf32, #tpu.memory_space<vmem_shared>> -> memref<80x128xf32, #tpu.memory_space<vmem_shared>>
      %dma_start3A_342 = arith.constant 0 : i32
      %dma_start3A_343 = tpu.memref_slice %arg7[%add3A_255, %dma_start3A_342] : memref<10240x128xf32, #tpu.memory_space<vmem_shared>> -> memref<80x128xf32, #tpu.memory_space<vmem_shared>>
      tpu.enqueue_dma source(%dma_start3A_343 : memref<80x128xf32, #tpu.memory_space<vmem_shared>>) target(%arg10 : memref<80x128xf32, #tpu.memory_space<vmem>>) target_semaphore(%run_scoped3A : memref<!tpu.dma_semaphore, #tpu.memory_space<semaphore_mem>>)
      %dma_wait3A_344 = arith.constant 0 : i32
      %dma_wait3A_345 = tpu.memref_slice %arg7[%add3A_255, %dma_wait3A_344] : memref<10240x128xf32, #tpu.memory_space<vmem_shared>> -> memref<80x128xf32, #tpu.memory_space<vmem_shared>>
      %dma_wait3A_346 = arith.constant 0 : i32
      %dma_wait3A_347 = tpu.memref_slice %arg7[%add3A_255, %dma_wait3A_346] : memref<10240x128xf32, #tpu.memory_space<vmem_shared>> -> memref<80x128xf32, #tpu.memory_space<vmem_shared>>
      tpu.wait_dma2 semaphore(%run_scoped3A : memref<!tpu.dma_semaphore, #tpu.memory_space<semaphore_mem>>) src(%dma_wait3A_347 : memref<80x128xf32, #tpu.memory_space<vmem_shared>>) dst(%arg10 : memref<80x128xf32, #tpu.memory_space<vmem>>)
      tpu.yield
    }) : () -> ()
    %dma_start3A_256 = arith.constant 0 : i32
    %dma_start3A_257 = tpu.memref_slice %arg6[%multiple_of3A_247, %dma_start3A_256] : memref<20480x128xf32, #tpu.memory_space<hbm>> -> memref<80x128xf32, #tpu.memory_space<hbm>>
    %dma_start3A_258 = arith.constant 0 : i32
    %dma_start3A_259 = tpu.memref_slice %arg6[%multiple_of3A_247, %dma_start3A_258] : memref<20480x128xf32, #tpu.memory_space<hbm>> -> memref<80x128xf32, #tpu.memory_space<hbm>>
    tpu.enqueue_dma source(%arg10 : memref<80x128xf32, #tpu.memory_space<vmem>>) target(%dma_start3A_259 : memref<80x128xf32, #tpu.memory_space<hbm>>) target_semaphore(%arg17 : memref<!tpu.dma_semaphore, #tpu.memory_space<semaphore_mem>>)
    %mul3A_260 = arith.constant 10240 : i32
    %mul3A_261 = arith.muli %arg0, %mul3A_260 : i32
    %mul3A_262 = arith.constant 640 : i32
    %mul3A_263 = arith.muli %arg1, %mul3A_262 : i32
    %add3A_264 = arith.addi %mul3A_261, %mul3A_263 : i32
    %add3A_265 = arith.constant 400 : i32
    %add3A_266 = arith.addi %add3A_264, %add3A_265 : i32
    %multiple_of3A_267 = tpu.assume_multiple %add3A_266, 8 : i32
    %dma_wait3A_268 = arith.constant 0 : i32
    %dma_wait3A_269 = tpu.memref_slice %arg6[%multiple_of3A_267, %dma_wait3A_268] : memref<20480x128xf32, #tpu.memory_space<hbm>> -> memref<80x128xf32, #tpu.memory_space<hbm>>
    %dma_wait3A_270 = arith.constant 0 : i32
    %dma_wait3A_271 = tpu.memref_slice %arg6[%multiple_of3A_267, %dma_wait3A_270] : memref<20480x128xf32, #tpu.memory_space<hbm>> -> memref<80x128xf32, #tpu.memory_space<hbm>>
    tpu.wait_dma2 semaphore(%arg20 : memref<!tpu.dma_semaphore, #tpu.memory_space<semaphore_mem>>) src(%arg13 : memref<80x128xf32, #tpu.memory_space<vmem>>) dst(%dma_wait3A_271 : memref<80x128xf32, #tpu.memory_space<hbm>>)
    %mul3A_272 = arith.constant 640 : i32
    %mul3A_273 = arith.muli %arg1, %mul3A_272 : i32
    %add3A_274 = arith.constant 400 : i32
    %add3A_275 = arith.addi %mul3A_273, %add3A_274 : i32
    "tpu.region"() ({
      %run_scoped3A = tpu.sem_alloc : memref<!tpu.dma_semaphore, #tpu.memory_space<semaphore_mem>>
      %dma_start3A_340 = arith.constant 0 : i32
      %dma_start3A_341 = tpu.memref_slice %arg7[%add3A_275, %dma_start3A_340] : memref<10240x128xf32, #tpu.memory_space<vmem_shared>> -> memref<80x128xf32, #tpu.memory_space<vmem_shared>>
      %dma_start3A_342 = arith.constant 0 : i32
      %dma_start3A_343 = tpu.memref_slice %arg7[%add3A_275, %dma_start3A_342] : memref<10240x128xf32, #tpu.memory_space<vmem_shared>> -> memref<80x128xf32, #tpu.memory_space<vmem_shared>>
      tpu.enqueue_dma source(%dma_start3A_343 : memref<80x128xf32, #tpu.memory_space<vmem_shared>>) target(%arg13 : memref<80x128xf32, #tpu.memory_space<vmem>>) target_semaphore(%run_scoped3A : memref<!tpu.dma_semaphore, #tpu.memory_space<semaphore_mem>>)
      %dma_wait3A_344 = arith.constant 0 : i32
      %dma_wait3A_345 = tpu.memref_slice %arg7[%add3A_275, %dma_wait3A_344] : memref<10240x128xf32, #tpu.memory_space<vmem_shared>> -> memref<80x128xf32, #tpu.memory_space<vmem_shared>>
      %dma_wait3A_346 = arith.constant 0 : i32
      %dma_wait3A_347 = tpu.memref_slice %arg7[%add3A_275, %dma_wait3A_346] : memref<10240x128xf32, #tpu.memory_space<vmem_shared>> -> memref<80x128xf32, #tpu.memory_space<vmem_shared>>
      tpu.wait_dma2 semaphore(%run_scoped3A : memref<!tpu.dma_semaphore, #tpu.memory_space<semaphore_mem>>) src(%dma_wait3A_347 : memref<80x128xf32, #tpu.memory_space<vmem_shared>>) dst(%arg13 : memref<80x128xf32, #tpu.memory_space<vmem>>)
      tpu.yield
    }) : () -> ()
    %dma_start3A_276 = arith.constant 0 : i32
    %dma_start3A_277 = tpu.memref_slice %arg6[%multiple_of3A_267, %dma_start3A_276] : memref<20480x128xf32, #tpu.memory_space<hbm>> -> memref<80x128xf32, #tpu.memory_space<hbm>>
    %dma_start3A_278 = arith.constant 0 : i32
    %dma_start3A_279 = tpu.memref_slice %arg6[%multiple_of3A_267, %dma_start3A_278] : memref<20480x128xf32, #tpu.memory_space<hbm>> -> memref<80x128xf32, #tpu.memory_space<hbm>>
    tpu.enqueue_dma source(%arg13 : memref<80x128xf32, #tpu.memory_space<vmem>>) target(%dma_start3A_279 : memref<80x128xf32, #tpu.memory_space<hbm>>) target_semaphore(%arg20 : memref<!tpu.dma_semaphore, #tpu.memory_space<semaphore_mem>>)
    %mul3A_280 = arith.constant 10240 : i32
    %mul3A_281 = arith.muli %arg0, %mul3A_280 : i32
    %mul3A_282 = arith.constant 640 : i32
    %mul3A_283 = arith.muli %arg1, %mul3A_282 : i32
    %add3A_284 = arith.addi %mul3A_281, %mul3A_283 : i32
    %add3A_285 = arith.constant 480 : i32
    %add3A_286 = arith.addi %add3A_284, %add3A_285 : i32
    %multiple_of3A_287 = tpu.assume_multiple %add3A_286, 8 : i32
    %dma_wait3A_288 = arith.constant 0 : i32
    %dma_wait3A_289 = tpu.memref_slice %arg6[%multiple_of3A_287, %dma_wait3A_288] : memref<20480x128xf32, #tpu.memory_space<hbm>> -> memref<80x128xf32, #tpu.memory_space<hbm>>
    %dma_wait3A_290 = arith.constant 0 : i32
    %dma_wait3A_291 = tpu.memref_slice %arg6[%multiple_of3A_287, %dma_wait3A_290] : memref<20480x128xf32, #tpu.memory_space<hbm>> -> memref<80x128xf32, #tpu.memory_space<hbm>>
    tpu.wait_dma2 semaphore(%arg17 : memref<!tpu.dma_semaphore, #tpu.memory_space<semaphore_mem>>) src(%arg10 : memref<80x128xf32, #tpu.memory_space<vmem>>) dst(%dma_wait3A_291 : memref<80x128xf32, #tpu.memory_space<hbm>>)
    %mul3A_292 = arith.constant 640 : i32
    %mul3A_293 = arith.muli %arg1, %mul3A_292 : i32
    %add3A_294 = arith.constant 480 : i32
    %add3A_295 = arith.addi %mul3A_293, %add3A_294 : i32
    "tpu.region"() ({
      %run_scoped3A = tpu.sem_alloc : memref<!tpu.dma_semaphore, #tpu.memory_space<semaphore_mem>>
      %dma_start3A_340 = arith.constant 0 : i32
      %dma_start3A_341 = tpu.memref_slice %arg7[%add3A_295, %dma_start3A_340] : memref<10240x128xf32, #tpu.memory_space<vmem_shared>> -> memref<80x128xf32, #tpu.memory_space<vmem_shared>>
      %dma_start3A_342 = arith.constant 0 : i32
      %dma_start3A_343 = tpu.memref_slice %arg7[%add3A_295, %dma_start3A_342] : memref<10240x128xf32, #tpu.memory_space<vmem_shared>> -> memref<80x128xf32, #tpu.memory_space<vmem_shared>>
      tpu.enqueue_dma source(%dma_start3A_343 : memref<80x128xf32, #tpu.memory_space<vmem_shared>>) target(%arg10 : memref<80x128xf32, #tpu.memory_space<vmem>>) target_semaphore(%run_scoped3A : memref<!tpu.dma_semaphore, #tpu.memory_space<semaphore_mem>>)
      %dma_wait3A_344 = arith.constant 0 : i32
      %dma_wait3A_345 = tpu.memref_slice %arg7[%add3A_295, %dma_wait3A_344] : memref<10240x128xf32, #tpu.memory_space<vmem_shared>> -> memref<80x128xf32, #tpu.memory_space<vmem_shared>>
      %dma_wait3A_346 = arith.constant 0 : i32
      %dma_wait3A_347 = tpu.memref_slice %arg7[%add3A_295, %dma_wait3A_346] : memref<10240x128xf32, #tpu.memory_space<vmem_shared>> -> memref<80x128xf32, #tpu.memory_space<vmem_shared>>
      tpu.wait_dma2 semaphore(%run_scoped3A : memref<!tpu.dma_semaphore, #tpu.memory_space<semaphore_mem>>) src(%dma_wait3A_347 : memref<80x128xf32, #tpu.memory_space<vmem_shared>>) dst(%arg10 : memref<80x128xf32, #tpu.memory_space<vmem>>)
      tpu.yield
    }) : () -> ()
    %dma_start3A_296 = arith.constant 0 : i32
    %dma_start3A_297 = tpu.memref_slice %arg6[%multiple_of3A_287, %dma_start3A_296] : memref<20480x128xf32, #tpu.memory_space<hbm>> -> memref<80x128xf32, #tpu.memory_space<hbm>>
    %dma_start3A_298 = arith.constant 0 : i32
    %dma_start3A_299 = tpu.memref_slice %arg6[%multiple_of3A_287, %dma_start3A_298] : memref<20480x128xf32, #tpu.memory_space<hbm>> -> memref<80x128xf32, #tpu.memory_space<hbm>>
    tpu.enqueue_dma source(%arg10 : memref<80x128xf32, #tpu.memory_space<vmem>>) target(%dma_start3A_299 : memref<80x128xf32, #tpu.memory_space<hbm>>) target_semaphore(%arg17 : memref<!tpu.dma_semaphore, #tpu.memory_space<semaphore_mem>>)
    %mul3A_300 = arith.constant 10240 : i32
    %mul3A_301 = arith.muli %arg0, %mul3A_300 : i32
    %mul3A_302 = arith.constant 640 : i32
    %mul3A_303 = arith.muli %arg1, %mul3A_302 : i32
    %add3A_304 = arith.addi %mul3A_301, %mul3A_303 : i32
    %add3A_305 = arith.constant 560 : i32
    %add3A_306 = arith.addi %add3A_304, %add3A_305 : i32
    %multiple_of3A_307 = tpu.assume_multiple %add3A_306, 8 : i32
    %dma_wait3A_308 = arith.constant 0 : i32
    %dma_wait3A_309 = tpu.memref_slice %arg6[%multiple_of3A_307, %dma_wait3A_308] : memref<20480x128xf32, #tpu.memory_space<hbm>> -> memref<80x128xf32, #tpu.memory_space<hbm>>
    %dma_wait3A_310 = arith.constant 0 : i32
    %dma_wait3A_311 = tpu.memref_slice %arg6[%multiple_of3A_307, %dma_wait3A_310] : memref<20480x128xf32, #tpu.memory_space<hbm>> -> memref<80x128xf32, #tpu.memory_space<hbm>>
    tpu.wait_dma2 semaphore(%arg20 : memref<!tpu.dma_semaphore, #tpu.memory_space<semaphore_mem>>) src(%arg13 : memref<80x128xf32, #tpu.memory_space<vmem>>) dst(%dma_wait3A_311 : memref<80x128xf32, #tpu.memory_space<hbm>>)
    %mul3A_312 = arith.constant 640 : i32
    %mul3A_313 = arith.muli %arg1, %mul3A_312 : i32
    %add3A_314 = arith.constant 560 : i32
    %add3A_315 = arith.addi %mul3A_313, %add3A_314 : i32
    "tpu.region"() ({
      %run_scoped3A = tpu.sem_alloc : memref<!tpu.dma_semaphore, #tpu.memory_space<semaphore_mem>>
      %dma_start3A_340 = arith.constant 0 : i32
      %dma_start3A_341 = tpu.memref_slice %arg7[%add3A_315, %dma_start3A_340] : memref<10240x128xf32, #tpu.memory_space<vmem_shared>> -> memref<80x128xf32, #tpu.memory_space<vmem_shared>>
      %dma_start3A_342 = arith.constant 0 : i32
      %dma_start3A_343 = tpu.memref_slice %arg7[%add3A_315, %dma_start3A_342] : memref<10240x128xf32, #tpu.memory_space<vmem_shared>> -> memref<80x128xf32, #tpu.memory_space<vmem_shared>>
      tpu.enqueue_dma source(%dma_start3A_343 : memref<80x128xf32, #tpu.memory_space<vmem_shared>>) target(%arg13 : memref<80x128xf32, #tpu.memory_space<vmem>>) target_semaphore(%run_scoped3A : memref<!tpu.dma_semaphore, #tpu.memory_space<semaphore_mem>>)
      %dma_wait3A_344 = arith.constant 0 : i32
      %dma_wait3A_345 = tpu.memref_slice %arg7[%add3A_315, %dma_wait3A_344] : memref<10240x128xf32, #tpu.memory_space<vmem_shared>> -> memref<80x128xf32, #tpu.memory_space<vmem_shared>>
      %dma_wait3A_346 = arith.constant 0 : i32
      %dma_wait3A_347 = tpu.memref_slice %arg7[%add3A_315, %dma_wait3A_346] : memref<10240x128xf32, #tpu.memory_space<vmem_shared>> -> memref<80x128xf32, #tpu.memory_space<vmem_shared>>
      tpu.wait_dma2 semaphore(%run_scoped3A : memref<!tpu.dma_semaphore, #tpu.memory_space<semaphore_mem>>) src(%dma_wait3A_347 : memref<80x128xf32, #tpu.memory_space<vmem_shared>>) dst(%arg13 : memref<80x128xf32, #tpu.memory_space<vmem>>)
      tpu.yield
    }) : () -> ()
    %dma_start3A_316 = arith.constant 0 : i32
    %dma_start3A_317 = tpu.memref_slice %arg6[%multiple_of3A_307, %dma_start3A_316] : memref<20480x128xf32, #tpu.memory_space<hbm>> -> memref<80x128xf32, #tpu.memory_space<hbm>>
    %dma_start3A_318 = arith.constant 0 : i32
    %dma_start3A_319 = tpu.memref_slice %arg6[%multiple_of3A_307, %dma_start3A_318] : memref<20480x128xf32, #tpu.memory_space<hbm>> -> memref<80x128xf32, #tpu.memory_space<hbm>>
    tpu.enqueue_dma source(%arg13 : memref<80x128xf32, #tpu.memory_space<vmem>>) target(%dma_start3A_319 : memref<80x128xf32, #tpu.memory_space<hbm>>) target_semaphore(%arg20 : memref<!tpu.dma_semaphore, #tpu.memory_space<semaphore_mem>>)
    %mul3A_320 = arith.constant 10240 : i32
    %mul3A_321 = arith.muli %arg0, %mul3A_320 : i32
    %mul3A_322 = arith.constant 640 : i32
    %mul3A_323 = arith.muli %arg1, %mul3A_322 : i32
    %add3A_324 = arith.addi %mul3A_321, %mul3A_323 : i32
    %multiple_of3A_325 = tpu.assume_multiple %add3A_324, 8 : i32
    %dma_wait3A_326 = arith.constant 0 : i32
    %dma_wait3A_327 = tpu.memref_slice %arg6[%multiple_of3A_325, %dma_wait3A_326] : memref<20480x128xf32, #tpu.memory_space<hbm>> -> memref<80x128xf32, #tpu.memory_space<hbm>>
    %dma_wait3A_328 = arith.constant 0 : i32
    %dma_wait3A_329 = tpu.memref_slice %arg6[%multiple_of3A_325, %dma_wait3A_328] : memref<20480x128xf32, #tpu.memory_space<hbm>> -> memref<80x128xf32, #tpu.memory_space<hbm>>
    tpu.wait_dma2 semaphore(%arg17 : memref<!tpu.dma_semaphore, #tpu.memory_space<semaphore_mem>>) src(%arg10 : memref<80x128xf32, #tpu.memory_space<vmem>>) dst(%dma_wait3A_329 : memref<80x128xf32, #tpu.memory_space<hbm>>)
    %mul3A_330 = arith.constant 10240 : i32
    %mul3A_331 = arith.muli %arg0, %mul3A_330 : i32
    %mul3A_332 = arith.constant 640 : i32
    %mul3A_333 = arith.muli %arg1, %mul3A_332 : i32
    %add3A_334 = arith.addi %mul3A_331, %mul3A_333 : i32
    %multiple_of3A_335 = tpu.assume_multiple %add3A_334, 8 : i32
    %dma_wait3A_336 = arith.constant 0 : i32
    %dma_wait3A_337 = tpu.memref_slice %arg6[%multiple_of3A_335, %dma_wait3A_336] : memref<20480x128xf32, #tpu.memory_space<hbm>> -> memref<80x128xf32, #tpu.memory_space<hbm>>
    %dma_wait3A_338 = arith.constant 0 : i32
    %dma_wait3A_339 = tpu.memref_slice %arg6[%multiple_of3A_335, %dma_wait3A_338] : memref<20480x128xf32, #tpu.memory_space<hbm>> -> memref<80x128xf32, #tpu.memory_space<hbm>>
    tpu.wait_dma2 semaphore(%arg20 : memref<!tpu.dma_semaphore, #tpu.memory_space<semaphore_mem>>) src(%arg13 : memref<80x128xf32, #tpu.memory_space<vmem>>) dst(%dma_wait3A_339 : memref<80x128xf32, #tpu.memory_space<hbm>>)
    return
  }
}

#map = affine_map<(d0, d1) -> (0, 0)>
#map1 = affine_map<(d0, d1) -> (0)>
module attributes {stable_mosaic.version = 14 : i64} {
  func.func @body(%arg0: i32, %arg1: i32, %arg2: memref<10000x128xf32, #tpu.memory_space<hbm>>, %arg3: memref<320000xi32, #tpu.memory_space<hbm>>, %arg4: memref<320000xi32, #tpu.memory_space<hbm>>, %arg5: memref<80x128xf32, #tpu.memory_space<hbm>>, %arg6: memref<20480x128xf32, #tpu.memory_space<hbm>>, %arg7: memref<10240x128xf32, #tpu.memory_space<vmem_shared>>, %arg8: memref<80xi32, #tpu.memory_space<vmem>>, %arg9: memref<80xi32, #tpu.memory_space<vmem>>, %arg10: memref<80x128xf32, #tpu.memory_space<vmem>>, %arg11: memref<80xi32, #tpu.memory_space<vmem>>, %arg12: memref<80xi32, #tpu.memory_space<vmem>>, %arg13: memref<80x128xf32, #tpu.memory_space<vmem>>, %arg14: memref<80xi32, #tpu.memory_space<vmem>>, %arg15: memref<80xi32, #tpu.memory_space<vmem>>, %arg16: memref<80x128xf32, #tpu.memory_space<vmem>>, %arg17: memref<!tpu.dma_semaphore, #tpu.memory_space<semaphore_mem>>, %arg18: memref<!tpu.dma_semaphore, #tpu.memory_space<semaphore_mem>>, %arg19: memref<!tpu.dma_semaphore, #tpu.memory_space<semaphore_mem>>, %arg20: memref<!tpu.dma_semaphore, #tpu.memory_space<semaphore_mem>>, %arg21: memref<!tpu.dma_semaphore, #tpu.memory_space<semaphore_mem>>, %arg22: memref<!tpu.dma_semaphore, #tpu.memory_space<semaphore_mem>>, %arg23: memref<!tpu.dma_semaphore, #tpu.memory_space<semaphore_mem>>, %arg24: memref<!tpu.dma_semaphore, #tpu.memory_space<semaphore_mem>>, %arg25: memref<!tpu.dma_semaphore, #tpu.memory_space<semaphore_mem>>, %arg26: memref<!tpu.dma_semaphore, #tpu.memory_space<semaphore_mem>>) attributes {dimension_semantics = [#tpu.dimension_semantics<core_parallel>, #tpu.dimension_semantics<subcore_parallel>], iteration_bounds = array<i64: 2, 16>, scalar_prefetch = 0 : i64, scratch_operands = 20 : i64, tpu.core_type = #tpu.core_type<sc_vector_subcore>, window_params = [{transform_indices = #map}, {transform_indices = #map1}, {transform_indices = #map1}, {transform_indices = #map}, {transform_indices = #map}]} {
    %mul3A = arith.constant 2 : i32
    %mul3A_0 = arith.muli %arg1, %mul3A : i32
    %add3A = arith.addi %mul3A_0, %arg0 : i32
    %mul3A_1 = arith.constant 10000 : i32
    %mul3A_2 = arith.muli %add3A, %mul3A_1 : i32
    %add3A_3 = arith.constant 0 : i32
    %add3A_4 = arith.addi %mul3A_2, %add3A_3 : i32
    %multiple_of3A = tpu.assume_multiple %add3A_4, 8 : i32
    %dma_start3A = tpu.memref_slice %arg3[%multiple_of3A] : memref<320000xi32, #tpu.memory_space<hbm>> -> memref<80xi32, #tpu.memory_space<hbm>>
    %dma_start3A_5 = tpu.memref_slice %arg3[%multiple_of3A] : memref<320000xi32, #tpu.memory_space<hbm>> -> memref<80xi32, #tpu.memory_space<hbm>>
    tpu.enqueue_dma source(%dma_start3A_5 : memref<80xi32, #tpu.memory_space<hbm>>) target(%arg8 : memref<80xi32, #tpu.memory_space<vmem>>) target_semaphore(%arg17 : memref<!tpu.dma_semaphore, #tpu.memory_space<semaphore_mem>>)
    %dma_start3A_6 = tpu.memref_slice %arg4[%multiple_of3A] : memref<320000xi32, #tpu.memory_space<hbm>> -> memref<80xi32, #tpu.memory_space<hbm>>
    %dma_start3A_7 = tpu.memref_slice %arg4[%multiple_of3A] : memref<320000xi32, #tpu.memory_space<hbm>> -> memref<80xi32, #tpu.memory_space<hbm>>
    tpu.enqueue_dma source(%dma_start3A_7 : memref<80xi32, #tpu.memory_space<hbm>>) target(%arg9 : memref<80xi32, #tpu.memory_space<vmem>>) target_semaphore(%arg17 : memref<!tpu.dma_semaphore, #tpu.memory_space<semaphore_mem>>)
    %add3A_8 = arith.constant 80 : i32
    %add3A_9 = arith.addi %mul3A_2, %add3A_8 : i32
    %multiple_of3A_10 = tpu.assume_multiple %add3A_9, 8 : i32
    %dma_start3A_11 = tpu.memref_slice %arg3[%multiple_of3A_10] : memref<320000xi32, #tpu.memory_space<hbm>> -> memref<80xi32, #tpu.memory_space<hbm>>
    %dma_start3A_12 = tpu.memref_slice %arg3[%multiple_of3A_10] : memref<320000xi32, #tpu.memory_space<hbm>> -> memref<80xi32, #tpu.memory_space<hbm>>
    tpu.enqueue_dma source(%dma_start3A_12 : memref<80xi32, #tpu.memory_space<hbm>>) target(%arg11 : memref<80xi32, #tpu.memory_space<vmem>>) target_semaphore(%arg20 : memref<!tpu.dma_semaphore, #tpu.memory_space<semaphore_mem>>)
    %dma_start3A_13 = tpu.memref_slice %arg4[%multiple_of3A_10] : memref<320000xi32, #tpu.memory_space<hbm>> -> memref<80xi32, #tpu.memory_space<hbm>>
    %dma_start3A_14 = tpu.memref_slice %arg4[%multiple_of3A_10] : memref<320000xi32, #tpu.memory_space<hbm>> -> memref<80xi32, #tpu.memory_space<hbm>>
    tpu.enqueue_dma source(%dma_start3A_14 : memref<80xi32, #tpu.memory_space<hbm>>) target(%arg12 : memref<80xi32, #tpu.memory_space<vmem>>) target_semaphore(%arg20 : memref<!tpu.dma_semaphore, #tpu.memory_space<semaphore_mem>>)
    "tpu.region"() ({
      %run_scoped3A = tpu.sem_alloc : memref<!tpu.dma_semaphore, #tpu.memory_space<semaphore_mem>>
      tpu.enqueue_dma source(%arg5 : memref<80x128xf32, #tpu.memory_space<hbm>>) target(%arg16 : memref<80x128xf32, #tpu.memory_space<vmem>>) target_semaphore(%run_scoped3A : memref<!tpu.dma_semaphore, #tpu.memory_space<semaphore_mem>>)
      tpu.wait_dma2 semaphore(%run_scoped3A : memref<!tpu.dma_semaphore, #tpu.memory_space<semaphore_mem>>) src(%arg5 : memref<80x128xf32, #tpu.memory_space<hbm>>) dst(%arg16 : memref<80x128xf32, #tpu.memory_space<vmem>>)
      tpu.yield
    }) : () -> ()
    %mul3A_15 = arith.constant 640 : i32
    %mul3A_16 = arith.muli %arg1, %mul3A_15 : i32
    %add3A_17 = arith.constant 0 : i32
    %add3A_18 = arith.addi %mul3A_16, %add3A_17 : i32
    %dma_start3A_19 = arith.constant 0 : i32
    %dma_start3A_20 = tpu.memref_slice %arg7[%add3A_18, %dma_start3A_19] : memref<10240x128xf32, #tpu.memory_space<vmem_shared>> -> memref<80x128xf32, #tpu.memory_space<vmem_shared>>
    %dma_start3A_21 = arith.constant 0 : i32
    %dma_start3A_22 = tpu.memref_slice %arg7[%add3A_18, %dma_start3A_21] : memref<10240x128xf32, #tpu.memory_space<vmem_shared>> -> memref<80x128xf32, #tpu.memory_space<vmem_shared>>
    tpu.enqueue_dma source(%arg16 : memref<80x128xf32, #tpu.memory_space<vmem>>) target(%dma_start3A_22 : memref<80x128xf32, #tpu.memory_space<vmem_shared>>) target_semaphore(%arg26 : memref<!tpu.dma_semaphore, #tpu.memory_space<semaphore_mem>>)
    %mul3A_23 = arith.constant 640 : i32
    %mul3A_24 = arith.muli %arg1, %mul3A_23 : i32
    %add3A_25 = arith.constant 80 : i32
    %add3A_26 = arith.addi %mul3A_24, %add3A_25 : i32
    %dma_start3A_27 = arith.constant 0 : i32
    %dma_start3A_28 = tpu.memref_slice %arg7[%add3A_26, %dma_start3A_27] : memref<10240x128xf32, #tpu.memory_space<vmem_shared>> -> memref<80x128xf32, #tpu.memory_space<vmem_shared>>
    %dma_start3A_29 = arith.constant 0 : i32
    %dma_start3A_30 = tpu.memref_slice %arg7[%add3A_26, %dma_start3A_29] : memref<10240x128xf32, #tpu.memory_space<vmem_shared>> -> memref<80x128xf32, #tpu.memory_space<vmem_shared>>
    tpu.enqueue_dma source(%arg16 : memref<80x128xf32, #tpu.memory_space<vmem>>) target(%dma_start3A_30 : memref<80x128xf32, #tpu.memory_space<vmem_shared>>) target_semaphore(%arg26 : memref<!tpu.dma_semaphore, #tpu.memory_space<semaphore_mem>>)
    %mul3A_31 = arith.constant 640 : i32
    %mul3A_32 = arith.muli %arg1, %mul3A_31 : i32
    %add3A_33 = arith.constant 160 : i32
    %add3A_34 = arith.addi %mul3A_32, %add3A_33 : i32
    %dma_start3A_35 = arith.constant 0 : i32
    %dma_start3A_36 = tpu.memref_slice %arg7[%add3A_34, %dma_start3A_35] : memref<10240x128xf32, #tpu.memory_space<vmem_shared>> -> memref<80x128xf32, #tpu.memory_space<vmem_shared>>
    %dma_start3A_37 = arith.constant 0 : i32
    %dma_start3A_38 = tpu.memref_slice %arg7[%add3A_34, %dma_start3A_37] : memref<10240x128xf32, #tpu.memory_space<vmem_shared>> -> memref<80x128xf32, #tpu.memory_space<vmem_shared>>
    tpu.enqueue_dma source(%arg16 : memref<80x128xf32, #tpu.memory_space<vmem>>) target(%dma_start3A_38 : memref<80x128xf32, #tpu.memory_space<vmem_shared>>) target_semaphore(%arg26 : memref<!tpu.dma_semaphore, #tpu.memory_space<semaphore_mem>>)
    %mul3A_39 = arith.constant 640 : i32
    %mul3A_40 = arith.muli %arg1, %mul3A_39 : i32
    %add3A_41 = arith.constant 240 : i32
    %add3A_42 = arith.addi %mul3A_40, %add3A_41 : i32
    %dma_start3A_43 = arith.constant 0 : i32
    %dma_start3A_44 = tpu.memref_slice %arg7[%add3A_42, %dma_start3A_43] : memref<10240x128xf32, #tpu.memory_space<vmem_shared>> -> memref<80x128xf32, #tpu.memory_space<vmem_shared>>
    %dma_start3A_45 = arith.constant 0 : i32
    %dma_start3A_46 = tpu.memref_slice %arg7[%add3A_42, %dma_start3A_45] : memref<10240x128xf32, #tpu.memory_space<vmem_shared>> -> memref<80x128xf32, #tpu.memory_space<vmem_shared>>
    tpu.enqueue_dma source(%arg16 : memref<80x128xf32, #tpu.memory_space<vmem>>) target(%dma_start3A_46 : memref<80x128xf32, #tpu.memory_space<vmem_shared>>) target_semaphore(%arg26 : memref<!tpu.dma_semaphore, #tpu.memory_space<semaphore_mem>>)
    %mul3A_47 = arith.constant 640 : i32
    %mul3A_48 = arith.muli %arg1, %mul3A_47 : i32
    %add3A_49 = arith.constant 320 : i32
    %add3A_50 = arith.addi %mul3A_48, %add3A_49 : i32
    %dma_start3A_51 = arith.constant 0 : i32
    %dma_start3A_52 = tpu.memref_slice %arg7[%add3A_50, %dma_start3A_51] : memref<10240x128xf32, #tpu.memory_space<vmem_shared>> -> memref<80x128xf32, #tpu.memory_space<vmem_shared>>
    %dma_start3A_53 = arith.constant 0 : i32
    %dma_start3A_54 = tpu.memref_slice %arg7[%add3A_50, %dma_start3A_53] : memref<10240x128xf32, #tpu.memory_space<vmem_shared>> -> memref<80x128xf32, #tpu.memory_space<vmem_shared>>
    tpu.enqueue_dma source(%arg16 : memref<80x128xf32, #tpu.memory_space<vmem>>) target(%dma_start3A_54 : memref<80x128xf32, #tpu.memory_space<vmem_shared>>) target_semaphore(%arg26 : memref<!tpu.dma_semaphore, #tpu.memory_space<semaphore_mem>>)
    %mul3A_55 = arith.constant 640 : i32
    %mul3A_56 = arith.muli %arg1, %mul3A_55 : i32
    %add3A_57 = arith.constant 400 : i32
    %add3A_58 = arith.addi %mul3A_56, %add3A_57 : i32
    %dma_start3A_59 = arith.constant 0 : i32
    %dma_start3A_60 = tpu.memref_slice %arg7[%add3A_58, %dma_start3A_59] : memref<10240x128xf32, #tpu.memory_space<vmem_shared>> -> memref<80x128xf32, #tpu.memory_space<vmem_shared>>
    %dma_start3A_61 = arith.constant 0 : i32
    %dma_start3A_62 = tpu.memref_slice %arg7[%add3A_58, %dma_start3A_61] : memref<10240x128xf32, #tpu.memory_space<vmem_shared>> -> memref<80x128xf32, #tpu.memory_space<vmem_shared>>
    tpu.enqueue_dma source(%arg16 : memref<80x128xf32, #tpu.memory_space<vmem>>) target(%dma_start3A_62 : memref<80x128xf32, #tpu.memory_space<vmem_shared>>) target_semaphore(%arg26 : memref<!tpu.dma_semaphore, #tpu.memory_space<semaphore_mem>>)
    %mul3A_63 = arith.constant 640 : i32
    %mul3A_64 = arith.muli %arg1, %mul3A_63 : i32
    %add3A_65 = arith.constant 480 : i32
    %add3A_66 = arith.addi %mul3A_64, %add3A_65 : i32
    %dma_start3A_67 = arith.constant 0 : i32
    %dma_start3A_68 = tpu.memref_slice %arg7[%add3A_66, %dma_start3A_67] : memref<10240x128xf32, #tpu.memory_space<vmem_shared>> -> memref<80x128xf32, #tpu.memory_space<vmem_shared>>
    %dma_start3A_69 = arith.constant 0 : i32
    %dma_start3A_70 = tpu.memref_slice %arg7[%add3A_66, %dma_start3A_69] : memref<10240x128xf32, #tpu.memory_space<vmem_shared>> -> memref<80x128xf32, #tpu.memory_space<vmem_shared>>
    tpu.enqueue_dma source(%arg16 : memref<80x128xf32, #tpu.memory_space<vmem>>) target(%dma_start3A_70 : memref<80x128xf32, #tpu.memory_space<vmem_shared>>) target_semaphore(%arg26 : memref<!tpu.dma_semaphore, #tpu.memory_space<semaphore_mem>>)
    %mul3A_71 = arith.constant 640 : i32
    %mul3A_72 = arith.muli %arg1, %mul3A_71 : i32
    %add3A_73 = arith.constant 560 : i32
    %add3A_74 = arith.addi %mul3A_72, %add3A_73 : i32
    %dma_start3A_75 = arith.constant 0 : i32
    %dma_start3A_76 = tpu.memref_slice %arg7[%add3A_74, %dma_start3A_75] : memref<10240x128xf32, #tpu.memory_space<vmem_shared>> -> memref<80x128xf32, #tpu.memory_space<vmem_shared>>
    %dma_start3A_77 = arith.constant 0 : i32
    %dma_start3A_78 = tpu.memref_slice %arg7[%add3A_74, %dma_start3A_77] : memref<10240x128xf32, #tpu.memory_space<vmem_shared>> -> memref<80x128xf32, #tpu.memory_space<vmem_shared>>
    tpu.enqueue_dma source(%arg16 : memref<80x128xf32, #tpu.memory_space<vmem>>) target(%dma_start3A_78 : memref<80x128xf32, #tpu.memory_space<vmem_shared>>) target_semaphore(%arg26 : memref<!tpu.dma_semaphore, #tpu.memory_space<semaphore_mem>>)
    %add3A_79 = arith.constant 0 : i32
    %add3A_80 = arith.addi %mul3A_2, %add3A_79 : i32
    %multiple_of3A_81 = tpu.assume_multiple %add3A_80, 8 : i32
    %dma_wait3A = tpu.memref_slice %arg3[%multiple_of3A_81] : memref<320000xi32, #tpu.memory_space<hbm>> -> memref<80xi32, #tpu.memory_space<hbm>>
    %dma_wait3A_82 = tpu.memref_slice %arg3[%multiple_of3A_81] : memref<320000xi32, #tpu.memory_space<hbm>> -> memref<80xi32, #tpu.memory_space<hbm>>
    tpu.wait_dma2 semaphore(%arg17 : memref<!tpu.dma_semaphore, #tpu.memory_space<semaphore_mem>>) src(%dma_wait3A_82 : memref<80xi32, #tpu.memory_space<hbm>>) dst(%arg8 : memref<80xi32, #tpu.memory_space<vmem>>)
    %dma_wait3A_83 = tpu.memref_slice %arg4[%multiple_of3A_81] : memref<320000xi32, #tpu.memory_space<hbm>> -> memref<80xi32, #tpu.memory_space<hbm>>
    %dma_wait3A_84 = tpu.memref_slice %arg4[%multiple_of3A_81] : memref<320000xi32, #tpu.memory_space<hbm>> -> memref<80xi32, #tpu.memory_space<hbm>>
    tpu.wait_dma2 semaphore(%arg17 : memref<!tpu.dma_semaphore, #tpu.memory_space<semaphore_mem>>) src(%dma_wait3A_84 : memref<80xi32, #tpu.memory_space<hbm>>) dst(%arg9 : memref<80xi32, #tpu.memory_space<vmem>>)
    %dma_start3A_85 = arith.constant 0 : i32
    %dma_start3A_86 = arith.constant 0 : i32
    %dma_start3A_87 = tpu.memref_slice %arg2[%dma_start3A_85, %dma_start3A_86] : memref<10000x128xf32, #tpu.memory_space<hbm>> -> memref<10000x128xf32, #tpu.memory_space<hbm>>
    tpu.enqueue_indirect_dma source(%dma_start3A_87 : memref<10000x128xf32, #tpu.memory_space<hbm>>) target(%arg10 : memref<80x128xf32, #tpu.memory_space<vmem>>) offsets(%arg8 : memref<80xi32, #tpu.memory_space<vmem>>) semaphore(%arg18 : memref<!tpu.dma_semaphore, #tpu.memory_space<semaphore_mem>>)
    %mul3A_88 = arith.constant 640 : i32
    %mul3A_89 = arith.muli %arg1, %mul3A_88 : i32
    %add3A_90 = arith.constant 0 : i32
    %add3A_91 = arith.addi %mul3A_89, %add3A_90 : i32
    %dma_wait3A_92 = arith.constant 0 : i32
    %dma_wait3A_93 = tpu.memref_slice %arg7[%add3A_91, %dma_wait3A_92] : memref<10240x128xf32, #tpu.memory_space<vmem_shared>> -> memref<80x128xf32, #tpu.memory_space<vmem_shared>>
    %dma_wait3A_94 = arith.constant 0 : i32
    %dma_wait3A_95 = tpu.memref_slice %arg7[%add3A_91, %dma_wait3A_94] : memref<10240x128xf32, #tpu.memory_space<vmem_shared>> -> memref<80x128xf32, #tpu.memory_space<vmem_shared>>
    tpu.wait_dma2 semaphore(%arg26 : memref<!tpu.dma_semaphore, #tpu.memory_space<semaphore_mem>>) src(%arg16 : memref<80x128xf32, #tpu.memory_space<vmem>>) dst(%dma_wait3A_95 : memref<80x128xf32, #tpu.memory_space<vmem_shared>>)
    %mul3A_96 = arith.constant 640 : i32
    %mul3A_97 = arith.muli %arg1, %mul3A_96 : i32
    %add3A_98 = arith.constant 80 : i32
    %add3A_99 = arith.addi %mul3A_97, %add3A_98 : i32
    %dma_wait3A_100 = arith.constant 0 : i32
    %dma_wait3A_101 = tpu.memref_slice %arg7[%add3A_99, %dma_wait3A_100] : memref<10240x128xf32, #tpu.memory_space<vmem_shared>> -> memref<80x128xf32, #tpu.memory_space<vmem_shared>>
    %dma_wait3A_102 = arith.constant 0 : i32
    %dma_wait3A_103 = tpu.memref_slice %arg7[%add3A_99, %dma_wait3A_102] : memref<10240x128xf32, #tpu.memory_space<vmem_shared>> -> memref<80x128xf32, #tpu.memory_space<vmem_shared>>
    tpu.wait_dma2 semaphore(%arg26 : memref<!tpu.dma_semaphore, #tpu.memory_space<semaphore_mem>>) src(%arg16 : memref<80x128xf32, #tpu.memory_space<vmem>>) dst(%dma_wait3A_103 : memref<80x128xf32, #tpu.memory_space<vmem_shared>>)
    %mul3A_104 = arith.constant 640 : i32
    %mul3A_105 = arith.muli %arg1, %mul3A_104 : i32
    %add3A_106 = arith.constant 160 : i32
    %add3A_107 = arith.addi %mul3A_105, %add3A_106 : i32
    %dma_wait3A_108 = arith.constant 0 : i32
    %dma_wait3A_109 = tpu.memref_slice %arg7[%add3A_107, %dma_wait3A_108] : memref<10240x128xf32, #tpu.memory_space<vmem_shared>> -> memref<80x128xf32, #tpu.memory_space<vmem_shared>>
    %dma_wait3A_110 = arith.constant 0 : i32
    %dma_wait3A_111 = tpu.memref_slice %arg7[%add3A_107, %dma_wait3A_110] : memref<10240x128xf32, #tpu.memory_space<vmem_shared>> -> memref<80x128xf32, #tpu.memory_space<vmem_shared>>
    tpu.wait_dma2 semaphore(%arg26 : memref<!tpu.dma_semaphore, #tpu.memory_space<semaphore_mem>>) src(%arg16 : memref<80x128xf32, #tpu.memory_space<vmem>>) dst(%dma_wait3A_111 : memref<80x128xf32, #tpu.memory_space<vmem_shared>>)
    %mul3A_112 = arith.constant 640 : i32
    %mul3A_113 = arith.muli %arg1, %mul3A_112 : i32
    %add3A_114 = arith.constant 240 : i32
    %add3A_115 = arith.addi %mul3A_113, %add3A_114 : i32
    %dma_wait3A_116 = arith.constant 0 : i32
    %dma_wait3A_117 = tpu.memref_slice %arg7[%add3A_115, %dma_wait3A_116] : memref<10240x128xf32, #tpu.memory_space<vmem_shared>> -> memref<80x128xf32, #tpu.memory_space<vmem_shared>>
    %dma_wait3A_118 = arith.constant 0 : i32
    %dma_wait3A_119 = tpu.memref_slice %arg7[%add3A_115, %dma_wait3A_118] : memref<10240x128xf32, #tpu.memory_space<vmem_shared>> -> memref<80x128xf32, #tpu.memory_space<vmem_shared>>
    tpu.wait_dma2 semaphore(%arg26 : memref<!tpu.dma_semaphore, #tpu.memory_space<semaphore_mem>>) src(%arg16 : memref<80x128xf32, #tpu.memory_space<vmem>>) dst(%dma_wait3A_119 : memref<80x128xf32, #tpu.memory_space<vmem_shared>>)
    %mul3A_120 = arith.constant 640 : i32
    %mul3A_121 = arith.muli %arg1, %mul3A_120 : i32
    %add3A_122 = arith.constant 320 : i32
    %add3A_123 = arith.addi %mul3A_121, %add3A_122 : i32
    %dma_wait3A_124 = arith.constant 0 : i32
    %dma_wait3A_125 = tpu.memref_slice %arg7[%add3A_123, %dma_wait3A_124] : memref<10240x128xf32, #tpu.memory_space<vmem_shared>> -> memref<80x128xf32, #tpu.memory_space<vmem_shared>>
    %dma_wait3A_126 = arith.constant 0 : i32
    %dma_wait3A_127 = tpu.memref_slice %arg7[%add3A_123, %dma_wait3A_126] : memref<10240x128xf32, #tpu.memory_space<vmem_shared>> -> memref<80x128xf32, #tpu.memory_space<vmem_shared>>
    tpu.wait_dma2 semaphore(%arg26 : memref<!tpu.dma_semaphore, #tpu.memory_space<semaphore_mem>>) src(%arg16 : memref<80x128xf32, #tpu.memory_space<vmem>>) dst(%dma_wait3A_127 : memref<80x128xf32, #tpu.memory_space<vmem_shared>>)
    %mul3A_128 = arith.constant 640 : i32
    %mul3A_129 = arith.muli %arg1, %mul3A_128 : i32
    %add3A_130 = arith.constant 400 : i32
    %add3A_131 = arith.addi %mul3A_129, %add3A_130 : i32
    %dma_wait3A_132 = arith.constant 0 : i32
    %dma_wait3A_133 = tpu.memref_slice %arg7[%add3A_131, %dma_wait3A_132] : memref<10240x128xf32, #tpu.memory_space<vmem_shared>> -> memref<80x128xf32, #tpu.memory_space<vmem_shared>>
    %dma_wait3A_134 = arith.constant 0 : i32
    %dma_wait3A_135 = tpu.memref_slice %arg7[%add3A_131, %dma_wait3A_134] : memref<10240x128xf32, #tpu.memory_space<vmem_shared>> -> memref<80x128xf32, #tpu.memory_space<vmem_shared>>
    tpu.wait_dma2 semaphore(%arg26 : memref<!tpu.dma_semaphore, #tpu.memory_space<semaphore_mem>>) src(%arg16 : memref<80x128xf32, #tpu.memory_space<vmem>>) dst(%dma_wait3A_135 : memref<80x128xf32, #tpu.memory_space<vmem_shared>>)
    %mul3A_136 = arith.constant 640 : i32
    %mul3A_137 = arith.muli %arg1, %mul3A_136 : i32
    %add3A_138 = arith.constant 480 : i32
    %add3A_139 = arith.addi %mul3A_137, %add3A_138 : i32
    %dma_wait3A_140 = arith.constant 0 : i32
    %dma_wait3A_141 = tpu.memref_slice %arg7[%add3A_139, %dma_wait3A_140] : memref<10240x128xf32, #tpu.memory_space<vmem_shared>> -> memref<80x128xf32, #tpu.memory_space<vmem_shared>>
    %dma_wait3A_142 = arith.constant 0 : i32
    %dma_wait3A_143 = tpu.memref_slice %arg7[%add3A_139, %dma_wait3A_142] : memref<10240x128xf32, #tpu.memory_space<vmem_shared>> -> memref<80x128xf32, #tpu.memory_space<vmem_shared>>
    tpu.wait_dma2 semaphore(%arg26 : memref<!tpu.dma_semaphore, #tpu.memory_space<semaphore_mem>>) src(%arg16 : memref<80x128xf32, #tpu.memory_space<vmem>>) dst(%dma_wait3A_143 : memref<80x128xf32, #tpu.memory_space<vmem_shared>>)
    %mul3A_144 = arith.constant 640 : i32
    %mul3A_145 = arith.muli %arg1, %mul3A_144 : i32
    %add3A_146 = arith.constant 560 : i32
    %add3A_147 = arith.addi %mul3A_145, %add3A_146 : i32
    %dma_wait3A_148 = arith.constant 0 : i32
    %dma_wait3A_149 = tpu.memref_slice %arg7[%add3A_147, %dma_wait3A_148] : memref<10240x128xf32, #tpu.memory_space<vmem_shared>> -> memref<80x128xf32, #tpu.memory_space<vmem_shared>>
    %dma_wait3A_150 = arith.constant 0 : i32
    %dma_wait3A_151 = tpu.memref_slice %arg7[%add3A_147, %dma_wait3A_150] : memref<10240x128xf32, #tpu.memory_space<vmem_shared>> -> memref<80x128xf32, #tpu.memory_space<vmem_shared>>
    tpu.wait_dma2 semaphore(%arg26 : memref<!tpu.dma_semaphore, #tpu.memory_space<semaphore_mem>>) src(%arg16 : memref<80x128xf32, #tpu.memory_space<vmem>>) dst(%dma_wait3A_151 : memref<80x128xf32, #tpu.memory_space<vmem_shared>>)
    %barrier3A = arith.constant 0 : index
    tpu.barrier barrier_id(%barrier3A)
    %scan3A = arith.constant 0 : i32
    %scan3A_152 = arith.constant 0 : i32
    %scan3A_153 = arith.constant 42 : i32
    %scan3A_154 = arith.addi %scan3A_152, %scan3A_153 : i32
    %scan3A_155 = arith.constant 1 : i32
    %scan3A_156 = scf.for %scan3A_340 = %scan3A_152 to %scan3A_154 step %scan3A_155 iter_args(%scan3A_341 = %scan3A) -> (i32)  : i32 {
      %mul3A_342 = arith.constant 3 : i32
      %mul3A_343 = arith.muli %mul3A_342, %scan3A_340 : i32
      %add3A_344 = arith.constant 0 : i32
      %add3A_345 = arith.addi %mul3A_343, %add3A_344 : i32
      %lt3A = arith.constant 125 : i32
      %lt3A_346 = arith.cmpi slt, %add3A_345, %lt3A : i32
      %convert_element_type3A = arith.extui %lt3A_346 : i1 to i32
      %cond3A = arith.constant 0 : i32
      %cond3A_347 = arith.cmpi ne, %convert_element_type3A, %cond3A : i32
      scf.if %cond3A_347 {
        %dma_wait3A_367 = arith.constant 0 : i32
        %dma_wait3A_368 = arith.constant 0 : i32
        %dma_wait3A_369 = tpu.memref_slice %arg2[%dma_wait3A_367, %dma_wait3A_368] : memref<10000x128xf32, #tpu.memory_space<hbm>> -> memref<10000x128xf32, #tpu.memory_space<hbm>>
        tpu.wait_indirect_dma semaphore(%arg18 : memref<!tpu.dma_semaphore, #tpu.memory_space<semaphore_mem>>) src(%dma_wait3A_369 : memref<10000x128xf32, #tpu.memory_space<hbm>>) dst(%arg10 : memref<80x128xf32, #tpu.memory_space<vmem>>)
        %dma_start3A_370 = arith.constant 0 : i32
        %dma_start3A_371 = arith.constant 0 : i32
        %dma_start3A_372 = tpu.memref_slice %arg7[%dma_start3A_370, %dma_start3A_371] : memref<10240x128xf32, #tpu.memory_space<vmem_shared>> -> memref<10240x128xf32, #tpu.memory_space<vmem_shared>>
        tpu.enqueue_indirect_dma source(%arg10 : memref<80x128xf32, #tpu.memory_space<vmem>>) target(%dma_start3A_372 : memref<10240x128xf32, #tpu.memory_space<vmem_shared>>) offsets(%arg9 : memref<80xi32, #tpu.memory_space<vmem>>) semaphore(%arg19 : memref<!tpu.dma_semaphore, #tpu.memory_space<semaphore_mem>>) {add = true}
        %add3A_373 = arith.constant 1 : i32
        %add3A_374 = arith.addi %add3A_345, %add3A_373 : i32
        %lt3A_375 = arith.constant 125 : i32
        %lt3A_376 = arith.cmpi slt, %add3A_374, %lt3A_375 : i32
        %convert_element_type3A_377 = arith.extui %lt3A_376 : i1 to i32
        %cond3A_378 = arith.constant 0 : i32
        %cond3A_379 = arith.cmpi ne, %convert_element_type3A_377, %cond3A_378 : i32
        scf.if %cond3A_379 {
          %add3A_387 = arith.constant 1 : i32
          %add3A_388 = arith.addi %add3A_345, %add3A_387 : i32
          %mul3A_389 = arith.constant 80 : i32
          %mul3A_390 = arith.muli %add3A_388, %mul3A_389 : i32
          %add3A_391 = arith.addi %mul3A_2, %mul3A_390 : i32
          %multiple_of3A_392 = tpu.assume_multiple %add3A_391, 8 : i32
          %dma_wait3A_393 = tpu.memref_slice %arg3[%multiple_of3A_392] : memref<320000xi32, #tpu.memory_space<hbm>> -> memref<80xi32, #tpu.memory_space<hbm>>
          %dma_wait3A_394 = tpu.memref_slice %arg3[%multiple_of3A_392] : memref<320000xi32, #tpu.memory_space<hbm>> -> memref<80xi32, #tpu.memory_space<hbm>>
          tpu.wait_dma2 semaphore(%arg20 : memref<!tpu.dma_semaphore, #tpu.memory_space<semaphore_mem>>) src(%dma_wait3A_394 : memref<80xi32, #tpu.memory_space<hbm>>) dst(%arg11 : memref<80xi32, #tpu.memory_space<vmem>>)
          %dma_wait3A_395 = tpu.memref_slice %arg4[%multiple_of3A_392] : memref<320000xi32, #tpu.memory_space<hbm>> -> memref<80xi32, #tpu.memory_space<hbm>>
          %dma_wait3A_396 = tpu.memref_slice %arg4[%multiple_of3A_392] : memref<320000xi32, #tpu.memory_space<hbm>> -> memref<80xi32, #tpu.memory_space<hbm>>
          tpu.wait_dma2 semaphore(%arg20 : memref<!tpu.dma_semaphore, #tpu.memory_space<semaphore_mem>>) src(%dma_wait3A_396 : memref<80xi32, #tpu.memory_space<hbm>>) dst(%arg12 : memref<80xi32, #tpu.memory_space<vmem>>)
          %dma_start3A_397 = arith.constant 0 : i32
          %dma_start3A_398 = arith.constant 0 : i32
          %dma_start3A_399 = tpu.memref_slice %arg2[%dma_start3A_397, %dma_start3A_398] : memref<10000x128xf32, #tpu.memory_space<hbm>> -> memref<10000x128xf32, #tpu.memory_space<hbm>>
          tpu.enqueue_indirect_dma source(%dma_start3A_399 : memref<10000x128xf32, #tpu.memory_space<hbm>>) target(%arg13 : memref<80x128xf32, #tpu.memory_space<vmem>>) offsets(%arg11 : memref<80xi32, #tpu.memory_space<vmem>>) semaphore(%arg21 : memref<!tpu.dma_semaphore, #tpu.memory_space<semaphore_mem>>)
        } else {
        }
        %add3A_380 = arith.constant 2 : i32
        %add3A_381 = arith.addi %add3A_345, %add3A_380 : i32
        %lt3A_382 = arith.constant 125 : i32
        %lt3A_383 = arith.cmpi slt, %add3A_381, %lt3A_382 : i32
        %convert_element_type3A_384 = arith.extui %lt3A_383 : i1 to i32
        %cond3A_385 = arith.constant 0 : i32
        %cond3A_386 = arith.cmpi ne, %convert_element_type3A_384, %cond3A_385 : i32
        scf.if %cond3A_386 {
          %ge3A = arith.constant 1 : i32
          %ge3A_387 = arith.cmpi sge, %add3A_345, %ge3A : i32
          %convert_element_type3A_388 = arith.extui %ge3A_387 : i1 to i32
          %cond3A_389 = arith.constant 0 : i32
          %cond3A_390 = arith.cmpi ne, %convert_element_type3A_388, %cond3A_389 : i32
          scf.if %cond3A_390 {
            %dma_wait3A_401 = arith.constant 0 : i32
            %dma_wait3A_402 = arith.constant 0 : i32
            %dma_wait3A_403 = tpu.memref_slice %arg7[%dma_wait3A_401, %dma_wait3A_402] : memref<10240x128xf32, #tpu.memory_space<vmem_shared>> -> memref<10240x128xf32, #tpu.memory_space<vmem_shared>>
            tpu.wait_indirect_dma semaphore(%arg25 : memref<!tpu.dma_semaphore, #tpu.memory_space<semaphore_mem>>) src(%arg16 : memref<80x128xf32, #tpu.memory_space<vmem>>) dst(%dma_wait3A_403 : memref<10240x128xf32, #tpu.memory_space<vmem_shared>>)
          } else {
          }
          %add3A_391 = arith.constant 2 : i32
          %add3A_392 = arith.addi %add3A_345, %add3A_391 : i32
          %mul3A_393 = arith.constant 80 : i32
          %mul3A_394 = arith.muli %add3A_392, %mul3A_393 : i32
          %add3A_395 = arith.addi %mul3A_2, %mul3A_394 : i32
          %multiple_of3A_396 = tpu.assume_multiple %add3A_395, 8 : i32
          %dma_start3A_397 = tpu.memref_slice %arg3[%multiple_of3A_396] : memref<320000xi32, #tpu.memory_space<hbm>> -> memref<80xi32, #tpu.memory_space<hbm>>
          %dma_start3A_398 = tpu.memref_slice %arg3[%multiple_of3A_396] : memref<320000xi32, #tpu.memory_space<hbm>> -> memref<80xi32, #tpu.memory_space<hbm>>
          tpu.enqueue_dma source(%dma_start3A_398 : memref<80xi32, #tpu.memory_space<hbm>>) target(%arg14 : memref<80xi32, #tpu.memory_space<vmem>>) target_semaphore(%arg23 : memref<!tpu.dma_semaphore, #tpu.memory_space<semaphore_mem>>)
          %dma_start3A_399 = tpu.memref_slice %arg4[%multiple_of3A_396] : memref<320000xi32, #tpu.memory_space<hbm>> -> memref<80xi32, #tpu.memory_space<hbm>>
          %dma_start3A_400 = tpu.memref_slice %arg4[%multiple_of3A_396] : memref<320000xi32, #tpu.memory_space<hbm>> -> memref<80xi32, #tpu.memory_space<hbm>>
          tpu.enqueue_dma source(%dma_start3A_400 : memref<80xi32, #tpu.memory_space<hbm>>) target(%arg15 : memref<80xi32, #tpu.memory_space<vmem>>) target_semaphore(%arg23 : memref<!tpu.dma_semaphore, #tpu.memory_space<semaphore_mem>>)
        } else {
        }
      } else {
      }
      %mul3A_348 = arith.constant 3 : i32
      %mul3A_349 = arith.muli %mul3A_348, %scan3A_340 : i32
      %add3A_350 = arith.constant 1 : i32
      %add3A_351 = arith.addi %mul3A_349, %add3A_350 : i32
      %lt3A_352 = arith.constant 125 : i32
      %lt3A_353 = arith.cmpi slt, %add3A_351, %lt3A_352 : i32
      %convert_element_type3A_354 = arith.extui %lt3A_353 : i1 to i32
      %cond3A_355 = arith.constant 0 : i32
      %cond3A_356 = arith.cmpi ne, %convert_element_type3A_354, %cond3A_355 : i32
      scf.if %cond3A_356 {
        %dma_wait3A_367 = arith.constant 0 : i32
        %dma_wait3A_368 = arith.constant 0 : i32
        %dma_wait3A_369 = tpu.memref_slice %arg2[%dma_wait3A_367, %dma_wait3A_368] : memref<10000x128xf32, #tpu.memory_space<hbm>> -> memref<10000x128xf32, #tpu.memory_space<hbm>>
        tpu.wait_indirect_dma semaphore(%arg21 : memref<!tpu.dma_semaphore, #tpu.memory_space<semaphore_mem>>) src(%dma_wait3A_369 : memref<10000x128xf32, #tpu.memory_space<hbm>>) dst(%arg13 : memref<80x128xf32, #tpu.memory_space<vmem>>)
        %dma_start3A_370 = arith.constant 0 : i32
        %dma_start3A_371 = arith.constant 0 : i32
        %dma_start3A_372 = tpu.memref_slice %arg7[%dma_start3A_370, %dma_start3A_371] : memref<10240x128xf32, #tpu.memory_space<vmem_shared>> -> memref<10240x128xf32, #tpu.memory_space<vmem_shared>>
        tpu.enqueue_indirect_dma source(%arg13 : memref<80x128xf32, #tpu.memory_space<vmem>>) target(%dma_start3A_372 : memref<10240x128xf32, #tpu.memory_space<vmem_shared>>) offsets(%arg12 : memref<80xi32, #tpu.memory_space<vmem>>) semaphore(%arg22 : memref<!tpu.dma_semaphore, #tpu.memory_space<semaphore_mem>>) {add = true}
        %add3A_373 = arith.constant 1 : i32
        %add3A_374 = arith.addi %add3A_351, %add3A_373 : i32
        %lt3A_375 = arith.constant 125 : i32
        %lt3A_376 = arith.cmpi slt, %add3A_374, %lt3A_375 : i32
        %convert_element_type3A_377 = arith.extui %lt3A_376 : i1 to i32
        %cond3A_378 = arith.constant 0 : i32
        %cond3A_379 = arith.cmpi ne, %convert_element_type3A_377, %cond3A_378 : i32
        scf.if %cond3A_379 {
          %add3A_387 = arith.constant 1 : i32
          %add3A_388 = arith.addi %add3A_351, %add3A_387 : i32
          %mul3A_389 = arith.constant 80 : i32
          %mul3A_390 = arith.muli %add3A_388, %mul3A_389 : i32
          %add3A_391 = arith.addi %mul3A_2, %mul3A_390 : i32
          %multiple_of3A_392 = tpu.assume_multiple %add3A_391, 8 : i32
          %dma_wait3A_393 = tpu.memref_slice %arg3[%multiple_of3A_392] : memref<320000xi32, #tpu.memory_space<hbm>> -> memref<80xi32, #tpu.memory_space<hbm>>
          %dma_wait3A_394 = tpu.memref_slice %arg3[%multiple_of3A_392] : memref<320000xi32, #tpu.memory_space<hbm>> -> memref<80xi32, #tpu.memory_space<hbm>>
          tpu.wait_dma2 semaphore(%arg23 : memref<!tpu.dma_semaphore, #tpu.memory_space<semaphore_mem>>) src(%dma_wait3A_394 : memref<80xi32, #tpu.memory_space<hbm>>) dst(%arg14 : memref<80xi32, #tpu.memory_space<vmem>>)
          %dma_wait3A_395 = tpu.memref_slice %arg4[%multiple_of3A_392] : memref<320000xi32, #tpu.memory_space<hbm>> -> memref<80xi32, #tpu.memory_space<hbm>>
          %dma_wait3A_396 = tpu.memref_slice %arg4[%multiple_of3A_392] : memref<320000xi32, #tpu.memory_space<hbm>> -> memref<80xi32, #tpu.memory_space<hbm>>
          tpu.wait_dma2 semaphore(%arg23 : memref<!tpu.dma_semaphore, #tpu.memory_space<semaphore_mem>>) src(%dma_wait3A_396 : memref<80xi32, #tpu.memory_space<hbm>>) dst(%arg15 : memref<80xi32, #tpu.memory_space<vmem>>)
          %dma_start3A_397 = arith.constant 0 : i32
          %dma_start3A_398 = arith.constant 0 : i32
          %dma_start3A_399 = tpu.memref_slice %arg2[%dma_start3A_397, %dma_start3A_398] : memref<10000x128xf32, #tpu.memory_space<hbm>> -> memref<10000x128xf32, #tpu.memory_space<hbm>>
          tpu.enqueue_indirect_dma source(%dma_start3A_399 : memref<10000x128xf32, #tpu.memory_space<hbm>>) target(%arg16 : memref<80x128xf32, #tpu.memory_space<vmem>>) offsets(%arg14 : memref<80xi32, #tpu.memory_space<vmem>>) semaphore(%arg24 : memref<!tpu.dma_semaphore, #tpu.memory_space<semaphore_mem>>)
        } else {
        }
        %add3A_380 = arith.constant 2 : i32
        %add3A_381 = arith.addi %add3A_351, %add3A_380 : i32
        %lt3A_382 = arith.constant 125 : i32
        %lt3A_383 = arith.cmpi slt, %add3A_381, %lt3A_382 : i32
        %convert_element_type3A_384 = arith.extui %lt3A_383 : i1 to i32
        %cond3A_385 = arith.constant 0 : i32
        %cond3A_386 = arith.cmpi ne, %convert_element_type3A_384, %cond3A_385 : i32
        scf.if %cond3A_386 {
          %ge3A = arith.constant 1 : i32
          %ge3A_387 = arith.cmpi sge, %add3A_351, %ge3A : i32
          %convert_element_type3A_388 = arith.extui %ge3A_387 : i1 to i32
          %cond3A_389 = arith.constant 0 : i32
          %cond3A_390 = arith.cmpi ne, %convert_element_type3A_388, %cond3A_389 : i32
          scf.if %cond3A_390 {
            %dma_wait3A_401 = arith.constant 0 : i32
            %dma_wait3A_402 = arith.constant 0 : i32
            %dma_wait3A_403 = tpu.memref_slice %arg7[%dma_wait3A_401, %dma_wait3A_402] : memref<10240x128xf32, #tpu.memory_space<vmem_shared>> -> memref<10240x128xf32, #tpu.memory_space<vmem_shared>>
            tpu.wait_indirect_dma semaphore(%arg19 : memref<!tpu.dma_semaphore, #tpu.memory_space<semaphore_mem>>) src(%arg10 : memref<80x128xf32, #tpu.memory_space<vmem>>) dst(%dma_wait3A_403 : memref<10240x128xf32, #tpu.memory_space<vmem_shared>>)
          } else {
          }
          %add3A_391 = arith.constant 2 : i32
          %add3A_392 = arith.addi %add3A_351, %add3A_391 : i32
          %mul3A_393 = arith.constant 80 : i32
          %mul3A_394 = arith.muli %add3A_392, %mul3A_393 : i32
          %add3A_395 = arith.addi %mul3A_2, %mul3A_394 : i32
          %multiple_of3A_396 = tpu.assume_multiple %add3A_395, 8 : i32
          %dma_start3A_397 = tpu.memref_slice %arg3[%multiple_of3A_396] : memref<320000xi32, #tpu.memory_space<hbm>> -> memref<80xi32, #tpu.memory_space<hbm>>
          %dma_start3A_398 = tpu.memref_slice %arg3[%multiple_of3A_396] : memref<320000xi32, #tpu.memory_space<hbm>> -> memref<80xi32, #tpu.memory_space<hbm>>
          tpu.enqueue_dma source(%dma_start3A_398 : memref<80xi32, #tpu.memory_space<hbm>>) target(%arg8 : memref<80xi32, #tpu.memory_space<vmem>>) target_semaphore(%arg17 : memref<!tpu.dma_semaphore, #tpu.memory_space<semaphore_mem>>)
          %dma_start3A_399 = tpu.memref_slice %arg4[%multiple_of3A_396] : memref<320000xi32, #tpu.memory_space<hbm>> -> memref<80xi32, #tpu.memory_space<hbm>>
          %dma_start3A_400 = tpu.memref_slice %arg4[%multiple_of3A_396] : memref<320000xi32, #tpu.memory_space<hbm>> -> memref<80xi32, #tpu.memory_space<hbm>>
          tpu.enqueue_dma source(%dma_start3A_400 : memref<80xi32, #tpu.memory_space<hbm>>) target(%arg9 : memref<80xi32, #tpu.memory_space<vmem>>) target_semaphore(%arg17 : memref<!tpu.dma_semaphore, #tpu.memory_space<semaphore_mem>>)
        } else {
        }
      } else {
      }
      %mul3A_357 = arith.constant 3 : i32
      %mul3A_358 = arith.muli %mul3A_357, %scan3A_340 : i32
      %add3A_359 = arith.constant 2 : i32
      %add3A_360 = arith.addi %mul3A_358, %add3A_359 : i32
      %lt3A_361 = arith.constant 125 : i32
      %lt3A_362 = arith.cmpi slt, %add3A_360, %lt3A_361 : i32
      %convert_element_type3A_363 = arith.extui %lt3A_362 : i1 to i32
      %cond3A_364 = arith.constant 0 : i32
      %cond3A_365 = arith.cmpi ne, %convert_element_type3A_363, %cond3A_364 : i32
      scf.if %cond3A_365 {
        %dma_wait3A_367 = arith.constant 0 : i32
        %dma_wait3A_368 = arith.constant 0 : i32
        %dma_wait3A_369 = tpu.memref_slice %arg2[%dma_wait3A_367, %dma_wait3A_368] : memref<10000x128xf32, #tpu.memory_space<hbm>> -> memref<10000x128xf32, #tpu.memory_space<hbm>>
        tpu.wait_indirect_dma semaphore(%arg24 : memref<!tpu.dma_semaphore, #tpu.memory_space<semaphore_mem>>) src(%dma_wait3A_369 : memref<10000x128xf32, #tpu.memory_space<hbm>>) dst(%arg16 : memref<80x128xf32, #tpu.memory_space<vmem>>)
        %dma_start3A_370 = arith.constant 0 : i32
        %dma_start3A_371 = arith.constant 0 : i32
        %dma_start3A_372 = tpu.memref_slice %arg7[%dma_start3A_370, %dma_start3A_371] : memref<10240x128xf32, #tpu.memory_space<vmem_shared>> -> memref<10240x128xf32, #tpu.memory_space<vmem_shared>>
        tpu.enqueue_indirect_dma source(%arg16 : memref<80x128xf32, #tpu.memory_space<vmem>>) target(%dma_start3A_372 : memref<10240x128xf32, #tpu.memory_space<vmem_shared>>) offsets(%arg15 : memref<80xi32, #tpu.memory_space<vmem>>) semaphore(%arg25 : memref<!tpu.dma_semaphore, #tpu.memory_space<semaphore_mem>>) {add = true}
        %add3A_373 = arith.constant 1 : i32
        %add3A_374 = arith.addi %add3A_360, %add3A_373 : i32
        %lt3A_375 = arith.constant 125 : i32
        %lt3A_376 = arith.cmpi slt, %add3A_374, %lt3A_375 : i32
        %convert_element_type3A_377 = arith.extui %lt3A_376 : i1 to i32
        %cond3A_378 = arith.constant 0 : i32
        %cond3A_379 = arith.cmpi ne, %convert_element_type3A_377, %cond3A_378 : i32
        scf.if %cond3A_379 {
          %add3A_387 = arith.constant 1 : i32
          %add3A_388 = arith.addi %add3A_360, %add3A_387 : i32
          %mul3A_389 = arith.constant 80 : i32
          %mul3A_390 = arith.muli %add3A_388, %mul3A_389 : i32
          %add3A_391 = arith.addi %mul3A_2, %mul3A_390 : i32
          %multiple_of3A_392 = tpu.assume_multiple %add3A_391, 8 : i32
          %dma_wait3A_393 = tpu.memref_slice %arg3[%multiple_of3A_392] : memref<320000xi32, #tpu.memory_space<hbm>> -> memref<80xi32, #tpu.memory_space<hbm>>
          %dma_wait3A_394 = tpu.memref_slice %arg3[%multiple_of3A_392] : memref<320000xi32, #tpu.memory_space<hbm>> -> memref<80xi32, #tpu.memory_space<hbm>>
          tpu.wait_dma2 semaphore(%arg17 : memref<!tpu.dma_semaphore, #tpu.memory_space<semaphore_mem>>) src(%dma_wait3A_394 : memref<80xi32, #tpu.memory_space<hbm>>) dst(%arg8 : memref<80xi32, #tpu.memory_space<vmem>>)
          %dma_wait3A_395 = tpu.memref_slice %arg4[%multiple_of3A_392] : memref<320000xi32, #tpu.memory_space<hbm>> -> memref<80xi32, #tpu.memory_space<hbm>>
          %dma_wait3A_396 = tpu.memref_slice %arg4[%multiple_of3A_392] : memref<320000xi32, #tpu.memory_space<hbm>> -> memref<80xi32, #tpu.memory_space<hbm>>
          tpu.wait_dma2 semaphore(%arg17 : memref<!tpu.dma_semaphore, #tpu.memory_space<semaphore_mem>>) src(%dma_wait3A_396 : memref<80xi32, #tpu.memory_space<hbm>>) dst(%arg9 : memref<80xi32, #tpu.memory_space<vmem>>)
          %dma_start3A_397 = arith.constant 0 : i32
          %dma_start3A_398 = arith.constant 0 : i32
          %dma_start3A_399 = tpu.memref_slice %arg2[%dma_start3A_397, %dma_start3A_398] : memref<10000x128xf32, #tpu.memory_space<hbm>> -> memref<10000x128xf32, #tpu.memory_space<hbm>>
          tpu.enqueue_indirect_dma source(%dma_start3A_399 : memref<10000x128xf32, #tpu.memory_space<hbm>>) target(%arg10 : memref<80x128xf32, #tpu.memory_space<vmem>>) offsets(%arg8 : memref<80xi32, #tpu.memory_space<vmem>>) semaphore(%arg18 : memref<!tpu.dma_semaphore, #tpu.memory_space<semaphore_mem>>)
        } else {
        }
        %add3A_380 = arith.constant 2 : i32
        %add3A_381 = arith.addi %add3A_360, %add3A_380 : i32
        %lt3A_382 = arith.constant 125 : i32
        %lt3A_383 = arith.cmpi slt, %add3A_381, %lt3A_382 : i32
        %convert_element_type3A_384 = arith.extui %lt3A_383 : i1 to i32
        %cond3A_385 = arith.constant 0 : i32
        %cond3A_386 = arith.cmpi ne, %convert_element_type3A_384, %cond3A_385 : i32
        scf.if %cond3A_386 {
          %ge3A = arith.constant 1 : i32
          %ge3A_387 = arith.cmpi sge, %add3A_360, %ge3A : i32
          %convert_element_type3A_388 = arith.extui %ge3A_387 : i1 to i32
          %cond3A_389 = arith.constant 0 : i32
          %cond3A_390 = arith.cmpi ne, %convert_element_type3A_388, %cond3A_389 : i32
          scf.if %cond3A_390 {
            %dma_wait3A_401 = arith.constant 0 : i32
            %dma_wait3A_402 = arith.constant 0 : i32
            %dma_wait3A_403 = tpu.memref_slice %arg7[%dma_wait3A_401, %dma_wait3A_402] : memref<10240x128xf32, #tpu.memory_space<vmem_shared>> -> memref<10240x128xf32, #tpu.memory_space<vmem_shared>>
            tpu.wait_indirect_dma semaphore(%arg22 : memref<!tpu.dma_semaphore, #tpu.memory_space<semaphore_mem>>) src(%arg13 : memref<80x128xf32, #tpu.memory_space<vmem>>) dst(%dma_wait3A_403 : memref<10240x128xf32, #tpu.memory_space<vmem_shared>>)
          } else {
          }
          %add3A_391 = arith.constant 2 : i32
          %add3A_392 = arith.addi %add3A_360, %add3A_391 : i32
          %mul3A_393 = arith.constant 80 : i32
          %mul3A_394 = arith.muli %add3A_392, %mul3A_393 : i32
          %add3A_395 = arith.addi %mul3A_2, %mul3A_394 : i32
          %multiple_of3A_396 = tpu.assume_multiple %add3A_395, 8 : i32
          %dma_start3A_397 = tpu.memref_slice %arg3[%multiple_of3A_396] : memref<320000xi32, #tpu.memory_space<hbm>> -> memref<80xi32, #tpu.memory_space<hbm>>
          %dma_start3A_398 = tpu.memref_slice %arg3[%multiple_of3A_396] : memref<320000xi32, #tpu.memory_space<hbm>> -> memref<80xi32, #tpu.memory_space<hbm>>
          tpu.enqueue_dma source(%dma_start3A_398 : memref<80xi32, #tpu.memory_space<hbm>>) target(%arg11 : memref<80xi32, #tpu.memory_space<vmem>>) target_semaphore(%arg20 : memref<!tpu.dma_semaphore, #tpu.memory_space<semaphore_mem>>)
          %dma_start3A_399 = tpu.memref_slice %arg4[%multiple_of3A_396] : memref<320000xi32, #tpu.memory_space<hbm>> -> memref<80xi32, #tpu.memory_space<hbm>>
          %dma_start3A_400 = tpu.memref_slice %arg4[%multiple_of3A_396] : memref<320000xi32, #tpu.memory_space<hbm>> -> memref<80xi32, #tpu.memory_space<hbm>>
          tpu.enqueue_dma source(%dma_start3A_400 : memref<80xi32, #tpu.memory_space<hbm>>) target(%arg12 : memref<80xi32, #tpu.memory_space<vmem>>) target_semaphore(%arg20 : memref<!tpu.dma_semaphore, #tpu.memory_space<semaphore_mem>>)
        } else {
        }
      } else {
      }
      %scan3A_366 = arith.constant 0 : i32
      scf.yield %scan3A_366 : i32
    }
    %scan3A_157 = arith.constant 42 : i32
    %dma_wait3A_158 = arith.constant 0 : i32
    %dma_wait3A_159 = arith.constant 0 : i32
    %dma_wait3A_160 = tpu.memref_slice %arg7[%dma_wait3A_158, %dma_wait3A_159] : memref<10240x128xf32, #tpu.memory_space<vmem_shared>> -> memref<10240x128xf32, #tpu.memory_space<vmem_shared>>
    tpu.wait_indirect_dma semaphore(%arg19 : memref<!tpu.dma_semaphore, #tpu.memory_space<semaphore_mem>>) src(%arg10 : memref<80x128xf32, #tpu.memory_space<vmem>>) dst(%dma_wait3A_160 : memref<10240x128xf32, #tpu.memory_space<vmem_shared>>)
    %dma_wait3A_161 = arith.constant 0 : i32
    %dma_wait3A_162 = arith.constant 0 : i32
    %dma_wait3A_163 = tpu.memref_slice %arg7[%dma_wait3A_161, %dma_wait3A_162] : memref<10240x128xf32, #tpu.memory_space<vmem_shared>> -> memref<10240x128xf32, #tpu.memory_space<vmem_shared>>
    tpu.wait_indirect_dma semaphore(%arg22 : memref<!tpu.dma_semaphore, #tpu.memory_space<semaphore_mem>>) src(%arg13 : memref<80x128xf32, #tpu.memory_space<vmem>>) dst(%dma_wait3A_163 : memref<10240x128xf32, #tpu.memory_space<vmem_shared>>)
    %dma_wait3A_164 = arith.constant 0 : i32
    %dma_wait3A_165 = arith.constant 0 : i32
    %dma_wait3A_166 = tpu.memref_slice %arg7[%dma_wait3A_164, %dma_wait3A_165] : memref<10240x128xf32, #tpu.memory_space<vmem_shared>> -> memref<10240x128xf32, #tpu.memory_space<vmem_shared>>
    tpu.wait_indirect_dma semaphore(%arg25 : memref<!tpu.dma_semaphore, #tpu.memory_space<semaphore_mem>>) src(%arg16 : memref<80x128xf32, #tpu.memory_space<vmem>>) dst(%dma_wait3A_166 : memref<10240x128xf32, #tpu.memory_space<vmem_shared>>)
    %barrier3A_167 = arith.constant 0 : index
    tpu.barrier barrier_id(%barrier3A_167)
    %mul3A_168 = arith.constant 10240 : i32
    %mul3A_169 = arith.muli %arg0, %mul3A_168 : i32
    %mul3A_170 = arith.constant 640 : i32
    %mul3A_171 = arith.muli %arg1, %mul3A_170 : i32
    %add3A_172 = arith.addi %mul3A_169, %mul3A_171 : i32
    %add3A_173 = arith.constant 0 : i32
    %add3A_174 = arith.addi %add3A_172, %add3A_173 : i32
    %multiple_of3A_175 = tpu.assume_multiple %add3A_174, 8 : i32
    %mul3A_176 = arith.constant 640 : i32
    %mul3A_177 = arith.muli %arg1, %mul3A_176 : i32
    %add3A_178 = arith.constant 0 : i32
    %add3A_179 = arith.addi %mul3A_177, %add3A_178 : i32
    "tpu.region"() ({
      %run_scoped3A = tpu.sem_alloc : memref<!tpu.dma_semaphore, #tpu.memory_space<semaphore_mem>>
      %dma_start3A_340 = arith.constant 0 : i32
      %dma_start3A_341 = tpu.memref_slice %arg7[%add3A_179, %dma_start3A_340] : memref<10240x128xf32, #tpu.memory_space<vmem_shared>> -> memref<80x128xf32, #tpu.memory_space<vmem_shared>>
      %dma_start3A_342 = arith.constant 0 : i32
      %dma_start3A_343 = tpu.memref_slice %arg7[%add3A_179, %dma_start3A_342] : memref<10240x128xf32, #tpu.memory_space<vmem_shared>> -> memref<80x128xf32, #tpu.memory_space<vmem_shared>>
      tpu.enqueue_dma source(%dma_start3A_343 : memref<80x128xf32, #tpu.memory_space<vmem_shared>>) target(%arg10 : memref<80x128xf32, #tpu.memory_space<vmem>>) target_semaphore(%run_scoped3A : memref<!tpu.dma_semaphore, #tpu.memory_space<semaphore_mem>>)
      %dma_wait3A_344 = arith.constant 0 : i32
      %dma_wait3A_345 = tpu.memref_slice %arg7[%add3A_179, %dma_wait3A_344] : memref<10240x128xf32, #tpu.memory_space<vmem_shared>> -> memref<80x128xf32, #tpu.memory_space<vmem_shared>>
      %dma_wait3A_346 = arith.constant 0 : i32
      %dma_wait3A_347 = tpu.memref_slice %arg7[%add3A_179, %dma_wait3A_346] : memref<10240x128xf32, #tpu.memory_space<vmem_shared>> -> memref<80x128xf32, #tpu.memory_space<vmem_shared>>
      tpu.wait_dma2 semaphore(%run_scoped3A : memref<!tpu.dma_semaphore, #tpu.memory_space<semaphore_mem>>) src(%dma_wait3A_347 : memref<80x128xf32, #tpu.memory_space<vmem_shared>>) dst(%arg10 : memref<80x128xf32, #tpu.memory_space<vmem>>)
      tpu.yield
    }) : () -> ()
    %dma_start3A_180 = arith.constant 0 : i32
    %dma_start3A_181 = tpu.memref_slice %arg6[%multiple_of3A_175, %dma_start3A_180] : memref<20480x128xf32, #tpu.memory_space<hbm>> -> memref<80x128xf32, #tpu.memory_space<hbm>>
    %dma_start3A_182 = arith.constant 0 : i32
    %dma_start3A_183 = tpu.memref_slice %arg6[%multiple_of3A_175, %dma_start3A_182] : memref<20480x128xf32, #tpu.memory_space<hbm>> -> memref<80x128xf32, #tpu.memory_space<hbm>>
    tpu.enqueue_dma source(%arg10 : memref<80x128xf32, #tpu.memory_space<vmem>>) target(%dma_start3A_183 : memref<80x128xf32, #tpu.memory_space<hbm>>) target_semaphore(%arg17 : memref<!tpu.dma_semaphore, #tpu.memory_space<semaphore_mem>>)
    %mul3A_184 = arith.constant 10240 : i32
    %mul3A_185 = arith.muli %arg0, %mul3A_184 : i32
    %mul3A_186 = arith.constant 640 : i32
    %mul3A_187 = arith.muli %arg1, %mul3A_186 : i32
    %add3A_188 = arith.addi %mul3A_185, %mul3A_187 : i32
    %add3A_189 = arith.constant 80 : i32
    %add3A_190 = arith.addi %add3A_188, %add3A_189 : i32
    %multiple_of3A_191 = tpu.assume_multiple %add3A_190, 8 : i32
    %mul3A_192 = arith.constant 640 : i32
    %mul3A_193 = arith.muli %arg1, %mul3A_192 : i32
    %add3A_194 = arith.constant 80 : i32
    %add3A_195 = arith.addi %mul3A_193, %add3A_194 : i32
    "tpu.region"() ({
      %run_scoped3A = tpu.sem_alloc : memref<!tpu.dma_semaphore, #tpu.memory_space<semaphore_mem>>
      %dma_start3A_340 = arith.constant 0 : i32
      %dma_start3A_341 = tpu.memref_slice %arg7[%add3A_195, %dma_start3A_340] : memref<10240x128xf32, #tpu.memory_space<vmem_shared>> -> memref<80x128xf32, #tpu.memory_space<vmem_shared>>
      %dma_start3A_342 = arith.constant 0 : i32
      %dma_start3A_343 = tpu.memref_slice %arg7[%add3A_195, %dma_start3A_342] : memref<10240x128xf32, #tpu.memory_space<vmem_shared>> -> memref<80x128xf32, #tpu.memory_space<vmem_shared>>
      tpu.enqueue_dma source(%dma_start3A_343 : memref<80x128xf32, #tpu.memory_space<vmem_shared>>) target(%arg13 : memref<80x128xf32, #tpu.memory_space<vmem>>) target_semaphore(%run_scoped3A : memref<!tpu.dma_semaphore, #tpu.memory_space<semaphore_mem>>)
      %dma_wait3A_344 = arith.constant 0 : i32
      %dma_wait3A_345 = tpu.memref_slice %arg7[%add3A_195, %dma_wait3A_344] : memref<10240x128xf32, #tpu.memory_space<vmem_shared>> -> memref<80x128xf32, #tpu.memory_space<vmem_shared>>
      %dma_wait3A_346 = arith.constant 0 : i32
      %dma_wait3A_347 = tpu.memref_slice %arg7[%add3A_195, %dma_wait3A_346] : memref<10240x128xf32, #tpu.memory_space<vmem_shared>> -> memref<80x128xf32, #tpu.memory_space<vmem_shared>>
      tpu.wait_dma2 semaphore(%run_scoped3A : memref<!tpu.dma_semaphore, #tpu.memory_space<semaphore_mem>>) src(%dma_wait3A_347 : memref<80x128xf32, #tpu.memory_space<vmem_shared>>) dst(%arg13 : memref<80x128xf32, #tpu.memory_space<vmem>>)
      tpu.yield
    }) : () -> ()
    %dma_start3A_196 = arith.constant 0 : i32
    %dma_start3A_197 = tpu.memref_slice %arg6[%multiple_of3A_191, %dma_start3A_196] : memref<20480x128xf32, #tpu.memory_space<hbm>> -> memref<80x128xf32, #tpu.memory_space<hbm>>
    %dma_start3A_198 = arith.constant 0 : i32
    %dma_start3A_199 = tpu.memref_slice %arg6[%multiple_of3A_191, %dma_start3A_198] : memref<20480x128xf32, #tpu.memory_space<hbm>> -> memref<80x128xf32, #tpu.memory_space<hbm>>
    tpu.enqueue_dma source(%arg13 : memref<80x128xf32, #tpu.memory_space<vmem>>) target(%dma_start3A_199 : memref<80x128xf32, #tpu.memory_space<hbm>>) target_semaphore(%arg20 : memref<!tpu.dma_semaphore, #tpu.memory_space<semaphore_mem>>)
    %mul3A_200 = arith.constant 10240 : i32
    %mul3A_201 = arith.muli %arg0, %mul3A_200 : i32
    %mul3A_202 = arith.constant 640 : i32
    %mul3A_203 = arith.muli %arg1, %mul3A_202 : i32
    %add3A_204 = arith.addi %mul3A_201, %mul3A_203 : i32
    %add3A_205 = arith.constant 160 : i32
    %add3A_206 = arith.addi %add3A_204, %add3A_205 : i32
    %multiple_of3A_207 = tpu.assume_multiple %add3A_206, 8 : i32
    %dma_wait3A_208 = arith.constant 0 : i32
    %dma_wait3A_209 = tpu.memref_slice %arg6[%multiple_of3A_207, %dma_wait3A_208] : memref<20480x128xf32, #tpu.memory_space<hbm>> -> memref<80x128xf32, #tpu.memory_space<hbm>>
    %dma_wait3A_210 = arith.constant 0 : i32
    %dma_wait3A_211 = tpu.memref_slice %arg6[%multiple_of3A_207, %dma_wait3A_210] : memref<20480x128xf32, #tpu.memory_space<hbm>> -> memref<80x128xf32, #tpu.memory_space<hbm>>
    tpu.wait_dma2 semaphore(%arg17 : memref<!tpu.dma_semaphore, #tpu.memory_space<semaphore_mem>>) src(%arg10 : memref<80x128xf32, #tpu.memory_space<vmem>>) dst(%dma_wait3A_211 : memref<80x128xf32, #tpu.memory_space<hbm>>)
    %mul3A_212 = arith.constant 640 : i32
    %mul3A_213 = arith.muli %arg1, %mul3A_212 : i32
    %add3A_214 = arith.constant 160 : i32
    %add3A_215 = arith.addi %mul3A_213, %add3A_214 : i32
    "tpu.region"() ({
      %run_scoped3A = tpu.sem_alloc : memref<!tpu.dma_semaphore, #tpu.memory_space<semaphore_mem>>
      %dma_start3A_340 = arith.constant 0 : i32
      %dma_start3A_341 = tpu.memref_slice %arg7[%add3A_215, %dma_start3A_340] : memref<10240x128xf32, #tpu.memory_space<vmem_shared>> -> memref<80x128xf32, #tpu.memory_space<vmem_shared>>
      %dma_start3A_342 = arith.constant 0 : i32
      %dma_start3A_343 = tpu.memref_slice %arg7[%add3A_215, %dma_start3A_342] : memref<10240x128xf32, #tpu.memory_space<vmem_shared>> -> memref<80x128xf32, #tpu.memory_space<vmem_shared>>
      tpu.enqueue_dma source(%dma_start3A_343 : memref<80x128xf32, #tpu.memory_space<vmem_shared>>) target(%arg10 : memref<80x128xf32, #tpu.memory_space<vmem>>) target_semaphore(%run_scoped3A : memref<!tpu.dma_semaphore, #tpu.memory_space<semaphore_mem>>)
      %dma_wait3A_344 = arith.constant 0 : i32
      %dma_wait3A_345 = tpu.memref_slice %arg7[%add3A_215, %dma_wait3A_344] : memref<10240x128xf32, #tpu.memory_space<vmem_shared>> -> memref<80x128xf32, #tpu.memory_space<vmem_shared>>
      %dma_wait3A_346 = arith.constant 0 : i32
      %dma_wait3A_347 = tpu.memref_slice %arg7[%add3A_215, %dma_wait3A_346] : memref<10240x128xf32, #tpu.memory_space<vmem_shared>> -> memref<80x128xf32, #tpu.memory_space<vmem_shared>>
      tpu.wait_dma2 semaphore(%run_scoped3A : memref<!tpu.dma_semaphore, #tpu.memory_space<semaphore_mem>>) src(%dma_wait3A_347 : memref<80x128xf32, #tpu.memory_space<vmem_shared>>) dst(%arg10 : memref<80x128xf32, #tpu.memory_space<vmem>>)
      tpu.yield
    }) : () -> ()
    %dma_start3A_216 = arith.constant 0 : i32
    %dma_start3A_217 = tpu.memref_slice %arg6[%multiple_of3A_207, %dma_start3A_216] : memref<20480x128xf32, #tpu.memory_space<hbm>> -> memref<80x128xf32, #tpu.memory_space<hbm>>
    %dma_start3A_218 = arith.constant 0 : i32
    %dma_start3A_219 = tpu.memref_slice %arg6[%multiple_of3A_207, %dma_start3A_218] : memref<20480x128xf32, #tpu.memory_space<hbm>> -> memref<80x128xf32, #tpu.memory_space<hbm>>
    tpu.enqueue_dma source(%arg10 : memref<80x128xf32, #tpu.memory_space<vmem>>) target(%dma_start3A_219 : memref<80x128xf32, #tpu.memory_space<hbm>>) target_semaphore(%arg17 : memref<!tpu.dma_semaphore, #tpu.memory_space<semaphore_mem>>)
    %mul3A_220 = arith.constant 10240 : i32
    %mul3A_221 = arith.muli %arg0, %mul3A_220 : i32
    %mul3A_222 = arith.constant 640 : i32
    %mul3A_223 = arith.muli %arg1, %mul3A_222 : i32
    %add3A_224 = arith.addi %mul3A_221, %mul3A_223 : i32
    %add3A_225 = arith.constant 240 : i32
    %add3A_226 = arith.addi %add3A_224, %add3A_225 : i32
    %multiple_of3A_227 = tpu.assume_multiple %add3A_226, 8 : i32
    %dma_wait3A_228 = arith.constant 0 : i32
    %dma_wait3A_229 = tpu.memref_slice %arg6[%multiple_of3A_227, %dma_wait3A_228] : memref<20480x128xf32, #tpu.memory_space<hbm>> -> memref<80x128xf32, #tpu.memory_space<hbm>>
    %dma_wait3A_230 = arith.constant 0 : i32
    %dma_wait3A_231 = tpu.memref_slice %arg6[%multiple_of3A_227, %dma_wait3A_230] : memref<20480x128xf32, #tpu.memory_space<hbm>> -> memref<80x128xf32, #tpu.memory_space<hbm>>
    tpu.wait_dma2 semaphore(%arg20 : memref<!tpu.dma_semaphore, #tpu.memory_space<semaphore_mem>>) src(%arg13 : memref<80x128xf32, #tpu.memory_space<vmem>>) dst(%dma_wait3A_231 : memref<80x128xf32, #tpu.memory_space<hbm>>)
    %mul3A_232 = arith.constant 640 : i32
    %mul3A_233 = arith.muli %arg1, %mul3A_232 : i32
    %add3A_234 = arith.constant 240 : i32
    %add3A_235 = arith.addi %mul3A_233, %add3A_234 : i32
    "tpu.region"() ({
      %run_scoped3A = tpu.sem_alloc : memref<!tpu.dma_semaphore, #tpu.memory_space<semaphore_mem>>
      %dma_start3A_340 = arith.constant 0 : i32
      %dma_start3A_341 = tpu.memref_slice %arg7[%add3A_235, %dma_start3A_340] : memref<10240x128xf32, #tpu.memory_space<vmem_shared>> -> memref<80x128xf32, #tpu.memory_space<vmem_shared>>
      %dma_start3A_342 = arith.constant 0 : i32
      %dma_start3A_343 = tpu.memref_slice %arg7[%add3A_235, %dma_start3A_342] : memref<10240x128xf32, #tpu.memory_space<vmem_shared>> -> memref<80x128xf32, #tpu.memory_space<vmem_shared>>
      tpu.enqueue_dma source(%dma_start3A_343 : memref<80x128xf32, #tpu.memory_space<vmem_shared>>) target(%arg13 : memref<80x128xf32, #tpu.memory_space<vmem>>) target_semaphore(%run_scoped3A : memref<!tpu.dma_semaphore, #tpu.memory_space<semaphore_mem>>)
      %dma_wait3A_344 = arith.constant 0 : i32
      %dma_wait3A_345 = tpu.memref_slice %arg7[%add3A_235, %dma_wait3A_344] : memref<10240x128xf32, #tpu.memory_space<vmem_shared>> -> memref<80x128xf32, #tpu.memory_space<vmem_shared>>
      %dma_wait3A_346 = arith.constant 0 : i32
      %dma_wait3A_347 = tpu.memref_slice %arg7[%add3A_235, %dma_wait3A_346] : memref<10240x128xf32, #tpu.memory_space<vmem_shared>> -> memref<80x128xf32, #tpu.memory_space<vmem_shared>>
      tpu.wait_dma2 semaphore(%run_scoped3A : memref<!tpu.dma_semaphore, #tpu.memory_space<semaphore_mem>>) src(%dma_wait3A_347 : memref<80x128xf32, #tpu.memory_space<vmem_shared>>) dst(%arg13 : memref<80x128xf32, #tpu.memory_space<vmem>>)
      tpu.yield
    }) : () -> ()
    %dma_start3A_236 = arith.constant 0 : i32
    %dma_start3A_237 = tpu.memref_slice %arg6[%multiple_of3A_227, %dma_start3A_236] : memref<20480x128xf32, #tpu.memory_space<hbm>> -> memref<80x128xf32, #tpu.memory_space<hbm>>
    %dma_start3A_238 = arith.constant 0 : i32
    %dma_start3A_239 = tpu.memref_slice %arg6[%multiple_of3A_227, %dma_start3A_238] : memref<20480x128xf32, #tpu.memory_space<hbm>> -> memref<80x128xf32, #tpu.memory_space<hbm>>
    tpu.enqueue_dma source(%arg13 : memref<80x128xf32, #tpu.memory_space<vmem>>) target(%dma_start3A_239 : memref<80x128xf32, #tpu.memory_space<hbm>>) target_semaphore(%arg20 : memref<!tpu.dma_semaphore, #tpu.memory_space<semaphore_mem>>)
    %mul3A_240 = arith.constant 10240 : i32
    %mul3A_241 = arith.muli %arg0, %mul3A_240 : i32
    %mul3A_242 = arith.constant 640 : i32
    %mul3A_243 = arith.muli %arg1, %mul3A_242 : i32
    %add3A_244 = arith.addi %mul3A_241, %mul3A_243 : i32
    %add3A_245 = arith.constant 320 : i32
    %add3A_246 = arith.addi %add3A_244, %add3A_245 : i32
    %multiple_of3A_247 = tpu.assume_multiple %add3A_246, 8 : i32
    %dma_wait3A_248 = arith.constant 0 : i32
    %dma_wait3A_249 = tpu.memref_slice %arg6[%multiple_of3A_247, %dma_wait3A_248] : memref<20480x128xf32, #tpu.memory_space<hbm>> -> memref<80x128xf32, #tpu.memory_space<hbm>>
    %dma_wait3A_250 = arith.constant 0 : i32
    %dma_wait3A_251 = tpu.memref_slice %arg6[%multiple_of3A_247, %dma_wait3A_250] : memref<20480x128xf32, #tpu.memory_space<hbm>> -> memref<80x128xf32, #tpu.memory_space<hbm>>
    tpu.wait_dma2 semaphore(%arg17 : memref<!tpu.dma_semaphore, #tpu.memory_space<semaphore_mem>>) src(%arg10 : memref<80x128xf32, #tpu.memory_space<vmem>>) dst(%dma_wait3A_251 : memref<80x128xf32, #tpu.memory_space<hbm>>)
    %mul3A_252 = arith.constant 640 : i32
    %mul3A_253 = arith.muli %arg1, %mul3A_252 : i32
    %add3A_254 = arith.constant 320 : i32
    %add3A_255 = arith.addi %mul3A_253, %add3A_254 : i32
    "tpu.region"() ({
      %run_scoped3A = tpu.sem_alloc : memref<!tpu.dma_semaphore, #tpu.memory_space<semaphore_mem>>
      %dma_start3A_340 = arith.constant 0 : i32
      %dma_start3A_341 = tpu.memref_slice %arg7[%add3A_255, %dma_start3A_340] : memref<10240x128xf32, #tpu.memory_space<vmem_shared>> -> memref<80x128xf32, #tpu.memory_space<vmem_shared>>
      %dma_start3A_342 = arith.constant 0 : i32
      %dma_start3A_343 = tpu.memref_slice %arg7[%add3A_255, %dma_start3A_342] : memref<10240x128xf32, #tpu.memory_space<vmem_shared>> -> memref<80x128xf32, #tpu.memory_space<vmem_shared>>
      tpu.enqueue_dma source(%dma_start3A_343 : memref<80x128xf32, #tpu.memory_space<vmem_shared>>) target(%arg10 : memref<80x128xf32, #tpu.memory_space<vmem>>) target_semaphore(%run_scoped3A : memref<!tpu.dma_semaphore, #tpu.memory_space<semaphore_mem>>)
      %dma_wait3A_344 = arith.constant 0 : i32
      %dma_wait3A_345 = tpu.memref_slice %arg7[%add3A_255, %dma_wait3A_344] : memref<10240x128xf32, #tpu.memory_space<vmem_shared>> -> memref<80x128xf32, #tpu.memory_space<vmem_shared>>
      %dma_wait3A_346 = arith.constant 0 : i32
      %dma_wait3A_347 = tpu.memref_slice %arg7[%add3A_255, %dma_wait3A_346] : memref<10240x128xf32, #tpu.memory_space<vmem_shared>> -> memref<80x128xf32, #tpu.memory_space<vmem_shared>>
      tpu.wait_dma2 semaphore(%run_scoped3A : memref<!tpu.dma_semaphore, #tpu.memory_space<semaphore_mem>>) src(%dma_wait3A_347 : memref<80x128xf32, #tpu.memory_space<vmem_shared>>) dst(%arg10 : memref<80x128xf32, #tpu.memory_space<vmem>>)
      tpu.yield
    }) : () -> ()
    %dma_start3A_256 = arith.constant 0 : i32
    %dma_start3A_257 = tpu.memref_slice %arg6[%multiple_of3A_247, %dma_start3A_256] : memref<20480x128xf32, #tpu.memory_space<hbm>> -> memref<80x128xf32, #tpu.memory_space<hbm>>
    %dma_start3A_258 = arith.constant 0 : i32
    %dma_start3A_259 = tpu.memref_slice %arg6[%multiple_of3A_247, %dma_start3A_258] : memref<20480x128xf32, #tpu.memory_space<hbm>> -> memref<80x128xf32, #tpu.memory_space<hbm>>
    tpu.enqueue_dma source(%arg10 : memref<80x128xf32, #tpu.memory_space<vmem>>) target(%dma_start3A_259 : memref<80x128xf32, #tpu.memory_space<hbm>>) target_semaphore(%arg17 : memref<!tpu.dma_semaphore, #tpu.memory_space<semaphore_mem>>)
    %mul3A_260 = arith.constant 10240 : i32
    %mul3A_261 = arith.muli %arg0, %mul3A_260 : i32
    %mul3A_262 = arith.constant 640 : i32
    %mul3A_263 = arith.muli %arg1, %mul3A_262 : i32
    %add3A_264 = arith.addi %mul3A_261, %mul3A_263 : i32
    %add3A_265 = arith.constant 400 : i32
    %add3A_266 = arith.addi %add3A_264, %add3A_265 : i32
    %multiple_of3A_267 = tpu.assume_multiple %add3A_266, 8 : i32
    %dma_wait3A_268 = arith.constant 0 : i32
    %dma_wait3A_269 = tpu.memref_slice %arg6[%multiple_of3A_267, %dma_wait3A_268] : memref<20480x128xf32, #tpu.memory_space<hbm>> -> memref<80x128xf32, #tpu.memory_space<hbm>>
    %dma_wait3A_270 = arith.constant 0 : i32
    %dma_wait3A_271 = tpu.memref_slice %arg6[%multiple_of3A_267, %dma_wait3A_270] : memref<20480x128xf32, #tpu.memory_space<hbm>> -> memref<80x128xf32, #tpu.memory_space<hbm>>
    tpu.wait_dma2 semaphore(%arg20 : memref<!tpu.dma_semaphore, #tpu.memory_space<semaphore_mem>>) src(%arg13 : memref<80x128xf32, #tpu.memory_space<vmem>>) dst(%dma_wait3A_271 : memref<80x128xf32, #tpu.memory_space<hbm>>)
    %mul3A_272 = arith.constant 640 : i32
    %mul3A_273 = arith.muli %arg1, %mul3A_272 : i32
    %add3A_274 = arith.constant 400 : i32
    %add3A_275 = arith.addi %mul3A_273, %add3A_274 : i32
    "tpu.region"() ({
      %run_scoped3A = tpu.sem_alloc : memref<!tpu.dma_semaphore, #tpu.memory_space<semaphore_mem>>
      %dma_start3A_340 = arith.constant 0 : i32
      %dma_start3A_341 = tpu.memref_slice %arg7[%add3A_275, %dma_start3A_340] : memref<10240x128xf32, #tpu.memory_space<vmem_shared>> -> memref<80x128xf32, #tpu.memory_space<vmem_shared>>
      %dma_start3A_342 = arith.constant 0 : i32
      %dma_start3A_343 = tpu.memref_slice %arg7[%add3A_275, %dma_start3A_342] : memref<10240x128xf32, #tpu.memory_space<vmem_shared>> -> memref<80x128xf32, #tpu.memory_space<vmem_shared>>
      tpu.enqueue_dma source(%dma_start3A_343 : memref<80x128xf32, #tpu.memory_space<vmem_shared>>) target(%arg13 : memref<80x128xf32, #tpu.memory_space<vmem>>) target_semaphore(%run_scoped3A : memref<!tpu.dma_semaphore, #tpu.memory_space<semaphore_mem>>)
      %dma_wait3A_344 = arith.constant 0 : i32
      %dma_wait3A_345 = tpu.memref_slice %arg7[%add3A_275, %dma_wait3A_344] : memref<10240x128xf32, #tpu.memory_space<vmem_shared>> -> memref<80x128xf32, #tpu.memory_space<vmem_shared>>
      %dma_wait3A_346 = arith.constant 0 : i32
      %dma_wait3A_347 = tpu.memref_slice %arg7[%add3A_275, %dma_wait3A_346] : memref<10240x128xf32, #tpu.memory_space<vmem_shared>> -> memref<80x128xf32, #tpu.memory_space<vmem_shared>>
      tpu.wait_dma2 semaphore(%run_scoped3A : memref<!tpu.dma_semaphore, #tpu.memory_space<semaphore_mem>>) src(%dma_wait3A_347 : memref<80x128xf32, #tpu.memory_space<vmem_shared>>) dst(%arg13 : memref<80x128xf32, #tpu.memory_space<vmem>>)
      tpu.yield
    }) : () -> ()
    %dma_start3A_276 = arith.constant 0 : i32
    %dma_start3A_277 = tpu.memref_slice %arg6[%multiple_of3A_267, %dma_start3A_276] : memref<20480x128xf32, #tpu.memory_space<hbm>> -> memref<80x128xf32, #tpu.memory_space<hbm>>
    %dma_start3A_278 = arith.constant 0 : i32
    %dma_start3A_279 = tpu.memref_slice %arg6[%multiple_of3A_267, %dma_start3A_278] : memref<20480x128xf32, #tpu.memory_space<hbm>> -> memref<80x128xf32, #tpu.memory_space<hbm>>
    tpu.enqueue_dma source(%arg13 : memref<80x128xf32, #tpu.memory_space<vmem>>) target(%dma_start3A_279 : memref<80x128xf32, #tpu.memory_space<hbm>>) target_semaphore(%arg20 : memref<!tpu.dma_semaphore, #tpu.memory_space<semaphore_mem>>)
    %mul3A_280 = arith.constant 10240 : i32
    %mul3A_281 = arith.muli %arg0, %mul3A_280 : i32
    %mul3A_282 = arith.constant 640 : i32
    %mul3A_283 = arith.muli %arg1, %mul3A_282 : i32
    %add3A_284 = arith.addi %mul3A_281, %mul3A_283 : i32
    %add3A_285 = arith.constant 480 : i32
    %add3A_286 = arith.addi %add3A_284, %add3A_285 : i32
    %multiple_of3A_287 = tpu.assume_multiple %add3A_286, 8 : i32
    %dma_wait3A_288 = arith.constant 0 : i32
    %dma_wait3A_289 = tpu.memref_slice %arg6[%multiple_of3A_287, %dma_wait3A_288] : memref<20480x128xf32, #tpu.memory_space<hbm>> -> memref<80x128xf32, #tpu.memory_space<hbm>>
    %dma_wait3A_290 = arith.constant 0 : i32
    %dma_wait3A_291 = tpu.memref_slice %arg6[%multiple_of3A_287, %dma_wait3A_290] : memref<20480x128xf32, #tpu.memory_space<hbm>> -> memref<80x128xf32, #tpu.memory_space<hbm>>
    tpu.wait_dma2 semaphore(%arg17 : memref<!tpu.dma_semaphore, #tpu.memory_space<semaphore_mem>>) src(%arg10 : memref<80x128xf32, #tpu.memory_space<vmem>>) dst(%dma_wait3A_291 : memref<80x128xf32, #tpu.memory_space<hbm>>)
    %mul3A_292 = arith.constant 640 : i32
    %mul3A_293 = arith.muli %arg1, %mul3A_292 : i32
    %add3A_294 = arith.constant 480 : i32
    %add3A_295 = arith.addi %mul3A_293, %add3A_294 : i32
    "tpu.region"() ({
      %run_scoped3A = tpu.sem_alloc : memref<!tpu.dma_semaphore, #tpu.memory_space<semaphore_mem>>
      %dma_start3A_340 = arith.constant 0 : i32
      %dma_start3A_341 = tpu.memref_slice %arg7[%add3A_295, %dma_start3A_340] : memref<10240x128xf32, #tpu.memory_space<vmem_shared>> -> memref<80x128xf32, #tpu.memory_space<vmem_shared>>
      %dma_start3A_342 = arith.constant 0 : i32
      %dma_start3A_343 = tpu.memref_slice %arg7[%add3A_295, %dma_start3A_342] : memref<10240x128xf32, #tpu.memory_space<vmem_shared>> -> memref<80x128xf32, #tpu.memory_space<vmem_shared>>
      tpu.enqueue_dma source(%dma_start3A_343 : memref<80x128xf32, #tpu.memory_space<vmem_shared>>) target(%arg10 : memref<80x128xf32, #tpu.memory_space<vmem>>) target_semaphore(%run_scoped3A : memref<!tpu.dma_semaphore, #tpu.memory_space<semaphore_mem>>)
      %dma_wait3A_344 = arith.constant 0 : i32
      %dma_wait3A_345 = tpu.memref_slice %arg7[%add3A_295, %dma_wait3A_344] : memref<10240x128xf32, #tpu.memory_space<vmem_shared>> -> memref<80x128xf32, #tpu.memory_space<vmem_shared>>
      %dma_wait3A_346 = arith.constant 0 : i32
      %dma_wait3A_347 = tpu.memref_slice %arg7[%add3A_295, %dma_wait3A_346] : memref<10240x128xf32, #tpu.memory_space<vmem_shared>> -> memref<80x128xf32, #tpu.memory_space<vmem_shared>>
      tpu.wait_dma2 semaphore(%run_scoped3A : memref<!tpu.dma_semaphore, #tpu.memory_space<semaphore_mem>>) src(%dma_wait3A_347 : memref<80x128xf32, #tpu.memory_space<vmem_shared>>) dst(%arg10 : memref<80x128xf32, #tpu.memory_space<vmem>>)
      tpu.yield
    }) : () -> ()
    %dma_start3A_296 = arith.constant 0 : i32
    %dma_start3A_297 = tpu.memref_slice %arg6[%multiple_of3A_287, %dma_start3A_296] : memref<20480x128xf32, #tpu.memory_space<hbm>> -> memref<80x128xf32, #tpu.memory_space<hbm>>
    %dma_start3A_298 = arith.constant 0 : i32
    %dma_start3A_299 = tpu.memref_slice %arg6[%multiple_of3A_287, %dma_start3A_298] : memref<20480x128xf32, #tpu.memory_space<hbm>> -> memref<80x128xf32, #tpu.memory_space<hbm>>
    tpu.enqueue_dma source(%arg10 : memref<80x128xf32, #tpu.memory_space<vmem>>) target(%dma_start3A_299 : memref<80x128xf32, #tpu.memory_space<hbm>>) target_semaphore(%arg17 : memref<!tpu.dma_semaphore, #tpu.memory_space<semaphore_mem>>)
    %mul3A_300 = arith.constant 10240 : i32
    %mul3A_301 = arith.muli %arg0, %mul3A_300 : i32
    %mul3A_302 = arith.constant 640 : i32
    %mul3A_303 = arith.muli %arg1, %mul3A_302 : i32
    %add3A_304 = arith.addi %mul3A_301, %mul3A_303 : i32
    %add3A_305 = arith.constant 560 : i32
    %add3A_306 = arith.addi %add3A_304, %add3A_305 : i32
    %multiple_of3A_307 = tpu.assume_multiple %add3A_306, 8 : i32
    %dma_wait3A_308 = arith.constant 0 : i32
    %dma_wait3A_309 = tpu.memref_slice %arg6[%multiple_of3A_307, %dma_wait3A_308] : memref<20480x128xf32, #tpu.memory_space<hbm>> -> memref<80x128xf32, #tpu.memory_space<hbm>>
    %dma_wait3A_310 = arith.constant 0 : i32
    %dma_wait3A_311 = tpu.memref_slice %arg6[%multiple_of3A_307, %dma_wait3A_310] : memref<20480x128xf32, #tpu.memory_space<hbm>> -> memref<80x128xf32, #tpu.memory_space<hbm>>
    tpu.wait_dma2 semaphore(%arg20 : memref<!tpu.dma_semaphore, #tpu.memory_space<semaphore_mem>>) src(%arg13 : memref<80x128xf32, #tpu.memory_space<vmem>>) dst(%dma_wait3A_311 : memref<80x128xf32, #tpu.memory_space<hbm>>)
    %mul3A_312 = arith.constant 640 : i32
    %mul3A_313 = arith.muli %arg1, %mul3A_312 : i32
    %add3A_314 = arith.constant 560 : i32
    %add3A_315 = arith.addi %mul3A_313, %add3A_314 : i32
    "tpu.region"() ({
      %run_scoped3A = tpu.sem_alloc : memref<!tpu.dma_semaphore, #tpu.memory_space<semaphore_mem>>
      %dma_start3A_340 = arith.constant 0 : i32
      %dma_start3A_341 = tpu.memref_slice %arg7[%add3A_315, %dma_start3A_340] : memref<10240x128xf32, #tpu.memory_space<vmem_shared>> -> memref<80x128xf32, #tpu.memory_space<vmem_shared>>
      %dma_start3A_342 = arith.constant 0 : i32
      %dma_start3A_343 = tpu.memref_slice %arg7[%add3A_315, %dma_start3A_342] : memref<10240x128xf32, #tpu.memory_space<vmem_shared>> -> memref<80x128xf32, #tpu.memory_space<vmem_shared>>
      tpu.enqueue_dma source(%dma_start3A_343 : memref<80x128xf32, #tpu.memory_space<vmem_shared>>) target(%arg13 : memref<80x128xf32, #tpu.memory_space<vmem>>) target_semaphore(%run_scoped3A : memref<!tpu.dma_semaphore, #tpu.memory_space<semaphore_mem>>)
      %dma_wait3A_344 = arith.constant 0 : i32
      %dma_wait3A_345 = tpu.memref_slice %arg7[%add3A_315, %dma_wait3A_344] : memref<10240x128xf32, #tpu.memory_space<vmem_shared>> -> memref<80x128xf32, #tpu.memory_space<vmem_shared>>
      %dma_wait3A_346 = arith.constant 0 : i32
      %dma_wait3A_347 = tpu.memref_slice %arg7[%add3A_315, %dma_wait3A_346] : memref<10240x128xf32, #tpu.memory_space<vmem_shared>> -> memref<80x128xf32, #tpu.memory_space<vmem_shared>>
      tpu.wait_dma2 semaphore(%run_scoped3A : memref<!tpu.dma_semaphore, #tpu.memory_space<semaphore_mem>>) src(%dma_wait3A_347 : memref<80x128xf32, #tpu.memory_space<vmem_shared>>) dst(%arg13 : memref<80x128xf32, #tpu.memory_space<vmem>>)
      tpu.yield
    }) : () -> ()
    %dma_start3A_316 = arith.constant 0 : i32
    %dma_start3A_317 = tpu.memref_slice %arg6[%multiple_of3A_307, %dma_start3A_316] : memref<20480x128xf32, #tpu.memory_space<hbm>> -> memref<80x128xf32, #tpu.memory_space<hbm>>
    %dma_start3A_318 = arith.constant 0 : i32
    %dma_start3A_319 = tpu.memref_slice %arg6[%multiple_of3A_307, %dma_start3A_318] : memref<20480x128xf32, #tpu.memory_space<hbm>> -> memref<80x128xf32, #tpu.memory_space<hbm>>
    tpu.enqueue_dma source(%arg13 : memref<80x128xf32, #tpu.memory_space<vmem>>) target(%dma_start3A_319 : memref<80x128xf32, #tpu.memory_space<hbm>>) target_semaphore(%arg20 : memref<!tpu.dma_semaphore, #tpu.memory_space<semaphore_mem>>)
    %mul3A_320 = arith.constant 10240 : i32
    %mul3A_321 = arith.muli %arg0, %mul3A_320 : i32
    %mul3A_322 = arith.constant 640 : i32
    %mul3A_323 = arith.muli %arg1, %mul3A_322 : i32
    %add3A_324 = arith.addi %mul3A_321, %mul3A_323 : i32
    %multiple_of3A_325 = tpu.assume_multiple %add3A_324, 8 : i32
    %dma_wait3A_326 = arith.constant 0 : i32
    %dma_wait3A_327 = tpu.memref_slice %arg6[%multiple_of3A_325, %dma_wait3A_326] : memref<20480x128xf32, #tpu.memory_space<hbm>> -> memref<80x128xf32, #tpu.memory_space<hbm>>
    %dma_wait3A_328 = arith.constant 0 : i32
    %dma_wait3A_329 = tpu.memref_slice %arg6[%multiple_of3A_325, %dma_wait3A_328] : memref<20480x128xf32, #tpu.memory_space<hbm>> -> memref<80x128xf32, #tpu.memory_space<hbm>>
    tpu.wait_dma2 semaphore(%arg17 : memref<!tpu.dma_semaphore, #tpu.memory_space<semaphore_mem>>) src(%arg10 : memref<80x128xf32, #tpu.memory_space<vmem>>) dst(%dma_wait3A_329 : memref<80x128xf32, #tpu.memory_space<hbm>>)
    %mul3A_330 = arith.constant 10240 : i32
    %mul3A_331 = arith.muli %arg0, %mul3A_330 : i32
    %mul3A_332 = arith.constant 640 : i32
    %mul3A_333 = arith.muli %arg1, %mul3A_332 : i32
    %add3A_334 = arith.addi %mul3A_331, %mul3A_333 : i32
    %multiple_of3A_335 = tpu.assume_multiple %add3A_334, 8 : i32
    %dma_wait3A_336 = arith.constant 0 : i32
    %dma_wait3A_337 = tpu.memref_slice %arg6[%multiple_of3A_335, %dma_wait3A_336] : memref<20480x128xf32, #tpu.memory_space<hbm>> -> memref<80x128xf32, #tpu.memory_space<hbm>>
    %dma_wait3A_338 = arith.constant 0 : i32
    %dma_wait3A_339 = tpu.memref_slice %arg6[%multiple_of3A_335, %dma_wait3A_338] : memref<20480x128xf32, #tpu.memory_space<hbm>> -> memref<80x128xf32, #tpu.memory_space<hbm>>
    tpu.wait_dma2 semaphore(%arg20 : memref<!tpu.dma_semaphore, #tpu.memory_space<semaphore_mem>>) src(%arg13 : memref<80x128xf32, #tpu.memory_space<vmem>>) dst(%dma_wait3A_339 : memref<80x128xf32, #tpu.memory_space<hbm>>)
    return
  }
}

#map = affine_map<(d0, d1) -> (0)>
#map1 = affine_map<(d0, d1) -> (0, 0)>
module attributes {stable_mosaic.version = 14 : i64} {
  func.func @body(%arg0: i32, %arg1: i32, %arg2: memref<320000xi32, #tpu.memory_space<hbm>>, %arg3: memref<80x128xf32, #tpu.memory_space<hbm>>, %arg4: memref<80x128xf32, #tpu.memory_space<hbm>>, %arg5: memref<20480x128xf32, #tpu.memory_space<hbm>>, %arg6: memref<10240x128xf32, #tpu.memory_space<vmem_shared>>, %arg7: memref<80xi32, #tpu.memory_space<vmem>>, %arg8: memref<80xi32, #tpu.memory_space<vmem>>, %arg9: memref<80x128xf32, #tpu.memory_space<vmem>>, %arg10: memref<80x128xf32, #tpu.memory_space<vmem>>, %arg11: memref<!tpu.dma_semaphore, #tpu.memory_space<semaphore_mem>>, %arg12: memref<!tpu.dma_semaphore, #tpu.memory_space<semaphore_mem>>, %arg13: memref<!tpu.dma_semaphore, #tpu.memory_space<semaphore_mem>>, %arg14: memref<!tpu.dma_semaphore, #tpu.memory_space<semaphore_mem>>, %arg15: memref<!tpu.dma_semaphore, #tpu.memory_space<semaphore_mem>>) attributes {dimension_semantics = [#tpu.dimension_semantics<core_parallel>, #tpu.dimension_semantics<subcore_parallel>], iteration_bounds = array<i64: 2, 16>, scalar_prefetch = 0 : i64, scratch_operands = 10 : i64, tpu.core_type = #tpu.core_type<sc_vector_subcore>, window_params = [{transform_indices = #map}, {transform_indices = #map1}, {transform_indices = #map1}, {transform_indices = #map1}]} {
    %mul3A = arith.constant 2 : i32
    %mul3A_0 = arith.muli %arg1, %mul3A : i32
    %add3A = arith.addi %mul3A_0, %arg0 : i32
    %mul3A_1 = arith.constant 10000 : i32
    %mul3A_2 = arith.muli %add3A, %mul3A_1 : i32
    %multiple_of3A = tpu.assume_multiple %mul3A_2, 8 : i32
    %dma_start3A = tpu.memref_slice %arg2[%multiple_of3A] : memref<320000xi32, #tpu.memory_space<hbm>> -> memref<80xi32, #tpu.memory_space<hbm>>
    %dma_start3A_3 = tpu.memref_slice %arg2[%multiple_of3A] : memref<320000xi32, #tpu.memory_space<hbm>> -> memref<80xi32, #tpu.memory_space<hbm>>
    tpu.enqueue_dma source(%dma_start3A_3 : memref<80xi32, #tpu.memory_space<hbm>>) target(%arg7 : memref<80xi32, #tpu.memory_space<vmem>>) target_semaphore(%arg11 : memref<!tpu.dma_semaphore, #tpu.memory_space<semaphore_mem>>)
    %add3A_4 = arith.constant 80 : i32
    %add3A_5 = arith.addi %mul3A_2, %add3A_4 : i32
    %multiple_of3A_6 = tpu.assume_multiple %add3A_5, 8 : i32
    %dma_start3A_7 = tpu.memref_slice %arg2[%multiple_of3A_6] : memref<320000xi32, #tpu.memory_space<hbm>> -> memref<80xi32, #tpu.memory_space<hbm>>
    %dma_start3A_8 = tpu.memref_slice %arg2[%multiple_of3A_6] : memref<320000xi32, #tpu.memory_space<hbm>> -> memref<80xi32, #tpu.memory_space<hbm>>
    tpu.enqueue_dma source(%dma_start3A_8 : memref<80xi32, #tpu.memory_space<hbm>>) target(%arg8 : memref<80xi32, #tpu.memory_space<vmem>>) target_semaphore(%arg12 : memref<!tpu.dma_semaphore, #tpu.memory_space<semaphore_mem>>)
    "tpu.region"() ({
      %run_scoped3A = tpu.sem_alloc : memref<!tpu.dma_semaphore, #tpu.memory_space<semaphore_mem>>
      tpu.enqueue_dma source(%arg3 : memref<80x128xf32, #tpu.memory_space<hbm>>) target(%arg9 : memref<80x128xf32, #tpu.memory_space<vmem>>) target_semaphore(%run_scoped3A : memref<!tpu.dma_semaphore, #tpu.memory_space<semaphore_mem>>)
      tpu.wait_dma2 semaphore(%run_scoped3A : memref<!tpu.dma_semaphore, #tpu.memory_space<semaphore_mem>>) src(%arg3 : memref<80x128xf32, #tpu.memory_space<hbm>>) dst(%arg9 : memref<80x128xf32, #tpu.memory_space<vmem>>)
      tpu.yield
    }) : () -> ()
    %mul3A_9 = arith.constant 640 : i32
    %mul3A_10 = arith.muli %arg1, %mul3A_9 : i32
    %add3A_11 = arith.constant 0 : i32
    %add3A_12 = arith.addi %mul3A_10, %add3A_11 : i32
    %dma_start3A_13 = arith.constant 0 : i32
    %dma_start3A_14 = tpu.memref_slice %arg6[%add3A_12, %dma_start3A_13] : memref<10240x128xf32, #tpu.memory_space<vmem_shared>> -> memref<80x128xf32, #tpu.memory_space<vmem_shared>>
    %dma_start3A_15 = arith.constant 0 : i32
    %dma_start3A_16 = tpu.memref_slice %arg6[%add3A_12, %dma_start3A_15] : memref<10240x128xf32, #tpu.memory_space<vmem_shared>> -> memref<80x128xf32, #tpu.memory_space<vmem_shared>>
    tpu.enqueue_dma source(%arg9 : memref<80x128xf32, #tpu.memory_space<vmem>>) target(%dma_start3A_16 : memref<80x128xf32, #tpu.memory_space<vmem_shared>>) target_semaphore(%arg15 : memref<!tpu.dma_semaphore, #tpu.memory_space<semaphore_mem>>)
    %mul3A_17 = arith.constant 640 : i32
    %mul3A_18 = arith.muli %arg1, %mul3A_17 : i32
    %add3A_19 = arith.constant 80 : i32
    %add3A_20 = arith.addi %mul3A_18, %add3A_19 : i32
    %dma_start3A_21 = arith.constant 0 : i32
    %dma_start3A_22 = tpu.memref_slice %arg6[%add3A_20, %dma_start3A_21] : memref<10240x128xf32, #tpu.memory_space<vmem_shared>> -> memref<80x128xf32, #tpu.memory_space<vmem_shared>>
    %dma_start3A_23 = arith.constant 0 : i32
    %dma_start3A_24 = tpu.memref_slice %arg6[%add3A_20, %dma_start3A_23] : memref<10240x128xf32, #tpu.memory_space<vmem_shared>> -> memref<80x128xf32, #tpu.memory_space<vmem_shared>>
    tpu.enqueue_dma source(%arg9 : memref<80x128xf32, #tpu.memory_space<vmem>>) target(%dma_start3A_24 : memref<80x128xf32, #tpu.memory_space<vmem_shared>>) target_semaphore(%arg15 : memref<!tpu.dma_semaphore, #tpu.memory_space<semaphore_mem>>)
    %mul3A_25 = arith.constant 640 : i32
    %mul3A_26 = arith.muli %arg1, %mul3A_25 : i32
    %add3A_27 = arith.constant 160 : i32
    %add3A_28 = arith.addi %mul3A_26, %add3A_27 : i32
    %dma_start3A_29 = arith.constant 0 : i32
    %dma_start3A_30 = tpu.memref_slice %arg6[%add3A_28, %dma_start3A_29] : memref<10240x128xf32, #tpu.memory_space<vmem_shared>> -> memref<80x128xf32, #tpu.memory_space<vmem_shared>>
    %dma_start3A_31 = arith.constant 0 : i32
    %dma_start3A_32 = tpu.memref_slice %arg6[%add3A_28, %dma_start3A_31] : memref<10240x128xf32, #tpu.memory_space<vmem_shared>> -> memref<80x128xf32, #tpu.memory_space<vmem_shared>>
    tpu.enqueue_dma source(%arg9 : memref<80x128xf32, #tpu.memory_space<vmem>>) target(%dma_start3A_32 : memref<80x128xf32, #tpu.memory_space<vmem_shared>>) target_semaphore(%arg15 : memref<!tpu.dma_semaphore, #tpu.memory_space<semaphore_mem>>)
    %mul3A_33 = arith.constant 640 : i32
    %mul3A_34 = arith.muli %arg1, %mul3A_33 : i32
    %add3A_35 = arith.constant 240 : i32
    %add3A_36 = arith.addi %mul3A_34, %add3A_35 : i32
    %dma_start3A_37 = arith.constant 0 : i32
    %dma_start3A_38 = tpu.memref_slice %arg6[%add3A_36, %dma_start3A_37] : memref<10240x128xf32, #tpu.memory_space<vmem_shared>> -> memref<80x128xf32, #tpu.memory_space<vmem_shared>>
    %dma_start3A_39 = arith.constant 0 : i32
    %dma_start3A_40 = tpu.memref_slice %arg6[%add3A_36, %dma_start3A_39] : memref<10240x128xf32, #tpu.memory_space<vmem_shared>> -> memref<80x128xf32, #tpu.memory_space<vmem_shared>>
    tpu.enqueue_dma source(%arg9 : memref<80x128xf32, #tpu.memory_space<vmem>>) target(%dma_start3A_40 : memref<80x128xf32, #tpu.memory_space<vmem_shared>>) target_semaphore(%arg15 : memref<!tpu.dma_semaphore, #tpu.memory_space<semaphore_mem>>)
    %mul3A_41 = arith.constant 640 : i32
    %mul3A_42 = arith.muli %arg1, %mul3A_41 : i32
    %add3A_43 = arith.constant 320 : i32
    %add3A_44 = arith.addi %mul3A_42, %add3A_43 : i32
    %dma_start3A_45 = arith.constant 0 : i32
    %dma_start3A_46 = tpu.memref_slice %arg6[%add3A_44, %dma_start3A_45] : memref<10240x128xf32, #tpu.memory_space<vmem_shared>> -> memref<80x128xf32, #tpu.memory_space<vmem_shared>>
    %dma_start3A_47 = arith.constant 0 : i32
    %dma_start3A_48 = tpu.memref_slice %arg6[%add3A_44, %dma_start3A_47] : memref<10240x128xf32, #tpu.memory_space<vmem_shared>> -> memref<80x128xf32, #tpu.memory_space<vmem_shared>>
    tpu.enqueue_dma source(%arg9 : memref<80x128xf32, #tpu.memory_space<vmem>>) target(%dma_start3A_48 : memref<80x128xf32, #tpu.memory_space<vmem_shared>>) target_semaphore(%arg15 : memref<!tpu.dma_semaphore, #tpu.memory_space<semaphore_mem>>)
    %mul3A_49 = arith.constant 640 : i32
    %mul3A_50 = arith.muli %arg1, %mul3A_49 : i32
    %add3A_51 = arith.constant 400 : i32
    %add3A_52 = arith.addi %mul3A_50, %add3A_51 : i32
    %dma_start3A_53 = arith.constant 0 : i32
    %dma_start3A_54 = tpu.memref_slice %arg6[%add3A_52, %dma_start3A_53] : memref<10240x128xf32, #tpu.memory_space<vmem_shared>> -> memref<80x128xf32, #tpu.memory_space<vmem_shared>>
    %dma_start3A_55 = arith.constant 0 : i32
    %dma_start3A_56 = tpu.memref_slice %arg6[%add3A_52, %dma_start3A_55] : memref<10240x128xf32, #tpu.memory_space<vmem_shared>> -> memref<80x128xf32, #tpu.memory_space<vmem_shared>>
    tpu.enqueue_dma source(%arg9 : memref<80x128xf32, #tpu.memory_space<vmem>>) target(%dma_start3A_56 : memref<80x128xf32, #tpu.memory_space<vmem_shared>>) target_semaphore(%arg15 : memref<!tpu.dma_semaphore, #tpu.memory_space<semaphore_mem>>)
    %mul3A_57 = arith.constant 640 : i32
    %mul3A_58 = arith.muli %arg1, %mul3A_57 : i32
    %add3A_59 = arith.constant 480 : i32
    %add3A_60 = arith.addi %mul3A_58, %add3A_59 : i32
    %dma_start3A_61 = arith.constant 0 : i32
    %dma_start3A_62 = tpu.memref_slice %arg6[%add3A_60, %dma_start3A_61] : memref<10240x128xf32, #tpu.memory_space<vmem_shared>> -> memref<80x128xf32, #tpu.memory_space<vmem_shared>>
    %dma_start3A_63 = arith.constant 0 : i32
    %dma_start3A_64 = tpu.memref_slice %arg6[%add3A_60, %dma_start3A_63] : memref<10240x128xf32, #tpu.memory_space<vmem_shared>> -> memref<80x128xf32, #tpu.memory_space<vmem_shared>>
    tpu.enqueue_dma source(%arg9 : memref<80x128xf32, #tpu.memory_space<vmem>>) target(%dma_start3A_64 : memref<80x128xf32, #tpu.memory_space<vmem_shared>>) target_semaphore(%arg15 : memref<!tpu.dma_semaphore, #tpu.memory_space<semaphore_mem>>)
    %mul3A_65 = arith.constant 640 : i32
    %mul3A_66 = arith.muli %arg1, %mul3A_65 : i32
    %add3A_67 = arith.constant 560 : i32
    %add3A_68 = arith.addi %mul3A_66, %add3A_67 : i32
    %dma_start3A_69 = arith.constant 0 : i32
    %dma_start3A_70 = tpu.memref_slice %arg6[%add3A_68, %dma_start3A_69] : memref<10240x128xf32, #tpu.memory_space<vmem_shared>> -> memref<80x128xf32, #tpu.memory_space<vmem_shared>>
    %dma_start3A_71 = arith.constant 0 : i32
    %dma_start3A_72 = tpu.memref_slice %arg6[%add3A_68, %dma_start3A_71] : memref<10240x128xf32, #tpu.memory_space<vmem_shared>> -> memref<80x128xf32, #tpu.memory_space<vmem_shared>>
    tpu.enqueue_dma source(%arg9 : memref<80x128xf32, #tpu.memory_space<vmem>>) target(%dma_start3A_72 : memref<80x128xf32, #tpu.memory_space<vmem_shared>>) target_semaphore(%arg15 : memref<!tpu.dma_semaphore, #tpu.memory_space<semaphore_mem>>)
    "tpu.region"() ({
      %run_scoped3A = tpu.sem_alloc : memref<!tpu.dma_semaphore, #tpu.memory_space<semaphore_mem>>
      tpu.enqueue_dma source(%arg4 : memref<80x128xf32, #tpu.memory_space<hbm>>) target(%arg10 : memref<80x128xf32, #tpu.memory_space<vmem>>) target_semaphore(%run_scoped3A : memref<!tpu.dma_semaphore, #tpu.memory_space<semaphore_mem>>)
      tpu.wait_dma2 semaphore(%run_scoped3A : memref<!tpu.dma_semaphore, #tpu.memory_space<semaphore_mem>>) src(%arg4 : memref<80x128xf32, #tpu.memory_space<hbm>>) dst(%arg10 : memref<80x128xf32, #tpu.memory_space<vmem>>)
      tpu.yield
    }) : () -> ()
    %mul3A_73 = arith.constant 640 : i32
    %mul3A_74 = arith.muli %arg1, %mul3A_73 : i32
    %add3A_75 = arith.constant 0 : i32
    %add3A_76 = arith.addi %mul3A_74, %add3A_75 : i32
    %dma_wait3A = arith.constant 0 : i32
    %dma_wait3A_77 = tpu.memref_slice %arg6[%add3A_76, %dma_wait3A] : memref<10240x128xf32, #tpu.memory_space<vmem_shared>> -> memref<80x128xf32, #tpu.memory_space<vmem_shared>>
    %dma_wait3A_78 = arith.constant 0 : i32
    %dma_wait3A_79 = tpu.memref_slice %arg6[%add3A_76, %dma_wait3A_78] : memref<10240x128xf32, #tpu.memory_space<vmem_shared>> -> memref<80x128xf32, #tpu.memory_space<vmem_shared>>
    tpu.wait_dma2 semaphore(%arg15 : memref<!tpu.dma_semaphore, #tpu.memory_space<semaphore_mem>>) src(%arg9 : memref<80x128xf32, #tpu.memory_space<vmem>>) dst(%dma_wait3A_79 : memref<80x128xf32, #tpu.memory_space<vmem_shared>>)
    %mul3A_80 = arith.constant 640 : i32
    %mul3A_81 = arith.muli %arg1, %mul3A_80 : i32
    %add3A_82 = arith.constant 80 : i32
    %add3A_83 = arith.addi %mul3A_81, %add3A_82 : i32
    %dma_wait3A_84 = arith.constant 0 : i32
    %dma_wait3A_85 = tpu.memref_slice %arg6[%add3A_83, %dma_wait3A_84] : memref<10240x128xf32, #tpu.memory_space<vmem_shared>> -> memref<80x128xf32, #tpu.memory_space<vmem_shared>>
    %dma_wait3A_86 = arith.constant 0 : i32
    %dma_wait3A_87 = tpu.memref_slice %arg6[%add3A_83, %dma_wait3A_86] : memref<10240x128xf32, #tpu.memory_space<vmem_shared>> -> memref<80x128xf32, #tpu.memory_space<vmem_shared>>
    tpu.wait_dma2 semaphore(%arg15 : memref<!tpu.dma_semaphore, #tpu.memory_space<semaphore_mem>>) src(%arg9 : memref<80x128xf32, #tpu.memory_space<vmem>>) dst(%dma_wait3A_87 : memref<80x128xf32, #tpu.memory_space<vmem_shared>>)
    %mul3A_88 = arith.constant 640 : i32
    %mul3A_89 = arith.muli %arg1, %mul3A_88 : i32
    %add3A_90 = arith.constant 160 : i32
    %add3A_91 = arith.addi %mul3A_89, %add3A_90 : i32
    %dma_wait3A_92 = arith.constant 0 : i32
    %dma_wait3A_93 = tpu.memref_slice %arg6[%add3A_91, %dma_wait3A_92] : memref<10240x128xf32, #tpu.memory_space<vmem_shared>> -> memref<80x128xf32, #tpu.memory_space<vmem_shared>>
    %dma_wait3A_94 = arith.constant 0 : i32
    %dma_wait3A_95 = tpu.memref_slice %arg6[%add3A_91, %dma_wait3A_94] : memref<10240x128xf32, #tpu.memory_space<vmem_shared>> -> memref<80x128xf32, #tpu.memory_space<vmem_shared>>
    tpu.wait_dma2 semaphore(%arg15 : memref<!tpu.dma_semaphore, #tpu.memory_space<semaphore_mem>>) src(%arg9 : memref<80x128xf32, #tpu.memory_space<vmem>>) dst(%dma_wait3A_95 : memref<80x128xf32, #tpu.memory_space<vmem_shared>>)
    %mul3A_96 = arith.constant 640 : i32
    %mul3A_97 = arith.muli %arg1, %mul3A_96 : i32
    %add3A_98 = arith.constant 240 : i32
    %add3A_99 = arith.addi %mul3A_97, %add3A_98 : i32
    %dma_wait3A_100 = arith.constant 0 : i32
    %dma_wait3A_101 = tpu.memref_slice %arg6[%add3A_99, %dma_wait3A_100] : memref<10240x128xf32, #tpu.memory_space<vmem_shared>> -> memref<80x128xf32, #tpu.memory_space<vmem_shared>>
    %dma_wait3A_102 = arith.constant 0 : i32
    %dma_wait3A_103 = tpu.memref_slice %arg6[%add3A_99, %dma_wait3A_102] : memref<10240x128xf32, #tpu.memory_space<vmem_shared>> -> memref<80x128xf32, #tpu.memory_space<vmem_shared>>
    tpu.wait_dma2 semaphore(%arg15 : memref<!tpu.dma_semaphore, #tpu.memory_space<semaphore_mem>>) src(%arg9 : memref<80x128xf32, #tpu.memory_space<vmem>>) dst(%dma_wait3A_103 : memref<80x128xf32, #tpu.memory_space<vmem_shared>>)
    %mul3A_104 = arith.constant 640 : i32
    %mul3A_105 = arith.muli %arg1, %mul3A_104 : i32
    %add3A_106 = arith.constant 320 : i32
    %add3A_107 = arith.addi %mul3A_105, %add3A_106 : i32
    %dma_wait3A_108 = arith.constant 0 : i32
    %dma_wait3A_109 = tpu.memref_slice %arg6[%add3A_107, %dma_wait3A_108] : memref<10240x128xf32, #tpu.memory_space<vmem_shared>> -> memref<80x128xf32, #tpu.memory_space<vmem_shared>>
    %dma_wait3A_110 = arith.constant 0 : i32
    %dma_wait3A_111 = tpu.memref_slice %arg6[%add3A_107, %dma_wait3A_110] : memref<10240x128xf32, #tpu.memory_space<vmem_shared>> -> memref<80x128xf32, #tpu.memory_space<vmem_shared>>
    tpu.wait_dma2 semaphore(%arg15 : memref<!tpu.dma_semaphore, #tpu.memory_space<semaphore_mem>>) src(%arg9 : memref<80x128xf32, #tpu.memory_space<vmem>>) dst(%dma_wait3A_111 : memref<80x128xf32, #tpu.memory_space<vmem_shared>>)
    %mul3A_112 = arith.constant 640 : i32
    %mul3A_113 = arith.muli %arg1, %mul3A_112 : i32
    %add3A_114 = arith.constant 400 : i32
    %add3A_115 = arith.addi %mul3A_113, %add3A_114 : i32
    %dma_wait3A_116 = arith.constant 0 : i32
    %dma_wait3A_117 = tpu.memref_slice %arg6[%add3A_115, %dma_wait3A_116] : memref<10240x128xf32, #tpu.memory_space<vmem_shared>> -> memref<80x128xf32, #tpu.memory_space<vmem_shared>>
    %dma_wait3A_118 = arith.constant 0 : i32
    %dma_wait3A_119 = tpu.memref_slice %arg6[%add3A_115, %dma_wait3A_118] : memref<10240x128xf32, #tpu.memory_space<vmem_shared>> -> memref<80x128xf32, #tpu.memory_space<vmem_shared>>
    tpu.wait_dma2 semaphore(%arg15 : memref<!tpu.dma_semaphore, #tpu.memory_space<semaphore_mem>>) src(%arg9 : memref<80x128xf32, #tpu.memory_space<vmem>>) dst(%dma_wait3A_119 : memref<80x128xf32, #tpu.memory_space<vmem_shared>>)
    %mul3A_120 = arith.constant 640 : i32
    %mul3A_121 = arith.muli %arg1, %mul3A_120 : i32
    %add3A_122 = arith.constant 480 : i32
    %add3A_123 = arith.addi %mul3A_121, %add3A_122 : i32
    %dma_wait3A_124 = arith.constant 0 : i32
    %dma_wait3A_125 = tpu.memref_slice %arg6[%add3A_123, %dma_wait3A_124] : memref<10240x128xf32, #tpu.memory_space<vmem_shared>> -> memref<80x128xf32, #tpu.memory_space<vmem_shared>>
    %dma_wait3A_126 = arith.constant 0 : i32
    %dma_wait3A_127 = tpu.memref_slice %arg6[%add3A_123, %dma_wait3A_126] : memref<10240x128xf32, #tpu.memory_space<vmem_shared>> -> memref<80x128xf32, #tpu.memory_space<vmem_shared>>
    tpu.wait_dma2 semaphore(%arg15 : memref<!tpu.dma_semaphore, #tpu.memory_space<semaphore_mem>>) src(%arg9 : memref<80x128xf32, #tpu.memory_space<vmem>>) dst(%dma_wait3A_127 : memref<80x128xf32, #tpu.memory_space<vmem_shared>>)
    %mul3A_128 = arith.constant 640 : i32
    %mul3A_129 = arith.muli %arg1, %mul3A_128 : i32
    %add3A_130 = arith.constant 560 : i32
    %add3A_131 = arith.addi %mul3A_129, %add3A_130 : i32
    %dma_wait3A_132 = arith.constant 0 : i32
    %dma_wait3A_133 = tpu.memref_slice %arg6[%add3A_131, %dma_wait3A_132] : memref<10240x128xf32, #tpu.memory_space<vmem_shared>> -> memref<80x128xf32, #tpu.memory_space<vmem_shared>>
    %dma_wait3A_134 = arith.constant 0 : i32
    %dma_wait3A_135 = tpu.memref_slice %arg6[%add3A_131, %dma_wait3A_134] : memref<10240x128xf32, #tpu.memory_space<vmem_shared>> -> memref<80x128xf32, #tpu.memory_space<vmem_shared>>
    tpu.wait_dma2 semaphore(%arg15 : memref<!tpu.dma_semaphore, #tpu.memory_space<semaphore_mem>>) src(%arg9 : memref<80x128xf32, #tpu.memory_space<vmem>>) dst(%dma_wait3A_135 : memref<80x128xf32, #tpu.memory_space<vmem_shared>>)
    %barrier3A = arith.constant 0 : index
    tpu.barrier barrier_id(%barrier3A)
    %scan3A = arith.constant 0 : i32
    %scan3A_136 = arith.constant 0 : i32
    %scan3A_137 = arith.constant 63 : i32
    %scan3A_138 = arith.addi %scan3A_136, %scan3A_137 : i32
    %scan3A_139 = arith.constant 1 : i32
    %scan3A_140 = scf.for %scan3A_321 = %scan3A_136 to %scan3A_138 step %scan3A_139 iter_args(%scan3A_322 = %scan3A) -> (i32)  : i32 {
      %mul3A_323 = arith.constant 2 : i32
      %mul3A_324 = arith.muli %mul3A_323, %scan3A_321 : i32
      %add3A_325 = arith.constant 0 : i32
      %add3A_326 = arith.addi %mul3A_324, %add3A_325 : i32
      %lt3A = arith.constant 125 : i32
      %lt3A_327 = arith.cmpi slt, %add3A_326, %lt3A : i32
      %convert_element_type3A = arith.extui %lt3A_327 : i1 to i32
      %cond3A = arith.constant 0 : i32
      %cond3A_328 = arith.cmpi ne, %convert_element_type3A, %cond3A : i32
      scf.if %cond3A_328 {
        %multiple_of3A_339 = tpu.assume_multiple %mul3A_2, 8 : i32
        %dma_wait3A_340 = tpu.memref_slice %arg2[%multiple_of3A_339] : memref<320000xi32, #tpu.memory_space<hbm>> -> memref<80xi32, #tpu.memory_space<hbm>>
        %dma_wait3A_341 = tpu.memref_slice %arg2[%multiple_of3A_339] : memref<320000xi32, #tpu.memory_space<hbm>> -> memref<80xi32, #tpu.memory_space<hbm>>
        tpu.wait_dma2 semaphore(%arg11 : memref<!tpu.dma_semaphore, #tpu.memory_space<semaphore_mem>>) src(%dma_wait3A_341 : memref<80xi32, #tpu.memory_space<hbm>>) dst(%arg7 : memref<80xi32, #tpu.memory_space<vmem>>)
        %dma_start3A_342 = arith.constant 0 : i32
        %dma_start3A_343 = arith.constant 0 : i32
        %dma_start3A_344 = tpu.memref_slice %arg6[%dma_start3A_342, %dma_start3A_343] : memref<10240x128xf32, #tpu.memory_space<vmem_shared>> -> memref<10240x128xf32, #tpu.memory_space<vmem_shared>>
        tpu.enqueue_indirect_dma source(%arg10 : memref<80x128xf32, #tpu.memory_space<vmem>>) target(%dma_start3A_344 : memref<10240x128xf32, #tpu.memory_space<vmem_shared>>) offsets(%arg7 : memref<80xi32, #tpu.memory_space<vmem>>) semaphore(%arg13 : memref<!tpu.dma_semaphore, #tpu.memory_space<semaphore_mem>>) {add = true}
        %add3A_345 = arith.constant 2 : i32
        %add3A_346 = arith.addi %add3A_326, %add3A_345 : i32
        %lt3A_347 = arith.constant 125 : i32
        %lt3A_348 = arith.cmpi slt, %add3A_346, %lt3A_347 : i32
        %convert_element_type3A_349 = arith.extui %lt3A_348 : i1 to i32
        %cond3A_350 = arith.constant 0 : i32
        %cond3A_351 = arith.cmpi ne, %convert_element_type3A_349, %cond3A_350 : i32
        scf.if %cond3A_351 {
          %dma_wait3A_352 = arith.constant 0 : i32
          %dma_wait3A_353 = arith.constant 0 : i32
          %dma_wait3A_354 = tpu.memref_slice %arg6[%dma_wait3A_352, %dma_wait3A_353] : memref<10240x128xf32, #tpu.memory_space<vmem_shared>> -> memref<10240x128xf32, #tpu.memory_space<vmem_shared>>
          tpu.wait_indirect_dma semaphore(%arg13 : memref<!tpu.dma_semaphore, #tpu.memory_space<semaphore_mem>>) src(%arg10 : memref<80x128xf32, #tpu.memory_space<vmem>>) dst(%dma_wait3A_354 : memref<10240x128xf32, #tpu.memory_space<vmem_shared>>)
          %add3A_355 = arith.constant 2 : i32
          %add3A_356 = arith.addi %add3A_326, %add3A_355 : i32
          %mul3A_357 = arith.constant 80 : i32
          %mul3A_358 = arith.muli %add3A_356, %mul3A_357 : i32
          %add3A_359 = arith.addi %mul3A_2, %mul3A_358 : i32
          %multiple_of3A_360 = tpu.assume_multiple %add3A_359, 8 : i32
          %dma_start3A_361 = tpu.memref_slice %arg2[%multiple_of3A_360] : memref<320000xi32, #tpu.memory_space<hbm>> -> memref<80xi32, #tpu.memory_space<hbm>>
          %dma_start3A_362 = tpu.memref_slice %arg2[%multiple_of3A_360] : memref<320000xi32, #tpu.memory_space<hbm>> -> memref<80xi32, #tpu.memory_space<hbm>>
          tpu.enqueue_dma source(%dma_start3A_362 : memref<80xi32, #tpu.memory_space<hbm>>) target(%arg7 : memref<80xi32, #tpu.memory_space<vmem>>) target_semaphore(%arg11 : memref<!tpu.dma_semaphore, #tpu.memory_space<semaphore_mem>>)
        } else {
        }
      } else {
      }
      %mul3A_329 = arith.constant 2 : i32
      %mul3A_330 = arith.muli %mul3A_329, %scan3A_321 : i32
      %add3A_331 = arith.constant 1 : i32
      %add3A_332 = arith.addi %mul3A_330, %add3A_331 : i32
      %lt3A_333 = arith.constant 125 : i32
      %lt3A_334 = arith.cmpi slt, %add3A_332, %lt3A_333 : i32
      %convert_element_type3A_335 = arith.extui %lt3A_334 : i1 to i32
      %cond3A_336 = arith.constant 0 : i32
      %cond3A_337 = arith.cmpi ne, %convert_element_type3A_335, %cond3A_336 : i32
      scf.if %cond3A_337 {
        %multiple_of3A_339 = tpu.assume_multiple %mul3A_2, 8 : i32
        %dma_wait3A_340 = tpu.memref_slice %arg2[%multiple_of3A_339] : memref<320000xi32, #tpu.memory_space<hbm>> -> memref<80xi32, #tpu.memory_space<hbm>>
        %dma_wait3A_341 = tpu.memref_slice %arg2[%multiple_of3A_339] : memref<320000xi32, #tpu.memory_space<hbm>> -> memref<80xi32, #tpu.memory_space<hbm>>
        tpu.wait_dma2 semaphore(%arg12 : memref<!tpu.dma_semaphore, #tpu.memory_space<semaphore_mem>>) src(%dma_wait3A_341 : memref<80xi32, #tpu.memory_space<hbm>>) dst(%arg8 : memref<80xi32, #tpu.memory_space<vmem>>)
        %dma_start3A_342 = arith.constant 0 : i32
        %dma_start3A_343 = arith.constant 0 : i32
        %dma_start3A_344 = tpu.memref_slice %arg6[%dma_start3A_342, %dma_start3A_343] : memref<10240x128xf32, #tpu.memory_space<vmem_shared>> -> memref<10240x128xf32, #tpu.memory_space<vmem_shared>>
        tpu.enqueue_indirect_dma source(%arg10 : memref<80x128xf32, #tpu.memory_space<vmem>>) target(%dma_start3A_344 : memref<10240x128xf32, #tpu.memory_space<vmem_shared>>) offsets(%arg8 : memref<80xi32, #tpu.memory_space<vmem>>) semaphore(%arg14 : memref<!tpu.dma_semaphore, #tpu.memory_space<semaphore_mem>>) {add = true}
        %add3A_345 = arith.constant 2 : i32
        %add3A_346 = arith.addi %add3A_332, %add3A_345 : i32
        %lt3A_347 = arith.constant 125 : i32
        %lt3A_348 = arith.cmpi slt, %add3A_346, %lt3A_347 : i32
        %convert_element_type3A_349 = arith.extui %lt3A_348 : i1 to i32
        %cond3A_350 = arith.constant 0 : i32
        %cond3A_351 = arith.cmpi ne, %convert_element_type3A_349, %cond3A_350 : i32
        scf.if %cond3A_351 {
          %dma_wait3A_352 = arith.constant 0 : i32
          %dma_wait3A_353 = arith.constant 0 : i32
          %dma_wait3A_354 = tpu.memref_slice %arg6[%dma_wait3A_352, %dma_wait3A_353] : memref<10240x128xf32, #tpu.memory_space<vmem_shared>> -> memref<10240x128xf32, #tpu.memory_space<vmem_shared>>
          tpu.wait_indirect_dma semaphore(%arg14 : memref<!tpu.dma_semaphore, #tpu.memory_space<semaphore_mem>>) src(%arg10 : memref<80x128xf32, #tpu.memory_space<vmem>>) dst(%dma_wait3A_354 : memref<10240x128xf32, #tpu.memory_space<vmem_shared>>)
          %add3A_355 = arith.constant 2 : i32
          %add3A_356 = arith.addi %add3A_332, %add3A_355 : i32
          %mul3A_357 = arith.constant 80 : i32
          %mul3A_358 = arith.muli %add3A_356, %mul3A_357 : i32
          %add3A_359 = arith.addi %mul3A_2, %mul3A_358 : i32
          %multiple_of3A_360 = tpu.assume_multiple %add3A_359, 8 : i32
          %dma_start3A_361 = tpu.memref_slice %arg2[%multiple_of3A_360] : memref<320000xi32, #tpu.memory_space<hbm>> -> memref<80xi32, #tpu.memory_space<hbm>>
          %dma_start3A_362 = tpu.memref_slice %arg2[%multiple_of3A_360] : memref<320000xi32, #tpu.memory_space<hbm>> -> memref<80xi32, #tpu.memory_space<hbm>>
          tpu.enqueue_dma source(%dma_start3A_362 : memref<80xi32, #tpu.memory_space<hbm>>) target(%arg8 : memref<80xi32, #tpu.memory_space<vmem>>) target_semaphore(%arg12 : memref<!tpu.dma_semaphore, #tpu.memory_space<semaphore_mem>>)
        } else {
        }
      } else {
      }
      %scan3A_338 = arith.constant 0 : i32
      scf.yield %scan3A_338 : i32
    }
    %scan3A_141 = arith.constant 63 : i32
    %dma_wait3A_142 = arith.constant 0 : i32
    %dma_wait3A_143 = arith.constant 0 : i32
    %dma_wait3A_144 = tpu.memref_slice %arg6[%dma_wait3A_142, %dma_wait3A_143] : memref<10240x128xf32, #tpu.memory_space<vmem_shared>> -> memref<10240x128xf32, #tpu.memory_space<vmem_shared>>
    tpu.wait_indirect_dma semaphore(%arg13 : memref<!tpu.dma_semaphore, #tpu.memory_space<semaphore_mem>>) src(%arg10 : memref<80x128xf32, #tpu.memory_space<vmem>>) dst(%dma_wait3A_144 : memref<10240x128xf32, #tpu.memory_space<vmem_shared>>)
    %dma_wait3A_145 = arith.constant 0 : i32
    %dma_wait3A_146 = arith.constant 0 : i32
    %dma_wait3A_147 = tpu.memref_slice %arg6[%dma_wait3A_145, %dma_wait3A_146] : memref<10240x128xf32, #tpu.memory_space<vmem_shared>> -> memref<10240x128xf32, #tpu.memory_space<vmem_shared>>
    tpu.wait_indirect_dma semaphore(%arg14 : memref<!tpu.dma_semaphore, #tpu.memory_space<semaphore_mem>>) src(%arg10 : memref<80x128xf32, #tpu.memory_space<vmem>>) dst(%dma_wait3A_147 : memref<10240x128xf32, #tpu.memory_space<vmem_shared>>)
    %barrier3A_148 = arith.constant 0 : index
    tpu.barrier barrier_id(%barrier3A_148)
    %mul3A_149 = arith.constant 10240 : i32
    %mul3A_150 = arith.muli %arg0, %mul3A_149 : i32
    %mul3A_151 = arith.constant 640 : i32
    %mul3A_152 = arith.muli %arg1, %mul3A_151 : i32
    %add3A_153 = arith.addi %mul3A_150, %mul3A_152 : i32
    %add3A_154 = arith.constant 0 : i32
    %add3A_155 = arith.addi %add3A_153, %add3A_154 : i32
    %multiple_of3A_156 = tpu.assume_multiple %add3A_155, 8 : i32
    %mul3A_157 = arith.constant 640 : i32
    %mul3A_158 = arith.muli %arg1, %mul3A_157 : i32
    %add3A_159 = arith.constant 0 : i32
    %add3A_160 = arith.addi %mul3A_158, %add3A_159 : i32
    "tpu.region"() ({
      %run_scoped3A = tpu.sem_alloc : memref<!tpu.dma_semaphore, #tpu.memory_space<semaphore_mem>>
      %dma_start3A_321 = arith.constant 0 : i32
      %dma_start3A_322 = tpu.memref_slice %arg6[%add3A_160, %dma_start3A_321] : memref<10240x128xf32, #tpu.memory_space<vmem_shared>> -> memref<80x128xf32, #tpu.memory_space<vmem_shared>>
      %dma_start3A_323 = arith.constant 0 : i32
      %dma_start3A_324 = tpu.memref_slice %arg6[%add3A_160, %dma_start3A_323] : memref<10240x128xf32, #tpu.memory_space<vmem_shared>> -> memref<80x128xf32, #tpu.memory_space<vmem_shared>>
      tpu.enqueue_dma source(%dma_start3A_324 : memref<80x128xf32, #tpu.memory_space<vmem_shared>>) target(%arg9 : memref<80x128xf32, #tpu.memory_space<vmem>>) target_semaphore(%run_scoped3A : memref<!tpu.dma_semaphore, #tpu.memory_space<semaphore_mem>>)
      %dma_wait3A_325 = arith.constant 0 : i32
      %dma_wait3A_326 = tpu.memref_slice %arg6[%add3A_160, %dma_wait3A_325] : memref<10240x128xf32, #tpu.memory_space<vmem_shared>> -> memref<80x128xf32, #tpu.memory_space<vmem_shared>>
      %dma_wait3A_327 = arith.constant 0 : i32
      %dma_wait3A_328 = tpu.memref_slice %arg6[%add3A_160, %dma_wait3A_327] : memref<10240x128xf32, #tpu.memory_space<vmem_shared>> -> memref<80x128xf32, #tpu.memory_space<vmem_shared>>
      tpu.wait_dma2 semaphore(%run_scoped3A : memref<!tpu.dma_semaphore, #tpu.memory_space<semaphore_mem>>) src(%dma_wait3A_328 : memref<80x128xf32, #tpu.memory_space<vmem_shared>>) dst(%arg9 : memref<80x128xf32, #tpu.memory_space<vmem>>)
      tpu.yield
    }) : () -> ()
    %dma_start3A_161 = arith.constant 0 : i32
    %dma_start3A_162 = tpu.memref_slice %arg5[%multiple_of3A_156, %dma_start3A_161] : memref<20480x128xf32, #tpu.memory_space<hbm>> -> memref<80x128xf32, #tpu.memory_space<hbm>>
    %dma_start3A_163 = arith.constant 0 : i32
    %dma_start3A_164 = tpu.memref_slice %arg5[%multiple_of3A_156, %dma_start3A_163] : memref<20480x128xf32, #tpu.memory_space<hbm>> -> memref<80x128xf32, #tpu.memory_space<hbm>>
    tpu.enqueue_dma source(%arg9 : memref<80x128xf32, #tpu.memory_space<vmem>>) target(%dma_start3A_164 : memref<80x128xf32, #tpu.memory_space<hbm>>) target_semaphore(%arg11 : memref<!tpu.dma_semaphore, #tpu.memory_space<semaphore_mem>>)
    %mul3A_165 = arith.constant 10240 : i32
    %mul3A_166 = arith.muli %arg0, %mul3A_165 : i32
    %mul3A_167 = arith.constant 640 : i32
    %mul3A_168 = arith.muli %arg1, %mul3A_167 : i32
    %add3A_169 = arith.addi %mul3A_166, %mul3A_168 : i32
    %add3A_170 = arith.constant 80 : i32
    %add3A_171 = arith.addi %add3A_169, %add3A_170 : i32
    %multiple_of3A_172 = tpu.assume_multiple %add3A_171, 8 : i32
    %mul3A_173 = arith.constant 640 : i32
    %mul3A_174 = arith.muli %arg1, %mul3A_173 : i32
    %add3A_175 = arith.constant 80 : i32
    %add3A_176 = arith.addi %mul3A_174, %add3A_175 : i32
    "tpu.region"() ({
      %run_scoped3A = tpu.sem_alloc : memref<!tpu.dma_semaphore, #tpu.memory_space<semaphore_mem>>
      %dma_start3A_321 = arith.constant 0 : i32
      %dma_start3A_322 = tpu.memref_slice %arg6[%add3A_176, %dma_start3A_321] : memref<10240x128xf32, #tpu.memory_space<vmem_shared>> -> memref<80x128xf32, #tpu.memory_space<vmem_shared>>
      %dma_start3A_323 = arith.constant 0 : i32
      %dma_start3A_324 = tpu.memref_slice %arg6[%add3A_176, %dma_start3A_323] : memref<10240x128xf32, #tpu.memory_space<vmem_shared>> -> memref<80x128xf32, #tpu.memory_space<vmem_shared>>
      tpu.enqueue_dma source(%dma_start3A_324 : memref<80x128xf32, #tpu.memory_space<vmem_shared>>) target(%arg10 : memref<80x128xf32, #tpu.memory_space<vmem>>) target_semaphore(%run_scoped3A : memref<!tpu.dma_semaphore, #tpu.memory_space<semaphore_mem>>)
      %dma_wait3A_325 = arith.constant 0 : i32
      %dma_wait3A_326 = tpu.memref_slice %arg6[%add3A_176, %dma_wait3A_325] : memref<10240x128xf32, #tpu.memory_space<vmem_shared>> -> memref<80x128xf32, #tpu.memory_space<vmem_shared>>
      %dma_wait3A_327 = arith.constant 0 : i32
      %dma_wait3A_328 = tpu.memref_slice %arg6[%add3A_176, %dma_wait3A_327] : memref<10240x128xf32, #tpu.memory_space<vmem_shared>> -> memref<80x128xf32, #tpu.memory_space<vmem_shared>>
      tpu.wait_dma2 semaphore(%run_scoped3A : memref<!tpu.dma_semaphore, #tpu.memory_space<semaphore_mem>>) src(%dma_wait3A_328 : memref<80x128xf32, #tpu.memory_space<vmem_shared>>) dst(%arg10 : memref<80x128xf32, #tpu.memory_space<vmem>>)
      tpu.yield
    }) : () -> ()
    %dma_start3A_177 = arith.constant 0 : i32
    %dma_start3A_178 = tpu.memref_slice %arg5[%multiple_of3A_172, %dma_start3A_177] : memref<20480x128xf32, #tpu.memory_space<hbm>> -> memref<80x128xf32, #tpu.memory_space<hbm>>
    %dma_start3A_179 = arith.constant 0 : i32
    %dma_start3A_180 = tpu.memref_slice %arg5[%multiple_of3A_172, %dma_start3A_179] : memref<20480x128xf32, #tpu.memory_space<hbm>> -> memref<80x128xf32, #tpu.memory_space<hbm>>
    tpu.enqueue_dma source(%arg10 : memref<80x128xf32, #tpu.memory_space<vmem>>) target(%dma_start3A_180 : memref<80x128xf32, #tpu.memory_space<hbm>>) target_semaphore(%arg12 : memref<!tpu.dma_semaphore, #tpu.memory_space<semaphore_mem>>)
    %mul3A_181 = arith.constant 10240 : i32
    %mul3A_182 = arith.muli %arg0, %mul3A_181 : i32
    %mul3A_183 = arith.constant 640 : i32
    %mul3A_184 = arith.muli %arg1, %mul3A_183 : i32
    %add3A_185 = arith.addi %mul3A_182, %mul3A_184 : i32
    %add3A_186 = arith.constant 160 : i32
    %add3A_187 = arith.addi %add3A_185, %add3A_186 : i32
    %multiple_of3A_188 = tpu.assume_multiple %add3A_187, 8 : i32
    %dma_wait3A_189 = arith.constant 0 : i32
    %dma_wait3A_190 = tpu.memref_slice %arg5[%multiple_of3A_188, %dma_wait3A_189] : memref<20480x128xf32, #tpu.memory_space<hbm>> -> memref<80x128xf32, #tpu.memory_space<hbm>>
    %dma_wait3A_191 = arith.constant 0 : i32
    %dma_wait3A_192 = tpu.memref_slice %arg5[%multiple_of3A_188, %dma_wait3A_191] : memref<20480x128xf32, #tpu.memory_space<hbm>> -> memref<80x128xf32, #tpu.memory_space<hbm>>
    tpu.wait_dma2 semaphore(%arg11 : memref<!tpu.dma_semaphore, #tpu.memory_space<semaphore_mem>>) src(%arg9 : memref<80x128xf32, #tpu.memory_space<vmem>>) dst(%dma_wait3A_192 : memref<80x128xf32, #tpu.memory_space<hbm>>)
    %mul3A_193 = arith.constant 640 : i32
    %mul3A_194 = arith.muli %arg1, %mul3A_193 : i32
    %add3A_195 = arith.constant 160 : i32
    %add3A_196 = arith.addi %mul3A_194, %add3A_195 : i32
    "tpu.region"() ({
      %run_scoped3A = tpu.sem_alloc : memref<!tpu.dma_semaphore, #tpu.memory_space<semaphore_mem>>
      %dma_start3A_321 = arith.constant 0 : i32
      %dma_start3A_322 = tpu.memref_slice %arg6[%add3A_196, %dma_start3A_321] : memref<10240x128xf32, #tpu.memory_space<vmem_shared>> -> memref<80x128xf32, #tpu.memory_space<vmem_shared>>
      %dma_start3A_323 = arith.constant 0 : i32
      %dma_start3A_324 = tpu.memref_slice %arg6[%add3A_196, %dma_start3A_323] : memref<10240x128xf32, #tpu.memory_space<vmem_shared>> -> memref<80x128xf32, #tpu.memory_space<vmem_shared>>
      tpu.enqueue_dma source(%dma_start3A_324 : memref<80x128xf32, #tpu.memory_space<vmem_shared>>) target(%arg9 : memref<80x128xf32, #tpu.memory_space<vmem>>) target_semaphore(%run_scoped3A : memref<!tpu.dma_semaphore, #tpu.memory_space<semaphore_mem>>)
      %dma_wait3A_325 = arith.constant 0 : i32
      %dma_wait3A_326 = tpu.memref_slice %arg6[%add3A_196, %dma_wait3A_325] : memref<10240x128xf32, #tpu.memory_space<vmem_shared>> -> memref<80x128xf32, #tpu.memory_space<vmem_shared>>
      %dma_wait3A_327 = arith.constant 0 : i32
      %dma_wait3A_328 = tpu.memref_slice %arg6[%add3A_196, %dma_wait3A_327] : memref<10240x128xf32, #tpu.memory_space<vmem_shared>> -> memref<80x128xf32, #tpu.memory_space<vmem_shared>>
      tpu.wait_dma2 semaphore(%run_scoped3A : memref<!tpu.dma_semaphore, #tpu.memory_space<semaphore_mem>>) src(%dma_wait3A_328 : memref<80x128xf32, #tpu.memory_space<vmem_shared>>) dst(%arg9 : memref<80x128xf32, #tpu.memory_space<vmem>>)
      tpu.yield
    }) : () -> ()
    %dma_start3A_197 = arith.constant 0 : i32
    %dma_start3A_198 = tpu.memref_slice %arg5[%multiple_of3A_188, %dma_start3A_197] : memref<20480x128xf32, #tpu.memory_space<hbm>> -> memref<80x128xf32, #tpu.memory_space<hbm>>
    %dma_start3A_199 = arith.constant 0 : i32
    %dma_start3A_200 = tpu.memref_slice %arg5[%multiple_of3A_188, %dma_start3A_199] : memref<20480x128xf32, #tpu.memory_space<hbm>> -> memref<80x128xf32, #tpu.memory_space<hbm>>
    tpu.enqueue_dma source(%arg9 : memref<80x128xf32, #tpu.memory_space<vmem>>) target(%dma_start3A_200 : memref<80x128xf32, #tpu.memory_space<hbm>>) target_semaphore(%arg11 : memref<!tpu.dma_semaphore, #tpu.memory_space<semaphore_mem>>)
    %mul3A_201 = arith.constant 10240 : i32
    %mul3A_202 = arith.muli %arg0, %mul3A_201 : i32
    %mul3A_203 = arith.constant 640 : i32
    %mul3A_204 = arith.muli %arg1, %mul3A_203 : i32
    %add3A_205 = arith.addi %mul3A_202, %mul3A_204 : i32
    %add3A_206 = arith.constant 240 : i32
    %add3A_207 = arith.addi %add3A_205, %add3A_206 : i32
    %multiple_of3A_208 = tpu.assume_multiple %add3A_207, 8 : i32
    %dma_wait3A_209 = arith.constant 0 : i32
    %dma_wait3A_210 = tpu.memref_slice %arg5[%multiple_of3A_208, %dma_wait3A_209] : memref<20480x128xf32, #tpu.memory_space<hbm>> -> memref<80x128xf32, #tpu.memory_space<hbm>>
    %dma_wait3A_211 = arith.constant 0 : i32
    %dma_wait3A_212 = tpu.memref_slice %arg5[%multiple_of3A_208, %dma_wait3A_211] : memref<20480x128xf32, #tpu.memory_space<hbm>> -> memref<80x128xf32, #tpu.memory_space<hbm>>
    tpu.wait_dma2 semaphore(%arg12 : memref<!tpu.dma_semaphore, #tpu.memory_space<semaphore_mem>>) src(%arg10 : memref<80x128xf32, #tpu.memory_space<vmem>>) dst(%dma_wait3A_212 : memref<80x128xf32, #tpu.memory_space<hbm>>)
    %mul3A_213 = arith.constant 640 : i32
    %mul3A_214 = arith.muli %arg1, %mul3A_213 : i32
    %add3A_215 = arith.constant 240 : i32
    %add3A_216 = arith.addi %mul3A_214, %add3A_215 : i32
    "tpu.region"() ({
      %run_scoped3A = tpu.sem_alloc : memref<!tpu.dma_semaphore, #tpu.memory_space<semaphore_mem>>
      %dma_start3A_321 = arith.constant 0 : i32
      %dma_start3A_322 = tpu.memref_slice %arg6[%add3A_216, %dma_start3A_321] : memref<10240x128xf32, #tpu.memory_space<vmem_shared>> -> memref<80x128xf32, #tpu.memory_space<vmem_shared>>
      %dma_start3A_323 = arith.constant 0 : i32
      %dma_start3A_324 = tpu.memref_slice %arg6[%add3A_216, %dma_start3A_323] : memref<10240x128xf32, #tpu.memory_space<vmem_shared>> -> memref<80x128xf32, #tpu.memory_space<vmem_shared>>
      tpu.enqueue_dma source(%dma_start3A_324 : memref<80x128xf32, #tpu.memory_space<vmem_shared>>) target(%arg10 : memref<80x128xf32, #tpu.memory_space<vmem>>) target_semaphore(%run_scoped3A : memref<!tpu.dma_semaphore, #tpu.memory_space<semaphore_mem>>)
      %dma_wait3A_325 = arith.constant 0 : i32
      %dma_wait3A_326 = tpu.memref_slice %arg6[%add3A_216, %dma_wait3A_325] : memref<10240x128xf32, #tpu.memory_space<vmem_shared>> -> memref<80x128xf32, #tpu.memory_space<vmem_shared>>
      %dma_wait3A_327 = arith.constant 0 : i32
      %dma_wait3A_328 = tpu.memref_slice %arg6[%add3A_216, %dma_wait3A_327] : memref<10240x128xf32, #tpu.memory_space<vmem_shared>> -> memref<80x128xf32, #tpu.memory_space<vmem_shared>>
      tpu.wait_dma2 semaphore(%run_scoped3A : memref<!tpu.dma_semaphore, #tpu.memory_space<semaphore_mem>>) src(%dma_wait3A_328 : memref<80x128xf32, #tpu.memory_space<vmem_shared>>) dst(%arg10 : memref<80x128xf32, #tpu.memory_space<vmem>>)
      tpu.yield
    }) : () -> ()
    %dma_start3A_217 = arith.constant 0 : i32
    %dma_start3A_218 = tpu.memref_slice %arg5[%multiple_of3A_208, %dma_start3A_217] : memref<20480x128xf32, #tpu.memory_space<hbm>> -> memref<80x128xf32, #tpu.memory_space<hbm>>
    %dma_start3A_219 = arith.constant 0 : i32
    %dma_start3A_220 = tpu.memref_slice %arg5[%multiple_of3A_208, %dma_start3A_219] : memref<20480x128xf32, #tpu.memory_space<hbm>> -> memref<80x128xf32, #tpu.memory_space<hbm>>
    tpu.enqueue_dma source(%arg10 : memref<80x128xf32, #tpu.memory_space<vmem>>) target(%dma_start3A_220 : memref<80x128xf32, #tpu.memory_space<hbm>>) target_semaphore(%arg12 : memref<!tpu.dma_semaphore, #tpu.memory_space<semaphore_mem>>)
    %mul3A_221 = arith.constant 10240 : i32
    %mul3A_222 = arith.muli %arg0, %mul3A_221 : i32
    %mul3A_223 = arith.constant 640 : i32
    %mul3A_224 = arith.muli %arg1, %mul3A_223 : i32
    %add3A_225 = arith.addi %mul3A_222, %mul3A_224 : i32
    %add3A_226 = arith.constant 320 : i32
    %add3A_227 = arith.addi %add3A_225, %add3A_226 : i32
    %multiple_of3A_228 = tpu.assume_multiple %add3A_227, 8 : i32
    %dma_wait3A_229 = arith.constant 0 : i32
    %dma_wait3A_230 = tpu.memref_slice %arg5[%multiple_of3A_228, %dma_wait3A_229] : memref<20480x128xf32, #tpu.memory_space<hbm>> -> memref<80x128xf32, #tpu.memory_space<hbm>>
    %dma_wait3A_231 = arith.constant 0 : i32
    %dma_wait3A_232 = tpu.memref_slice %arg5[%multiple_of3A_228, %dma_wait3A_231] : memref<20480x128xf32, #tpu.memory_space<hbm>> -> memref<80x128xf32, #tpu.memory_space<hbm>>
    tpu.wait_dma2 semaphore(%arg11 : memref<!tpu.dma_semaphore, #tpu.memory_space<semaphore_mem>>) src(%arg9 : memref<80x128xf32, #tpu.memory_space<vmem>>) dst(%dma_wait3A_232 : memref<80x128xf32, #tpu.memory_space<hbm>>)
    %mul3A_233 = arith.constant 640 : i32
    %mul3A_234 = arith.muli %arg1, %mul3A_233 : i32
    %add3A_235 = arith.constant 320 : i32
    %add3A_236 = arith.addi %mul3A_234, %add3A_235 : i32
    "tpu.region"() ({
      %run_scoped3A = tpu.sem_alloc : memref<!tpu.dma_semaphore, #tpu.memory_space<semaphore_mem>>
      %dma_start3A_321 = arith.constant 0 : i32
      %dma_start3A_322 = tpu.memref_slice %arg6[%add3A_236, %dma_start3A_321] : memref<10240x128xf32, #tpu.memory_space<vmem_shared>> -> memref<80x128xf32, #tpu.memory_space<vmem_shared>>
      %dma_start3A_323 = arith.constant 0 : i32
      %dma_start3A_324 = tpu.memref_slice %arg6[%add3A_236, %dma_start3A_323] : memref<10240x128xf32, #tpu.memory_space<vmem_shared>> -> memref<80x128xf32, #tpu.memory_space<vmem_shared>>
      tpu.enqueue_dma source(%dma_start3A_324 : memref<80x128xf32, #tpu.memory_space<vmem_shared>>) target(%arg9 : memref<80x128xf32, #tpu.memory_space<vmem>>) target_semaphore(%run_scoped3A : memref<!tpu.dma_semaphore, #tpu.memory_space<semaphore_mem>>)
      %dma_wait3A_325 = arith.constant 0 : i32
      %dma_wait3A_326 = tpu.memref_slice %arg6[%add3A_236, %dma_wait3A_325] : memref<10240x128xf32, #tpu.memory_space<vmem_shared>> -> memref<80x128xf32, #tpu.memory_space<vmem_shared>>
      %dma_wait3A_327 = arith.constant 0 : i32
      %dma_wait3A_328 = tpu.memref_slice %arg6[%add3A_236, %dma_wait3A_327] : memref<10240x128xf32, #tpu.memory_space<vmem_shared>> -> memref<80x128xf32, #tpu.memory_space<vmem_shared>>
      tpu.wait_dma2 semaphore(%run_scoped3A : memref<!tpu.dma_semaphore, #tpu.memory_space<semaphore_mem>>) src(%dma_wait3A_328 : memref<80x128xf32, #tpu.memory_space<vmem_shared>>) dst(%arg9 : memref<80x128xf32, #tpu.memory_space<vmem>>)
      tpu.yield
    }) : () -> ()
    %dma_start3A_237 = arith.constant 0 : i32
    %dma_start3A_238 = tpu.memref_slice %arg5[%multiple_of3A_228, %dma_start3A_237] : memref<20480x128xf32, #tpu.memory_space<hbm>> -> memref<80x128xf32, #tpu.memory_space<hbm>>
    %dma_start3A_239 = arith.constant 0 : i32
    %dma_start3A_240 = tpu.memref_slice %arg5[%multiple_of3A_228, %dma_start3A_239] : memref<20480x128xf32, #tpu.memory_space<hbm>> -> memref<80x128xf32, #tpu.memory_space<hbm>>
    tpu.enqueue_dma source(%arg9 : memref<80x128xf32, #tpu.memory_space<vmem>>) target(%dma_start3A_240 : memref<80x128xf32, #tpu.memory_space<hbm>>) target_semaphore(%arg11 : memref<!tpu.dma_semaphore, #tpu.memory_space<semaphore_mem>>)
    %mul3A_241 = arith.constant 10240 : i32
    %mul3A_242 = arith.muli %arg0, %mul3A_241 : i32
    %mul3A_243 = arith.constant 640 : i32
    %mul3A_244 = arith.muli %arg1, %mul3A_243 : i32
    %add3A_245 = arith.addi %mul3A_242, %mul3A_244 : i32
    %add3A_246 = arith.constant 400 : i32
    %add3A_247 = arith.addi %add3A_245, %add3A_246 : i32
    %multiple_of3A_248 = tpu.assume_multiple %add3A_247, 8 : i32
    %dma_wait3A_249 = arith.constant 0 : i32
    %dma_wait3A_250 = tpu.memref_slice %arg5[%multiple_of3A_248, %dma_wait3A_249] : memref<20480x128xf32, #tpu.memory_space<hbm>> -> memref<80x128xf32, #tpu.memory_space<hbm>>
    %dma_wait3A_251 = arith.constant 0 : i32
    %dma_wait3A_252 = tpu.memref_slice %arg5[%multiple_of3A_248, %dma_wait3A_251] : memref<20480x128xf32, #tpu.memory_space<hbm>> -> memref<80x128xf32, #tpu.memory_space<hbm>>
    tpu.wait_dma2 semaphore(%arg12 : memref<!tpu.dma_semaphore, #tpu.memory_space<semaphore_mem>>) src(%arg10 : memref<80x128xf32, #tpu.memory_space<vmem>>) dst(%dma_wait3A_252 : memref<80x128xf32, #tpu.memory_space<hbm>>)
    %mul3A_253 = arith.constant 640 : i32
    %mul3A_254 = arith.muli %arg1, %mul3A_253 : i32
    %add3A_255 = arith.constant 400 : i32
    %add3A_256 = arith.addi %mul3A_254, %add3A_255 : i32
    "tpu.region"() ({
      %run_scoped3A = tpu.sem_alloc : memref<!tpu.dma_semaphore, #tpu.memory_space<semaphore_mem>>
      %dma_start3A_321 = arith.constant 0 : i32
      %dma_start3A_322 = tpu.memref_slice %arg6[%add3A_256, %dma_start3A_321] : memref<10240x128xf32, #tpu.memory_space<vmem_shared>> -> memref<80x128xf32, #tpu.memory_space<vmem_shared>>
      %dma_start3A_323 = arith.constant 0 : i32
      %dma_start3A_324 = tpu.memref_slice %arg6[%add3A_256, %dma_start3A_323] : memref<10240x128xf32, #tpu.memory_space<vmem_shared>> -> memref<80x128xf32, #tpu.memory_space<vmem_shared>>
      tpu.enqueue_dma source(%dma_start3A_324 : memref<80x128xf32, #tpu.memory_space<vmem_shared>>) target(%arg10 : memref<80x128xf32, #tpu.memory_space<vmem>>) target_semaphore(%run_scoped3A : memref<!tpu.dma_semaphore, #tpu.memory_space<semaphore_mem>>)
      %dma_wait3A_325 = arith.constant 0 : i32
      %dma_wait3A_326 = tpu.memref_slice %arg6[%add3A_256, %dma_wait3A_325] : memref<10240x128xf32, #tpu.memory_space<vmem_shared>> -> memref<80x128xf32, #tpu.memory_space<vmem_shared>>
      %dma_wait3A_327 = arith.constant 0 : i32
      %dma_wait3A_328 = tpu.memref_slice %arg6[%add3A_256, %dma_wait3A_327] : memref<10240x128xf32, #tpu.memory_space<vmem_shared>> -> memref<80x128xf32, #tpu.memory_space<vmem_shared>>
      tpu.wait_dma2 semaphore(%run_scoped3A : memref<!tpu.dma_semaphore, #tpu.memory_space<semaphore_mem>>) src(%dma_wait3A_328 : memref<80x128xf32, #tpu.memory_space<vmem_shared>>) dst(%arg10 : memref<80x128xf32, #tpu.memory_space<vmem>>)
      tpu.yield
    }) : () -> ()
    %dma_start3A_257 = arith.constant 0 : i32
    %dma_start3A_258 = tpu.memref_slice %arg5[%multiple_of3A_248, %dma_start3A_257] : memref<20480x128xf32, #tpu.memory_space<hbm>> -> memref<80x128xf32, #tpu.memory_space<hbm>>
    %dma_start3A_259 = arith.constant 0 : i32
    %dma_start3A_260 = tpu.memref_slice %arg5[%multiple_of3A_248, %dma_start3A_259] : memref<20480x128xf32, #tpu.memory_space<hbm>> -> memref<80x128xf32, #tpu.memory_space<hbm>>
    tpu.enqueue_dma source(%arg10 : memref<80x128xf32, #tpu.memory_space<vmem>>) target(%dma_start3A_260 : memref<80x128xf32, #tpu.memory_space<hbm>>) target_semaphore(%arg12 : memref<!tpu.dma_semaphore, #tpu.memory_space<semaphore_mem>>)
    %mul3A_261 = arith.constant 10240 : i32
    %mul3A_262 = arith.muli %arg0, %mul3A_261 : i32
    %mul3A_263 = arith.constant 640 : i32
    %mul3A_264 = arith.muli %arg1, %mul3A_263 : i32
    %add3A_265 = arith.addi %mul3A_262, %mul3A_264 : i32
    %add3A_266 = arith.constant 480 : i32
    %add3A_267 = arith.addi %add3A_265, %add3A_266 : i32
    %multiple_of3A_268 = tpu.assume_multiple %add3A_267, 8 : i32
    %dma_wait3A_269 = arith.constant 0 : i32
    %dma_wait3A_270 = tpu.memref_slice %arg5[%multiple_of3A_268, %dma_wait3A_269] : memref<20480x128xf32, #tpu.memory_space<hbm>> -> memref<80x128xf32, #tpu.memory_space<hbm>>
    %dma_wait3A_271 = arith.constant 0 : i32
    %dma_wait3A_272 = tpu.memref_slice %arg5[%multiple_of3A_268, %dma_wait3A_271] : memref<20480x128xf32, #tpu.memory_space<hbm>> -> memref<80x128xf32, #tpu.memory_space<hbm>>
    tpu.wait_dma2 semaphore(%arg11 : memref<!tpu.dma_semaphore, #tpu.memory_space<semaphore_mem>>) src(%arg9 : memref<80x128xf32, #tpu.memory_space<vmem>>) dst(%dma_wait3A_272 : memref<80x128xf32, #tpu.memory_space<hbm>>)
    %mul3A_273 = arith.constant 640 : i32
    %mul3A_274 = arith.muli %arg1, %mul3A_273 : i32
    %add3A_275 = arith.constant 480 : i32
    %add3A_276 = arith.addi %mul3A_274, %add3A_275 : i32
    "tpu.region"() ({
      %run_scoped3A = tpu.sem_alloc : memref<!tpu.dma_semaphore, #tpu.memory_space<semaphore_mem>>
      %dma_start3A_321 = arith.constant 0 : i32
      %dma_start3A_322 = tpu.memref_slice %arg6[%add3A_276, %dma_start3A_321] : memref<10240x128xf32, #tpu.memory_space<vmem_shared>> -> memref<80x128xf32, #tpu.memory_space<vmem_shared>>
      %dma_start3A_323 = arith.constant 0 : i32
      %dma_start3A_324 = tpu.memref_slice %arg6[%add3A_276, %dma_start3A_323] : memref<10240x128xf32, #tpu.memory_space<vmem_shared>> -> memref<80x128xf32, #tpu.memory_space<vmem_shared>>
      tpu.enqueue_dma source(%dma_start3A_324 : memref<80x128xf32, #tpu.memory_space<vmem_shared>>) target(%arg9 : memref<80x128xf32, #tpu.memory_space<vmem>>) target_semaphore(%run_scoped3A : memref<!tpu.dma_semaphore, #tpu.memory_space<semaphore_mem>>)
      %dma_wait3A_325 = arith.constant 0 : i32
      %dma_wait3A_326 = tpu.memref_slice %arg6[%add3A_276, %dma_wait3A_325] : memref<10240x128xf32, #tpu.memory_space<vmem_shared>> -> memref<80x128xf32, #tpu.memory_space<vmem_shared>>
      %dma_wait3A_327 = arith.constant 0 : i32
      %dma_wait3A_328 = tpu.memref_slice %arg6[%add3A_276, %dma_wait3A_327] : memref<10240x128xf32, #tpu.memory_space<vmem_shared>> -> memref<80x128xf32, #tpu.memory_space<vmem_shared>>
      tpu.wait_dma2 semaphore(%run_scoped3A : memref<!tpu.dma_semaphore, #tpu.memory_space<semaphore_mem>>) src(%dma_wait3A_328 : memref<80x128xf32, #tpu.memory_space<vmem_shared>>) dst(%arg9 : memref<80x128xf32, #tpu.memory_space<vmem>>)
      tpu.yield
    }) : () -> ()
    %dma_start3A_277 = arith.constant 0 : i32
    %dma_start3A_278 = tpu.memref_slice %arg5[%multiple_of3A_268, %dma_start3A_277] : memref<20480x128xf32, #tpu.memory_space<hbm>> -> memref<80x128xf32, #tpu.memory_space<hbm>>
    %dma_start3A_279 = arith.constant 0 : i32
    %dma_start3A_280 = tpu.memref_slice %arg5[%multiple_of3A_268, %dma_start3A_279] : memref<20480x128xf32, #tpu.memory_space<hbm>> -> memref<80x128xf32, #tpu.memory_space<hbm>>
    tpu.enqueue_dma source(%arg9 : memref<80x128xf32, #tpu.memory_space<vmem>>) target(%dma_start3A_280 : memref<80x128xf32, #tpu.memory_space<hbm>>) target_semaphore(%arg11 : memref<!tpu.dma_semaphore, #tpu.memory_space<semaphore_mem>>)
    %mul3A_281 = arith.constant 10240 : i32
    %mul3A_282 = arith.muli %arg0, %mul3A_281 : i32
    %mul3A_283 = arith.constant 640 : i32
    %mul3A_284 = arith.muli %arg1, %mul3A_283 : i32
    %add3A_285 = arith.addi %mul3A_282, %mul3A_284 : i32
    %add3A_286 = arith.constant 560 : i32
    %add3A_287 = arith.addi %add3A_285, %add3A_286 : i32
    %multiple_of3A_288 = tpu.assume_multiple %add3A_287, 8 : i32
    %dma_wait3A_289 = arith.constant 0 : i32
    %dma_wait3A_290 = tpu.memref_slice %arg5[%multiple_of3A_288, %dma_wait3A_289] : memref<20480x128xf32, #tpu.memory_space<hbm>> -> memref<80x128xf32, #tpu.memory_space<hbm>>
    %dma_wait3A_291 = arith.constant 0 : i32
    %dma_wait3A_292 = tpu.memref_slice %arg5[%multiple_of3A_288, %dma_wait3A_291] : memref<20480x128xf32, #tpu.memory_space<hbm>> -> memref<80x128xf32, #tpu.memory_space<hbm>>
    tpu.wait_dma2 semaphore(%arg12 : memref<!tpu.dma_semaphore, #tpu.memory_space<semaphore_mem>>) src(%arg10 : memref<80x128xf32, #tpu.memory_space<vmem>>) dst(%dma_wait3A_292 : memref<80x128xf32, #tpu.memory_space<hbm>>)
    %mul3A_293 = arith.constant 640 : i32
    %mul3A_294 = arith.muli %arg1, %mul3A_293 : i32
    %add3A_295 = arith.constant 560 : i32
    %add3A_296 = arith.addi %mul3A_294, %add3A_295 : i32
    "tpu.region"() ({
      %run_scoped3A = tpu.sem_alloc : memref<!tpu.dma_semaphore, #tpu.memory_space<semaphore_mem>>
      %dma_start3A_321 = arith.constant 0 : i32
      %dma_start3A_322 = tpu.memref_slice %arg6[%add3A_296, %dma_start3A_321] : memref<10240x128xf32, #tpu.memory_space<vmem_shared>> -> memref<80x128xf32, #tpu.memory_space<vmem_shared>>
      %dma_start3A_323 = arith.constant 0 : i32
      %dma_start3A_324 = tpu.memref_slice %arg6[%add3A_296, %dma_start3A_323] : memref<10240x128xf32, #tpu.memory_space<vmem_shared>> -> memref<80x128xf32, #tpu.memory_space<vmem_shared>>
      tpu.enqueue_dma source(%dma_start3A_324 : memref<80x128xf32, #tpu.memory_space<vmem_shared>>) target(%arg10 : memref<80x128xf32, #tpu.memory_space<vmem>>) target_semaphore(%run_scoped3A : memref<!tpu.dma_semaphore, #tpu.memory_space<semaphore_mem>>)
      %dma_wait3A_325 = arith.constant 0 : i32
      %dma_wait3A_326 = tpu.memref_slice %arg6[%add3A_296, %dma_wait3A_325] : memref<10240x128xf32, #tpu.memory_space<vmem_shared>> -> memref<80x128xf32, #tpu.memory_space<vmem_shared>>
      %dma_wait3A_327 = arith.constant 0 : i32
      %dma_wait3A_328 = tpu.memref_slice %arg6[%add3A_296, %dma_wait3A_327] : memref<10240x128xf32, #tpu.memory_space<vmem_shared>> -> memref<80x128xf32, #tpu.memory_space<vmem_shared>>
      tpu.wait_dma2 semaphore(%run_scoped3A : memref<!tpu.dma_semaphore, #tpu.memory_space<semaphore_mem>>) src(%dma_wait3A_328 : memref<80x128xf32, #tpu.memory_space<vmem_shared>>) dst(%arg10 : memref<80x128xf32, #tpu.memory_space<vmem>>)
      tpu.yield
    }) : () -> ()
    %dma_start3A_297 = arith.constant 0 : i32
    %dma_start3A_298 = tpu.memref_slice %arg5[%multiple_of3A_288, %dma_start3A_297] : memref<20480x128xf32, #tpu.memory_space<hbm>> -> memref<80x128xf32, #tpu.memory_space<hbm>>
    %dma_start3A_299 = arith.constant 0 : i32
    %dma_start3A_300 = tpu.memref_slice %arg5[%multiple_of3A_288, %dma_start3A_299] : memref<20480x128xf32, #tpu.memory_space<hbm>> -> memref<80x128xf32, #tpu.memory_space<hbm>>
    tpu.enqueue_dma source(%arg10 : memref<80x128xf32, #tpu.memory_space<vmem>>) target(%dma_start3A_300 : memref<80x128xf32, #tpu.memory_space<hbm>>) target_semaphore(%arg12 : memref<!tpu.dma_semaphore, #tpu.memory_space<semaphore_mem>>)
    %mul3A_301 = arith.constant 10240 : i32
    %mul3A_302 = arith.muli %arg0, %mul3A_301 : i32
    %mul3A_303 = arith.constant 640 : i32
    %mul3A_304 = arith.muli %arg1, %mul3A_303 : i32
    %add3A_305 = arith.addi %mul3A_302, %mul3A_304 : i32
    %multiple_of3A_306 = tpu.assume_multiple %add3A_305, 8 : i32
    %dma_wait3A_307 = arith.constant 0 : i32
    %dma_wait3A_308 = tpu.memref_slice %arg5[%multiple_of3A_306, %dma_wait3A_307] : memref<20480x128xf32, #tpu.memory_space<hbm>> -> memref<80x128xf32, #tpu.memory_space<hbm>>
    %dma_wait3A_309 = arith.constant 0 : i32
    %dma_wait3A_310 = tpu.memref_slice %arg5[%multiple_of3A_306, %dma_wait3A_309] : memref<20480x128xf32, #tpu.memory_space<hbm>> -> memref<80x128xf32, #tpu.memory_space<hbm>>
    tpu.wait_dma2 semaphore(%arg11 : memref<!tpu.dma_semaphore, #tpu.memory_space<semaphore_mem>>) src(%arg9 : memref<80x128xf32, #tpu.memory_space<vmem>>) dst(%dma_wait3A_310 : memref<80x128xf32, #tpu.memory_space<hbm>>)
    %mul3A_311 = arith.constant 10240 : i32
    %mul3A_312 = arith.muli %arg0, %mul3A_311 : i32
    %mul3A_313 = arith.constant 640 : i32
    %mul3A_314 = arith.muli %arg1, %mul3A_313 : i32
    %add3A_315 = arith.addi %mul3A_312, %mul3A_314 : i32
    %multiple_of3A_316 = tpu.assume_multiple %add3A_315, 8 : i32
    %dma_wait3A_317 = arith.constant 0 : i32
    %dma_wait3A_318 = tpu.memref_slice %arg5[%multiple_of3A_316, %dma_wait3A_317] : memref<20480x128xf32, #tpu.memory_space<hbm>> -> memref<80x128xf32, #tpu.memory_space<hbm>>
    %dma_wait3A_319 = arith.constant 0 : i32
    %dma_wait3A_320 = tpu.memref_slice %arg5[%multiple_of3A_316, %dma_wait3A_319] : memref<20480x128xf32, #tpu.memory_space<hbm>> -> memref<80x128xf32, #tpu.memory_space<hbm>>
    tpu.wait_dma2 semaphore(%arg12 : memref<!tpu.dma_semaphore, #tpu.memory_space<semaphore_mem>>) src(%arg10 : memref<80x128xf32, #tpu.memory_space<vmem>>) dst(%dma_wait3A_320 : memref<80x128xf32, #tpu.memory_space<hbm>>)
    return
  }
}

module attributes {stable_mosaic.version = 14 : i64} {
  func.func @_dense1_body(%arg0: i32, %arg1: memref<2x1000x128xf32, #tpu.memory_space<vmem>>, %arg2: memref<1000x1xf32, #tpu.memory_space<vmem>>, %arg3: memref<1000x128xf32, #tpu.memory_space<vmem>>, %arg4: memref<128x128xf32, #tpu.memory_space<vmem>>, %arg5: memref<128x128xf32, #tpu.memory_space<vmem>>, %arg6: memref<1x128xf32, #tpu.memory_space<vmem>>, %arg7: memref<128x1xf32, #tpu.memory_space<vmem>>, %arg8: memref<1x1xf32, #tpu.memory_space<vmem>>, %arg9: memref<1000x1xf32, #tpu.memory_space<vmem>>) attributes {dimension_semantics = [#tpu.dimension_semantics<arbitrary>], iteration_bounds = array<i64: 10>, scalar_prefetch = 0 : i64, scratch_operands = 0 : i64, tpu.core_type = #tpu.core_type<tc>, window_params = [{transform_indices = @transform_0, window_bounds = array<i64: 2, 1000, 128>}, {transform_indices = @transform_1, window_bounds = array<i64: 1000, 1>}, {transform_indices = @transform_2, window_bounds = array<i64: 1000, 128>}, {pipeline_mode = #tpu.pipeline_mode<synchronous>, transform_indices = @transform_3, window_bounds = array<i64: 128, 128>}, {pipeline_mode = #tpu.pipeline_mode<synchronous>, transform_indices = @transform_4, window_bounds = array<i64: 128, 128>}, {pipeline_mode = #tpu.pipeline_mode<synchronous>, transform_indices = @transform_5, window_bounds = array<i64: 1, 128>}, {pipeline_mode = #tpu.pipeline_mode<synchronous>, transform_indices = @transform_6, window_bounds = array<i64: 128, 1>}, {pipeline_mode = #tpu.pipeline_mode<synchronous>, transform_indices = @transform_7, window_bounds = array<i64: 1, 1>}, {transform_indices = @transform_8, window_bounds = array<i64: 1000, 1>}]} {
    %get3A = arith.constant 0 : index
    %get3A_0 = arith.constant 0 : index
    %get3A_1 = arith.constant 0 : index
    %get3A_2 = vector.load %arg1[%get3A, %get3A_0, %get3A_1] : memref<2x1000x128xf32, #tpu.memory_space<vmem>>, vector<1x1000x128xf32>
    %get3A_3 = vector.shape_cast %get3A_2 : vector<1x1000x128xf32> to vector<1000x128xf32>
    %get3A_4 = arith.constant 1 : index
    %get3A_5 = arith.constant 0 : index
    %get3A_6 = arith.constant 0 : index
    %get3A_7 = vector.load %arg1[%get3A_4, %get3A_5, %get3A_6] : memref<2x1000x128xf32, #tpu.memory_space<vmem>>, vector<1x1000x128xf32>
    %get3A_8 = vector.shape_cast %get3A_7 : vector<1x1000x128xf32> to vector<1000x128xf32>
    %add3A = arith.addf %get3A_3, %get3A_8 : vector<1000x128xf32>
    %get3A_9 = arith.constant 0 : index
    %get3A_10 = arith.constant 0 : index
    %get3A_11 = vector.load %arg2[%get3A_9, %get3A_10] : memref<1000x1xf32, #tpu.memory_space<vmem>>, vector<1000x1xf32>
    %mul3A = vector.broadcast %get3A_11 : vector<1000x1xf32> to vector<1000x128xf32>
    %mul3A_12 = arith.mulf %add3A, %mul3A : vector<1000x128xf32>
    %get3A_13 = arith.constant 0 : index
    %get3A_14 = arith.constant 0 : index
    %get3A_15 = vector.load %arg4[%get3A_13, %get3A_14] : memref<128x128xf32, #tpu.memory_space<vmem>>, vector<128x128xf32>
    %dot_general3A = arith.constant dense<0.000000e+00> : vector<1000x128xf32>
    %dot_general3A_16 = tpu.matmul %mul3A_12, %get3A_15, %dot_general3A {dimension_numbers = #tpu.dot_dimension_numbers<[1], [0], [0], [1], [0, 0, 1, 1], [], []>, transpose_lhs_hint = false} : vector<1000x128xf32>, vector<128x128xf32>, vector<1000x128xf32> -> vector<1000x128xf32>
    %get3A_17 = arith.constant 0 : index
    %get3A_18 = arith.constant 0 : index
    %get3A_19 = vector.load %arg3[%get3A_17, %get3A_18] : memref<1000x128xf32, #tpu.memory_space<vmem>>, vector<1000x128xf32>
    %get3A_20 = arith.constant 0 : index
    %get3A_21 = arith.constant 0 : index
    %get3A_22 = vector.load %arg5[%get3A_20, %get3A_21] : memref<128x128xf32, #tpu.memory_space<vmem>>, vector<128x128xf32>
    %dot_general3A_23 = arith.constant dense<0.000000e+00> : vector<1000x128xf32>
    %dot_general3A_24 = tpu.matmul %get3A_19, %get3A_22, %dot_general3A_23 {dimension_numbers = #tpu.dot_dimension_numbers<[1], [0], [0], [1], [0, 0, 1, 1], [], []>, transpose_lhs_hint = false} : vector<1000x128xf32>, vector<128x128xf32>, vector<1000x128xf32> -> vector<1000x128xf32>
    %add3A_25 = arith.addf %dot_general3A_16, %dot_general3A_24 : vector<1000x128xf32>
    %get3A_26 = arith.constant 0 : index
    %get3A_27 = arith.constant 0 : index
    %get3A_28 = vector.load %arg6[%get3A_26, %get3A_27] : memref<1x128xf32, #tpu.memory_space<vmem>>, vector<1x128xf32>
    %add3A_29 = vector.broadcast %get3A_28 : vector<1x128xf32> to vector<1000x128xf32>
    %add3A_30 = arith.addf %add3A_25, %add3A_29 : vector<1000x128xf32>
    %max3A = arith.constant 0.000000e+00 : f32
    %max3A_31 = vector.broadcast %max3A : f32 to vector<1000x128xf32>
    %max3A_32 = arith.maximumf %add3A_30, %max3A_31 : vector<1000x128xf32>
    %get3A_33 = arith.constant 0 : index
    %get3A_34 = arith.constant 0 : index
    %get3A_35 = vector.load %arg7[%get3A_33, %get3A_34] : memref<128x1xf32, #tpu.memory_space<vmem>>, vector<128x1xf32>
    %dot_general3A_36 = arith.constant dense<0.000000e+00> : vector<1000x1xf32>
    %dot_general3A_37 = tpu.matmul %max3A_32, %get3A_35, %dot_general3A_36 {dimension_numbers = #tpu.dot_dimension_numbers<[1], [0], [0], [1], [0, 0, 1, 1], [], []>, transpose_lhs_hint = false} : vector<1000x128xf32>, vector<128x1xf32>, vector<1000x1xf32> -> vector<1000x1xf32>
    %get3A_38 = arith.constant 0 : index
    %get3A_39 = arith.constant 0 : index
    %get3A_40 = vector.load %arg8[%get3A_38, %get3A_39] : memref<1x1xf32, #tpu.memory_space<vmem>>, vector<1x1xf32>
    %add3A_41 = vector.broadcast %get3A_40 : vector<1x1xf32> to vector<1000x1xf32>
    %add3A_42 = arith.addf %dot_general3A_37, %add3A_41 : vector<1000x1xf32>
    %swap3A = arith.constant 0 : index
    %swap3A_43 = arith.constant 0 : index
    %swap3A_44 = vector.load %arg9[%swap3A, %swap3A_43] : memref<1000x1xf32, #tpu.memory_space<vmem>>, vector<1000x1xf32>
    tpu.vector_store %arg9[%swap3A, %swap3A_43], %add3A_42 {strides = array<i32>} : memref<1000x1xf32, #tpu.memory_space<vmem>>, vector<1000x1xf32>,
    return
  }
  func.func @transform_0(%arg0: i32) -> (i32, i32, i32) {
    %c0_i32 = arith.constant 0 : i32
    %c0_i32_0 = arith.constant 0 : i32
    %c0_i32_1 = arith.constant 0 : i32
    return %c0_i32, %arg0, %c0_i32_0 : i32, i32, i32
  }
  func.func @transform_1(%arg0: i32) -> (i32, i32) {
    %c0_i32 = arith.constant 0 : i32
    %c0_i32_0 = arith.constant 0 : i32
    return %arg0, %c0_i32 : i32, i32
  }
  func.func @transform_2(%arg0: i32) -> (i32, i32) {
    %c0_i32 = arith.constant 0 : i32
    %c0_i32_0 = arith.constant 0 : i32
    return %arg0, %c0_i32 : i32, i32
  }
  func.func @transform_3(%arg0: i32) -> (i32, i32) {
    %c0_i32 = arith.constant 0 : i32
    %c0_i32_0 = arith.constant 0 : i32
    %c0_i32_1 = arith.constant 0 : i32
    return %c0_i32, %c0_i32_0 : i32, i32
  }
  func.func @transform_4(%arg0: i32) -> (i32, i32) {
    %c0_i32 = arith.constant 0 : i32
    %c0_i32_0 = arith.constant 0 : i32
    %c0_i32_1 = arith.constant 0 : i32
    return %c0_i32, %c0_i32_0 : i32, i32
  }
  func.func @transform_5(%arg0: i32) -> (i32, i32) {
    %c0_i32 = arith.constant 0 : i32
    %c0_i32_0 = arith.constant 0 : i32
    %c0_i32_1 = arith.constant 0 : i32
    return %c0_i32, %c0_i32_0 : i32, i32
  }
  func.func @transform_6(%arg0: i32) -> (i32, i32) {
    %c0_i32 = arith.constant 0 : i32
    %c0_i32_0 = arith.constant 0 : i32
    %c0_i32_1 = arith.constant 0 : i32
    return %c0_i32, %c0_i32_0 : i32, i32
  }
  func.func @transform_7(%arg0: i32) -> (i32, i32) {
    %c0_i32 = arith.constant 0 : i32
    %c0_i32_0 = arith.constant 0 : i32
    %c0_i32_1 = arith.constant 0 : i32
    return %c0_i32, %c0_i32_0 : i32, i32
  }
  func.func @transform_8(%arg0: i32) -> (i32, i32) {
    %c0_i32 = arith.constant 0 : i32
    %c0_i32_0 = arith.constant 0 : i32
    return %arg0, %c0_i32 : i32, i32
  }
}

module attributes {stable_mosaic.version = 14 : i64} {
  func.func @_dense0_body(%arg0: i32, %arg1: memref<2x1000x128xf32, #tpu.memory_space<vmem>>, %arg2: memref<2x1000x128xf32, #tpu.memory_space<vmem>>, %arg3: memref<1000x128xf32, #tpu.memory_space<vmem>>, %arg4: memref<128x128xf32, #tpu.memory_space<vmem>>, %arg5: memref<128x128xf32, #tpu.memory_space<vmem>>, %arg6: memref<1x128xf32, #tpu.memory_space<vmem>>, %arg7: memref<1000x128xf32, #tpu.memory_space<vmem>>, %arg8: memref<1000x1xf32, #tpu.memory_space<vmem>>) attributes {dimension_semantics = [#tpu.dimension_semantics<arbitrary>], iteration_bounds = array<i64: 10>, scalar_prefetch = 0 : i64, scratch_operands = 0 : i64, tpu.core_type = #tpu.core_type<tc>, window_params = [{transform_indices = @transform_0, window_bounds = array<i64: 2, 1000, 128>}, {transform_indices = @transform_1, window_bounds = array<i64: 2, 1000, 128>}, {transform_indices = @transform_2, window_bounds = array<i64: 1000, 128>}, {pipeline_mode = #tpu.pipeline_mode<synchronous>, transform_indices = @transform_3, window_bounds = array<i64: 128, 128>}, {pipeline_mode = #tpu.pipeline_mode<synchronous>, transform_indices = @transform_4, window_bounds = array<i64: 128, 128>}, {pipeline_mode = #tpu.pipeline_mode<synchronous>, transform_indices = @transform_5, window_bounds = array<i64: 1, 128>}, {transform_indices = @transform_6, window_bounds = array<i64: 1000, 128>}, {transform_indices = @transform_7, window_bounds = array<i64: 1000, 1>}]} {
    %get3A = arith.constant 0 : index
    %get3A_0 = arith.constant 0 : index
    %get3A_1 = arith.constant 0 : index
    %get3A_2 = vector.load %arg2[%get3A, %get3A_0, %get3A_1] : memref<2x1000x128xf32, #tpu.memory_space<vmem>>, vector<1x1000x1xf32>
    %get3A_3 = vector.shape_cast %get3A_2 : vector<1x1000x1xf32> to vector<1000xf32>
    %get3A_4 = arith.constant 1 : index
    %get3A_5 = arith.constant 0 : index
    %get3A_6 = arith.constant 0 : index
    %get3A_7 = vector.load %arg2[%get3A_4, %get3A_5, %get3A_6] : memref<2x1000x128xf32, #tpu.memory_space<vmem>>, vector<1x1000x1xf32>
    %get3A_8 = vector.shape_cast %get3A_7 : vector<1x1000x1xf32> to vector<1000xf32>
    %add3A = arith.addf %get3A_3, %get3A_8 : vector<1000xf32>
    %max3A = arith.constant 1.000000e+00 : f32
    %max3A_9 = vector.broadcast %max3A : f32 to vector<1000xf32>
    %max3A_10 = arith.maximumf %add3A, %max3A_9 : vector<1000xf32>
    %div3A = arith.constant 1.000000e+00 : f32
    %div3A_11 = vector.broadcast %div3A : f32 to vector<1000xf32>
    %div3A_12 = arith.divf %div3A_11, %max3A_10 : vector<1000xf32>
    %get3A_13 = arith.constant 0 : index
    %get3A_14 = arith.constant 0 : index
    %get3A_15 = arith.constant 0 : index
    %get3A_16 = vector.load %arg1[%get3A_13, %get3A_14, %get3A_15] : memref<2x1000x128xf32, #tpu.memory_space<vmem>>, vector<1x1000x128xf32>
    %get3A_17 = vector.shape_cast %get3A_16 : vector<1x1000x128xf32> to vector<1000x128xf32>
    %get3A_18 = arith.constant 1 : index
    %get3A_19 = arith.constant 0 : index
    %get3A_20 = arith.constant 0 : index
    %get3A_21 = vector.load %arg1[%get3A_18, %get3A_19, %get3A_20] : memref<2x1000x128xf32, #tpu.memory_space<vmem>>, vector<1x1000x128xf32>
    %get3A_22 = vector.shape_cast %get3A_21 : vector<1x1000x128xf32> to vector<1000x128xf32>
    %add3A_23 = arith.addf %get3A_17, %get3A_22 : vector<1000x128xf32>
    %broadcast_in_dim3A = vector.shape_cast %div3A_12 : vector<1000xf32> to vector<1000x1xf32>
    %mul3A = vector.broadcast %broadcast_in_dim3A : vector<1000x1xf32> to vector<1000x128xf32>
    %mul3A_24 = arith.mulf %add3A_23, %mul3A : vector<1000x128xf32>
    %get3A_25 = arith.constant 0 : index
    %get3A_26 = arith.constant 0 : index
    %get3A_27 = vector.load %arg4[%get3A_25, %get3A_26] : memref<128x128xf32, #tpu.memory_space<vmem>>, vector<128x128xf32>
    %dot_general3A = arith.constant dense<0.000000e+00> : vector<1000x128xf32>
    %dot_general3A_28 = tpu.matmul %mul3A_24, %get3A_27, %dot_general3A {dimension_numbers = #tpu.dot_dimension_numbers<[1], [0], [0], [1], [0, 0, 1, 1], [], []>, transpose_lhs_hint = false} : vector<1000x128xf32>, vector<128x128xf32>, vector<1000x128xf32> -> vector<1000x128xf32>
    %get3A_29 = arith.constant 0 : index
    %get3A_30 = arith.constant 0 : index
    %get3A_31 = vector.load %arg3[%get3A_29, %get3A_30] : memref<1000x128xf32, #tpu.memory_space<vmem>>, vector<1000x128xf32>
    %get3A_32 = arith.constant 0 : index
    %get3A_33 = arith.constant 0 : index
    %get3A_34 = vector.load %arg5[%get3A_32, %get3A_33] : memref<128x128xf32, #tpu.memory_space<vmem>>, vector<128x128xf32>
    %dot_general3A_35 = arith.constant dense<0.000000e+00> : vector<1000x128xf32>
    %dot_general3A_36 = tpu.matmul %get3A_31, %get3A_34, %dot_general3A_35 {dimension_numbers = #tpu.dot_dimension_numbers<[1], [0], [0], [1], [0, 0, 1, 1], [], []>, transpose_lhs_hint = false} : vector<1000x128xf32>, vector<128x128xf32>, vector<1000x128xf32> -> vector<1000x128xf32>
    %add3A_37 = arith.addf %dot_general3A_28, %dot_general3A_36 : vector<1000x128xf32>
    %get3A_38 = arith.constant 0 : index
    %get3A_39 = arith.constant 0 : index
    %get3A_40 = vector.load %arg6[%get3A_38, %get3A_39] : memref<1x128xf32, #tpu.memory_space<vmem>>, vector<1x128xf32>
    %add3A_41 = vector.broadcast %get3A_40 : vector<1x128xf32> to vector<1000x128xf32>
    %add3A_42 = arith.addf %add3A_37, %add3A_41 : vector<1000x128xf32>
    %max3A_43 = arith.constant 0.000000e+00 : f32
    %max3A_44 = vector.broadcast %max3A_43 : f32 to vector<1000x128xf32>
    %max3A_45 = arith.maximumf %add3A_42, %max3A_44 : vector<1000x128xf32>
    %swap3A = arith.constant 0 : index
    %swap3A_46 = arith.constant 0 : index
    %swap3A_47 = vector.load %arg7[%swap3A, %swap3A_46] : memref<1000x128xf32, #tpu.memory_space<vmem>>, vector<1000x128xf32>
    tpu.vector_store %arg7[%swap3A, %swap3A_46], %max3A_45 {strides = array<i32>} : memref<1000x128xf32, #tpu.memory_space<vmem>>, vector<1000x128xf32>,
    %broadcast_in_dim3A_48 = vector.shape_cast %div3A_12 : vector<1000xf32> to vector<1000x1xf32>
    %swap3A_49 = arith.constant 0 : index
    %swap3A_50 = arith.constant 0 : index
    %swap3A_51 = vector.load %arg8[%swap3A_49, %swap3A_50] : memref<1000x1xf32, #tpu.memory_space<vmem>>, vector<1000x1xf32>
    tpu.vector_store %arg8[%swap3A_49, %swap3A_50], %broadcast_in_dim3A_48 {strides = array<i32>} : memref<1000x1xf32, #tpu.memory_space<vmem>>, vector<1000x1xf32>,
    return
  }
  func.func @transform_0(%arg0: i32) -> (i32, i32, i32) {
    %c0_i32 = arith.constant 0 : i32
    %c0_i32_0 = arith.constant 0 : i32
    %c0_i32_1 = arith.constant 0 : i32
    return %c0_i32, %arg0, %c0_i32_0 : i32, i32, i32
  }
  func.func @transform_1(%arg0: i32) -> (i32, i32, i32) {
    %c0_i32 = arith.constant 0 : i32
    %c0_i32_0 = arith.constant 0 : i32
    %c0_i32_1 = arith.constant 0 : i32
    return %c0_i32, %arg0, %c0_i32_0 : i32, i32, i32
  }
  func.func @transform_2(%arg0: i32) -> (i32, i32) {
    %c0_i32 = arith.constant 0 : i32
    %c0_i32_0 = arith.constant 0 : i32
    return %arg0, %c0_i32 : i32, i32
  }
  func.func @transform_3(%arg0: i32) -> (i32, i32) {
    %c0_i32 = arith.constant 0 : i32
    %c0_i32_0 = arith.constant 0 : i32
    %c0_i32_1 = arith.constant 0 : i32
    return %c0_i32, %c0_i32_0 : i32, i32
  }
  func.func @transform_4(%arg0: i32) -> (i32, i32) {
    %c0_i32 = arith.constant 0 : i32
    %c0_i32_0 = arith.constant 0 : i32
    %c0_i32_1 = arith.constant 0 : i32
    return %c0_i32, %c0_i32_0 : i32, i32
  }
  func.func @transform_5(%arg0: i32) -> (i32, i32) {
    %c0_i32 = arith.constant 0 : i32
    %c0_i32_0 = arith.constant 0 : i32
    %c0_i32_1 = arith.constant 0 : i32
    return %c0_i32, %c0_i32_0 : i32, i32
  }
  func.func @transform_6(%arg0: i32) -> (i32, i32) {
    %c0_i32 = arith.constant 0 : i32
    %c0_i32_0 = arith.constant 0 : i32
    return %arg0, %c0_i32 : i32, i32
  }
  func.func @transform_7(%arg0: i32) -> (i32, i32) {
    %c0_i32 = arith.constant 0 : i32
    %c0_i32_0 = arith.constant 0 : i32
    return %arg0, %c0_i32 : i32, i32
  }
}

</mosaic_0001>

<sc_bundles>
// kernel: kernel.10.cloned.1.call-start
scs
__scs_entry_jumppad:
0x0: {  	(pc) =	sbr.rel $0x88, $3  }
0x1: {  	(tag) =	ssettag $0x0;
	lr =	simm.s32 $0x1  }
0x2: {  	[smem:$0x3F95] =	sst lr;
	_ =	strace $0xD0000000  }
0x3: {  	_ = 	snop  }
0x4: {  	_ = 	snop  }
0x5: {  	_ = 	snop  }
0x6: {  	_ = 	snop  }
0x7: {  	_ = 	snop  }
__scs_overlays_trampoline_lowered:
0x8: {  	[smem:$0x3FA4] =	sst s0  }
0x9: {  	[smem:$0x3FA5] =	sst s1  }
0xa: {  	[smem:$0x3FA6] =	sst s2  }
0xb: {  	[smem:$0x3FA7] =	sst s3  }
0xc: {  	[smem:$0x3FA8] =	sst s4  }
0xd: {  	[smem:$0x3FA9] =	sst s5  }
0xe: {  	[smem:$0x3FAA] =	sst s6  }
0xf: {  	[smem:$0x3FAB] =	sst s7  }
0x10: {  	[smem:$0x3FAC] =	sst s8  }
0x11: {  	[smem:$0x3FAD] =	sst s9;
	s0 =	simm.s32 @!p0 $0x0  }
0x12: {  	s1 =	sld [smem:$0x3F93];
	s0 =	simm.s32 @p0 $0x1  }
0x13: {  	[smem:$0x3FAE] =	sst s0;
	s0 =	simm.s32 @!p1 $0x0  }
0x14: {  	s2 =	sld [smem:$0x3F92];
	s0 =	simm.s32 @p1 $0x1  }
0x15: {  	[smem:$0x3FAF] =	sst s0;
	s0 =	simm.s32 @!p2 $0x0  }
0x16: {  	s3 =	sld [smem:$0x3FDB];
	s0 =	simm.s32 @p2 $0x1  }
0x17: {  	s4 =	simm.s32 $0x1BF5;
	[smem:$0x3FB1] =	sst s0  }
0x18: {  	s0 =	sld [smem:$0x3F94];
	_ =	swait.ge [sflag:s4], $0x0  }
0x19: {  	s7 =	sld [smem:$0x3F95]  }
0x1a: {  	s8 =	sadd.s32 $0xFFFFE003, lr  }
0x1b: {  	s9 =	sadd.s32 $0xFFFFFEF7, lr;
	s5 =	simm.s32 $0xFFFFFFFF;
	p2 =	slt.u32 s8, $0xFFFFF086  }
0x1c: {  	p1 =	slt.u32 s9, $0xF7A;
	s5 =	simm.s32 @!p2 $0x0  }
0x1d: {  	s5 =	simm.s32 @p1 $0x1;
	p0 =	seq.s32 s7, s2  }
0x1e: {  	s7 =	smul.u32 @!p0 $0xF7A, s2;
	p2 =	seq.s32 @!p0 s5, $0x0  }
0x1f: {  	s9 =	smul.u32 $0xF7A, s1;
	s8 =	simm.s32 @!p0 $0x1BF5;
	p2 =	por !p2, p0  }
0x20: {  	[sflag:s8] =	ssyncset.s32 @!p0 $0xFFFFF086;
	s6 =	sadd.s32 @!p0 s3, s7;
	s7 =	simm.s32 @!p0 $0x108  }
0x21: {  	s3 =	sadd.s32 s3, s9;
	s6 =	sadd.s32 @!p0 $0x88, s6;
	s7 =	simm.s32 @p2 $0x1082  }
0x22: {  	[simem:s7], [sflag:s8] =	dma.local @!p0 [hbm:s6], $0xF7A  }
0x23: {  	s9 =	sor.u32 $0xD0000000, s2;
	s6 =	simm.s32 $0x108;
	_ =	swait.ge @!p0 [sflag:s8], $0x0  }
0x24: {  	s3 =	sadd.s32 $0x88, s3;
	s6 =	simm.s32 @!p1 $0x1082;
	[sflag:s4] =	ssyncset.s32 $0xFFFFF086  }
0x25: {  	[simem:s6], [sflag:s4] =	dma.local [hbm:s3], $0xF7A  }
0x26: {  	[smem:$0x3F95] =	sst s1;
	(tag) =	ssettag s2;
	_ =	strace s9  }
0x27: {  	s1 =	sld [smem:$0x3FA5]  }
0x28: {  	s2 =	sld [smem:$0x3FA6]  }
0x29: {  	s4 =	sld [smem:$0x3FA8]  }
0x2a: {  	p0 =	seq.s32 s5, $0x0;
	s5 =	sld [smem:$0x3FA9]  }
0x2b: {  	s6 =	sld [smem:$0x3FAA]  }
0x2c: {  	s7 =	sld [smem:$0x3FAB]  }
0x2d: {  	s3 =	simm.s32 $0x108;
	s8 =	sld [smem:$0x3FAC]  }
0x2e: {  	s3 =	simm.s32 @!p0 $0x1082;
	s9 =	sld [smem:$0x3FAD]  }
0x2f: {  	lr =	sadd.s32 s0, s3;
	s0 =	sld [smem:$0x3FA4]  }
0x30: {  	s3 =	sld [smem:$0x3FA7]  }
0x31: {  	[smem:$0x3FB0] =	sst s10  }
0x32: {  	s10 =	sld [smem:$0x3FAE];
	_ =	sdelay $0x3  }
0x33: {  	p0 =	seq.s32 s10, $0x1;
	s10 =	sld [smem:$0x3FB0];
	_ =	sdelay $0x3  }
0x34: {  	[smem:$0x3FB0] =	sst s10  }
0x35: {  	s10 =	sld [smem:$0x3FAF];
	_ =	sdelay $0x3  }
0x36: {  	p1 =	seq.s32 s10, $0x1;
	s10 =	sld [smem:$0x3FB0];
	_ =	sdelay $0x3  }
0x37: {  	[smem:$0x3FB0] =	sst s10  }
0x38: {  	s10 =	sld [smem:$0x3FB1]  }
0x39: {  	_ = 	snop;
	(pc) =	sbr.ind lr, $3  }
0x3a: {  	_ = 	snop  }
0x3b: {  	_ = 	snop  }
0x3c: {  	p2 =	seq.s32 s10, $0x1;
	s10 =	sld [smem:$0x3FB0]  }
0x3d: {  	_ =	shalt  }
0x3e: {  	_ =	shalt  }
0x3f: {  	_ =	shalt  }
0x40: {  	_ =	shalt  }
0x41: {  	_ =	shalt  }
0x42: {  	_ =	shalt  }
0x43: {  	_ =	shalt  }
0x44: {  	_ =	shalt  }
0x45: {  	_ =	shalt  }
0x46: {  	_ =	shalt  }
0x47: {  	_ =	shalt  }
0x48: {  	_ =	shalt  }
0x49: {  	_ =	shalt  }
0x4a: {  	_ =	shalt  }
0x4b: {  	_ =	shalt  }
0x4c: {  	_ =	shalt  }
0x4d: {  	_ =	shalt  }
0x4e: {  	_ =	shalt  }
0x4f: {  	_ =	shalt  }
0x50: {  	_ =	shalt  }
0x51: {  	_ =	shalt  }
0x52: {  	_ =	shalt  }
0x53: {  	_ =	shalt  }
0x54: {  	_ =	shalt  }
0x55: {  	_ =	shalt  }
0x56: {  	_ =	shalt  }
0x57: {  	_ =	shalt  }
0x58: {  	_ =	shalt  }
0x59: {  	_ =	shalt  }
0x5a: {  	_ =	shalt  }
0x5b: {  	_ =	shalt  }
0x5c: {  	_ =	shalt  }
0x5d: {  	_ =	shalt  }
0x5e: {  	_ =	shalt  }
0x5f: {  	_ =	shalt  }
0x60: {  	_ =	shalt  }
0x61: {  	_ =	shalt  }
0x62: {  	_ =	shalt  }
0x63: {  	_ =	shalt  }
0x64: {  	_ =	shalt  }
0x65: {  	_ =	shalt  }
0x66: {  	_ =	shalt  }
0x67: {  	_ =	shalt  }
0x68: {  	_ =	shalt  }
0x69: {  	_ =	shalt  }
0x6a: {  	_ =	shalt  }
0x6b: {  	_ =	shalt  }
0x6c: {  	_ =	shalt  }
0x6d: {  	_ =	shalt  }
0x6e: {  	_ =	shalt  }
0x6f: {  	_ =	shalt  }
0x70: {  	_ =	shalt  }
0x71: {  	_ =	shalt  }
0x72: {  	_ =	shalt  }
0x73: {  	_ =	shalt  }
0x74: {  	_ =	shalt  }
0x75: {  	_ =	shalt  }
0x76: {  	_ =	shalt  }
0x77: {  	_ =	shalt  }
0x78: {  	_ =	shalt  }
0x79: {  	_ =	shalt  }
0x7a: {  	_ =	shalt  }
0x7b: {  	_ =	shalt  }
0x7c: {  	_ =	shalt  }
0x7d: {  	_ =	shalt  }
0x7e: {  	_ =	shalt  }
0x7f: {  	_ =	shalt  }
0x80: {  	_ =	shalt  }
0x81: {  	_ =	shalt  }
0x82: {  	_ =	shalt  }
0x83: {  	_ =	shalt  }
0x84: {  	_ =	shalt  }
0x85: {  	_ =	shalt  }
0x86: {  	_ =	shalt  }
0x87: {  	_ =	shalt  }
.Lfunc_end0:
.L_simem_size_0:
called_computation.1_lowered:
.L_overlay_start_0:
0x88: {  	s2 =	sld [smem:$0x3FD9]  }
0x89: {  	s3 =	sld [smem:$0x3FFE];
	_ =	sdelay $0x1  }
0x8a: {  	s1 =	srdreg.scid  }
0x8b: {  	s0 =	sand.u32 $0x1, s1  }
0x8c: {  	s17 =	sshll.u32 s0, $0xA;
	s2 =	sadd.s32 s3, s2  }
0x8d: {  	s2 =	sadd.s32 s2, s17  }
0x8e: {  	[smem:$0x3FBC] =	sst s2  }
0x8f: {  	_ = 	snop  }
0x90: {  	s2 =	sld [smem:$0x3FC9]  }
0x91: {  	s18 =	sld [smem:$0x3FD0];
	(tm) =	ssettm $0x1  }
0x92: {  	s4 =	sld [smem:$0x3FFB];
	_ =	sdelay $0x3  }
0x93: {  	_ =	strace s4  }
0x94: {  	s4 =	sld [smem:$0x3FFC];
	_ =	sdelay $0x3  }
0x95: {  	_ =	strace s4  }
0x96: {  	s4 =	sld [smem:$0x3FFD];
	_ =	sdelay $0x3  }
0x97: {  	_ =	strace s4  }
0x98: {  	_ =	strace $0x8FFFFFFF  }
0x99: {  	s19 =	sld [smem:$0x3FDB];
	_ =	sdelay $0x1  }
0x9a: {  	s5 =	simm.s32 $_scs_section_size  }
0x9b: {  	s6 =	simm.s32 $_size__tile_overlayer_lowered;
	s7 =	simm.s32 $_tile_overlayer_lowered  }
0x9c: {  	s22 =	simm.s32 $0x1BFF;
	s21 =	sshll.u32 s7, $0x1;
	s4 =	sadd.s32 s5, s19  }
0x9d: {  	s8 =	simm.s32 $0x0;
	s20 =	sshll.u32 s6, $0x1;
	s6 =	sadd.s32 s21, s4  }
0x9e: {  	[timem:s8], [sflag:s22] =	dma.local [hbm:s6], s20  }
0x9f: {  	_ =	swait.ge [sflag:s22], s20  }
0xa0: {  	s5 =	ssub.s32 $0x0, s20;
	[sflag:s22] =	ssyncset.done $0x0  }
0xa1: {  	[sflag:s22] =	ssyncadd.s32 s5;
	_ =	sdelay $0x1  }
0xa2: {  	s23 =	simm.s32 $0x1B8B  }
0xa3: {  	_ =	swait.ge [sflag:s23], $0x1  }
0xa4: {  	[sflag:s23] =	ssyncset.done $0x0  }
0xa5: {  	s25 =	simm.s32 $0x1B8E;
	s24 =	sld [smem:$0x3FFE];
	[sflag:s23] =	ssyncadd.s32 $0xFFFFFFFF  }
0xa6: {  	s26 =	simm.s32 $execute0_lowered;
	[smem:$0x3FD2] =	sst s25  }
0xa7: {  	s6 =	sshll.u32 s26, $0x1;
	_ =	strace $0x80000046;
	[dreg:$0x1] =	wrdreg $0xFFFFFFFF  }
0xa8: {  	s28 =	simm.s32 $_size_execute0_lowered;
	s4 =	sadd.s32 s4, s6;
	[dreg:$0x0] =	wrdreg $0x0  }
0xa9: {  	s6 =	sshll.u32 s28, $0x1;
	[dreg:$0x2] =	wrdreg s4  }
0xaa: {  	[dreg:$0x3] =	wrdreg s6  }
0xab: {  	[dreg:$0x4] =	wrdreg $0xC0  }
0xac: {  	_ =	task [dreg:s8], $0x5FFFF  }
0xad: {  	[dreg:$0x1] =	wrdreg $0xFFFFFFFF  }
0xae: {  	[dreg:$0x0] =	wrdreg $0x60  }
0xaf: {  	[dreg:$0x2] =	wrdreg s2  }
0xb0: {  	[dreg:$0x3] =	wrdreg s24  }
0xb1: {  	[dreg:$0x4] =	wrdreg s18  }
0xb2: {  	[dreg:$0x5] =	wrdreg $0x0  }
0xb3: {  	[dreg:$0x6] =	wrdreg $0xA  }
0xb4: {  	_ =	task.clear_ibuf [dreg:s8], $0x7FFFF;
	_ =	strace $0x90000046  }
0xb5: {  	s29 =	simm.s32 $0xA;
	_ =	strace $0x80000048  }
0xb6: {  	_ =	swait.ge [sflag:s29], $0x1  }
0xb7: {  	[sflag:s29] =	ssyncadd.s32 $0xFFFFFFFF  }
0xb8: {  	_ =	strace $0x90000048  }
0xb9: {  	_ =	sfence  }
0xba: {  	s30 =	sld [smem:$0x0];
	_ =	sdelay $0x2  }
0xbb: {  	s31 =	sshll.u32 s1, $0xD;
	s1 =	sshrl.u32 s1, $0x2  }
0xbc: {  	s3 =	sand.u32 $0x4000, s31;
	s1 =	sadd.s32 s1, s30  }
0xbd: {  	s0 =	sor.u32 s3, s0;
	s1 =	sshll.u32 s1, $0x11  }
0xbe: {  	s0 =	sor.u32 s1, s0  }
0xbf: {  	s0 =	sadd.s32 $0x8F2B, s0  }
0xc0: {  	[sflag:s0] =	ssyncadd.remote.s32 $0x1  }
0xc1: {  	_ =	sfence.sel $0xFFFF  }
0xc2: {  	[dreg:$0x0] =	wrdreg $0xFFFFFFFF;
	(pc) =	sbr.abs _section_cstart, $3  }
0xc3: {  	[dreg:$0x1] =	wrdreg $0xFFFFFFFF  }
0xc4: {  	_ =	task.clear_ibuf [dreg:s8], $0x2FFFF;
	_ =	strace $0x9FFFFFFF  }
0xc5: {  	(tm) =	ssettm $0x7FFFFFFF  }
tec
execute0_lowered:
.L_overlay_start_1:
0x0: {  	(tag) =	ssettag $0x1  }
0x1: {  	s1 =	rddreg [dreg:$0x0]  }
0x2: {  	s0 =	rddreg [dreg:$0x1];
	s2 =	srdreg.scid  }
0x3: {  	s9 =	stileid.u32;
	s4 =	rddreg [dreg:$0x3];
	s5 =	simm.s32 $0x0  }
0x4: {  	s31 =	simm.s32 $0xB;
	s29 =	simm.s32 $0x7;
	s3 =	smul.u32 $0x280, s9  }
0x5: {  	s2 =	sand.u32 $0x1, s2;
	[smem:$0x7FF] =	sst s5;
	s17 =	smul.u32 $0x4E20, s9  }
0x6: {  	s7 =	sshll.u32 s9, $0x1;
	s10 =	sadd.s32 $0xC600, s0;
	s6 =	smul.u32 $0x2800, s2  }
0x7: {  	s26 =	sor.u32 s2, s7;
	s7 =	ssub.s32 $0x2, s2;
	s2 =	smul.u32 $0x2710, s2  }
0x8: {  	s11 =	sadd.s32 $0x2800, s0;
	_ =	strace $0x80000047;
	[dreg:$0x17] =	wrdreg s10  }
0x9: {  	s3 =	sadd.s32 s3, s6;
	s6 =	smul.u32 $0x2710, s26;
	s2 =	sadd.s32 s2, s17  }
0xa: {  	[dreg:$0x18] =	wrdreg s11;
	s3 =	sshll.u32 s3, $0x4;
	s25 =	sadd.s32 $0x140, s2  }
0xb: {  	s26 =	sadd.s32 $0xA0, s2;
	s2 =	sadd.s32 $0xF0, s2;
	s6 =	sshrl.u32 s6, $0x3  }
0xc: {  	s0 =	sadd.s32 s3, s0;
	[dreg:$0x14] =	wrdreg s2;
	s13 =	sadd.s32 s10, s6  }
0xd: {  	s14 =	sadd.s32 $0xA, s6;
	s6 =	sadd.s32 s11, s6;
	[dreg:$0x5] =	wrdreg s13  }
0xe: {  	s30 =	simm.s32 $0x8;
	s18 =	sadd.s32 $0x16400, s0;
	[dreg:$0x6] =	wrdreg s6  }
0xf: {  	s8 =	smul.u32 $0x50000, s9;
	s19 =	sadd.s32 $0x16900, s0;
	[dreg:$0xb] =	wrdreg s18  }
0x10: {  	s9 =	simm.s32 $0x16980;
	s20 =	sadd.s32 $0x16E00, s0;
	[dreg:$0xc] =	wrdreg s19  }
0x11: {  	s12 =	sshrl.u32 s7, $0x1;
	s21 =	sadd.s32 $0x17300, s0;
	[dreg:$0xd] =	wrdreg s20  }
0x12: {  	s16 =	sshrl.u32 s8, $0x2;
	s22 =	sadd.s32 $0x17800, s0;
	[dreg:$0xe] =	wrdreg s21  }
0x13: {  	s8 =	simm.s32 $0x16900;
	s23 =	sadd.s32 $0x17D00, s0;
	[dreg:$0xf] =	wrdreg s22  }
0x14: {  	s3 =	ssub.s32 s7, s12;
	s24 =	sadd.s32 $0x18200, s0;
	[dreg:$0x10] =	wrdreg s23  }
0x15: {  	s0 =	sadd.s32 $0x18700, s0;
	s3 =	smax.u32 s3, $0x1;
	[dreg:$0x11] =	wrdreg s24  }
0x16: {  	s15 =	sadd.s32 s10, s14;
	s7 =	sadd.s32 s11, s14;
	[dreg:$0x12] =	wrdreg s0  }
0x17: {  	[dreg:$0x13] =	wrdreg s3;
	s23 =	sshrl.u32 s25, $0x3;
	s25 =	sshrl.u32 s26, $0x3  }
0x18: {  	s3 =	simm.s32 $0x14080;
	s10 =	simm.s32 $0x19300;
	s14 =	simm.s32 $0x1  }
0x19: {  	s18 =	simm.s32 $0x2;
	s19 =	simm.s32 $0x4;
	s20 =	simm.s32 $0x16A00  }
0x1a: {  	s24 =	simm.s32 $0x5;
	s13 =	simm.s32 $0x3;
	[dreg:$0x7] =	wrdreg s15  }
0x1b: {  	s26 =	simm.s32 $0x6;
	s0 =	simm.s32 $0x0;
	[dreg:$0x8] =	wrdreg s7  }
.Ltmp0:
0x1c: {  	s7 =	sadd.s32 s16, s4;
	s15 =	simm.s32 $0x50;
	(pc) =	sbr.rel .LBB2_1-.Ltmp0, $4  }
0x1d: {  	s16 =	simm.s32 $0x14100;
	s11 =	sadd.s32 $0x2800, s7;
	[dreg:$0x9] =	wrdreg s7  }
0x1e: {  	s6 =	sadd.s32 $0x5000, s7;
	s17 =	sadd.s32 $0x7800, s7;
	[dreg:$0xa] =	wrdreg s11  }
0x1f: {  	s28 =	sadd.s32 $0xA000, s7;
	s21 =	sadd.s32 $0xC800, s7;
	[dreg:$0x15] =	wrdreg s6  }
0x20: {  	s22 =	sadd.s32 $0xF000, s7;
	s12 =	sadd.s32 $0x11800, s7;
	[dreg:$0x16] =	wrdreg s17  }
.LBB2_8:
0x21: {  	_ =	swait.ge [sflag:s13], $0x2800  }
0x22: {  	[sflag:s13] =	ssyncset.done $0x0  }
0x23: {  	[sflag:s13] =	ssyncadd.s32 $0xFFFFD800  }
0x24: {  	_ =	swait.ge [sflag:s26], $0x2800  }
0x25: {  	[sflag:s26] =	ssyncset.done $0x0  }
0x26: {  	s0 =	simm.s32 $0x9;
	[sflag:s26] =	ssyncadd.s32 $0xFFFFD800  }
0x27: {  	_ =	swait.ge [sflag:s0], $0x2800  }
0x28: {  	[sflag:s0] =	ssyncset.done $0x0  }
0x29: {  	[sflag:s0] =	ssyncadd.s32 $0xFFFFD800  }
0x2a: {  	[bflag:$0x0] =	sbarrier.arrive $0xFFFF  }
0x2b: {  	s7 =	rddreg [dreg:$0x9]  }
0x2c: {  	[tilespmem:s16], [sflag:$0xB] =	stream.linear.gather [spmem:s7], $0x2800, $0x38;
	[tilespmem:$0x1BB00] =	vst v63  }
0x2d: {  	_ =	swait.ge [sflag:s31], $0x2800  }
0x2e: {  	[sflag:s31] =	ssyncset.done $0x0  }
0x2f: {  	s2 =	rddreg [dreg:$0xb];
	[sflag:s31] =	ssyncadd.s32 $0xFFFFD800  }
0x30: {  	[hbm4b:s2+s5] =	stream.linear.scatter [tilespmem:s16], [sflag:$0x1], $0x2800, $0x38;
	[tilespmem:$0x1BB00] =	vst v63  }
0x31: {  	s11 =	rddreg [dreg:$0xa]  }
0x32: {  	[tilespmem:s20], [sflag:$0xB] =	stream.linear.gather [spmem:s11], $0x2800, $0x38;
	[tilespmem:$0x1BB00] =	vst v63  }
0x33: {  	_ =	swait.ge [sflag:s31], $0x2800  }
0x34: {  	[sflag:s31] =	ssyncset.done $0x0  }
0x35: {  	s6 =	rddreg [dreg:$0xc];
	[sflag:s31] =	ssyncadd.s32 $0xFFFFD800  }
0x36: {  	[hbm4b:s6+s5] =	stream.linear.scatter [tilespmem:s20], [sflag:$0x4], $0x2800, $0x38;
	[tilespmem:$0x1BB00] =	vst v63  }
0x37: {  	_ =	swait.ge [sflag:s14], $0x2800  }
0x38: {  	[sflag:s14] =	ssyncset.done $0x0  }
0x39: {  	s6 =	rddreg [dreg:$0x15];
	[sflag:s14] =	ssyncadd.s32 $0xFFFFD800  }
0x3a: {  	[tilespmem:s16], [sflag:$0xB] =	stream.linear.gather [spmem:s6], $0x2800, $0x38;
	[tilespmem:$0x1BB00] =	vst v63  }
0x3b: {  	_ =	swait.ge [sflag:s31], $0x2800  }
0x3c: {  	[sflag:s31] =	ssyncset.done $0x0  }
0x3d: {  	s17 =	rddreg [dreg:$0xd];
	[sflag:s31] =	ssyncadd.s32 $0xFFFFD800  }
0x3e: {  	[hbm4b:s17+s5] =	stream.linear.scatter [tilespmem:s16], [sflag:$0x1], $0x2800, $0x38;
	[tilespmem:$0x1BB00] =	vst v63  }
0x3f: {  	_ =	swait.ge [sflag:s19], $0x2800  }
0x40: {  	[sflag:s19] =	ssyncset.done $0x0  }
0x41: {  	s17 =	rddreg [dreg:$0x16];
	[sflag:s19] =	ssyncadd.s32 $0xFFFFD800  }
0x42: {  	[tilespmem:s20], [sflag:$0xB] =	stream.linear.gather [spmem:s17], $0x2800, $0x38;
	[tilespmem:$0x1BB00] =	vst v63  }
0x43: {  	_ =	swait.ge [sflag:s31], $0x2800  }
0x44: {  	[sflag:s31] =	ssyncset.done $0x0  }
0x45: {  	s0 =	rddreg [dreg:$0xe];
	[sflag:s31] =	ssyncadd.s32 $0xFFFFD800  }
0x46: {  	[hbm4b:s0+s5] =	stream.linear.scatter [tilespmem:s20], [sflag:$0x4], $0x2800, $0x38;
	[tilespmem:$0x1BB00] =	vst v63  }
0x47: {  	_ =	swait.ge [sflag:s14], $0x2800  }
0x48: {  	[sflag:s14] =	ssyncset.done $0x0  }
0x49: {  	[sflag:s14] =	ssyncadd.s32 $0xFFFFD800  }
0x4a: {  	[tilespmem:s16], [sflag:$0xB] =	stream.linear.gather [spmem:s28], $0x2800, $0x38;
	[tilespmem:$0x1BB00] =	vst v63  }
0x4b: {  	_ =	swait.ge [sflag:s31], $0x2800  }
0x4c: {  	[sflag:s31] =	ssyncset.done $0x0  }
0x4d: {  	s0 =	rddreg [dreg:$0xf];
	[sflag:s31] =	ssyncadd.s32 $0xFFFFD800  }
0x4e: {  	[hbm4b:s0+s5] =	stream.linear.scatter [tilespmem:s16], [sflag:$0x1], $0x2800, $0x38;
	[tilespmem:$0x1BB00] =	vst v63  }
0x4f: {  	_ =	swait.ge [sflag:s19], $0x2800  }
0x50: {  	[sflag:s19] =	ssyncset.done $0x0  }
0x51: {  	[sflag:s19] =	ssyncadd.s32 $0xFFFFD800  }
0x52: {  	[tilespmem:s20], [sflag:$0xB] =	stream.linear.gather [spmem:s21], $0x2800, $0x38;
	[tilespmem:$0x1BB00] =	vst v63  }
0x53: {  	_ =	swait.ge [sflag:s31], $0x2800  }
0x54: {  	[sflag:s31] =	ssyncset.done $0x0  }
0x55: {  	s0 =	rddreg [dreg:$0x10];
	[sflag:s31] =	ssyncadd.s32 $0xFFFFD800  }
0x56: {  	[hbm4b:s0+s5] =	stream.linear.scatter [tilespmem:s20], [sflag:$0x4], $0x2800, $0x38;
	[tilespmem:$0x1BB00] =	vst v63  }
0x57: {  	_ =	swait.ge [sflag:s14], $0x2800  }
0x58: {  	[sflag:s14] =	ssyncset.done $0x0  }
0x59: {  	[sflag:s14] =	ssyncadd.s32 $0xFFFFD800  }
0x5a: {  	[tilespmem:s16], [sflag:$0xB] =	stream.linear.gather [spmem:s22], $0x2800, $0x38;
	[tilespmem:$0x1BB00] =	vst v63  }
0x5b: {  	_ =	swait.ge [sflag:s31], $0x2800  }
0x5c: {  	[sflag:s31] =	ssyncset.done $0x0  }
0x5d: {  	s0 =	rddreg [dreg:$0x11];
	[sflag:s31] =	ssyncadd.s32 $0xFFFFD800  }
0x5e: {  	[hbm4b:s0+s5] =	stream.linear.scatter [tilespmem:s16], [sflag:$0x1], $0x2800, $0x38;
	[tilespmem:$0x1BB00] =	vst v63  }
0x5f: {  	_ =	swait.ge [sflag:s19], $0x2800  }
0x60: {  	[sflag:s19] =	ssyncset.done $0x0  }
0x61: {  	[sflag:s19] =	ssyncadd.s32 $0xFFFFD800  }
0x62: {  	[tilespmem:s20], [sflag:$0xB] =	stream.linear.gather [spmem:s12], $0x2800, $0x38;
	[tilespmem:$0x1BB00] =	vst v63  }
0x63: {  	_ =	swait.ge [sflag:s31], $0x2800  }
0x64: {  	[sflag:s31] =	ssyncset.done $0x0  }
0x65: {  	s0 =	rddreg [dreg:$0x12];
	[sflag:s31] =	ssyncadd.s32 $0xFFFFD800  }
0x66: {  	[hbm4b:s0+s5] =	stream.linear.scatter [tilespmem:s20], [sflag:$0x4], $0x2800, $0x38;
	[tilespmem:$0x1BB00] =	vst v63  }
0x67: {  	_ =	swait.ge [sflag:s14], $0x2800  }
0x68: {  	[sflag:s14] =	ssyncset.done $0x0  }
0x69: {  	[sflag:s14] =	ssyncadd.s32 $0xFFFFD800  }
0x6a: {  	_ =	swait.ge [sflag:s19], $0x2800  }
0x6b: {  	s2 =	rddreg [dreg:$0x19]  }
0x6c: {  	s0 =	sadd.s32 $0x1, s2;
	s2 =	rddreg [dreg:$0x13]  }
0x6d: {  	p0 =	sne.s32 s0, s2  }
.Ltmp1:
0x6e: {  	_ = 	snop;
	(pc) =	sbr.rel @!p0 .LBB2_9-.Ltmp1, $3  }
0x6f: {  	_ =	sdelay $0x1  }
0x70: {  	[sflag:s19] =	ssyncset.done $0x0  }
0x71: {  	[sflag:s19] =	ssyncadd.s32 $0xFFFFD800  }
.LBB2_1:
0x72: {  	[dreg:$0x19] =	wrdreg s0  }
0x73: {  	s2 =	rddreg [dreg:$0x5];
	s0 =	simm.s32 $0x14000  }
0x74: {  	[tilespmem:s0], [sflag:$0x1] =	stream.linear.gather [hbm4b:s2+s5], $0x50, $0x38;
	[tilespmem:$0x1BB00] =	vst v63  }
0x75: {  	s2 =	rddreg [dreg:$0x6]  }
0x76: {  	[tilespmem:s3], [sflag:$0x1] =	stream.linear.gather [hbm4b:s2+s5], $0x50, $0x38;
	[tilespmem:$0x1BB00] =	vst v63  }
0x77: {  	s2 =	rddreg [dreg:$0x7]  }
0x78: {  	[tilespmem:s8], [sflag:$0x4] =	stream.linear.gather [hbm4b:s2+s5], $0x50, $0x38;
	[tilespmem:$0x1BB00] =	vst v63  }
0x79: {  	s2 =	rddreg [dreg:$0x8]  }
0x7a: {  	[tilespmem:s9], [sflag:$0x4] =	stream.linear.gather [hbm4b:s2+s5], $0x50, $0x38;
	[tilespmem:$0x1BB00] =	vst v63  }
0x7b: {  	s2 =	rddreg [dreg:$0x2]  }
0x7c: {  	[tilespmem:s10], [sflag:$0xB] =	stream.linear.gather [hbm4b:s2+s5], $0x2800, $0x38;
	[tilespmem:$0x1BB00] =	vst v63  }
0x7d: {  	_ =	swait.ge [sflag:s31], $0x2800  }
0x7e: {  	[sflag:s31] =	ssyncset.done $0x0  }
0x7f: {  	[sflag:s31] =	ssyncadd.s32 $0xFFFFD800  }
0x80: {  	[spmem:s7] =	stream.linear.scatter [tilespmem:s10], [sflag:$0xA], $0x2800, $0x38;
	[tilespmem:$0x1BB00] =	vst v63  }
0x81: {  	_ = 	snop  }
0x82: {  	[spmem:s11] =	stream.linear.scatter [tilespmem:s10], [sflag:$0xA], $0x2800, $0x38;
	[tilespmem:$0x1BB00] =	vst v63  }
0x83: {  	_ = 	snop  }
0x84: {  	[spmem:s6] =	stream.linear.scatter [tilespmem:s10], [sflag:$0xA], $0x2800, $0x38;
	[tilespmem:$0x1BB00] =	vst v63  }
0x85: {  	_ = 	snop  }
0x86: {  	[spmem:s17] =	stream.linear.scatter [tilespmem:s10], [sflag:$0xA], $0x2800, $0x38;
	[tilespmem:$0x1BB00] =	vst v63  }
0x87: {  	_ = 	snop  }
0x88: {  	[spmem:s28] =	stream.linear.scatter [tilespmem:s10], [sflag:$0xA], $0x2800, $0x38;
	[tilespmem:$0x1BB00] =	vst v63  }
0x89: {  	_ = 	snop  }
0x8a: {  	[spmem:s21] =	stream.linear.scatter [tilespmem:s10], [sflag:$0xA], $0x2800, $0x38;
	[tilespmem:$0x1BB00] =	vst v63  }
0x8b: {  	_ = 	snop  }
0x8c: {  	[spmem:s22] =	stream.linear.scatter [tilespmem:s10], [sflag:$0xA], $0x2800, $0x38;
	[tilespmem:$0x1BB00] =	vst v63  }
0x8d: {  	_ = 	snop  }
0x8e: {  	[spmem:s12] =	stream.linear.scatter [tilespmem:s10], [sflag:$0xA], $0x2800, $0x38;
	[tilespmem:$0x1BB00] =	vst v63  }
0x8f: {  	_ =	swait.ge [sflag:s14], $0x50  }
0x90: {  	[sflag:s14] =	ssyncset.done $0x0  }
0x91: {  	[sflag:s14] =	ssyncadd.s32 $0xFFFFFFB0  }
0x92: {  	_ =	swait.ge [sflag:s14], $0x50  }
0x93: {  	[sflag:s14] =	ssyncset.done $0x0  }
0x94: {  	s17 =	simm.s32 $0xA;
	[sflag:s14] =	ssyncadd.s32 $0xFFFFFFB0  }
0x95: {  	[tilespmem:s16], [sflag:$0x2] =	stream.indirect.gather [hbm4b:s1+s15], $0x80, s0, s15, $0xb8;
	[tilespmem:$0x1BB00] =	vst v63  }
0x96: {  	_ =	swait.ge [sflag:s17], $0x2800  }
0x97: {  	[sflag:s17] =	ssyncset.done $0x0  }
0x98: {  	[sflag:s17] =	ssyncadd.s32 $0xFFFFD800  }
0x99: {  	_ =	swait.ge [sflag:s17], $0x2800  }
0x9a: {  	[sflag:s17] =	ssyncset.done $0x0  }
0x9b: {  	[sflag:s17] =	ssyncadd.s32 $0xFFFFD800  }
0x9c: {  	_ =	swait.ge [sflag:s17], $0x2800  }
0x9d: {  	[sflag:s17] =	ssyncset.done $0x0  }
0x9e: {  	[sflag:s17] =	ssyncadd.s32 $0xFFFFD800  }
0x9f: {  	_ =	swait.ge [sflag:s17], $0x2800  }
0xa0: {  	[sflag:s17] =	ssyncset.done $0x0  }
0xa1: {  	[sflag:s17] =	ssyncadd.s32 $0xFFFFD800  }
0xa2: {  	_ =	swait.ge [sflag:s17], $0x2800  }
0xa3: {  	[sflag:s17] =	ssyncset.done $0x0  }
0xa4: {  	[sflag:s17] =	ssyncadd.s32 $0xFFFFD800  }
0xa5: {  	_ =	swait.ge [sflag:s17], $0x2800  }
0xa6: {  	[sflag:s17] =	ssyncset.done $0x0  }
0xa7: {  	[sflag:s17] =	ssyncadd.s32 $0xFFFFD800  }
0xa8: {  	_ =	swait.ge [sflag:s17], $0x2800  }
0xa9: {  	[sflag:s17] =	ssyncset.done $0x0  }
0xaa: {  	[sflag:s17] =	ssyncadd.s32 $0xFFFFD800  }
0xab: {  	_ =	swait.ge [sflag:s17], $0x2800  }
0xac: {  	[sflag:s17] =	ssyncset.done $0x0  }
0xad: {  	[sflag:s17] =	ssyncadd.s32 $0xFFFFD800  }
0xae: {  	[bflag:$0x0] =	sbarrier.arrive $0xFFFF  }
0xaf: {  	s2 =	rddreg [dreg:$0x14]  }
0xb0: {  	s6 =	rddreg [dreg:$0x17]  }
0xb1: {  	s17 =	simm.s32 $0x0;
	s7 =	rddreg [dreg:$0x18]  }
.LBB2_2:
0xb2: {  	_ =	swait.ge [sflag:s18], $0x2800  }
0xb3: {  	[sflag:s18] =	ssyncset.done $0x0  }
0xb4: {  	[sflag:s18] =	ssyncadd.s32 $0xFFFFD800  }
0xb5: {  	[spmem:s4] =	stream.indirect.scatter.add.f32 [tilespmem:s16], [sflag:$0x3], $0x80, s3, s15, $0xb8;
	[tilespmem:$0x1BB00] =	vst v63  }
0xb6: {  	_ =	swait.ge [sflag:s19], $0x50  }
0xb7: {  	p0 =	seq.s32 s17, $0x0;
	[sflag:s19] =	ssyncset.done $0x0  }
.Ltmp2:
0xb8: {  	[sflag:s19] =	ssyncadd.s32 $0xFFFFFFB0;
	(pc) =	sbr.rel @p0 .LBB2_5-.Ltmp2, $4  }
0xb9: {  	_ =	swait.ge [sflag:s19], $0x50  }
0xba: {  	[sflag:s19] =	ssyncset.done $0x0  }
0xbb: {  	[sflag:s19] =	ssyncadd.s32 $0xFFFFFFB0  }
0xbc: {  	[tilespmem:s20], [sflag:$0x5] =	stream.indirect.gather [hbm4b:s1+s15], $0x80, s8, s15, $0xb8;
	[tilespmem:$0x1BB00] =	vst v63  }
0xbd: {  	p0 =	seq.s32 s17, $0x29  }
.Ltmp3:
0xbe: {  	_ = 	snop;
	(pc) =	sbr.rel @p0 .LBB2_6-.Ltmp3, $1  }
0xbf: {  	_ =	sdelay $0x3  }
0xc0: {  	s0 =	simm.s32 $0x9  }
0xc1: {  	_ =	swait.ge [sflag:s0], $0x2800  }
0xc2: {  	[sflag:s0] =	ssyncset.done $0x0  }
0xc3: {  	[sflag:s0] =	ssyncadd.s32 $0xFFFFD800  }
.LBB2_5:
0xc4: {  	s11 =	sadd.s32 s6, s25;
	s0 =	simm.s32 $0x19200  }
0xc5: {  	[tilespmem:s0], [sflag:$0x7] =	stream.linear.gather [hbm4b:s11+s5], $0x50, $0x38;
	[tilespmem:$0x1BB00] =	vst v63  }
0xc6: {  	s11 =	sadd.s32 s7, s25;
	s0 =	simm.s32 $0x19280  }
0xc7: {  	[tilespmem:s0], [sflag:$0x7] =	stream.linear.gather [hbm4b:s11+s5], $0x50, $0x38;
	[tilespmem:$0x1BB00] =	vst v63  }
.LBB2_6:
0xc8: {  	p0 =	seq.s32 s17, $0x29  }
.Ltmp4:
0xc9: {  	_ = 	snop;
	(pc) =	sbr.rel @p0 .LBB2_8-.Ltmp4, $4  }
0xca: {  	_ =	swait.ge [sflag:s24], $0x2800  }
0xcb: {  	[sflag:s24] =	ssyncset.done $0x0  }
0xcc: {  	[sflag:s24] =	ssyncadd.s32 $0xFFFFD800  }
0xcd: {  	[spmem:s4] =	stream.indirect.scatter.add.f32 [tilespmem:s20], [sflag:$0x6], $0x80, s9, s15, $0xb8;
	[tilespmem:$0x1BB00] =	vst v63  }
0xce: {  	_ =	swait.ge [sflag:s29], $0x50  }
0xcf: {  	[sflag:s29] =	ssyncset.done $0x0  }
0xd0: {  	[sflag:s29] =	ssyncadd.s32 $0xFFFFFFB0  }
0xd1: {  	_ =	swait.ge [sflag:s29], $0x50  }
0xd2: {  	s0 =	simm.s32 $0x19200;
	[sflag:s29] =	ssyncset.done $0x0  }
0xd3: {  	s11 =	sshrl.u32 s2, $0x3;
	s31 =	smov.u32 s12;
	[sflag:s29] =	ssyncadd.s32 $0xFFFFFFB0  }
0xd4: {  	[tilespmem:s10], [sflag:$0x8] =	stream.indirect.gather [hbm4b:s1+s15], $0x80, s0, s15, $0xb8;
	[tilespmem:$0x1BB00] =	vst v63  }
0xd5: {  	s12 =	smov.u32 s22;
	s22 =	smov.u32 s21;
	_ =	swait.ge [sflag:s13], $0x2800  }
0xd6: {  	s21 =	smov.u32 s28;
	[sflag:s13] =	ssyncset.done $0x0;
	s28 =	rddreg [dreg:$0x17]  }
0xd7: {  	s0 =	simm.s32 $0x14000;
	[sflag:s13] =	ssyncadd.s32 $0xFFFFD800;
	s28 =	sadd.s32 s28, s11  }
0xd8: {  	[tilespmem:s0], [sflag:$0x1] =	stream.linear.gather [hbm4b:s28+s5], $0x50, $0x38;
	[tilespmem:$0x1BB00] =	vst v63  }
0xd9: {  	s28 =	smov.u32 s21;
	s21 =	smov.u32 s22  }
0xda: {  	s22 =	smov.u32 s12;
	s12 =	smov.u32 s31;
	s31 =	rddreg [dreg:$0x18]  }
0xdb: {  	s11 =	sadd.s32 s31, s11  }
0xdc: {  	[tilespmem:s3], [sflag:$0x1] =	stream.linear.gather [hbm4b:s11+s5], $0x50, $0x38;
	[tilespmem:$0x1BB00] =	vst v63  }
0xdd: {  	_ =	swait.ge [sflag:s30], $0x2800  }
0xde: {  	[sflag:s30] =	ssyncset.done $0x0  }
0xdf: {  	s11 =	simm.s32 $0x19280;
	[sflag:s30] =	ssyncadd.s32 $0xFFFFD800  }
0xe0: {  	[spmem:s4] =	stream.indirect.scatter.add.f32 [tilespmem:s10], [sflag:$0x9], $0x80, s11, s15, $0xb8;
	[tilespmem:$0x1BB00] =	vst v63  }
0xe1: {  	_ =	swait.ge [sflag:s14], $0x50  }
0xe2: {  	[sflag:s14] =	ssyncset.done $0x0  }
0xe3: {  	[sflag:s14] =	ssyncadd.s32 $0xFFFFFFB0  }
0xe4: {  	_ =	swait.ge [sflag:s14], $0x50  }
0xe5: {  	[sflag:s14] =	ssyncset.done $0x0  }
0xe6: {  	[sflag:s14] =	ssyncadd.s32 $0xFFFFFFB0  }
0xe7: {  	[tilespmem:s16], [sflag:$0x2] =	stream.indirect.gather [hbm4b:s1+s15], $0x80, s0, s15, $0xb8;
	[tilespmem:$0x1BB00] =	vst v63  }
0xe8: {  	s17 =	sadd.s32 $0x1, s17;
	_ =	swait.ge [sflag:s26], $0x2800  }
.Ltmp5:
0xe9: {  	s2 =	sadd.s32 $0xF0, s2;
	[sflag:s26] =	ssyncset.done $0x0;
	(pc) =	sbr.rel .LBB2_2-.Ltmp5, $4  }
0xea: {  	s31 =	simm.s32 $0xB;
	s0 =	sadd.s32 s6, s23;
	[sflag:s26] =	ssyncadd.s32 $0xFFFFD800  }
0xeb: {  	[tilespmem:s8], [sflag:$0x4] =	stream.linear.gather [hbm4b:s0+s5], $0x50, $0x38;
	[tilespmem:$0x1BB00] =	vst v63  }
0xec: {  	s6 =	sadd.s32 $0x1E, s6;
	s0 =	sadd.s32 s7, s23;
	s7 =	sadd.s32 $0x1E, s7  }
0xed: {  	[tilespmem:s9], [sflag:$0x4] =	stream.linear.gather [hbm4b:s0+s5], $0x50, $0x38;
	[tilespmem:$0x1BB00] =	vst v63  }
.LBB2_9:
0xee: {  	_ =	sfence.sel $0x180000  }
0xef: {  	[bflag:$0x0] =	sbarrier.arrive $0xFFFF  }
0xf0: {  	_ =	strace $0x90000047  }
0xf1: {  	s0 =	stileid.u32;
	[bflag:$0x2] =	sbarrier.arrive $0xFFFF  }
0xf2: {  	p0 =	sne.s32 s0, $0x0;
	s0 =	rddreg [dreg:$0x4]  }
0xf3: {  	s0 =	sadd.s32 @!p0 $0x100000, s0  }
0xf4: {  	[sflag:s0] =	ssyncadd.tile.s32 @!p0 $0x1;
	_ =	shalt  }
.Lfunc_end2:
_tile_overlayer_lowered:
.L_overlay_start_2:
0xf5: {  	(tag) =	ssettag $0x2  }
0xf6: {  	s0 =	rddreg [dreg:$0x0];
	s2 =	stileid.u32  }
0xf7: {  	s1 =	rddreg [dreg:$0x1];
	p0 =	sne.s32 s2, $0x0  }
0xf8: {  	s3 =	rddreg [dreg:$0x2];
	[bflag:$0x3] =	sbarrier.arrive $0xFFFF;
	s2 =	simm.s32 @!p0 $0x1C0B  }
0xf9: {  	[timem:s3], [sflag:s2] =	dma.local @!p0 [hbm:s0], s1  }
0xfa: {  	s0 =	simm.s32 @!p0 $0xB  }
0xfb: {  	_ =	swait.ge @!p0 [sflag:s0], s1  }
0xfc: {  	s1 =	ssub.s32 @!p0 $0x0, s1;
	[sflag:s0] =	ssyncset.done @!p0 $0x0  }
0xfd: {  	[sflag:s0] =	ssyncadd.s32 @!p0 s1  }
0xfe: {  	[bflag:$0x3] =	sbarrier.arrive $0xFFFF  }
0xff: {  	_ =	shalt  }

// kernel: kernel.13.cloned.1.call-start
scs
__scs_entry_jumppad:
0x0: {  	(pc) =	sbr.rel $0x88, $3  }
0x1: {  	(tag) =	ssettag $0x0;
	lr =	simm.s32 $0x1  }
0x2: {  	[smem:$0x3F95] =	sst lr;
	_ =	strace $0xD0000000  }
0x3: {  	_ = 	snop  }
0x4: {  	_ = 	snop  }
0x5: {  	_ = 	snop  }
0x6: {  	_ = 	snop  }
0x7: {  	_ = 	snop  }
__scs_overlays_trampoline_lowered:
0x8: {  	[smem:$0x3FA4] =	sst s0  }
0x9: {  	[smem:$0x3FA5] =	sst s1  }
0xa: {  	[smem:$0x3FA6] =	sst s2  }
0xb: {  	[smem:$0x3FA7] =	sst s3  }
0xc: {  	[smem:$0x3FA8] =	sst s4  }
0xd: {  	[smem:$0x3FA9] =	sst s5  }
0xe: {  	[smem:$0x3FAA] =	sst s6  }
0xf: {  	[smem:$0x3FAB] =	sst s7  }
0x10: {  	[smem:$0x3FAC] =	sst s8  }
0x11: {  	[smem:$0x3FAD] =	sst s9;
	s0 =	simm.s32 @!p0 $0x0  }
0x12: {  	s1 =	sld [smem:$0x3F93];
	s0 =	simm.s32 @p0 $0x1  }
0x13: {  	[smem:$0x3FAE] =	sst s0;
	s0 =	simm.s32 @!p1 $0x0  }
0x14: {  	s2 =	sld [smem:$0x3F92];
	s0 =	simm.s32 @p1 $0x1  }
0x15: {  	[smem:$0x3FAF] =	sst s0;
	s0 =	simm.s32 @!p2 $0x0  }
0x16: {  	s3 =	sld [smem:$0x3FDB];
	s0 =	simm.s32 @p2 $0x1  }
0x17: {  	s4 =	simm.s32 $0x1BF5;
	[smem:$0x3FB1] =	sst s0  }
0x18: {  	s0 =	sld [smem:$0x3F94];
	_ =	swait.ge [sflag:s4], $0x0  }
0x19: {  	s7 =	sld [smem:$0x3F95]  }
0x1a: {  	s8 =	sadd.s32 $0xFFFFE003, lr  }
0x1b: {  	s9 =	sadd.s32 $0xFFFFFEF7, lr;
	s5 =	simm.s32 $0xFFFFFFFF;
	p2 =	slt.u32 s8, $0xFFFFF086  }
0x1c: {  	p1 =	slt.u32 s9, $0xF7A;
	s5 =	simm.s32 @!p2 $0x0  }
0x1d: {  	s5 =	simm.s32 @p1 $0x1;
	p0 =	seq.s32 s7, s2  }
0x1e: {  	s7 =	smul.u32 @!p0 $0xF7A, s2;
	p2 =	seq.s32 @!p0 s5, $0x0  }
0x1f: {  	s9 =	smul.u32 $0xF7A, s1;
	s8 =	simm.s32 @!p0 $0x1BF5;
	p2 =	por !p2, p0  }
0x20: {  	[sflag:s8] =	ssyncset.s32 @!p0 $0xFFFFF086;
	s6 =	sadd.s32 @!p0 s3, s7;
	s7 =	simm.s32 @!p0 $0x108  }
0x21: {  	s3 =	sadd.s32 s3, s9;
	s6 =	sadd.s32 @!p0 $0x88, s6;
	s7 =	simm.s32 @p2 $0x1082  }
0x22: {  	[simem:s7], [sflag:s8] =	dma.local @!p0 [hbm:s6], $0xF7A  }
0x23: {  	s9 =	sor.u32 $0xD0000000, s2;
	s6 =	simm.s32 $0x108;
	_ =	swait.ge @!p0 [sflag:s8], $0x0  }
0x24: {  	s3 =	sadd.s32 $0x88, s3;
	s6 =	simm.s32 @!p1 $0x1082;
	[sflag:s4] =	ssyncset.s32 $0xFFFFF086  }
0x25: {  	[simem:s6], [sflag:s4] =	dma.local [hbm:s3], $0xF7A  }
0x26: {  	[smem:$0x3F95] =	sst s1;
	(tag) =	ssettag s2;
	_ =	strace s9  }
0x27: {  	s1 =	sld [smem:$0x3FA5]  }
0x28: {  	s2 =	sld [smem:$0x3FA6]  }
0x29: {  	s4 =	sld [smem:$0x3FA8]  }
0x2a: {  	p0 =	seq.s32 s5, $0x0;
	s5 =	sld [smem:$0x3FA9]  }
0x2b: {  	s6 =	sld [smem:$0x3FAA]  }
0x2c: {  	s7 =	sld [smem:$0x3FAB]  }
0x2d: {  	s3 =	simm.s32 $0x108;
	s8 =	sld [smem:$0x3FAC]  }
0x2e: {  	s3 =	simm.s32 @!p0 $0x1082;
	s9 =	sld [smem:$0x3FAD]  }
0x2f: {  	lr =	sadd.s32 s0, s3;
	s0 =	sld [smem:$0x3FA4]  }
0x30: {  	s3 =	sld [smem:$0x3FA7]  }
0x31: {  	[smem:$0x3FB0] =	sst s10  }
0x32: {  	s10 =	sld [smem:$0x3FAE];
	_ =	sdelay $0x3  }
0x33: {  	p0 =	seq.s32 s10, $0x1;
	s10 =	sld [smem:$0x3FB0];
	_ =	sdelay $0x3  }
0x34: {  	[smem:$0x3FB0] =	sst s10  }
0x35: {  	s10 =	sld [smem:$0x3FAF];
	_ =	sdelay $0x3  }
0x36: {  	p1 =	seq.s32 s10, $0x1;
	s10 =	sld [smem:$0x3FB0];
	_ =	sdelay $0x3  }
0x37: {  	[smem:$0x3FB0] =	sst s10  }
0x38: {  	s10 =	sld [smem:$0x3FB1]  }
0x39: {  	_ = 	snop;
	(pc) =	sbr.ind lr, $3  }
0x3a: {  	_ = 	snop  }
0x3b: {  	_ = 	snop  }
0x3c: {  	p2 =	seq.s32 s10, $0x1;
	s10 =	sld [smem:$0x3FB0]  }
0x3d: {  	_ =	shalt  }
0x3e: {  	_ =	shalt  }
0x3f: {  	_ =	shalt  }
0x40: {  	_ =	shalt  }
0x41: {  	_ =	shalt  }
0x42: {  	_ =	shalt  }
0x43: {  	_ =	shalt  }
0x44: {  	_ =	shalt  }
0x45: {  	_ =	shalt  }
0x46: {  	_ =	shalt  }
0x47: {  	_ =	shalt  }
0x48: {  	_ =	shalt  }
0x49: {  	_ =	shalt  }
0x4a: {  	_ =	shalt  }
0x4b: {  	_ =	shalt  }
0x4c: {  	_ =	shalt  }
0x4d: {  	_ =	shalt  }
0x4e: {  	_ =	shalt  }
0x4f: {  	_ =	shalt  }
0x50: {  	_ =	shalt  }
0x51: {  	_ =	shalt  }
0x52: {  	_ =	shalt  }
0x53: {  	_ =	shalt  }
0x54: {  	_ =	shalt  }
0x55: {  	_ =	shalt  }
0x56: {  	_ =	shalt  }
0x57: {  	_ =	shalt  }
0x58: {  	_ =	shalt  }
0x59: {  	_ =	shalt  }
0x5a: {  	_ =	shalt  }
0x5b: {  	_ =	shalt  }
0x5c: {  	_ =	shalt  }
0x5d: {  	_ =	shalt  }
0x5e: {  	_ =	shalt  }
0x5f: {  	_ =	shalt  }
0x60: {  	_ =	shalt  }
0x61: {  	_ =	shalt  }
0x62: {  	_ =	shalt  }
0x63: {  	_ =	shalt  }
0x64: {  	_ =	shalt  }
0x65: {  	_ =	shalt  }
0x66: {  	_ =	shalt  }
0x67: {  	_ =	shalt  }
0x68: {  	_ =	shalt  }
0x69: {  	_ =	shalt  }
0x6a: {  	_ =	shalt  }
0x6b: {  	_ =	shalt  }
0x6c: {  	_ =	shalt  }
0x6d: {  	_ =	shalt  }
0x6e: {  	_ =	shalt  }
0x6f: {  	_ =	shalt  }
0x70: {  	_ =	shalt  }
0x71: {  	_ =	shalt  }
0x72: {  	_ =	shalt  }
0x73: {  	_ =	shalt  }
0x74: {  	_ =	shalt  }
0x75: {  	_ =	shalt  }
0x76: {  	_ =	shalt  }
0x77: {  	_ =	shalt  }
0x78: {  	_ =	shalt  }
0x79: {  	_ =	shalt  }
0x7a: {  	_ =	shalt  }
0x7b: {  	_ =	shalt  }
0x7c: {  	_ =	shalt  }
0x7d: {  	_ =	shalt  }
0x7e: {  	_ =	shalt  }
0x7f: {  	_ =	shalt  }
0x80: {  	_ =	shalt  }
0x81: {  	_ =	shalt  }
0x82: {  	_ =	shalt  }
0x83: {  	_ =	shalt  }
0x84: {  	_ =	shalt  }
0x85: {  	_ =	shalt  }
0x86: {  	_ =	shalt  }
0x87: {  	_ =	shalt  }
.Lfunc_end0:
.L_simem_size_0:
called_computation.2_lowered:
.L_overlay_start_0:
0x88: {  	s2 =	sld [smem:$0x3FD9]  }
0x89: {  	s3 =	sld [smem:$0x3FFE];
	_ =	sdelay $0x1  }
0x8a: {  	s1 =	srdreg.scid  }
0x8b: {  	s0 =	sand.u32 $0x1, s1  }
0x8c: {  	s17 =	sshll.u32 s0, $0xA;
	s2 =	sadd.s32 s3, s2  }
0x8d: {  	s2 =	sadd.s32 s2, s17  }
0x8e: {  	[smem:$0x3FBC] =	sst s2  }
0x8f: {  	_ = 	snop  }
0x90: {  	s2 =	sld [smem:$0x3FD0];
	(tm) =	ssettm $0x1  }
0x91: {  	s18 =	sld [smem:$0x3FFB];
	_ =	sdelay $0x3  }
0x92: {  	_ =	strace s18  }
0x93: {  	s3 =	sld [smem:$0x3FFC];
	_ =	sdelay $0x3  }
0x94: {  	_ =	strace s3  }
0x95: {  	s3 =	sld [smem:$0x3FFD];
	_ =	sdelay $0x3  }
0x96: {  	_ =	strace s3  }
0x97: {  	_ =	strace $0x8FFFFFFF  }
0x98: {  	s19 =	sld [smem:$0x3FDB];
	_ =	sdelay $0x1  }
0x99: {  	s4 =	simm.s32 $_scs_section_size  }
0x9a: {  	s5 =	simm.s32 $_size__tile_overlayer_lowered;
	s6 =	simm.s32 $_tile_overlayer_lowered  }
0x9b: {  	s22 =	simm.s32 $0x1BFF;
	s21 =	sshll.u32 s6, $0x1;
	s3 =	sadd.s32 s4, s19  }
0x9c: {  	s7 =	simm.s32 $0x0;
	s20 =	sshll.u32 s5, $0x1;
	s5 =	sadd.s32 s21, s3  }
0x9d: {  	[timem:s7], [sflag:s22] =	dma.local [hbm:s5], s20  }
0x9e: {  	_ =	swait.ge [sflag:s22], s20  }
0x9f: {  	s4 =	ssub.s32 $0x0, s20;
	[sflag:s22] =	ssyncset.done $0x0  }
0xa0: {  	[sflag:s22] =	ssyncadd.s32 s4;
	_ =	sdelay $0x1  }
0xa1: {  	s23 =	simm.s32 $0x1B8B  }
0xa2: {  	_ =	swait.ge [sflag:s23], $0x1  }
0xa3: {  	[sflag:s23] =	ssyncset.done $0x0  }
0xa4: {  	s25 =	simm.s32 $0x1B8E;
	s24 =	sld [smem:$0x3FFE];
	[sflag:s23] =	ssyncadd.s32 $0xFFFFFFFF  }
0xa5: {  	s26 =	simm.s32 $execute0_lowered;
	[smem:$0x3FD2] =	sst s25  }
0xa6: {  	s5 =	sshll.u32 s26, $0x1;
	_ =	strace $0x8000004C;
	[dreg:$0x1] =	wrdreg $0xFFFFFFFF  }
0xa7: {  	s28 =	simm.s32 $_size_execute0_lowered;
	s3 =	sadd.s32 s3, s5;
	[dreg:$0x0] =	wrdreg $0x0  }
0xa8: {  	s5 =	sshll.u32 s28, $0x1;
	[dreg:$0x2] =	wrdreg s3  }
0xa9: {  	[dreg:$0x3] =	wrdreg s5  }
0xaa: {  	[dreg:$0x4] =	wrdreg $0xC0  }
0xab: {  	_ =	task [dreg:s7], $0x5FFFF  }
0xac: {  	[dreg:$0x1] =	wrdreg $0xFFFFFFFF  }
0xad: {  	[dreg:$0x0] =	wrdreg $0x60  }
0xae: {  	[dreg:$0x2] =	wrdreg s24  }
0xaf: {  	[dreg:$0x3] =	wrdreg s2  }
0xb0: {  	[dreg:$0x4] =	wrdreg $0x0  }
0xb1: {  	[dreg:$0x5] =	wrdreg $0x9  }
0xb2: {  	_ =	task.clear_ibuf [dreg:s7], $0x6FFFF;
	_ =	strace $0x9000004C  }
0xb3: {  	s29 =	simm.s32 $0x9;
	_ =	strace $0x8000004E  }
0xb4: {  	_ =	swait.ge [sflag:s29], $0x1  }
0xb5: {  	[sflag:s29] =	ssyncadd.s32 $0xFFFFFFFF  }
0xb6: {  	_ =	strace $0x9000004E  }
0xb7: {  	_ =	sfence  }
0xb8: {  	s30 =	sld [smem:$0x0];
	_ =	sdelay $0x2  }
0xb9: {  	s31 =	sshll.u32 s1, $0xD;
	s1 =	sshrl.u32 s1, $0x2  }
0xba: {  	s3 =	sand.u32 $0x4000, s31;
	s1 =	sadd.s32 s1, s30  }
0xbb: {  	s0 =	sor.u32 s3, s0;
	s1 =	sshll.u32 s1, $0x11  }
0xbc: {  	s0 =	sor.u32 s1, s0  }
0xbd: {  	s0 =	sadd.s32 $0x8F2B, s0  }
0xbe: {  	[sflag:s0] =	ssyncadd.remote.s32 $0x1  }
0xbf: {  	_ =	sfence.sel $0xFFFF  }
0xc0: {  	[dreg:$0x0] =	wrdreg $0xFFFFFFFF;
	(pc) =	sbr.abs _section_cstart, $3  }
0xc1: {  	[dreg:$0x1] =	wrdreg $0xFFFFFFFF  }
0xc2: {  	_ =	task.clear_ibuf [dreg:s7], $0x2FFFF;
	_ =	strace $0x9FFFFFFF  }
0xc3: {  	(tm) =	ssettm $0x7FFFFFFF  }
tec
execute0_lowered:
.L_overlay_start_1:
0x0: {  	(tag) =	ssettag $0x1  }
0x1: {  	s0 =	rddreg [dreg:$0x0]  }
0x2: {  	s3 =	rddreg [dreg:$0x2];
	s1 =	srdreg.scid  }
0x3: {  	s9 =	stileid.u32;
	s4 =	simm.s32 $0x0;
	s31 =	simm.s32 $0xB  }
0x4: {  	s29 =	simm.s32 $0x7;
	s1 =	sand.u32 $0x1, s1;
	s2 =	smul.u32 $0x280, s9  }
0x5: {  	[smem:$0x7FF] =	sst s4;
	s7 =	sshll.u32 s9, $0x1;
	s17 =	smul.u32 $0x4E20, s9  }
0x6: {  	s5 =	sadd.s32 $0x16400, s0;
	s10 =	sadd.s32 $0xC600, s0;
	s6 =	smul.u32 $0x2800, s1  }
0x7: {  	s26 =	sor.u32 s1, s7;
	s7 =	ssub.s32 $0x2, s1;
	s1 =	smul.u32 $0x2710, s1  }
0x8: {  	s11 =	sadd.s32 $0x2800, s0;
	_ =	strace $0x8000004D;
	[dreg:$0x16] =	wrdreg s10  }
0x9: {  	s2 =	sadd.s32 s2, s6;
	s6 =	smul.u32 $0x2710, s26;
	s1 =	sadd.s32 s1, s17  }
0xa: {  	[dreg:$0x17] =	wrdreg s11;
	s2 =	sshll.u32 s2, $0x4;
	s25 =	sadd.s32 $0x140, s1  }
0xb: {  	s26 =	sadd.s32 $0xA0, s1;
	s1 =	sadd.s32 $0xF0, s1;
	s6 =	sshrl.u32 s6, $0x3  }
0xc: {  	s0 =	sadd.s32 s2, s0;
	[dreg:$0x13] =	wrdreg s1;
	s13 =	sadd.s32 s10, s6  }
0xd: {  	s14 =	sadd.s32 $0xA, s6;
	s6 =	sadd.s32 s11, s6;
	[dreg:$0x4] =	wrdreg s13  }
0xe: {  	s30 =	simm.s32 $0x8;
	s18 =	sadd.s32 $0x3D600, s0;
	[dreg:$0x5] =	wrdreg s6  }
0xf: {  	s8 =	smul.u32 $0x50000, s9;
	s19 =	sadd.s32 $0x3DB00, s0;
	[dreg:$0xa] =	wrdreg s18  }
0x10: {  	s9 =	simm.s32 $0x16980;
	s20 =	sadd.s32 $0x3E000, s0;
	[dreg:$0xb] =	wrdreg s19  }
0x11: {  	s12 =	sshrl.u32 s7, $0x1;
	s21 =	sadd.s32 $0x3E500, s0;
	[dreg:$0xc] =	wrdreg s20  }
0x12: {  	s16 =	sshrl.u32 s8, $0x2;
	s22 =	sadd.s32 $0x3EA00, s0;
	[dreg:$0xd] =	wrdreg s21  }
0x13: {  	s8 =	simm.s32 $0x16900;
	s23 =	sadd.s32 $0x3EF00, s0;
	[dreg:$0xe] =	wrdreg s22  }
0x14: {  	s2 =	ssub.s32 s7, s12;
	s24 =	sadd.s32 $0x3F400, s0;
	[dreg:$0xf] =	wrdreg s23  }
0x15: {  	s1 =	simm.s32 $0x0;
	s0 =	sadd.s32 $0x3F900, s0;
	[dreg:$0x10] =	wrdreg s24  }
0x16: {  	s2 =	smax.u32 s2, $0x1;
	s15 =	sadd.s32 s10, s14;
	[dreg:$0x11] =	wrdreg s0  }
0x17: {  	s7 =	sadd.s32 s11, s14;
	[dreg:$0x12] =	wrdreg s2;
	s23 =	sshrl.u32 s25, $0x3  }
0x18: {  	s25 =	sshrl.u32 s26, $0x3;
	s2 =	simm.s32 $0x14080;
	s10 =	simm.s32 $0x19300  }
0x19: {  	s14 =	simm.s32 $0x1;
	s18 =	simm.s32 $0x2;
	s19 =	simm.s32 $0x4  }
0x1a: {  	s20 =	simm.s32 $0x16A00;
	s24 =	simm.s32 $0x5;
	[dreg:$0x6] =	wrdreg s15  }
0x1b: {  	s13 =	simm.s32 $0x3;
	s26 =	simm.s32 $0x6;
	[dreg:$0x7] =	wrdreg s7  }
.Ltmp0:
0x1c: {  	s7 =	sadd.s32 s16, s3;
	s15 =	simm.s32 $0x50;
	(pc) =	sbr.rel .LBB2_1-.Ltmp0, $4  }
0x1d: {  	s16 =	simm.s32 $0x14100;
	s11 =	sadd.s32 $0x2800, s7;
	[dreg:$0x8] =	wrdreg s7  }
0x1e: {  	s6 =	sadd.s32 $0x5000, s7;
	s17 =	sadd.s32 $0x7800, s7;
	[dreg:$0x9] =	wrdreg s11  }
0x1f: {  	s28 =	sadd.s32 $0xA000, s7;
	s21 =	sadd.s32 $0xC800, s7;
	[dreg:$0x14] =	wrdreg s6  }
0x20: {  	s22 =	sadd.s32 $0xF000, s7;
	s12 =	sadd.s32 $0x11800, s7;
	[dreg:$0x15] =	wrdreg s17  }
.LBB2_8:
0x21: {  	_ =	swait.ge [sflag:s13], $0x2800  }
0x22: {  	[sflag:s13] =	ssyncset.done $0x0  }
0x23: {  	[sflag:s13] =	ssyncadd.s32 $0xFFFFD800  }
0x24: {  	_ =	swait.ge [sflag:s26], $0x2800  }
0x25: {  	[sflag:s26] =	ssyncset.done $0x0  }
0x26: {  	s0 =	simm.s32 $0x9;
	[sflag:s26] =	ssyncadd.s32 $0xFFFFD800  }
0x27: {  	_ =	swait.ge [sflag:s0], $0x2800  }
0x28: {  	[sflag:s0] =	ssyncset.done $0x0  }
0x29: {  	[sflag:s0] =	ssyncadd.s32 $0xFFFFD800  }
0x2a: {  	[bflag:$0x0] =	sbarrier.arrive $0xFFFF  }
0x2b: {  	s7 =	rddreg [dreg:$0x8]  }
0x2c: {  	[tilespmem:s16], [sflag:$0xB] =	stream.linear.gather [spmem:s7], $0x2800, $0x38;
	[tilespmem:$0x1BB00] =	vst v63  }
0x2d: {  	_ =	swait.ge [sflag:s31], $0x2800  }
0x2e: {  	[sflag:s31] =	ssyncset.done $0x0  }
0x2f: {  	s1 =	rddreg [dreg:$0xa];
	[sflag:s31] =	ssyncadd.s32 $0xFFFFD800  }
0x30: {  	[hbm4b:s1+s4] =	stream.linear.scatter [tilespmem:s16], [sflag:$0x1], $0x2800, $0x38;
	[tilespmem:$0x1BB00] =	vst v63  }
0x31: {  	s11 =	rddreg [dreg:$0x9]  }
0x32: {  	[tilespmem:s20], [sflag:$0xB] =	stream.linear.gather [spmem:s11], $0x2800, $0x38;
	[tilespmem:$0x1BB00] =	vst v63  }
0x33: {  	_ =	swait.ge [sflag:s31], $0x2800  }
0x34: {  	[sflag:s31] =	ssyncset.done $0x0  }
0x35: {  	s6 =	rddreg [dreg:$0xb];
	[sflag:s31] =	ssyncadd.s32 $0xFFFFD800  }
0x36: {  	[hbm4b:s6+s4] =	stream.linear.scatter [tilespmem:s20], [sflag:$0x4], $0x2800, $0x38;
	[tilespmem:$0x1BB00] =	vst v63  }
0x37: {  	_ =	swait.ge [sflag:s14], $0x2800  }
0x38: {  	[sflag:s14] =	ssyncset.done $0x0  }
0x39: {  	s6 =	rddreg [dreg:$0x14];
	[sflag:s14] =	ssyncadd.s32 $0xFFFFD800  }
0x3a: {  	[tilespmem:s16], [sflag:$0xB] =	stream.linear.gather [spmem:s6], $0x2800, $0x38;
	[tilespmem:$0x1BB00] =	vst v63  }
0x3b: {  	_ =	swait.ge [sflag:s31], $0x2800  }
0x3c: {  	[sflag:s31] =	ssyncset.done $0x0  }
0x3d: {  	s17 =	rddreg [dreg:$0xc];
	[sflag:s31] =	ssyncadd.s32 $0xFFFFD800  }
0x3e: {  	[hbm4b:s17+s4] =	stream.linear.scatter [tilespmem:s16], [sflag:$0x1], $0x2800, $0x38;
	[tilespmem:$0x1BB00] =	vst v63  }
0x3f: {  	_ =	swait.ge [sflag:s19], $0x2800  }
0x40: {  	[sflag:s19] =	ssyncset.done $0x0  }
0x41: {  	s17 =	rddreg [dreg:$0x15];
	[sflag:s19] =	ssyncadd.s32 $0xFFFFD800  }
0x42: {  	[tilespmem:s20], [sflag:$0xB] =	stream.linear.gather [spmem:s17], $0x2800, $0x38;
	[tilespmem:$0x1BB00] =	vst v63  }
0x43: {  	_ =	swait.ge [sflag:s31], $0x2800  }
0x44: {  	[sflag:s31] =	ssyncset.done $0x0  }
0x45: {  	s1 =	rddreg [dreg:$0xd];
	[sflag:s31] =	ssyncadd.s32 $0xFFFFD800  }
0x46: {  	[hbm4b:s1+s4] =	stream.linear.scatter [tilespmem:s20], [sflag:$0x4], $0x2800, $0x38;
	[tilespmem:$0x1BB00] =	vst v63  }
0x47: {  	_ =	swait.ge [sflag:s14], $0x2800  }
0x48: {  	[sflag:s14] =	ssyncset.done $0x0  }
0x49: {  	[sflag:s14] =	ssyncadd.s32 $0xFFFFD800  }
0x4a: {  	[tilespmem:s16], [sflag:$0xB] =	stream.linear.gather [spmem:s28], $0x2800, $0x38;
	[tilespmem:$0x1BB00] =	vst v63  }
0x4b: {  	_ =	swait.ge [sflag:s31], $0x2800  }
0x4c: {  	[sflag:s31] =	ssyncset.done $0x0  }
0x4d: {  	s1 =	rddreg [dreg:$0xe];
	[sflag:s31] =	ssyncadd.s32 $0xFFFFD800  }
0x4e: {  	[hbm4b:s1+s4] =	stream.linear.scatter [tilespmem:s16], [sflag:$0x1], $0x2800, $0x38;
	[tilespmem:$0x1BB00] =	vst v63  }
0x4f: {  	_ =	swait.ge [sflag:s19], $0x2800  }
0x50: {  	[sflag:s19] =	ssyncset.done $0x0  }
0x51: {  	[sflag:s19] =	ssyncadd.s32 $0xFFFFD800  }
0x52: {  	[tilespmem:s20], [sflag:$0xB] =	stream.linear.gather [spmem:s21], $0x2800, $0x38;
	[tilespmem:$0x1BB00] =	vst v63  }
0x53: {  	_ =	swait.ge [sflag:s31], $0x2800  }
0x54: {  	[sflag:s31] =	ssyncset.done $0x0  }
0x55: {  	s1 =	rddreg [dreg:$0xf];
	[sflag:s31] =	ssyncadd.s32 $0xFFFFD800  }
0x56: {  	[hbm4b:s1+s4] =	stream.linear.scatter [tilespmem:s20], [sflag:$0x4], $0x2800, $0x38;
	[tilespmem:$0x1BB00] =	vst v63  }
0x57: {  	_ =	swait.ge [sflag:s14], $0x2800  }
0x58: {  	[sflag:s14] =	ssyncset.done $0x0  }
0x59: {  	[sflag:s14] =	ssyncadd.s32 $0xFFFFD800  }
0x5a: {  	[tilespmem:s16], [sflag:$0xB] =	stream.linear.gather [spmem:s22], $0x2800, $0x38;
	[tilespmem:$0x1BB00] =	vst v63  }
0x5b: {  	_ =	swait.ge [sflag:s31], $0x2800  }
0x5c: {  	[sflag:s31] =	ssyncset.done $0x0  }
0x5d: {  	s1 =	rddreg [dreg:$0x10];
	[sflag:s31] =	ssyncadd.s32 $0xFFFFD800  }
0x5e: {  	[hbm4b:s1+s4] =	stream.linear.scatter [tilespmem:s16], [sflag:$0x1], $0x2800, $0x38;
	[tilespmem:$0x1BB00] =	vst v63  }
0x5f: {  	_ =	swait.ge [sflag:s19], $0x2800  }
0x60: {  	[sflag:s19] =	ssyncset.done $0x0  }
0x61: {  	[sflag:s19] =	ssyncadd.s32 $0xFFFFD800  }
0x62: {  	[tilespmem:s20], [sflag:$0xB] =	stream.linear.gather [spmem:s12], $0x2800, $0x38;
	[tilespmem:$0x1BB00] =	vst v63  }
0x63: {  	_ =	swait.ge [sflag:s31], $0x2800  }
0x64: {  	[sflag:s31] =	ssyncset.done $0x0  }
0x65: {  	s1 =	rddreg [dreg:$0x11];
	[sflag:s31] =	ssyncadd.s32 $0xFFFFD800  }
0x66: {  	[hbm4b:s1+s4] =	stream.linear.scatter [tilespmem:s20], [sflag:$0x4], $0x2800, $0x38;
	[tilespmem:$0x1BB00] =	vst v63  }
0x67: {  	_ =	swait.ge [sflag:s14], $0x2800  }
0x68: {  	[sflag:s14] =	ssyncset.done $0x0  }
0x69: {  	[sflag:s14] =	ssyncadd.s32 $0xFFFFD800  }
0x6a: {  	_ =	swait.ge [sflag:s19], $0x2800  }
0x6b: {  	s1 =	rddreg [dreg:$0x18]  }
0x6c: {  	s0 =	rddreg [dreg:$0x12];
	s1 =	sadd.s32 $0x1, s1  }
0x6d: {  	p0 =	sne.s32 s1, s0  }
.Ltmp1:
0x6e: {  	_ = 	snop;
	(pc) =	sbr.rel @!p0 .LBB2_9-.Ltmp1, $3  }
0x6f: {  	_ =	sdelay $0x1  }
0x70: {  	[sflag:s19] =	ssyncset.done $0x0  }
0x71: {  	[sflag:s19] =	ssyncadd.s32 $0xFFFFD800  }
.LBB2_1:
0x72: {  	[dreg:$0x18] =	wrdreg s1  }
0x73: {  	s0 =	rddreg [dreg:$0x4];
	s1 =	simm.s32 $0x14000  }
0x74: {  	[tilespmem:s1], [sflag:$0x1] =	stream.linear.gather [hbm4b:s0+s4], $0x50, $0x38;
	[tilespmem:$0x1BB00] =	vst v63  }
0x75: {  	s0 =	rddreg [dreg:$0x5]  }
0x76: {  	[tilespmem:s2], [sflag:$0x1] =	stream.linear.gather [hbm4b:s0+s4], $0x50, $0x38;
	[tilespmem:$0x1BB00] =	vst v63  }
0x77: {  	s0 =	rddreg [dreg:$0x6]  }
0x78: {  	[tilespmem:s8], [sflag:$0x4] =	stream.linear.gather [hbm4b:s0+s4], $0x50, $0x38;
	[tilespmem:$0x1BB00] =	vst v63  }
0x79: {  	s0 =	rddreg [dreg:$0x7]  }
0x7a: {  	[tilespmem:s9], [sflag:$0x4] =	stream.linear.gather [hbm4b:s0+s4], $0x50, $0x38;
	[tilespmem:$0x1BB00] =	vst v63  }
0x7b: {  	s0 =	rddreg [dreg:$0x1]  }
0x7c: {  	[tilespmem:s10], [sflag:$0xB] =	stream.linear.gather [hbm4b:s0+s4], $0x2800, $0x38;
	[tilespmem:$0x1BB00] =	vst v63  }
0x7d: {  	_ =	swait.ge [sflag:s31], $0x2800  }
0x7e: {  	[sflag:s31] =	ssyncset.done $0x0  }
0x7f: {  	[sflag:s31] =	ssyncadd.s32 $0xFFFFD800  }
0x80: {  	[spmem:s7] =	stream.linear.scatter [tilespmem:s10], [sflag:$0xA], $0x2800, $0x38;
	[tilespmem:$0x1BB00] =	vst v63  }
0x81: {  	_ = 	snop  }
0x82: {  	[spmem:s11] =	stream.linear.scatter [tilespmem:s10], [sflag:$0xA], $0x2800, $0x38;
	[tilespmem:$0x1BB00] =	vst v63  }
0x83: {  	_ = 	snop  }
0x84: {  	[spmem:s6] =	stream.linear.scatter [tilespmem:s10], [sflag:$0xA], $0x2800, $0x38;
	[tilespmem:$0x1BB00] =	vst v63  }
0x85: {  	_ = 	snop  }
0x86: {  	[spmem:s17] =	stream.linear.scatter [tilespmem:s10], [sflag:$0xA], $0x2800, $0x38;
	[tilespmem:$0x1BB00] =	vst v63  }
0x87: {  	_ = 	snop  }
0x88: {  	[spmem:s28] =	stream.linear.scatter [tilespmem:s10], [sflag:$0xA], $0x2800, $0x38;
	[tilespmem:$0x1BB00] =	vst v63  }
0x89: {  	_ = 	snop  }
0x8a: {  	[spmem:s21] =	stream.linear.scatter [tilespmem:s10], [sflag:$0xA], $0x2800, $0x38;
	[tilespmem:$0x1BB00] =	vst v63  }
0x8b: {  	_ = 	snop  }
0x8c: {  	[spmem:s22] =	stream.linear.scatter [tilespmem:s10], [sflag:$0xA], $0x2800, $0x38;
	[tilespmem:$0x1BB00] =	vst v63  }
0x8d: {  	_ = 	snop  }
0x8e: {  	[spmem:s12] =	stream.linear.scatter [tilespmem:s10], [sflag:$0xA], $0x2800, $0x38;
	[tilespmem:$0x1BB00] =	vst v63  }
0x8f: {  	_ =	swait.ge [sflag:s14], $0x50  }
0x90: {  	[sflag:s14] =	ssyncset.done $0x0  }
0x91: {  	[sflag:s14] =	ssyncadd.s32 $0xFFFFFFB0  }
0x92: {  	_ =	swait.ge [sflag:s14], $0x50  }
0x93: {  	[sflag:s14] =	ssyncset.done $0x0  }
0x94: {  	s17 =	simm.s32 $0xA;
	[sflag:s14] =	ssyncadd.s32 $0xFFFFFFB0  }
0x95: {  	[tilespmem:s16], [sflag:$0x2] =	stream.indirect.gather [hbm4b:s5+s15], $0x80, s1, s15, $0xb8;
	[tilespmem:$0x1BB00] =	vst v63  }
0x96: {  	_ =	swait.ge [sflag:s17], $0x2800  }
0x97: {  	[sflag:s17] =	ssyncset.done $0x0  }
0x98: {  	[sflag:s17] =	ssyncadd.s32 $0xFFFFD800  }
0x99: {  	_ =	swait.ge [sflag:s17], $0x2800  }
0x9a: {  	[sflag:s17] =	ssyncset.done $0x0  }
0x9b: {  	[sflag:s17] =	ssyncadd.s32 $0xFFFFD800  }
0x9c: {  	_ =	swait.ge [sflag:s17], $0x2800  }
0x9d: {  	[sflag:s17] =	ssyncset.done $0x0  }
0x9e: {  	[sflag:s17] =	ssyncadd.s32 $0xFFFFD800  }
0x9f: {  	_ =	swait.ge [sflag:s17], $0x2800  }
0xa0: {  	[sflag:s17] =	ssyncset.done $0x0  }
0xa1: {  	[sflag:s17] =	ssyncadd.s32 $0xFFFFD800  }
0xa2: {  	_ =	swait.ge [sflag:s17], $0x2800  }
0xa3: {  	[sflag:s17] =	ssyncset.done $0x0  }
0xa4: {  	[sflag:s17] =	ssyncadd.s32 $0xFFFFD800  }
0xa5: {  	_ =	swait.ge [sflag:s17], $0x2800  }
0xa6: {  	[sflag:s17] =	ssyncset.done $0x0  }
0xa7: {  	[sflag:s17] =	ssyncadd.s32 $0xFFFFD800  }
0xa8: {  	_ =	swait.ge [sflag:s17], $0x2800  }
0xa9: {  	[sflag:s17] =	ssyncset.done $0x0  }
0xaa: {  	[sflag:s17] =	ssyncadd.s32 $0xFFFFD800  }
0xab: {  	_ =	swait.ge [sflag:s17], $0x2800  }
0xac: {  	[sflag:s17] =	ssyncset.done $0x0  }
0xad: {  	[sflag:s17] =	ssyncadd.s32 $0xFFFFD800  }
0xae: {  	[bflag:$0x0] =	sbarrier.arrive $0xFFFF  }
0xaf: {  	s0 =	rddreg [dreg:$0x13]  }
0xb0: {  	s6 =	rddreg [dreg:$0x16]  }
0xb1: {  	s17 =	simm.s32 $0x0;
	s7 =	rddreg [dreg:$0x17]  }
.LBB2_2:
0xb2: {  	_ =	swait.ge [sflag:s18], $0x2800  }
0xb3: {  	[sflag:s18] =	ssyncset.done $0x0  }
0xb4: {  	[sflag:s18] =	ssyncadd.s32 $0xFFFFD800  }
0xb5: {  	[spmem:s3] =	stream.indirect.scatter.add.f32 [tilespmem:s16], [sflag:$0x3], $0x80, s2, s15, $0xb8;
	[tilespmem:$0x1BB00] =	vst v63  }
0xb6: {  	_ =	swait.ge [sflag:s19], $0x50  }
0xb7: {  	p0 =	seq.s32 s17, $0x0;
	[sflag:s19] =	ssyncset.done $0x0  }
.Ltmp2:
0xb8: {  	[sflag:s19] =	ssyncadd.s32 $0xFFFFFFB0;
	(pc) =	sbr.rel @p0 .LBB2_5-.Ltmp2, $4  }
0xb9: {  	_ =	swait.ge [sflag:s19], $0x50  }
0xba: {  	[sflag:s19] =	ssyncset.done $0x0  }
0xbb: {  	[sflag:s19] =	ssyncadd.s32 $0xFFFFFFB0  }
0xbc: {  	[tilespmem:s20], [sflag:$0x5] =	stream.indirect.gather [hbm4b:s5+s15], $0x80, s8, s15, $0xb8;
	[tilespmem:$0x1BB00] =	vst v63  }
0xbd: {  	p0 =	seq.s32 s17, $0x29  }
.Ltmp3:
0xbe: {  	_ = 	snop;
	(pc) =	sbr.rel @p0 .LBB2_6-.Ltmp3, $1  }
0xbf: {  	_ =	sdelay $0x3  }
0xc0: {  	s1 =	simm.s32 $0x9  }
0xc1: {  	_ =	swait.ge [sflag:s1], $0x2800  }
0xc2: {  	[sflag:s1] =	ssyncset.done $0x0  }
0xc3: {  	[sflag:s1] =	ssyncadd.s32 $0xFFFFD800  }
.LBB2_5:
0xc4: {  	s11 =	sadd.s32 s6, s25;
	s1 =	simm.s32 $0x19200  }
0xc5: {  	[tilespmem:s1], [sflag:$0x7] =	stream.linear.gather [hbm4b:s11+s4], $0x50, $0x38;
	[tilespmem:$0x1BB00] =	vst v63  }
0xc6: {  	s11 =	sadd.s32 s7, s25;
	s1 =	simm.s32 $0x19280  }
0xc7: {  	[tilespmem:s1], [sflag:$0x7] =	stream.linear.gather [hbm4b:s11+s4], $0x50, $0x38;
	[tilespmem:$0x1BB00] =	vst v63  }
.LBB2_6:
0xc8: {  	p0 =	seq.s32 s17, $0x29  }
.Ltmp4:
0xc9: {  	_ = 	snop;
	(pc) =	sbr.rel @p0 .LBB2_8-.Ltmp4, $4  }
0xca: {  	_ =	swait.ge [sflag:s24], $0x2800  }
0xcb: {  	[sflag:s24] =	ssyncset.done $0x0  }
0xcc: {  	[sflag:s24] =	ssyncadd.s32 $0xFFFFD800  }
0xcd: {  	[spmem:s3] =	stream.indirect.scatter.add.f32 [tilespmem:s20], [sflag:$0x6], $0x80, s9, s15, $0xb8;
	[tilespmem:$0x1BB00] =	vst v63  }
0xce: {  	_ =	swait.ge [sflag:s29], $0x50  }
0xcf: {  	[sflag:s29] =	ssyncset.done $0x0  }
0xd0: {  	[sflag:s29] =	ssyncadd.s32 $0xFFFFFFB0  }
0xd1: {  	_ =	swait.ge [sflag:s29], $0x50  }
0xd2: {  	s1 =	simm.s32 $0x19200;
	[sflag:s29] =	ssyncset.done $0x0  }
0xd3: {  	s11 =	sshrl.u32 s0, $0x3;
	s31 =	smov.u32 s12;
	[sflag:s29] =	ssyncadd.s32 $0xFFFFFFB0  }
0xd4: {  	[tilespmem:s10], [sflag:$0x8] =	stream.indirect.gather [hbm4b:s5+s15], $0x80, s1, s15, $0xb8;
	[tilespmem:$0x1BB00] =	vst v63  }
0xd5: {  	s12 =	smov.u32 s22;
	s22 =	smov.u32 s21;
	_ =	swait.ge [sflag:s13], $0x2800  }
0xd6: {  	s21 =	smov.u32 s28;
	[sflag:s13] =	ssyncset.done $0x0;
	s28 =	rddreg [dreg:$0x16]  }
0xd7: {  	s1 =	simm.s32 $0x14000;
	[sflag:s13] =	ssyncadd.s32 $0xFFFFD800;
	s28 =	sadd.s32 s28, s11  }
0xd8: {  	[tilespmem:s1], [sflag:$0x1] =	stream.linear.gather [hbm4b:s28+s4], $0x50, $0x38;
	[tilespmem:$0x1BB00] =	vst v63  }
0xd9: {  	s28 =	smov.u32 s21;
	s21 =	smov.u32 s22  }
0xda: {  	s22 =	smov.u32 s12;
	s12 =	smov.u32 s31;
	s31 =	rddreg [dreg:$0x17]  }
0xdb: {  	s11 =	sadd.s32 s31, s11  }
0xdc: {  	[tilespmem:s2], [sflag:$0x1] =	stream.linear.gather [hbm4b:s11+s4], $0x50, $0x38;
	[tilespmem:$0x1BB00] =	vst v63  }
0xdd: {  	_ =	swait.ge [sflag:s30], $0x2800  }
0xde: {  	[sflag:s30] =	ssyncset.done $0x0  }
0xdf: {  	s11 =	simm.s32 $0x19280;
	[sflag:s30] =	ssyncadd.s32 $0xFFFFD800  }
0xe0: {  	[spmem:s3] =	stream.indirect.scatter.add.f32 [tilespmem:s10], [sflag:$0x9], $0x80, s11, s15, $0xb8;
	[tilespmem:$0x1BB00] =	vst v63  }
0xe1: {  	_ =	swait.ge [sflag:s14], $0x50  }
0xe2: {  	[sflag:s14] =	ssyncset.done $0x0  }
0xe3: {  	[sflag:s14] =	ssyncadd.s32 $0xFFFFFFB0  }
0xe4: {  	_ =	swait.ge [sflag:s14], $0x50  }
0xe5: {  	[sflag:s14] =	ssyncset.done $0x0  }
0xe6: {  	[sflag:s14] =	ssyncadd.s32 $0xFFFFFFB0  }
0xe7: {  	[tilespmem:s16], [sflag:$0x2] =	stream.indirect.gather [hbm4b:s5+s15], $0x80, s1, s15, $0xb8;
	[tilespmem:$0x1BB00] =	vst v63  }
0xe8: {  	s17 =	sadd.s32 $0x1, s17;
	_ =	swait.ge [sflag:s26], $0x2800  }
.Ltmp5:
0xe9: {  	s0 =	sadd.s32 $0xF0, s0;
	[sflag:s26] =	ssyncset.done $0x0;
	(pc) =	sbr.rel .LBB2_2-.Ltmp5, $4  }
0xea: {  	s31 =	simm.s32 $0xB;
	s1 =	sadd.s32 s6, s23;
	[sflag:s26] =	ssyncadd.s32 $0xFFFFD800  }
0xeb: {  	[tilespmem:s8], [sflag:$0x4] =	stream.linear.gather [hbm4b:s1+s4], $0x50, $0x38;
	[tilespmem:$0x1BB00] =	vst v63  }
0xec: {  	s6 =	sadd.s32 $0x1E, s6;
	s1 =	sadd.s32 s7, s23;
	s7 =	sadd.s32 $0x1E, s7  }
0xed: {  	[tilespmem:s9], [sflag:$0x4] =	stream.linear.gather [hbm4b:s1+s4], $0x50, $0x38;
	[tilespmem:$0x1BB00] =	vst v63  }
.LBB2_9:
0xee: {  	_ =	sfence.sel $0x180000  }
0xef: {  	[bflag:$0x0] =	sbarrier.arrive $0xFFFF  }
0xf0: {  	_ =	strace $0x9000004D  }
0xf1: {  	s0 =	stileid.u32;
	[bflag:$0x2] =	sbarrier.arrive $0xFFFF  }
0xf2: {  	p0 =	sne.s32 s0, $0x0;
	s0 =	rddreg [dreg:$0x3]  }
0xf3: {  	s0 =	sadd.s32 @!p0 $0x100000, s0  }
0xf4: {  	[sflag:s0] =	ssyncadd.tile.s32 @!p0 $0x1;
	_ =	shalt  }
.Lfunc_end2:
_tile_overlayer_lowered:
.L_overlay_start_2:
0xf5: {  	(tag) =	ssettag $0x2  }
0xf6: {  	s0 =	rddreg [dreg:$0x0];
	s2 =	stileid.u32  }
0xf7: {  	s1 =	rddreg [dreg:$0x1];
	p0 =	sne.s32 s2, $0x0  }
0xf8: {  	s3 =	rddreg [dreg:$0x2];
	[bflag:$0x3] =	sbarrier.arrive $0xFFFF;
	s2 =	simm.s32 @!p0 $0x1C0B  }
0xf9: {  	[timem:s3], [sflag:s2] =	dma.local @!p0 [hbm:s0], s1  }
0xfa: {  	s0 =	simm.s32 @!p0 $0xB  }
0xfb: {  	_ =	swait.ge @!p0 [sflag:s0], s1  }
0xfc: {  	s1 =	ssub.s32 @!p0 $0x0, s1;
	[sflag:s0] =	ssyncset.done @!p0 $0x0  }
0xfd: {  	[sflag:s0] =	ssyncadd.s32 @!p0 s1  }
0xfe: {  	[bflag:$0x3] =	sbarrier.arrive $0xFFFF  }
0xff: {  	_ =	shalt  }

// kernel: kernel.7.cloned.1.call-start
scs
__scs_entry_jumppad:
0x0: {  	(pc) =	sbr.rel $0x88, $3  }
0x1: {  	(tag) =	ssettag $0x0;
	lr =	simm.s32 $0x1  }
0x2: {  	[smem:$0x3F95] =	sst lr;
	_ =	strace $0xD0000000  }
0x3: {  	_ = 	snop  }
0x4: {  	_ = 	snop  }
0x5: {  	_ = 	snop  }
0x6: {  	_ = 	snop  }
0x7: {  	_ = 	snop  }
__scs_overlays_trampoline_lowered:
0x8: {  	[smem:$0x3FA4] =	sst s0  }
0x9: {  	[smem:$0x3FA5] =	sst s1  }
0xa: {  	[smem:$0x3FA6] =	sst s2  }
0xb: {  	[smem:$0x3FA7] =	sst s3  }
0xc: {  	[smem:$0x3FA8] =	sst s4  }
0xd: {  	[smem:$0x3FA9] =	sst s5  }
0xe: {  	[smem:$0x3FAA] =	sst s6  }
0xf: {  	[smem:$0x3FAB] =	sst s7  }
0x10: {  	[smem:$0x3FAC] =	sst s8  }
0x11: {  	[smem:$0x3FAD] =	sst s9;
	s0 =	simm.s32 @!p0 $0x0  }
0x12: {  	s1 =	sld [smem:$0x3F93];
	s0 =	simm.s32 @p0 $0x1  }
0x13: {  	[smem:$0x3FAE] =	sst s0;
	s0 =	simm.s32 @!p1 $0x0  }
0x14: {  	s2 =	sld [smem:$0x3F92];
	s0 =	simm.s32 @p1 $0x1  }
0x15: {  	[smem:$0x3FAF] =	sst s0;
	s0 =	simm.s32 @!p2 $0x0  }
0x16: {  	s3 =	sld [smem:$0x3FDB];
	s0 =	simm.s32 @p2 $0x1  }
0x17: {  	s4 =	simm.s32 $0x1BF5;
	[smem:$0x3FB1] =	sst s0  }
0x18: {  	s0 =	sld [smem:$0x3F94];
	_ =	swait.ge [sflag:s4], $0x0  }
0x19: {  	s7 =	sld [smem:$0x3F95]  }
0x1a: {  	s8 =	sadd.s32 $0xFFFFE003, lr  }
0x1b: {  	s9 =	sadd.s32 $0xFFFFFEF7, lr;
	s5 =	simm.s32 $0xFFFFFFFF;
	p2 =	slt.u32 s8, $0xFFFFF086  }
0x1c: {  	p1 =	slt.u32 s9, $0xF7A;
	s5 =	simm.s32 @!p2 $0x0  }
0x1d: {  	s5 =	simm.s32 @p1 $0x1;
	p0 =	seq.s32 s7, s2  }
0x1e: {  	s7 =	smul.u32 @!p0 $0xF7A, s2;
	p2 =	seq.s32 @!p0 s5, $0x0  }
0x1f: {  	s9 =	smul.u32 $0xF7A, s1;
	s8 =	simm.s32 @!p0 $0x1BF5;
	p2 =	por !p2, p0  }
0x20: {  	[sflag:s8] =	ssyncset.s32 @!p0 $0xFFFFF086;
	s6 =	sadd.s32 @!p0 s3, s7;
	s7 =	simm.s32 @!p0 $0x108  }
0x21: {  	s3 =	sadd.s32 s3, s9;
	s6 =	sadd.s32 @!p0 $0x88, s6;
	s7 =	simm.s32 @p2 $0x1082  }
0x22: {  	[simem:s7], [sflag:s8] =	dma.local @!p0 [hbm:s6], $0xF7A  }
0x23: {  	s9 =	sor.u32 $0xD0000000, s2;
	s6 =	simm.s32 $0x108;
	_ =	swait.ge @!p0 [sflag:s8], $0x0  }
0x24: {  	s3 =	sadd.s32 $0x88, s3;
	s6 =	simm.s32 @!p1 $0x1082;
	[sflag:s4] =	ssyncset.s32 $0xFFFFF086  }
0x25: {  	[simem:s6], [sflag:s4] =	dma.local [hbm:s3], $0xF7A  }
0x26: {  	[smem:$0x3F95] =	sst s1;
	(tag) =	ssettag s2;
	_ =	strace s9  }
0x27: {  	s1 =	sld [smem:$0x3FA5]  }
0x28: {  	s2 =	sld [smem:$0x3FA6]  }
0x29: {  	s4 =	sld [smem:$0x3FA8]  }
0x2a: {  	p0 =	seq.s32 s5, $0x0;
	s5 =	sld [smem:$0x3FA9]  }
0x2b: {  	s6 =	sld [smem:$0x3FAA]  }
0x2c: {  	s7 =	sld [smem:$0x3FAB]  }
0x2d: {  	s3 =	simm.s32 $0x108;
	s8 =	sld [smem:$0x3FAC]  }
0x2e: {  	s3 =	simm.s32 @!p0 $0x1082;
	s9 =	sld [smem:$0x3FAD]  }
0x2f: {  	lr =	sadd.s32 s0, s3;
	s0 =	sld [smem:$0x3FA4]  }
0x30: {  	s3 =	sld [smem:$0x3FA7]  }
0x31: {  	[smem:$0x3FB0] =	sst s10  }
0x32: {  	s10 =	sld [smem:$0x3FAE];
	_ =	sdelay $0x3  }
0x33: {  	p0 =	seq.s32 s10, $0x1;
	s10 =	sld [smem:$0x3FB0];
	_ =	sdelay $0x3  }
0x34: {  	[smem:$0x3FB0] =	sst s10  }
0x35: {  	s10 =	sld [smem:$0x3FAF];
	_ =	sdelay $0x3  }
0x36: {  	p1 =	seq.s32 s10, $0x1;
	s10 =	sld [smem:$0x3FB0];
	_ =	sdelay $0x3  }
0x37: {  	[smem:$0x3FB0] =	sst s10  }
0x38: {  	s10 =	sld [smem:$0x3FB1]  }
0x39: {  	_ = 	snop;
	(pc) =	sbr.ind lr, $3  }
0x3a: {  	_ = 	snop  }
0x3b: {  	_ = 	snop  }
0x3c: {  	p2 =	seq.s32 s10, $0x1;
	s10 =	sld [smem:$0x3FB0]  }
0x3d: {  	_ =	shalt  }
0x3e: {  	_ =	shalt  }
0x3f: {  	_ =	shalt  }
0x40: {  	_ =	shalt  }
0x41: {  	_ =	shalt  }
0x42: {  	_ =	shalt  }
0x43: {  	_ =	shalt  }
0x44: {  	_ =	shalt  }
0x45: {  	_ =	shalt  }
0x46: {  	_ =	shalt  }
0x47: {  	_ =	shalt  }
0x48: {  	_ =	shalt  }
0x49: {  	_ =	shalt  }
0x4a: {  	_ =	shalt  }
0x4b: {  	_ =	shalt  }
0x4c: {  	_ =	shalt  }
0x4d: {  	_ =	shalt  }
0x4e: {  	_ =	shalt  }
0x4f: {  	_ =	shalt  }
0x50: {  	_ =	shalt  }
0x51: {  	_ =	shalt  }
0x52: {  	_ =	shalt  }
0x53: {  	_ =	shalt  }
0x54: {  	_ =	shalt  }
0x55: {  	_ =	shalt  }
0x56: {  	_ =	shalt  }
0x57: {  	_ =	shalt  }
0x58: {  	_ =	shalt  }
0x59: {  	_ =	shalt  }
0x5a: {  	_ =	shalt  }
0x5b: {  	_ =	shalt  }
0x5c: {  	_ =	shalt  }
0x5d: {  	_ =	shalt  }
0x5e: {  	_ =	shalt  }
0x5f: {  	_ =	shalt  }
0x60: {  	_ =	shalt  }
0x61: {  	_ =	shalt  }
0x62: {  	_ =	shalt  }
0x63: {  	_ =	shalt  }
0x64: {  	_ =	shalt  }
0x65: {  	_ =	shalt  }
0x66: {  	_ =	shalt  }
0x67: {  	_ =	shalt  }
0x68: {  	_ =	shalt  }
0x69: {  	_ =	shalt  }
0x6a: {  	_ =	shalt  }
0x6b: {  	_ =	shalt  }
0x6c: {  	_ =	shalt  }
0x6d: {  	_ =	shalt  }
0x6e: {  	_ =	shalt  }
0x6f: {  	_ =	shalt  }
0x70: {  	_ =	shalt  }
0x71: {  	_ =	shalt  }
0x72: {  	_ =	shalt  }
0x73: {  	_ =	shalt  }
0x74: {  	_ =	shalt  }
0x75: {  	_ =	shalt  }
0x76: {  	_ =	shalt  }
0x77: {  	_ =	shalt  }
0x78: {  	_ =	shalt  }
0x79: {  	_ =	shalt  }
0x7a: {  	_ =	shalt  }
0x7b: {  	_ =	shalt  }
0x7c: {  	_ =	shalt  }
0x7d: {  	_ =	shalt  }
0x7e: {  	_ =	shalt  }
0x7f: {  	_ =	shalt  }
0x80: {  	_ =	shalt  }
0x81: {  	_ =	shalt  }
0x82: {  	_ =	shalt  }
0x83: {  	_ =	shalt  }
0x84: {  	_ =	shalt  }
0x85: {  	_ =	shalt  }
0x86: {  	_ =	shalt  }
0x87: {  	_ =	shalt  }
.Lfunc_end0:
.L_simem_size_0:
called_computation_lowered:
.L_overlay_start_0:
0x88: {  	s2 =	sld [smem:$0x3FD9]  }
0x89: {  	s3 =	sld [smem:$0x3FFE];
	_ =	sdelay $0x1  }
0x8a: {  	s1 =	srdreg.scid  }
0x8b: {  	s0 =	sand.u32 $0x1, s1  }
0x8c: {  	s17 =	sshll.u32 s0, $0xA;
	s2 =	sadd.s32 s3, s2  }
0x8d: {  	s2 =	sadd.s32 s2, s17  }
0x8e: {  	[smem:$0x3FBC] =	sst s2  }
0x8f: {  	_ = 	snop  }
0x90: {  	s18 =	sld [smem:$0x3FD0];
	(tm) =	ssettm $0x1  }
0x91: {  	s19 =	sld [smem:$0x3FFB];
	_ =	sdelay $0x3  }
0x92: {  	_ =	strace s19  }
0x93: {  	s2 =	sld [smem:$0x3FFC];
	_ =	sdelay $0x3  }
0x94: {  	_ =	strace s2  }
0x95: {  	s2 =	sld [smem:$0x3FFD];
	_ =	sdelay $0x3  }
0x96: {  	_ =	strace s2  }
0x97: {  	_ =	strace $0x8FFFFFFF  }
0x98: {  	s20 =	sld [smem:$0x3FDB];
	_ =	sdelay $0x1  }
0x99: {  	s4 =	simm.s32 $_scs_section_size  }
0x9a: {  	s5 =	simm.s32 $_size__tile_overlayer_lowered;
	s6 =	simm.s32 $_tile_overlayer_lowered  }
0x9b: {  	s7 =	simm.s32 $0x1BFF;
	s21 =	sshll.u32 s6, $0x1;
	s4 =	sadd.s32 s4, s20  }
0x9c: {  	s22 =	simm.s32 $0x0;
	s5 =	sshll.u32 s5, $0x1;
	s6 =	sadd.s32 s21, s4  }
0x9d: {  	[timem:s22], [sflag:s7] =	dma.local [hbm:s6], s5  }
0x9e: {  	_ =	swait.ge [sflag:s7], s5  }
0x9f: {  	s5 =	ssub.s32 $0x0, s5;
	[sflag:s7] =	ssyncset.done $0x0  }
0xa0: {  	[sflag:s7] =	ssyncadd.s32 s5;
	_ =	sdelay $0x1  }
0xa1: {  	s23 =	simm.s32 $0x1B8B  }
0xa2: {  	_ =	swait.ge [sflag:s23], $0x1  }
0xa3: {  	[sflag:s23] =	ssyncset.done $0x0  }
0xa4: {  	[sflag:s23] =	ssyncadd.s32 $0xFFFFFFFF  }
0xa5: {  	s5 =	sld [smem:$0x0]  }
0xa6: {  	s6 =	sand.u32 $0xFFFFFFFE, s1  }
0xa7: {  	p0 =	sne.s32 s1, s6  }
0xa8: {  	s6 =	sshll.u32 @p0 s6, $0xE  }
0xa9: {  	s6 =	sadd.s32 @p0 $0x11B8D, s6;
	s7 =	sshll.u32 @p0 s5, $0x11  }
0xaa: {  	s6 =	sor.u32 @p0 s7, s6  }
0xab: {  	[sflag:s6] =	ssyncadd.remote.s32 @p0 $0x1;
	_ =	sdelay $0x1  }
0xac: {  	s6 =	simm.s32 @p0 $0x1B8D  }
0xad: {  	_ =	swait.eq @p0 [sflag:s6], $0x1  }
0xae: {  	[sflag:s6] =	ssyncadd.s32 @p0 $0xFFFFFFFF  }
0xaf: {  	s7 =	sshll.u32 @!p0 s1, $0xE  }
0xb0: {  	s7 =	sor.u32 @!p0 $0x4000, s7;
	s6 =	simm.s32 @!p0 $0x1B8D  }
0xb1: {  	s5 =	sshll.u32 @!p0 s5, $0x11;
	s7 =	sadd.s32 @!p0 $0x11B8D, s7;
	_ =	swait.eq @!p0 [sflag:s6], $0x1  }
0xb2: {  	s5 =	sor.u32 @!p0 s5, s7;
	[sflag:s6] =	ssyncadd.s32 @!p0 $0xFFFFFFFF  }
0xb3: {  	s25 =	simm.s32 $0x1B8E;
	s24 =	sld [smem:$0x3FFE];
	[sflag:s5] =	ssyncadd.remote.s32 @!p0 $0x1  }
0xb4: {  	s26 =	simm.s32 $execute0_lowered;
	[smem:$0x3FD2] =	sst s25  }
0xb5: {  	s6 =	sshll.u32 s26, $0x1;
	_ =	strace $0x80000049;
	[dreg:$0x1] =	wrdreg $0xFFFFFFFF  }
0xb6: {  	s28 =	simm.s32 $_size_execute0_lowered;
	s4 =	sadd.s32 s4, s6;
	[dreg:$0x0] =	wrdreg $0x0  }
0xb7: {  	s6 =	sshll.u32 s28, $0x1;
	[dreg:$0x2] =	wrdreg s4  }
0xb8: {  	[dreg:$0x3] =	wrdreg s6  }
0xb9: {  	[dreg:$0x4] =	wrdreg $0xC0  }
0xba: {  	_ =	task [dreg:s22], $0x5FFFF  }
0xbb: {  	[dreg:$0x1] =	wrdreg $0xFFFFFFFF  }
0xbc: {  	[dreg:$0x0] =	wrdreg $0x60  }
0xbd: {  	[dreg:$0x2] =	wrdreg s24  }
0xbe: {  	[dreg:$0x3] =	wrdreg s18  }
0xbf: {  	[dreg:$0x4] =	wrdreg $0x0  }
0xc0: {  	[dreg:$0x5] =	wrdreg $0x9  }
0xc1: {  	_ =	task.clear_ibuf [dreg:s22], $0x6FFFF;
	_ =	strace $0x90000049  }
0xc2: {  	s29 =	simm.s32 $0x9;
	_ =	strace $0x8000004B  }
0xc3: {  	_ =	swait.ge [sflag:s29], $0x1  }
0xc4: {  	[sflag:s29] =	ssyncadd.s32 $0xFFFFFFFF  }
0xc5: {  	_ =	strace $0x9000004B  }
0xc6: {  	_ =	sfence  }
0xc7: {  	s30 =	sld [smem:$0x0];
	_ =	sdelay $0x2  }
0xc8: {  	s31 =	sshll.u32 s1, $0xD;
	s1 =	sshrl.u32 s1, $0x2  }
0xc9: {  	s4 =	sand.u32 $0x4000, s31;
	s1 =	sadd.s32 s1, s30  }
0xca: {  	s0 =	sor.u32 s4, s0;
	s1 =	sshll.u32 s1, $0x11  }
0xcb: {  	s0 =	sor.u32 s1, s0  }
0xcc: {  	s0 =	sadd.s32 $0x8F2B, s0  }
0xcd: {  	[sflag:s0] =	ssyncadd.remote.s32 $0x1  }
0xce: {  	_ =	sfence.sel $0xFFFF  }
0xcf: {  	[dreg:$0x0] =	wrdreg $0xFFFFFFFF;
	(pc) =	sbr.abs _section_cstart, $3  }
0xd0: {  	[dreg:$0x1] =	wrdreg $0xFFFFFFFF  }
0xd1: {  	_ =	task.clear_ibuf [dreg:s22], $0x2FFFF;
	_ =	strace $0x9FFFFFFF  }
0xd2: {  	(tm) =	ssettm $0x7FFFFFFF  }
0xd3: {  	_ =	shalt  }
tec
execute0_lowered:
.L_overlay_start_1:
0x0: {  	(tag) =	ssettag $0x1  }
0x1: {  	s0 =	rddreg [dreg:$0x0]  }
0x2: {  	s3 =	rddreg [dreg:$0x2];
	s1 =	srdreg.scid  }
0x3: {  	s9 =	stileid.u32;
	s4 =	simm.s32 $0x0;
	s29 =	simm.s32 $0x14000  }
0x4: {  	s30 =	simm.s32 $0x14080;
	s31 =	simm.s32 $0x14100;
	s15 =	simm.s32 $0x2  }
0x5: {  	s16 =	simm.s32 $0x4;
	s1 =	sand.u32 $0x1, s1;
	s2 =	smul.u32 $0x280, s9  }
0x6: {  	s6 =	sshll.u32 s9, $0x1;
	[smem:$0x7FF] =	sst s4;
	s7 =	smul.u32 $0x50000, s9  }
0x7: {  	s8 =	sadd.s32 $0x66400, s0;
	s19 =	smul.u32 $0x4E20, s9;
	s9 =	simm.s32 $0x50  }
0x8: {  	s5 =	smul.u32 $0x2800, s1;
	s6 =	sor.u32 s1, s6;
	_ =	strace $0x8000004A  }
0x9: {  	[dreg:$0x4] =	wrdreg s8;
	s17 =	ssub.s32 $0x2, s1;
	s1 =	smul.u32 $0x2710, s1  }
0xa: {  	s6 =	smul.u32 $0x2710, s6;
	s18 =	sshrl.u32 s17, $0x1;
	s7 =	sshrl.u32 s7, $0x2  }
0xb: {  	s2 =	sadd.s32 s2, s5;
	s5 =	sadd.s32 $0x2800, s0;
	s8 =	sadd.s32 s7, s3  }
0xc: {  	s1 =	sadd.s32 s1, s19;
	s7 =	simm.s32 $0x3;
	s2 =	sshll.u32 s2, $0x4  }
0xd: {  	s6 =	sshrl.u32 s6, $0x3;
	s10 =	sadd.s32 $0x2800, s8;
	s11 =	sadd.s32 $0x5000, s8  }
0xe: {  	s12 =	sadd.s32 $0x7800, s8;
	s13 =	sadd.s32 $0xA000, s8;
	s6 =	sadd.s32 s5, s6  }
0xf: {  	s0 =	sadd.s32 s2, s0;
	[dreg:$0x5] =	wrdreg s6;
	s6 =	sadd.s32 $0xA, s6  }
0x10: {  	s14 =	sadd.s32 $0xC800, s8;
	s20 =	sadd.s32 $0x66A00, s0;
	[dreg:$0x6] =	wrdreg s6  }
0x11: {  	s25 =	sadd.s32 $0xF0, s1;
	s21 =	sadd.s32 $0x66F00, s0;
	[dreg:$0x7] =	wrdreg s20  }
0x12: {  	s28 =	sadd.s32 $0x11800, s8;
	s22 =	sadd.s32 $0x67400, s0;
	[dreg:$0x8] =	wrdreg s21  }
0x13: {  	s2 =	ssub.s32 s17, s18;
	s23 =	sadd.s32 $0x67900, s0;
	[dreg:$0x9] =	wrdreg s22  }
0x14: {  	s18 =	sadd.s32 $0xA0, s1;
	s24 =	sadd.s32 $0x67E00, s0;
	[dreg:$0xa] =	wrdreg s23  }
.Ltmp0:
0x15: {  	s26 =	sadd.s32 $0x68300, s0;
	[dreg:$0xb] =	wrdreg s24;
	(pc) =	sbr.rel .LBB2_1-.Ltmp0, $4  }
0x16: {  	s1 =	simm.s32 $0x16900;
	s17 =	simm.s32 $0x0;
	[dreg:$0xc] =	wrdreg s26  }
0x17: {  	s21 =	sadd.s32 $0x68800, s0;
	s6 =	sshrl.u32 s25, $0x3;
	s22 =	sadd.s32 $0x68D00, s0  }
0x18: {  	s23 =	smax.u32 s2, $0x1;
	s26 =	sadd.s32 $0xF000, s8;
	s0 =	simm.s32 $0x6  }
0x19: {  	s2 =	simm.s32 $0x5;
	s24 =	sadd.s32 s6, s5;
	s6 =	simm.s32 $0x1  }
.LBB2_4:
0x1a: {  	_ =	swait.ge [sflag:s6], $0x50  }
0x1b: {  	[sflag:s6] =	ssyncset.done $0x0  }
0x1c: {  	[sflag:s6] =	ssyncadd.s32 $0xFFFFFFB0  }
0x1d: {  	[spmem:s3] =	stream.indirect.scatter.add.f32 [tilespmem:s1], [sflag:$0x3], $0x80, s29, s9, $0xb8;
	[tilespmem:$0x19100] =	vst v63  }
0x1e: {  	_ =	swait.ge [sflag:s7], $0x2800  }
0x1f: {  	[sflag:s7] =	ssyncset.done $0x0  }
0x20: {  	[sflag:s7] =	ssyncadd.s32 $0xFFFFD800  }
0x21: {  	_ =	swait.ge [sflag:s16], $0x2800  }
0x22: {  	[sflag:s16] =	ssyncset.done $0x0  }
0x23: {  	[sflag:s16] =	ssyncadd.s32 $0xFFFFD800  }
0x24: {  	[bflag:$0x0] =	sbarrier.arrive $0xFFFF  }
0x25: {  	[tilespmem:s31], [sflag:$0x6] =	stream.linear.gather [spmem:s8], $0x2800, $0x38;
	[tilespmem:$0x19100] =	vst v63  }
0x26: {  	_ =	swait.ge [sflag:s0], $0x2800  }
0x27: {  	[sflag:s0] =	ssyncset.done $0x0  }
0x28: {  	s19 =	rddreg [dreg:$0x7];
	[sflag:s0] =	ssyncadd.s32 $0xFFFFD800  }
0x29: {  	[hbm4b:s19+s4] =	stream.linear.scatter [tilespmem:s31], [sflag:$0x1], $0x2800, $0x38;
	[tilespmem:$0x19100] =	vst v63  }
0x2a: {  	_ = 	snop  }
0x2b: {  	[tilespmem:s1], [sflag:$0x6] =	stream.linear.gather [spmem:s10], $0x2800, $0x38;
	[tilespmem:$0x19100] =	vst v63  }
0x2c: {  	_ =	swait.ge [sflag:s0], $0x2800  }
0x2d: {  	[sflag:s0] =	ssyncset.done $0x0  }
0x2e: {  	s25 =	rddreg [dreg:$0x8];
	[sflag:s0] =	ssyncadd.s32 $0xFFFFD800  }
0x2f: {  	[hbm4b:s25+s4] =	stream.linear.scatter [tilespmem:s1], [sflag:$0x2], $0x2800, $0x38;
	[tilespmem:$0x19100] =	vst v63  }
0x30: {  	_ =	swait.ge [sflag:s6], $0x2800  }
0x31: {  	[sflag:s6] =	ssyncset.done $0x0  }
0x32: {  	[sflag:s6] =	ssyncadd.s32 $0xFFFFD800  }
0x33: {  	[tilespmem:s31], [sflag:$0x6] =	stream.linear.gather [spmem:s11], $0x2800, $0x38;
	[tilespmem:$0x19100] =	vst v63  }
0x34: {  	_ =	swait.ge [sflag:s0], $0x2800  }
0x35: {  	[sflag:s0] =	ssyncset.done $0x0  }
0x36: {  	s20 =	rddreg [dreg:$0x9];
	[sflag:s0] =	ssyncadd.s32 $0xFFFFD800  }
0x37: {  	[hbm4b:s20+s4] =	stream.linear.scatter [tilespmem:s31], [sflag:$0x1], $0x2800, $0x38;
	[tilespmem:$0x19100] =	vst v63  }
0x38: {  	_ =	swait.ge [sflag:s15], $0x2800  }
0x39: {  	[sflag:s15] =	ssyncset.done $0x0  }
0x3a: {  	[sflag:s15] =	ssyncadd.s32 $0xFFFFD800  }
0x3b: {  	[tilespmem:s1], [sflag:$0x6] =	stream.linear.gather [spmem:s12], $0x2800, $0x38;
	[tilespmem:$0x19100] =	vst v63  }
0x3c: {  	_ =	swait.ge [sflag:s0], $0x2800  }
0x3d: {  	[sflag:s0] =	ssyncset.done $0x0  }
0x3e: {  	s25 =	rddreg [dreg:$0xa];
	[sflag:s0] =	ssyncadd.s32 $0xFFFFD800  }
0x3f: {  	[hbm4b:s25+s4] =	stream.linear.scatter [tilespmem:s1], [sflag:$0x2], $0x2800, $0x38;
	[tilespmem:$0x19100] =	vst v63  }
0x40: {  	_ =	swait.ge [sflag:s6], $0x2800  }
0x41: {  	[sflag:s6] =	ssyncset.done $0x0  }
0x42: {  	[sflag:s6] =	ssyncadd.s32 $0xFFFFD800  }
0x43: {  	[tilespmem:s31], [sflag:$0x6] =	stream.linear.gather [spmem:s13], $0x2800, $0x38;
	[tilespmem:$0x19100] =	vst v63  }
0x44: {  	_ =	swait.ge [sflag:s0], $0x2800  }
0x45: {  	[sflag:s0] =	ssyncset.done $0x0  }
0x46: {  	s20 =	rddreg [dreg:$0xb];
	[sflag:s0] =	ssyncadd.s32 $0xFFFFD800  }
0x47: {  	[hbm4b:s20+s4] =	stream.linear.scatter [tilespmem:s31], [sflag:$0x1], $0x2800, $0x38;
	[tilespmem:$0x19100] =	vst v63  }
0x48: {  	_ =	swait.ge [sflag:s15], $0x2800  }
0x49: {  	[sflag:s15] =	ssyncset.done $0x0  }
0x4a: {  	[sflag:s15] =	ssyncadd.s32 $0xFFFFD800  }
0x4b: {  	[tilespmem:s1], [sflag:$0x6] =	stream.linear.gather [spmem:s14], $0x2800, $0x38;
	[tilespmem:$0x19100] =	vst v63  }
0x4c: {  	_ =	swait.ge [sflag:s0], $0x2800  }
0x4d: {  	[sflag:s0] =	ssyncset.done $0x0  }
0x4e: {  	s25 =	rddreg [dreg:$0xc];
	[sflag:s0] =	ssyncadd.s32 $0xFFFFD800  }
0x4f: {  	[hbm4b:s25+s4] =	stream.linear.scatter [tilespmem:s1], [sflag:$0x2], $0x2800, $0x38;
	[tilespmem:$0x19100] =	vst v63  }
0x50: {  	_ =	swait.ge [sflag:s6], $0x2800  }
0x51: {  	[sflag:s6] =	ssyncset.done $0x0  }
0x52: {  	[sflag:s6] =	ssyncadd.s32 $0xFFFFD800  }
0x53: {  	[tilespmem:s31], [sflag:$0x6] =	stream.linear.gather [spmem:s26], $0x2800, $0x38;
	[tilespmem:$0x19100] =	vst v63  }
0x54: {  	_ =	swait.ge [sflag:s0], $0x2800  }
0x55: {  	[sflag:s0] =	ssyncset.done $0x0  }
0x56: {  	[sflag:s0] =	ssyncadd.s32 $0xFFFFD800  }
0x57: {  	[hbm4b:s21+s4] =	stream.linear.scatter [tilespmem:s31], [sflag:$0x1], $0x2800, $0x38;
	[tilespmem:$0x19100] =	vst v63  }
0x58: {  	_ =	swait.ge [sflag:s15], $0x2800  }
0x59: {  	[sflag:s15] =	ssyncset.done $0x0  }
0x5a: {  	[sflag:s15] =	ssyncadd.s32 $0xFFFFD800  }
0x5b: {  	[tilespmem:s1], [sflag:$0x6] =	stream.linear.gather [spmem:s28], $0x2800, $0x38;
	[tilespmem:$0x19100] =	vst v63  }
0x5c: {  	_ =	swait.ge [sflag:s0], $0x2800  }
0x5d: {  	[sflag:s0] =	ssyncset.done $0x0  }
0x5e: {  	s17 =	sadd.s32 $0x1, s17;
	[sflag:s0] =	ssyncadd.s32 $0xFFFFD800  }
0x5f: {  	[hbm4b:s22+s4] =	stream.linear.scatter [tilespmem:s1], [sflag:$0x2], $0x2800, $0x38;
	[tilespmem:$0x19100] =	vst v63  }
0x60: {  	p0 =	sne.s32 s17, s23;
	_ =	swait.ge [sflag:s6], $0x2800  }
.Ltmp1:
0x61: {  	[sflag:s6] =	ssyncset.done $0x0;
	(pc) =	sbr.rel @!p0 .LBB2_5-.Ltmp1, $4  }
0x62: {  	[sflag:s6] =	ssyncadd.s32 $0xFFFFD800  }
0x63: {  	_ =	swait.ge [sflag:s15], $0x2800  }
0x64: {  	[sflag:s15] =	ssyncset.done $0x0  }
0x65: {  	[sflag:s15] =	ssyncadd.s32 $0xFFFFD800  }
.LBB2_1:
0x66: {  	s19 =	rddreg [dreg:$0x5]  }
0x67: {  	[tilespmem:s29], [sflag:$0x1] =	stream.linear.gather [hbm4b:s19+s4], $0x50, $0x38;
	[tilespmem:$0x19100] =	vst v63  }
0x68: {  	s25 =	rddreg [dreg:$0x6]  }
0x69: {  	[tilespmem:s30], [sflag:$0x2] =	stream.linear.gather [hbm4b:s25+s4], $0x50, $0x38;
	[tilespmem:$0x19100] =	vst v63  }
0x6a: {  	s20 =	rddreg [dreg:$0x1]  }
0x6b: {  	[tilespmem:s31], [sflag:$0x6] =	stream.linear.gather [hbm4b:s20+s4], $0x2800, $0x38;
	[tilespmem:$0x19100] =	vst v63  }
0x6c: {  	_ =	swait.ge [sflag:s0], $0x2800  }
0x6d: {  	[sflag:s0] =	ssyncset.done $0x0  }
0x6e: {  	[sflag:s0] =	ssyncadd.s32 $0xFFFFD800  }
0x6f: {  	[spmem:s8] =	stream.linear.scatter [tilespmem:s31], [sflag:$0x5], $0x2800, $0x38;
	[tilespmem:$0x19100] =	vst v63  }
0x70: {  	_ = 	snop  }
0x71: {  	[spmem:s10] =	stream.linear.scatter [tilespmem:s31], [sflag:$0x5], $0x2800, $0x38;
	[tilespmem:$0x19100] =	vst v63  }
0x72: {  	_ = 	snop  }
0x73: {  	[spmem:s11] =	stream.linear.scatter [tilespmem:s31], [sflag:$0x5], $0x2800, $0x38;
	[tilespmem:$0x19100] =	vst v63  }
0x74: {  	_ = 	snop  }
0x75: {  	[spmem:s12] =	stream.linear.scatter [tilespmem:s31], [sflag:$0x5], $0x2800, $0x38;
	[tilespmem:$0x19100] =	vst v63  }
0x76: {  	_ = 	snop  }
0x77: {  	[spmem:s13] =	stream.linear.scatter [tilespmem:s31], [sflag:$0x5], $0x2800, $0x38;
	[tilespmem:$0x19100] =	vst v63  }
0x78: {  	_ = 	snop  }
0x79: {  	[spmem:s14] =	stream.linear.scatter [tilespmem:s31], [sflag:$0x5], $0x2800, $0x38;
	[tilespmem:$0x19100] =	vst v63  }
0x7a: {  	_ = 	snop  }
0x7b: {  	[spmem:s26] =	stream.linear.scatter [tilespmem:s31], [sflag:$0x5], $0x2800, $0x38;
	[tilespmem:$0x19100] =	vst v63  }
0x7c: {  	_ = 	snop  }
0x7d: {  	[spmem:s28] =	stream.linear.scatter [tilespmem:s31], [sflag:$0x5], $0x2800, $0x38;
	[tilespmem:$0x19100] =	vst v63  }
0x7e: {  	s25 =	rddreg [dreg:$0x4]  }
0x7f: {  	[tilespmem:s1], [sflag:$0x6] =	stream.linear.gather [hbm4b:s25+s4], $0x2800, $0x38;
	[tilespmem:$0x19100] =	vst v63  }
0x80: {  	_ =	swait.ge [sflag:s0], $0x2800  }
0x81: {  	[sflag:s0] =	ssyncset.done $0x0  }
0x82: {  	[sflag:s0] =	ssyncadd.s32 $0xFFFFD800  }
0x83: {  	_ =	swait.ge [sflag:s2], $0x2800  }
0x84: {  	[sflag:s2] =	ssyncset.done $0x0  }
0x85: {  	[sflag:s2] =	ssyncadd.s32 $0xFFFFD800  }
0x86: {  	_ =	swait.ge [sflag:s2], $0x2800  }
0x87: {  	[sflag:s2] =	ssyncset.done $0x0  }
0x88: {  	[sflag:s2] =	ssyncadd.s32 $0xFFFFD800  }
0x89: {  	_ =	swait.ge [sflag:s2], $0x2800  }
0x8a: {  	[sflag:s2] =	ssyncset.done $0x0  }
0x8b: {  	[sflag:s2] =	ssyncadd.s32 $0xFFFFD800  }
0x8c: {  	_ =	swait.ge [sflag:s2], $0x2800  }
0x8d: {  	[sflag:s2] =	ssyncset.done $0x0  }
0x8e: {  	[sflag:s2] =	ssyncadd.s32 $0xFFFFD800  }
0x8f: {  	_ =	swait.ge [sflag:s2], $0x2800  }
0x90: {  	[sflag:s2] =	ssyncset.done $0x0  }
0x91: {  	[sflag:s2] =	ssyncadd.s32 $0xFFFFD800  }
0x92: {  	_ =	swait.ge [sflag:s2], $0x2800  }
0x93: {  	[sflag:s2] =	ssyncset.done $0x0  }
0x94: {  	[sflag:s2] =	ssyncadd.s32 $0xFFFFD800  }
0x95: {  	_ =	swait.ge [sflag:s2], $0x2800  }
0x96: {  	[sflag:s2] =	ssyncset.done $0x0  }
0x97: {  	[sflag:s2] =	ssyncadd.s32 $0xFFFFD800  }
0x98: {  	_ =	swait.ge [sflag:s2], $0x2800  }
0x99: {  	[sflag:s2] =	ssyncset.done $0x0  }
0x9a: {  	[sflag:s2] =	ssyncadd.s32 $0xFFFFD800  }
0x9b: {  	s19 =	simm.s32 $0x0;
	s25 =	smov.u32 s18;
	[bflag:$0x0] =	sbarrier.arrive $0xFFFF  }
.LBB2_2:
0x9c: {  	_ =	swait.ge [sflag:s6], $0x50  }
0x9d: {  	[sflag:s6] =	ssyncset.done $0x0  }
0x9e: {  	[sflag:s6] =	ssyncadd.s32 $0xFFFFFFB0  }
0x9f: {  	[spmem:s3] =	stream.indirect.scatter.add.f32 [tilespmem:s1], [sflag:$0x3], $0x80, s29, s9, $0xb8;
	[tilespmem:$0x19100] =	vst v63  }
0xa0: {  	_ =	swait.ge [sflag:s7], $0x2800  }
0xa1: {  	s20 =	sshrl.u32 s25, $0x3;
	[sflag:s7] =	ssyncset.done $0x0  }
0xa2: {  	p0 =	seq.s32 s19, $0x4C4;
	s20 =	sadd.s32 s5, s20;
	[sflag:s7] =	ssyncadd.s32 $0xFFFFD800  }
0xa3: {  	[tilespmem:s29], [sflag:$0x1] =	stream.linear.gather [hbm4b:s20+s4], $0x50, $0x38;
	[tilespmem:$0x19100] =	vst v63  }
.Ltmp2:
0xa4: {  	_ = 	snop;
	(pc) =	sbr.rel @p0 .LBB2_4-.Ltmp2, $4  }
0xa5: {  	_ =	swait.ge [sflag:s15], $0x50  }
0xa6: {  	[sflag:s15] =	ssyncset.done $0x0  }
0xa7: {  	[sflag:s15] =	ssyncadd.s32 $0xFFFFFFB0  }
0xa8: {  	[spmem:s3] =	stream.indirect.scatter.add.f32 [tilespmem:s1], [sflag:$0x4], $0x80, s30, s9, $0xb8;
	[tilespmem:$0x19100] =	vst v63  }
.Ltmp3:
0xa9: {  	(pc) =	sbr.rel .LBB2_2-.Ltmp3, $4  }
0xaa: {  	_ =	swait.ge [sflag:s16], $0x2800  }
0xab: {  	s20 =	sadd.s32 s19, s24;
	[sflag:s16] =	ssyncset.done $0x0  }
0xac: {  	s19 =	sadd.s32 $0x14, s19;
	s25 =	sadd.s32 $0xA0, s25;
	[sflag:s16] =	ssyncadd.s32 $0xFFFFD800  }
0xad: {  	[tilespmem:s30], [sflag:$0x2] =	stream.linear.gather [hbm4b:s20+s4], $0x50, $0x38;
	[tilespmem:$0x19100] =	vst v63  }
.LBB2_5:
0xae: {  	_ =	sfence.sel $0x180000  }
0xaf: {  	[bflag:$0x0] =	sbarrier.arrive $0xFFFF  }
0xb0: {  	_ =	strace $0x9000004A  }
0xb1: {  	s0 =	stileid.u32;
	[bflag:$0x2] =	sbarrier.arrive $0xFFFF  }
0xb2: {  	p0 =	sne.s32 s0, $0x0;
	s0 =	rddreg [dreg:$0x3]  }
0xb3: {  	s0 =	sadd.s32 @!p0 $0x100000, s0  }
0xb4: {  	[sflag:s0] =	ssyncadd.tile.s32 @!p0 $0x1;
	_ =	shalt  }
.Lfunc_end2:
_tile_overlayer_lowered:
.L_overlay_start_2:
0xb5: {  	(tag) =	ssettag $0x2  }
0xb6: {  	s0 =	rddreg [dreg:$0x0];
	s2 =	stileid.u32  }
0xb7: {  	s1 =	rddreg [dreg:$0x1];
	p0 =	sne.s32 s2, $0x0  }
0xb8: {  	s3 =	rddreg [dreg:$0x2];
	[bflag:$0x3] =	sbarrier.arrive $0xFFFF;
	s2 =	simm.s32 @!p0 $0x1C06  }
0xb9: {  	[timem:s3], [sflag:s2] =	dma.local @!p0 [hbm:s0], s1  }
0xba: {  	s0 =	simm.s32 @!p0 $0x6  }
0xbb: {  	_ =	swait.ge @!p0 [sflag:s0], s1  }
0xbc: {  	s1 =	ssub.s32 @!p0 $0x0, s1;
	[sflag:s0] =	ssyncset.done @!p0 $0x0  }
0xbd: {  	[sflag:s0] =	ssyncadd.s32 @!p0 s1  }
0xbe: {  	[bflag:$0x3] =	sbarrier.arrive $0xFFFF  }
0xbf: {  	_ =	shalt  }

</sc_bundles>
